<compile_context>
chip_gen: v7x
topology: tpu7x:2x2x1
jax: 0.10.2.dev20260603
libtpu: 0.0.44.dev20260713+nightly
codegen_flags: <defaults>
</compile_context>

<pallas_src>
import functools

import jax
import jax.numpy as jnp
from jax import lax
from jax.experimental import pallas as pl
from jax.experimental.pallas import tpu as pltpu
from jax.experimental.pallas import tpu_sc as plsc

N = 100000
E = 1600000
F = 64
NC, NS, LN = 2, 16, 16

CHUNK = 128
NCHUNKS = E // CHUNK

RANGE = 26624
NPAD = 4 * RANGE
STRIPE = RANGE // NS
ACC_ROWS = RANGE + 8

SEG_BASE = NCHUNKS // NS
SEG_EXTRA = NCHUNKS - NS * SEG_BASE

DEG_PER_SC = NCHUNKS // NC
DEG_BASE = DEG_PER_SC // NS
DEG_EXTRA = DEG_PER_SC - NS * DEG_BASE
DEG_STRIPE = 6256
NH = NS * DEG_STRIPE

_MESH = plsc.VectorSubcoreMesh(core_axis_name="c", subcore_axis_name="s")
_SC_PARAMS = pltpu.CompilerParams(use_tc_tiling_on_sc=False)


def _deg_sc(dst, ones_tile, zeros_deg):

    @functools.partial(
        pl.kernel,
        out_type=jax.ShapeDtypeStruct((NC, NH, LN), jnp.float32),
        mesh=_MESH,
        compiler_params=_SC_PARAMS,
        scratch_types=[
            pltpu.VMEM((CHUNK,), jnp.int32),
            pltpu.VMEM((CHUNK, LN), jnp.float32),
            pltpu.VMEM_SHARED((NH, LN), jnp.float32),
        ],
    )
    def k(dst_hbm, ones_hbm, zeros_hbm, out_hbm, dvec, ones_v, acc):
        cid = lax.axis_index("c")
        sid = lax.axis_index("s")
        pltpu.sync_copy(ones_hbm, ones_v)
        pltpu.sync_copy(zeros_hbm, acc.at[pl.ds(sid * DEG_STRIPE, DEG_STRIPE)])
        plsc.subcore_barrier()

        def hist(g):
            pltpu.sync_copy(dst_hbm.at[pl.ds(g * CHUNK, CHUNK)], dvec)
            pltpu.sync_copy(ones_v, acc.at[dvec], add=True)

        @pl.loop(0, DEG_BASE)
        def _(i):
            hist(cid * DEG_PER_SC + sid * DEG_BASE + i)

        @pl.when(sid < DEG_EXTRA)
        def _():
            hist(cid * DEG_PER_SC + NS * DEG_BASE + sid)

        plsc.subcore_barrier()
        pltpu.sync_copy(
            acc.at[pl.ds(sid * DEG_STRIPE, DEG_STRIPE)],
            out_hbm.at[cid, pl.ds(sid * DEG_STRIPE, DEG_STRIPE)],
        )

    return k(dst, ones_tile, zeros_deg)


def _segsum_sc(xws, src, dst, zeros_acc):

    @functools.partial(
        pl.kernel,
        out_type=jax.ShapeDtypeStruct((NPAD, F), jnp.float32),
        mesh=_MESH,
        compiler_params=_SC_PARAMS,
        scratch_types=[
            pltpu.VMEM((CHUNK,), jnp.int32),
            pltpu.VMEM((CHUNK,), jnp.int32),
            pltpu.VMEM((CHUNK,), jnp.int32),
            pltpu.VMEM((CHUNK, F), jnp.float32),
            pltpu.VMEM_SHARED((ACC_ROWS, F), jnp.float32),
        ],
    )
    def k(xws_hbm, src_hbm, dst_hbm, zeros_hbm, out_hbm, svec, dvec, lidx, rows, acc):
        cid = lax.axis_index("c")
        sid = lax.axis_index("s")

        for p in (0, 1):
            r = 2 * cid + p
            lo = r * RANGE
            lo_v = jnp.full((LN,), lo, jnp.int32)
            hi_v = jnp.full((LN,), lo + RANGE, jnp.int32)

            pltpu.sync_copy(zeros_hbm, acc.at[pl.ds(sid * STRIPE, STRIPE)])

            @pl.when(sid == 0)
            def _():
                pltpu.sync_copy(zeros_hbm.at[pl.ds(0, 8)], acc.at[pl.ds(RANGE, 8)])

            plsc.subcore_barrier()

            def chunk(g):
                base = g * CHUNK
                pltpu.sync_copy(dst_hbm.at[pl.ds(base, CHUNK)], dvec)
                pltpu.sync_copy(src_hbm.at[pl.ds(base, CHUNK)], svec)
                for j in range(CHUNK // LN):
                    d16 = dvec[pl.ds(j * LN, LN)]
                    msk = (d16 >= lo_v) & (d16 < hi_v)
                    lidx[pl.ds(j * LN, LN)] = jnp.where(
                        msk, d16 - lo_v, jnp.int32(RANGE))
                pltpu.sync_copy(xws_hbm.at[svec], rows)
                pltpu.sync_copy(rows, acc.at[lidx], add=True)

            @pl.loop(0, SEG_BASE)
            def _(i):
                chunk(sid * SEG_BASE + i)

            @pl.when(sid < SEG_EXTRA)
            def _():
                chunk(NS * SEG_BASE + sid)

            plsc.subcore_barrier()
            pltpu.sync_copy(
                acc.at[pl.ds(sid * STRIPE, STRIPE)],
                out_hbm.at[pl.ds(lo + sid * STRIPE, STRIPE)],
            )

    return k(xws, src, dst, zeros_acc)


BLK = 2000


def _encoder_tc(x, We1, be1, We2, be2):
    def body(x_ref, w1_ref, b1_ref, w2_ref, b2_ref, o_ref):
        h1 = jnp.dot(x_ref[...], w1_ref[...], preferred_element_type=jnp.float32)
        h1 = jnp.maximum(h1 + b1_ref[...], 0.0)
        h2 = jnp.dot(h1, w2_ref[...], preferred_element_type=jnp.float32)
        o_ref[...] = jnp.maximum(h2 + b2_ref[...], 0.0)

    return pl.pallas_call(
        body,
        grid=(N // BLK,),
        in_specs=[
            pl.BlockSpec((BLK, 32), lambda i: (i, 0)),
            pl.BlockSpec((32, 256), lambda i: (0, 0)),
            pl.BlockSpec((1, 256), lambda i: (0, 0)),
            pl.BlockSpec((256, 128), lambda i: (0, 0)),
            pl.BlockSpec((1, 128), lambda i: (0, 0)),
        ],
        out_specs=pl.BlockSpec((BLK, 128), lambda i: (i, 0)),
        out_shape=jax.ShapeDtypeStruct((N, 128), jnp.float32),
    )(x, We1, be1[None, :], We2, be2[None, :])


def _dinv_tc(degw):
    def body(d_ref, o_ref):
        d = d_ref[...]
        o_ref[...] = lax.rsqrt(d[0, :, 0:1] + d[1, :, 0:1] + 1.0)

    return pl.pallas_call(
        body,
        grid=(N // BLK,),
        in_specs=[pl.BlockSpec((NC, BLK, LN), lambda i: (0, i, 0))],
        out_specs=pl.BlockSpec((BLK, 1), lambda i: (i, 0)),
        out_shape=jax.ShapeDtypeStruct((N, 1), jnp.float32),
    )(degw)


def _pre_tc(h, W, dinv):
    din = h.shape[1]

    def body(h_ref, w_ref, d_ref, o_ref):
        xw = jnp.dot(h_ref[...], w_ref[...], preferred_element_type=jnp.float32)
        o_ref[...] = xw * d_ref[...]

    return pl.pallas_call(
        body,
        grid=(N // BLK,),
        in_specs=[
            pl.BlockSpec((BLK, din), lambda i: (i, 0)),
            pl.BlockSpec((din, F), lambda i: (0, 0)),
            pl.BlockSpec((BLK, 1), lambda i: (i, 0)),
        ],
        out_specs=pl.BlockSpec((BLK, F), lambda i: (i, 0)),
        out_shape=jax.ShapeDtypeStruct((N, F), jnp.float32),
    )(h, W, dinv)


def _post_tc(S_pad, xws, dinv, b, res):
    def body_res(s_ref, xws_ref, d_ref, b_ref, r_ref, o_ref):
        v = d_ref[...] * (s_ref[...] + xws_ref[...]) + b_ref[...]
        o_ref[...] = r_ref[...] + jnp.maximum(v, 0.0)

    def body_nores(s_ref, xws_ref, d_ref, b_ref, o_ref):
        v = d_ref[...] * (s_ref[...] + xws_ref[...]) + b_ref[...]
        o_ref[...] = jnp.maximum(v, 0.0)

    in_specs = [
        pl.BlockSpec((BLK, F), lambda i: (i, 0)),
        pl.BlockSpec((BLK, F), lambda i: (i, 0)),
        pl.BlockSpec((BLK, 1), lambda i: (i, 0)),
        pl.BlockSpec((1, F), lambda i: (0, 0)),
    ]
    args = [S_pad, xws, dinv, b[None, :]]
    body = body_nores
    if res is not None:
        in_specs.append(pl.BlockSpec((BLK, F), lambda i: (i, 0)))
        args.append(res)
        body = body_res

    return pl.pallas_call(
        body,
        grid=(N // BLK,),
        in_specs=in_specs,
        out_specs=pl.BlockSpec((BLK, F), lambda i: (i, 0)),
        out_shape=jax.ShapeDtypeStruct((N, F), jnp.float32),
    )(*args)


def kernel(x, edge_index, We1, be1, We2, be2, W0, b0, W1, b1, W2, b2):
    src = edge_index[0].astype(jnp.int32)
    dst = edge_index[1].astype(jnp.int32)

    ones_tile = jnp.ones((CHUNK, LN), jnp.float32)
    zeros_deg = jnp.zeros((DEG_STRIPE, LN), jnp.float32)
    zeros_acc = jnp.zeros((STRIPE, F), jnp.float32)

    degw = _deg_sc(dst, ones_tile, zeros_deg)
    h = _encoder_tc(x, We1, be1, We2, be2)
    dinv = _dinv_tc(degw)

    for W, b, has_res in ((W0, b0, False), (W1, b1, True), (W2, b2, True)):
        xws = _pre_tc(h, W, dinv)
        S_pad = _segsum_sc(xws, src, dst, zeros_acc)
        h = _post_tc(S_pad, xws, dinv, b, h if has_res else None)

    return h

# --- scband reference (transcript-rebuilt; emitter-appended) ---
"""Pipeline reference for scband-emergency-gnnenhanced-72112500900409 (READ-ONLY COPY).

The authoritative reference and input builder live on the scoring server;
editing this copy changes nothing except your own understanding.
"""

import jax, jax.numpy as jnp
import numpy as np

N_NODES = 100000
N_EDGES = 1600000
NODE_DIM = 32
HIDDEN = 256


def _gcn_conv(x, src, dst, W, b, n_nodes):
    # GCNConv with added self-loops and symmetric normalization
    loops = jnp.arange(n_nodes, dtype=src.dtype)
    src_a = jnp.concatenate([src, loops])
    dst_a = jnp.concatenate([dst, loops])
    deg = jnp.zeros((n_nodes,), dtype=x.dtype).at[dst_a].add(1.0)
    dinv = jax.lax.rsqrt(deg)
    norm = dinv[src_a] * dinv[dst_a]
    xw = x @ W
    msg = jnp.take(xw, src_a, axis=0) * norm[:, None]
    out = jax.ops.segment_sum(msg, dst_a, num_segments=n_nodes)
    return out + b


def setup_inputs(seed: int = 0) -> dict:
    key = jax.random.key(seed)
    ks = jax.random.split(key, 16)
    x = jax.random.normal(ks[0], (N_NODES, NODE_DIM), dtype=jnp.float32)
    edge_index = jax.random.randint(ks[1], (2, N_EDGES), 0, N_NODES, dtype=jnp.int64)
    h2 = HIDDEN // 2  # 128
    h4 = HIDDEN // 4  # 64
    We1 = jax.random.normal(ks[2], (NODE_DIM, HIDDEN), dtype=jnp.float32) * 0.05
    be1 = jnp.zeros((HIDDEN,), dtype=jnp.float32)
    We2 = jax.random.normal(ks[3], (HIDDEN, h2), dtype=jnp.float32) * 0.05
    be2 = jnp.zeros((h2,), dtype=jnp.float32)
    W0 = jax.random.normal(ks[4], (h2, h4), dtype=jnp.float32) * 0.05
    b0 = jnp.zeros((h4,), dtype=jnp.float32)
    W1 = jax.random.normal(ks[5], (h4, h4), dtype=jnp.float32) * 0.05
    b1 = jnp.zeros((h4,), dtype=jnp.float32)
    W2 = jax.random.normal(ks[6], (h4, h4), dtype=jnp.float32) * 0.05
    b2 = jnp.zeros((h4,), dtype=jnp.float32)
    return {"x": x, "edge_index": edge_index, "We1": We1, "be1": be1,
            "We2": We2, "be2": be2, "W0": W0, "b0": b0,
            "W1": W1, "b1": b1, "W2": W2, "b2": b2}


def reference(x, edge_index, We1, be1, We2, be2, W0, b0, W1, b1, W2, b2):
    n_nodes = x.shape[0]
    src, dst = edge_index[0], edge_index[1]
    # node encoder (dropout is identity at inference)
    h = jax.nn.relu(x @ We1 + be1)
    h = jax.nn.relu(h @ We2 + be2)
    # conv layer 0: 128 -> 64, no residual (shape change)
    h_new = jax.nn.relu(_gcn_conv(h, src, dst, W0, b0, n_nodes))
    h = h_new
    # conv layer 1: 64 -> 64, residual
    h_new = jax.nn.relu(_gcn_conv(h, src, dst, W1, b1, n_nodes))
    h = h + h_new
    # conv layer 2: 64 -> 64, residual
    h_new = jax.nn.relu(_gcn_conv(h, src, dst, W2, b2, n_nodes))
    h = h + h_new
    return h

if __name__ == "__main__":
    import jax
    _d = setup_inputs()
    print(jax.jit(kernel)(*tuple(_d.values())))

</pallas_src>

<mosaic_0001>
#map = affine_map<(d0, d1) -> (0, 0)>
#map1 = affine_map<(d0, d1) -> (0)>
module attributes {stable_mosaic.version = 14 : i64} {
  func.func @k(%arg0: i32, %arg1: i32, %arg2: memref<100000x64xf32, #tpu.memory_space<hbm>>, %arg3: memref<1600000xi32, #tpu.memory_space<hbm>>, %arg4: memref<1600000xi32, #tpu.memory_space<hbm>>, %arg5: memref<1664x64xf32, #tpu.memory_space<hbm>>, %arg6: memref<106496x64xf32, #tpu.memory_space<hbm>>, %arg7: memref<128xi32, #tpu.memory_space<vmem>>, %arg8: memref<128xi32, #tpu.memory_space<vmem>>, %arg9: memref<128xi32, #tpu.memory_space<vmem>>, %arg10: memref<128x64xf32, #tpu.memory_space<vmem>>, %arg11: memref<26632x64xf32, #tpu.memory_space<vmem_shared>>) attributes {dimension_semantics = [#tpu.dimension_semantics<core_parallel>, #tpu.dimension_semantics<subcore_parallel>], iteration_bounds = array<i64: 2, 16>, scalar_prefetch = 0 : i64, scratch_operands = 5 : i64, tpu.core_type = #tpu.core_type<sc_vector_subcore>, window_params = [{transform_indices = #map}, {transform_indices = #map1}, {transform_indices = #map1}, {transform_indices = #map}, {transform_indices = #map}]} {
    %mul3A = arith.constant 2 : i32
    %mul3A_0 = arith.muli %mul3A, %arg0 : i32
    %add3A = arith.constant 0 : i32
    %add3A_1 = arith.addi %mul3A_0, %add3A : i32
    %mul3A_2 = arith.constant 26624 : i32
    %mul3A_3 = arith.muli %add3A_1, %mul3A_2 : i32
    %broadcast_in_dim3A = vector.broadcast %mul3A_3 : i32 to vector<16xi32>
    %add3A_4 = arith.constant 26624 : i32
    %add3A_5 = arith.addi %mul3A_3, %add3A_4 : i32
    %broadcast_in_dim3A_6 = vector.broadcast %add3A_5 : i32 to vector<16xi32>
    %mul3A_7 = arith.constant 1664 : i32
    %mul3A_8 = arith.muli %arg1, %mul3A_7 : i32
    "tpu.region"() ({
      %run_scoped3A = tpu.sem_alloc : memref<!tpu.dma_semaphore, #tpu.memory_space<semaphore_mem>>
      %dma_start3A = arith.constant 0 : i32
      %dma_start3A_59 = tpu.memref_slice %arg11[%mul3A_8, %dma_start3A] : memref<26632x64xf32, #tpu.memory_space<vmem_shared>> -> memref<1664x64xf32, #tpu.memory_space<vmem_shared>>
      tpu.enqueue_dma source(%arg5 : memref<1664x64xf32, #tpu.memory_space<hbm>>) target(%dma_start3A_59 : memref<1664x64xf32, #tpu.memory_space<vmem_shared>>) target_semaphore(%run_scoped3A : memref<!tpu.dma_semaphore, #tpu.memory_space<semaphore_mem>>)
      %dma_wait3A = arith.constant 0 : i32
      %dma_wait3A_60 = tpu.memref_slice %arg11[%mul3A_8, %dma_wait3A] : memref<26632x64xf32, #tpu.memory_space<vmem_shared>> -> memref<1664x64xf32, #tpu.memory_space<vmem_shared>>
      tpu.wait_dma2 semaphore(%run_scoped3A : memref<!tpu.dma_semaphore, #tpu.memory_space<semaphore_mem>>) src(%arg5 : memref<1664x64xf32, #tpu.memory_space<hbm>>) dst(%dma_wait3A_60 : memref<1664x64xf32, #tpu.memory_space<vmem_shared>>)
      tpu.yield
    }) : () -> ()
    %eq3A = arith.constant 0 : i32
    %eq3A_9 = arith.cmpi eq, %arg1, %eq3A : i32
    %convert_element_type3A = arith.extui %eq3A_9 : i1 to i32
    %cond3A = arith.constant 0 : i32
    %cond3A_10 = arith.cmpi ne, %convert_element_type3A, %cond3A : i32
    scf.if %cond3A_10 {
      "tpu.region"() ({
        %run_scoped3A = tpu.sem_alloc : memref<!tpu.dma_semaphore, #tpu.memory_space<semaphore_mem>>
        %dma_start3A = arith.constant 26624 : i32
        %dma_start3A_59 = arith.constant 0 : i32
        %dma_start3A_60 = tpu.memref_slice %arg11[%dma_start3A, %dma_start3A_59] : memref<26632x64xf32, #tpu.memory_space<vmem_shared>> -> memref<8x64xf32, #tpu.memory_space<vmem_shared>>
        %dma_start3A_61 = arith.constant 0 : i32
        %dma_start3A_62 = arith.constant 0 : i32
        %dma_start3A_63 = tpu.memref_slice %arg5[%dma_start3A_61, %dma_start3A_62] : memref<1664x64xf32, #tpu.memory_space<hbm>> -> memref<8x64xf32, #tpu.memory_space<hbm>>
        tpu.enqueue_dma source(%dma_start3A_63 : memref<8x64xf32, #tpu.memory_space<hbm>>) target(%dma_start3A_60 : memref<8x64xf32, #tpu.memory_space<vmem_shared>>) target_semaphore(%run_scoped3A : memref<!tpu.dma_semaphore, #tpu.memory_space<semaphore_mem>>)
        %dma_wait3A = arith.constant 26624 : i32
        %dma_wait3A_64 = arith.constant 0 : i32
        %dma_wait3A_65 = tpu.memref_slice %arg11[%dma_wait3A, %dma_wait3A_64] : memref<26632x64xf32, #tpu.memory_space<vmem_shared>> -> memref<8x64xf32, #tpu.memory_space<vmem_shared>>
        %dma_wait3A_66 = arith.constant 0 : i32
        %dma_wait3A_67 = arith.constant 0 : i32
        %dma_wait3A_68 = tpu.memref_slice %arg5[%dma_wait3A_66, %dma_wait3A_67] : memref<1664x64xf32, #tpu.memory_space<hbm>> -> memref<8x64xf32, #tpu.memory_space<hbm>>
        tpu.wait_dma2 semaphore(%run_scoped3A : memref<!tpu.dma_semaphore, #tpu.memory_space<semaphore_mem>>) src(%dma_wait3A_68 : memref<8x64xf32, #tpu.memory_space<hbm>>) dst(%dma_wait3A_65 : memref<8x64xf32, #tpu.memory_space<vmem_shared>>)
        tpu.yield
      }) : () -> ()
    } else {
    }
    %barrier3A = arith.constant 0 : index
    tpu.barrier barrier_id(%barrier3A)
    %scan3A = arith.constant 0 : i32
    %scan3A_11 = arith.constant 781 : i32
    %scan3A_12 = arith.addi %scan3A, %scan3A_11 : i32
    %scan3A_13 = arith.constant 1 : i32
    scf.for %scan3A_59 = %scan3A to %scan3A_12 step %scan3A_13  : i32 {
      %mul3A_60 = arith.constant 1 : i32
      %mul3A_61 = arith.muli %scan3A_59, %mul3A_60 : i32
      %add3A_62 = arith.constant 0 : i32
      %add3A_63 = arith.addi %add3A_62, %mul3A_61 : i32
      %mul3A_64 = arith.constant 781 : i32
      %mul3A_65 = arith.muli %arg1, %mul3A_64 : i32
      %add3A_66 = arith.addi %mul3A_65, %add3A_63 : i32
      %mul3A_67 = arith.constant 128 : i32
      %mul3A_68 = arith.muli %add3A_66, %mul3A_67 : i32
      "tpu.region"() ({
        %run_scoped3A = tpu.sem_alloc : memref<!tpu.dma_semaphore, #tpu.memory_space<semaphore_mem>>
        %dma_start3A = tpu.memref_slice %arg4[%mul3A_68] : memref<1600000xi32, #tpu.memory_space<hbm>> -> memref<128xi32, #tpu.memory_space<hbm>>
        %dma_start3A_174 = tpu.memref_slice %arg4[%mul3A_68] : memref<1600000xi32, #tpu.memory_space<hbm>> -> memref<128xi32, #tpu.memory_space<hbm>>
        tpu.enqueue_dma source(%dma_start3A_174 : memref<128xi32, #tpu.memory_space<hbm>>) target(%arg8 : memref<128xi32, #tpu.memory_space<vmem>>) target_semaphore(%run_scoped3A : memref<!tpu.dma_semaphore, #tpu.memory_space<semaphore_mem>>)
        %dma_wait3A = tpu.memref_slice %arg4[%mul3A_68] : memref<1600000xi32, #tpu.memory_space<hbm>> -> memref<128xi32, #tpu.memory_space<hbm>>
        %dma_wait3A_175 = tpu.memref_slice %arg4[%mul3A_68] : memref<1600000xi32, #tpu.memory_space<hbm>> -> memref<128xi32, #tpu.memory_space<hbm>>
        tpu.wait_dma2 semaphore(%run_scoped3A : memref<!tpu.dma_semaphore, #tpu.memory_space<semaphore_mem>>) src(%dma_wait3A_175 : memref<128xi32, #tpu.memory_space<hbm>>) dst(%arg8 : memref<128xi32, #tpu.memory_space<vmem>>)
        tpu.yield
      }) : () -> ()
      "tpu.region"() ({
        %run_scoped3A = tpu.sem_alloc : memref<!tpu.dma_semaphore, #tpu.memory_space<semaphore_mem>>
        %dma_start3A = tpu.memref_slice %arg3[%mul3A_68] : memref<1600000xi32, #tpu.memory_space<hbm>> -> memref<128xi32, #tpu.memory_space<hbm>>
        %dma_start3A_174 = tpu.memref_slice %arg3[%mul3A_68] : memref<1600000xi32, #tpu.memory_space<hbm>> -> memref<128xi32, #tpu.memory_space<hbm>>
        tpu.enqueue_dma source(%dma_start3A_174 : memref<128xi32, #tpu.memory_space<hbm>>) target(%arg7 : memref<128xi32, #tpu.memory_space<vmem>>) target_semaphore(%run_scoped3A : memref<!tpu.dma_semaphore, #tpu.memory_space<semaphore_mem>>)
        %dma_wait3A = tpu.memref_slice %arg3[%mul3A_68] : memref<1600000xi32, #tpu.memory_space<hbm>> -> memref<128xi32, #tpu.memory_space<hbm>>
        %dma_wait3A_175 = tpu.memref_slice %arg3[%mul3A_68] : memref<1600000xi32, #tpu.memory_space<hbm>> -> memref<128xi32, #tpu.memory_space<hbm>>
        tpu.wait_dma2 semaphore(%run_scoped3A : memref<!tpu.dma_semaphore, #tpu.memory_space<semaphore_mem>>) src(%dma_wait3A_175 : memref<128xi32, #tpu.memory_space<hbm>>) dst(%arg7 : memref<128xi32, #tpu.memory_space<vmem>>)
        tpu.yield
      }) : () -> ()
      %get3A = arith.constant 0 : index
      %get3A_69 = tpu.vector_load %arg8[%get3A] {strides = array<i32>} : memref<128xi32, #tpu.memory_space<vmem>>, vector<16xi32>,
      %get3A_70 = vector.shape_cast %get3A_69 : vector<16xi32> to vector<16xi32>
      %ge3A = arith.cmpi sge, %get3A_70, %broadcast_in_dim3A : vector<16xi32>
      %lt3A_71 = arith.cmpi slt, %get3A_70, %broadcast_in_dim3A_6 : vector<16xi32>
      %and3A = arith.andi %ge3A, %lt3A_71 : vector<16xi1>
      %sub3A = arith.subi %get3A_70, %broadcast_in_dim3A : vector<16xi32>
      %jit3A = arith.constant 26624 : i32
      %broadcast_in_dim3A_72 = vector.broadcast %jit3A : i32 to vector<16xi32>
      %select_n3A = arith.select %and3A, %sub3A, %broadcast_in_dim3A_72 : vector<16xi1>, vector<16xi32>
      %swap3A = arith.constant 0 : index
      %swap3A_73 = tpu.vector_load %arg9[%swap3A] {strides = array<i32>} : memref<128xi32, #tpu.memory_space<vmem>>, vector<16xi32>,
      %swap3A_74 = vector.shape_cast %swap3A_73 : vector<16xi32> to vector<16xi32>
      %swap3A_75 = vector.shape_cast %select_n3A : vector<16xi32> to vector<16xi32>
      tpu.vector_store %arg9[%swap3A], %swap3A_75 {strides = array<i32>} : memref<128xi32, #tpu.memory_space<vmem>>, vector<16xi32>,
      %get3A_76 = arith.constant 16 : index
      %get3A_77 = tpu.vector_load %arg8[%get3A_76] {strides = array<i32>} : memref<128xi32, #tpu.memory_space<vmem>>, vector<16xi32>,
      %get3A_78 = vector.shape_cast %get3A_77 : vector<16xi32> to vector<16xi32>
      %ge3A_79 = arith.cmpi sge, %get3A_78, %broadcast_in_dim3A : vector<16xi32>
      %lt3A_80 = arith.cmpi slt, %get3A_78, %broadcast_in_dim3A_6 : vector<16xi32>
      %and3A_81 = arith.andi %ge3A_79, %lt3A_80 : vector<16xi1>
      %sub3A_82 = arith.subi %get3A_78, %broadcast_in_dim3A : vector<16xi32>
      %jit3A_83 = arith.constant 26624 : i32
      %broadcast_in_dim3A_84 = vector.broadcast %jit3A_83 : i32 to vector<16xi32>
      %select_n3A_85 = arith.select %and3A_81, %sub3A_82, %broadcast_in_dim3A_84 : vector<16xi1>, vector<16xi32>
      %swap3A_86 = arith.constant 16 : index
      %swap3A_87 = tpu.vector_load %arg9[%swap3A_86] {strides = array<i32>} : memref<128xi32, #tpu.memory_space<vmem>>, vector<16xi32>,
      %swap3A_88 = vector.shape_cast %swap3A_87 : vector<16xi32> to vector<16xi32>
      %swap3A_89 = vector.shape_cast %select_n3A_85 : vector<16xi32> to vector<16xi32>
      tpu.vector_store %arg9[%swap3A_86], %swap3A_89 {strides = array<i32>} : memref<128xi32, #tpu.memory_space<vmem>>, vector<16xi32>,
      %get3A_90 = arith.constant 32 : index
      %get3A_91 = tpu.vector_load %arg8[%get3A_90] {strides = array<i32>} : memref<128xi32, #tpu.memory_space<vmem>>, vector<16xi32>,
      %get3A_92 = vector.shape_cast %get3A_91 : vector<16xi32> to vector<16xi32>
      %ge3A_93 = arith.cmpi sge, %get3A_92, %broadcast_in_dim3A : vector<16xi32>
      %lt3A_94 = arith.cmpi slt, %get3A_92, %broadcast_in_dim3A_6 : vector<16xi32>
      %and3A_95 = arith.andi %ge3A_93, %lt3A_94 : vector<16xi1>
      %sub3A_96 = arith.subi %get3A_92, %broadcast_in_dim3A : vector<16xi32>
      %jit3A_97 = arith.constant 26624 : i32
      %broadcast_in_dim3A_98 = vector.broadcast %jit3A_97 : i32 to vector<16xi32>
      %select_n3A_99 = arith.select %and3A_95, %sub3A_96, %broadcast_in_dim3A_98 : vector<16xi1>, vector<16xi32>
      %swap3A_100 = arith.constant 32 : index
      %swap3A_101 = tpu.vector_load %arg9[%swap3A_100] {strides = array<i32>} : memref<128xi32, #tpu.memory_space<vmem>>, vector<16xi32>,
      %swap3A_102 = vector.shape_cast %swap3A_101 : vector<16xi32> to vector<16xi32>
      %swap3A_103 = vector.shape_cast %select_n3A_99 : vector<16xi32> to vector<16xi32>
      tpu.vector_store %arg9[%swap3A_100], %swap3A_103 {strides = array<i32>} : memref<128xi32, #tpu.memory_space<vmem>>, vector<16xi32>,
      %get3A_104 = arith.constant 48 : index
      %get3A_105 = tpu.vector_load %arg8[%get3A_104] {strides = array<i32>} : memref<128xi32, #tpu.memory_space<vmem>>, vector<16xi32>,
      %get3A_106 = vector.shape_cast %get3A_105 : vector<16xi32> to vector<16xi32>
      %ge3A_107 = arith.cmpi sge, %get3A_106, %broadcast_in_dim3A : vector<16xi32>
      %lt3A_108 = arith.cmpi slt, %get3A_106, %broadcast_in_dim3A_6 : vector<16xi32>
      %and3A_109 = arith.andi %ge3A_107, %lt3A_108 : vector<16xi1>
      %sub3A_110 = arith.subi %get3A_106, %broadcast_in_dim3A : vector<16xi32>
      %jit3A_111 = arith.constant 26624 : i32
      %broadcast_in_dim3A_112 = vector.broadcast %jit3A_111 : i32 to vector<16xi32>
      %select_n3A_113 = arith.select %and3A_109, %sub3A_110, %broadcast_in_dim3A_112 : vector<16xi1>, vector<16xi32>
      %swap3A_114 = arith.constant 48 : index
      %swap3A_115 = tpu.vector_load %arg9[%swap3A_114] {strides = array<i32>} : memref<128xi32, #tpu.memory_space<vmem>>, vector<16xi32>,
      %swap3A_116 = vector.shape_cast %swap3A_115 : vector<16xi32> to vector<16xi32>
      %swap3A_117 = vector.shape_cast %select_n3A_113 : vector<16xi32> to vector<16xi32>
      tpu.vector_store %arg9[%swap3A_114], %swap3A_117 {strides = array<i32>} : memref<128xi32, #tpu.memory_space<vmem>>, vector<16xi32>,
      %get3A_118 = arith.constant 64 : index
      %get3A_119 = tpu.vector_load %arg8[%get3A_118] {strides = array<i32>} : memref<128xi32, #tpu.memory_space<vmem>>, vector<16xi32>,
      %get3A_120 = vector.shape_cast %get3A_119 : vector<16xi32> to vector<16xi32>
      %ge3A_121 = arith.cmpi sge, %get3A_120, %broadcast_in_dim3A : vector<16xi32>
      %lt3A_122 = arith.cmpi slt, %get3A_120, %broadcast_in_dim3A_6 : vector<16xi32>
      %and3A_123 = arith.andi %ge3A_121, %lt3A_122 : vector<16xi1>
      %sub3A_124 = arith.subi %get3A_120, %broadcast_in_dim3A : vector<16xi32>
      %jit3A_125 = arith.constant 26624 : i32
      %broadcast_in_dim3A_126 = vector.broadcast %jit3A_125 : i32 to vector<16xi32>
      %select_n3A_127 = arith.select %and3A_123, %sub3A_124, %broadcast_in_dim3A_126 : vector<16xi1>, vector<16xi32>
      %swap3A_128 = arith.constant 64 : index
      %swap3A_129 = tpu.vector_load %arg9[%swap3A_128] {strides = array<i32>} : memref<128xi32, #tpu.memory_space<vmem>>, vector<16xi32>,
      %swap3A_130 = vector.shape_cast %swap3A_129 : vector<16xi32> to vector<16xi32>
      %swap3A_131 = vector.shape_cast %select_n3A_127 : vector<16xi32> to vector<16xi32>
      tpu.vector_store %arg9[%swap3A_128], %swap3A_131 {strides = array<i32>} : memref<128xi32, #tpu.memory_space<vmem>>, vector<16xi32>,
      %get3A_132 = arith.constant 80 : index
      %get3A_133 = tpu.vector_load %arg8[%get3A_132] {strides = array<i32>} : memref<128xi32, #tpu.memory_space<vmem>>, vector<16xi32>,
      %get3A_134 = vector.shape_cast %get3A_133 : vector<16xi32> to vector<16xi32>
      %ge3A_135 = arith.cmpi sge, %get3A_134, %broadcast_in_dim3A : vector<16xi32>
      %lt3A_136 = arith.cmpi slt, %get3A_134, %broadcast_in_dim3A_6 : vector<16xi32>
      %and3A_137 = arith.andi %ge3A_135, %lt3A_136 : vector<16xi1>
      %sub3A_138 = arith.subi %get3A_134, %broadcast_in_dim3A : vector<16xi32>
      %jit3A_139 = arith.constant 26624 : i32
      %broadcast_in_dim3A_140 = vector.broadcast %jit3A_139 : i32 to vector<16xi32>
      %select_n3A_141 = arith.select %and3A_137, %sub3A_138, %broadcast_in_dim3A_140 : vector<16xi1>, vector<16xi32>
      %swap3A_142 = arith.constant 80 : index
      %swap3A_143 = tpu.vector_load %arg9[%swap3A_142] {strides = array<i32>} : memref<128xi32, #tpu.memory_space<vmem>>, vector<16xi32>,
      %swap3A_144 = vector.shape_cast %swap3A_143 : vector<16xi32> to vector<16xi32>
      %swap3A_145 = vector.shape_cast %select_n3A_141 : vector<16xi32> to vector<16xi32>
      tpu.vector_store %arg9[%swap3A_142], %swap3A_145 {strides = array<i32>} : memref<128xi32, #tpu.memory_space<vmem>>, vector<16xi32>,
      %get3A_146 = arith.constant 96 : index
      %get3A_147 = tpu.vector_load %arg8[%get3A_146] {strides = array<i32>} : memref<128xi32, #tpu.memory_space<vmem>>, vector<16xi32>,
      %get3A_148 = vector.shape_cast %get3A_147 : vector<16xi32> to vector<16xi32>
      %ge3A_149 = arith.cmpi sge, %get3A_148, %broadcast_in_dim3A : vector<16xi32>
      %lt3A_150 = arith.cmpi slt, %get3A_148, %broadcast_in_dim3A_6 : vector<16xi32>
      %and3A_151 = arith.andi %ge3A_149, %lt3A_150 : vector<16xi1>
      %sub3A_152 = arith.subi %get3A_148, %broadcast_in_dim3A : vector<16xi32>
      %jit3A_153 = arith.constant 26624 : i32
      %broadcast_in_dim3A_154 = vector.broadcast %jit3A_153 : i32 to vector<16xi32>
      %select_n3A_155 = arith.select %and3A_151, %sub3A_152, %broadcast_in_dim3A_154 : vector<16xi1>, vector<16xi32>
      %swap3A_156 = arith.constant 96 : index
      %swap3A_157 = tpu.vector_load %arg9[%swap3A_156] {strides = array<i32>} : memref<128xi32, #tpu.memory_space<vmem>>, vector<16xi32>,
      %swap3A_158 = vector.shape_cast %swap3A_157 : vector<16xi32> to vector<16xi32>
      %swap3A_159 = vector.shape_cast %select_n3A_155 : vector<16xi32> to vector<16xi32>
      tpu.vector_store %arg9[%swap3A_156], %swap3A_159 {strides = array<i32>} : memref<128xi32, #tpu.memory_space<vmem>>, vector<16xi32>,
      %get3A_160 = arith.constant 112 : index
      %get3A_161 = tpu.vector_load %arg8[%get3A_160] {strides = array<i32>} : memref<128xi32, #tpu.memory_space<vmem>>, vector<16xi32>,
      %get3A_162 = vector.shape_cast %get3A_161 : vector<16xi32> to vector<16xi32>
      %ge3A_163 = arith.cmpi sge, %get3A_162, %broadcast_in_dim3A : vector<16xi32>
      %lt3A_164 = arith.cmpi slt, %get3A_162, %broadcast_in_dim3A_6 : vector<16xi32>
      %and3A_165 = arith.andi %ge3A_163, %lt3A_164 : vector<16xi1>
      %sub3A_166 = arith.subi %get3A_162, %broadcast_in_dim3A : vector<16xi32>
      %jit3A_167 = arith.constant 26624 : i32
      %broadcast_in_dim3A_168 = vector.broadcast %jit3A_167 : i32 to vector<16xi32>
      %select_n3A_169 = arith.select %and3A_165, %sub3A_166, %broadcast_in_dim3A_168 : vector<16xi1>, vector<16xi32>
      %swap3A_170 = arith.constant 112 : index
      %swap3A_171 = tpu.vector_load %arg9[%swap3A_170] {strides = array<i32>} : memref<128xi32, #tpu.memory_space<vmem>>, vector<16xi32>,
      %swap3A_172 = vector.shape_cast %swap3A_171 : vector<16xi32> to vector<16xi32>
      %swap3A_173 = vector.shape_cast %select_n3A_169 : vector<16xi32> to vector<16xi32>
      tpu.vector_store %arg9[%swap3A_170], %swap3A_173 {strides = array<i32>} : memref<128xi32, #tpu.memory_space<vmem>>, vector<16xi32>,
      "tpu.region"() ({
        %run_scoped3A = tpu.sem_alloc : memref<!tpu.dma_semaphore, #tpu.memory_space<semaphore_mem>>
        %dma_start3A = arith.constant 0 : i32
        %dma_start3A_174 = arith.constant 0 : i32
        %dma_start3A_175 = tpu.memref_slice %arg2[%dma_start3A, %dma_start3A_174] : memref<100000x64xf32, #tpu.memory_space<hbm>> -> memref<100000x64xf32, #tpu.memory_space<hbm>>
        tpu.enqueue_indirect_dma source(%dma_start3A_175 : memref<100000x64xf32, #tpu.memory_space<hbm>>) target(%arg10 : memref<128x64xf32, #tpu.memory_space<vmem>>) offsets(%arg7 : memref<128xi32, #tpu.memory_space<vmem>>) semaphore(%run_scoped3A : memref<!tpu.dma_semaphore, #tpu.memory_space<semaphore_mem>>)
        %dma_wait3A = arith.constant 0 : i32
        %dma_wait3A_176 = arith.constant 0 : i32
        %dma_wait3A_177 = tpu.memref_slice %arg2[%dma_wait3A, %dma_wait3A_176] : memref<100000x64xf32, #tpu.memory_space<hbm>> -> memref<100000x64xf32, #tpu.memory_space<hbm>>
        tpu.wait_indirect_dma semaphore(%run_scoped3A : memref<!tpu.dma_semaphore, #tpu.memory_space<semaphore_mem>>) src(%dma_wait3A_177 : memref<100000x64xf32, #tpu.memory_space<hbm>>) dst(%arg10 : memref<128x64xf32, #tpu.memory_space<vmem>>)
        tpu.yield
      }) : () -> ()
      "tpu.region"() ({
        %run_scoped3A = tpu.sem_alloc : memref<!tpu.dma_semaphore, #tpu.memory_space<semaphore_mem>>
        %dma_start3A = arith.constant 0 : i32
        %dma_start3A_174 = arith.constant 0 : i32
        %dma_start3A_175 = tpu.memref_slice %arg11[%dma_start3A, %dma_start3A_174] : memref<26632x64xf32, #tpu.memory_space<vmem_shared>> -> memref<26632x64xf32, #tpu.memory_space<vmem_shared>>
        tpu.enqueue_indirect_dma source(%arg10 : memref<128x64xf32, #tpu.memory_space<vmem>>) target(%dma_start3A_175 : memref<26632x64xf32, #tpu.memory_space<vmem_shared>>) offsets(%arg9 : memref<128xi32, #tpu.memory_space<vmem>>) semaphore(%run_scoped3A : memref<!tpu.dma_semaphore, #tpu.memory_space<semaphore_mem>>) {add = true}
        %dma_wait3A = arith.constant 0 : i32
        %dma_wait3A_176 = arith.constant 0 : i32
        %dma_wait3A_177 = tpu.memref_slice %arg11[%dma_wait3A, %dma_wait3A_176] : memref<26632x64xf32, #tpu.memory_space<vmem_shared>> -> memref<26632x64xf32, #tpu.memory_space<vmem_shared>>
        tpu.wait_indirect_dma semaphore(%run_scoped3A : memref<!tpu.dma_semaphore, #tpu.memory_space<semaphore_mem>>) src(%arg10 : memref<128x64xf32, #tpu.memory_space<vmem>>) dst(%dma_wait3A_177 : memref<26632x64xf32, #tpu.memory_space<vmem_shared>>)
        tpu.yield
      }) : () -> ()
    }
    %scan3A_14 = arith.constant 781 : i32
    %lt3A = arith.constant 4 : i32
    %lt3A_15 = arith.cmpi slt, %arg1, %lt3A : i32
    %convert_element_type3A_16 = arith.extui %lt3A_15 : i1 to i32
    %cond3A_17 = arith.constant 0 : i32
    %cond3A_18 = arith.cmpi ne, %convert_element_type3A_16, %cond3A_17 : i32
    scf.if %cond3A_18 {
      %add3A_59 = arith.constant 12496 : i32
      %add3A_60 = arith.addi %add3A_59, %arg1 : i32
      %mul3A_61 = arith.constant 128 : i32
      %mul3A_62 = arith.muli %add3A_60, %mul3A_61 : i32
      "tpu.region"() ({
        %run_scoped3A = tpu.sem_alloc : memref<!tpu.dma_semaphore, #tpu.memory_space<semaphore_mem>>
        %dma_start3A = tpu.memref_slice %arg4[%mul3A_62] : memref<1600000xi32, #tpu.memory_space<hbm>> -> memref<128xi32, #tpu.memory_space<hbm>>
        %dma_start3A_168 = tpu.memref_slice %arg4[%mul3A_62] : memref<1600000xi32, #tpu.memory_space<hbm>> -> memref<128xi32, #tpu.memory_space<hbm>>
        tpu.enqueue_dma source(%dma_start3A_168 : memref<128xi32, #tpu.memory_space<hbm>>) target(%arg8 : memref<128xi32, #tpu.memory_space<vmem>>) target_semaphore(%run_scoped3A : memref<!tpu.dma_semaphore, #tpu.memory_space<semaphore_mem>>)
        %dma_wait3A = tpu.memref_slice %arg4[%mul3A_62] : memref<1600000xi32, #tpu.memory_space<hbm>> -> memref<128xi32, #tpu.memory_space<hbm>>
        %dma_wait3A_169 = tpu.memref_slice %arg4[%mul3A_62] : memref<1600000xi32, #tpu.memory_space<hbm>> -> memref<128xi32, #tpu.memory_space<hbm>>
        tpu.wait_dma2 semaphore(%run_scoped3A : memref<!tpu.dma_semaphore, #tpu.memory_space<semaphore_mem>>) src(%dma_wait3A_169 : memref<128xi32, #tpu.memory_space<hbm>>) dst(%arg8 : memref<128xi32, #tpu.memory_space<vmem>>)
        tpu.yield
      }) : () -> ()
      "tpu.region"() ({
        %run_scoped3A = tpu.sem_alloc : memref<!tpu.dma_semaphore, #tpu.memory_space<semaphore_mem>>
        %dma_start3A = tpu.memref_slice %arg3[%mul3A_62] : memref<1600000xi32, #tpu.memory_space<hbm>> -> memref<128xi32, #tpu.memory_space<hbm>>
        %dma_start3A_168 = tpu.memref_slice %arg3[%mul3A_62] : memref<1600000xi32, #tpu.memory_space<hbm>> -> memref<128xi32, #tpu.memory_space<hbm>>
        tpu.enqueue_dma source(%dma_start3A_168 : memref<128xi32, #tpu.memory_space<hbm>>) target(%arg7 : memref<128xi32, #tpu.memory_space<vmem>>) target_semaphore(%run_scoped3A : memref<!tpu.dma_semaphore, #tpu.memory_space<semaphore_mem>>)
        %dma_wait3A = tpu.memref_slice %arg3[%mul3A_62] : memref<1600000xi32, #tpu.memory_space<hbm>> -> memref<128xi32, #tpu.memory_space<hbm>>
        %dma_wait3A_169 = tpu.memref_slice %arg3[%mul3A_62] : memref<1600000xi32, #tpu.memory_space<hbm>> -> memref<128xi32, #tpu.memory_space<hbm>>
        tpu.wait_dma2 semaphore(%run_scoped3A : memref<!tpu.dma_semaphore, #tpu.memory_space<semaphore_mem>>) src(%dma_wait3A_169 : memref<128xi32, #tpu.memory_space<hbm>>) dst(%arg7 : memref<128xi32, #tpu.memory_space<vmem>>)
        tpu.yield
      }) : () -> ()
      %get3A = arith.constant 0 : index
      %get3A_63 = tpu.vector_load %arg8[%get3A] {strides = array<i32>} : memref<128xi32, #tpu.memory_space<vmem>>, vector<16xi32>,
      %get3A_64 = vector.shape_cast %get3A_63 : vector<16xi32> to vector<16xi32>
      %ge3A = arith.cmpi sge, %get3A_64, %broadcast_in_dim3A : vector<16xi32>
      %lt3A_65 = arith.cmpi slt, %get3A_64, %broadcast_in_dim3A_6 : vector<16xi32>
      %and3A = arith.andi %ge3A, %lt3A_65 : vector<16xi1>
      %sub3A = arith.subi %get3A_64, %broadcast_in_dim3A : vector<16xi32>
      %jit3A = arith.constant 26624 : i32
      %broadcast_in_dim3A_66 = vector.broadcast %jit3A : i32 to vector<16xi32>
      %select_n3A = arith.select %and3A, %sub3A, %broadcast_in_dim3A_66 : vector<16xi1>, vector<16xi32>
      %swap3A = arith.constant 0 : index
      %swap3A_67 = tpu.vector_load %arg9[%swap3A] {strides = array<i32>} : memref<128xi32, #tpu.memory_space<vmem>>, vector<16xi32>,
      %swap3A_68 = vector.shape_cast %swap3A_67 : vector<16xi32> to vector<16xi32>
      %swap3A_69 = vector.shape_cast %select_n3A : vector<16xi32> to vector<16xi32>
      tpu.vector_store %arg9[%swap3A], %swap3A_69 {strides = array<i32>} : memref<128xi32, #tpu.memory_space<vmem>>, vector<16xi32>,
      %get3A_70 = arith.constant 16 : index
      %get3A_71 = tpu.vector_load %arg8[%get3A_70] {strides = array<i32>} : memref<128xi32, #tpu.memory_space<vmem>>, vector<16xi32>,
      %get3A_72 = vector.shape_cast %get3A_71 : vector<16xi32> to vector<16xi32>
      %ge3A_73 = arith.cmpi sge, %get3A_72, %broadcast_in_dim3A : vector<16xi32>
      %lt3A_74 = arith.cmpi slt, %get3A_72, %broadcast_in_dim3A_6 : vector<16xi32>
      %and3A_75 = arith.andi %ge3A_73, %lt3A_74 : vector<16xi1>
      %sub3A_76 = arith.subi %get3A_72, %broadcast_in_dim3A : vector<16xi32>
      %jit3A_77 = arith.constant 26624 : i32
      %broadcast_in_dim3A_78 = vector.broadcast %jit3A_77 : i32 to vector<16xi32>
      %select_n3A_79 = arith.select %and3A_75, %sub3A_76, %broadcast_in_dim3A_78 : vector<16xi1>, vector<16xi32>
      %swap3A_80 = arith.constant 16 : index
      %swap3A_81 = tpu.vector_load %arg9[%swap3A_80] {strides = array<i32>} : memref<128xi32, #tpu.memory_space<vmem>>, vector<16xi32>,
      %swap3A_82 = vector.shape_cast %swap3A_81 : vector<16xi32> to vector<16xi32>
      %swap3A_83 = vector.shape_cast %select_n3A_79 : vector<16xi32> to vector<16xi32>
      tpu.vector_store %arg9[%swap3A_80], %swap3A_83 {strides = array<i32>} : memref<128xi32, #tpu.memory_space<vmem>>, vector<16xi32>,
      %get3A_84 = arith.constant 32 : index
      %get3A_85 = tpu.vector_load %arg8[%get3A_84] {strides = array<i32>} : memref<128xi32, #tpu.memory_space<vmem>>, vector<16xi32>,
      %get3A_86 = vector.shape_cast %get3A_85 : vector<16xi32> to vector<16xi32>
      %ge3A_87 = arith.cmpi sge, %get3A_86, %broadcast_in_dim3A : vector<16xi32>
      %lt3A_88 = arith.cmpi slt, %get3A_86, %broadcast_in_dim3A_6 : vector<16xi32>
      %and3A_89 = arith.andi %ge3A_87, %lt3A_88 : vector<16xi1>
      %sub3A_90 = arith.subi %get3A_86, %broadcast_in_dim3A : vector<16xi32>
      %jit3A_91 = arith.constant 26624 : i32
      %broadcast_in_dim3A_92 = vector.broadcast %jit3A_91 : i32 to vector<16xi32>
      %select_n3A_93 = arith.select %and3A_89, %sub3A_90, %broadcast_in_dim3A_92 : vector<16xi1>, vector<16xi32>
      %swap3A_94 = arith.constant 32 : index
      %swap3A_95 = tpu.vector_load %arg9[%swap3A_94] {strides = array<i32>} : memref<128xi32, #tpu.memory_space<vmem>>, vector<16xi32>,
      %swap3A_96 = vector.shape_cast %swap3A_95 : vector<16xi32> to vector<16xi32>
      %swap3A_97 = vector.shape_cast %select_n3A_93 : vector<16xi32> to vector<16xi32>
      tpu.vector_store %arg9[%swap3A_94], %swap3A_97 {strides = array<i32>} : memref<128xi32, #tpu.memory_space<vmem>>, vector<16xi32>,
      %get3A_98 = arith.constant 48 : index
      %get3A_99 = tpu.vector_load %arg8[%get3A_98] {strides = array<i32>} : memref<128xi32, #tpu.memory_space<vmem>>, vector<16xi32>,
      %get3A_100 = vector.shape_cast %get3A_99 : vector<16xi32> to vector<16xi32>
      %ge3A_101 = arith.cmpi sge, %get3A_100, %broadcast_in_dim3A : vector<16xi32>
      %lt3A_102 = arith.cmpi slt, %get3A_100, %broadcast_in_dim3A_6 : vector<16xi32>
      %and3A_103 = arith.andi %ge3A_101, %lt3A_102 : vector<16xi1>
      %sub3A_104 = arith.subi %get3A_100, %broadcast_in_dim3A : vector<16xi32>
      %jit3A_105 = arith.constant 26624 : i32
      %broadcast_in_dim3A_106 = vector.broadcast %jit3A_105 : i32 to vector<16xi32>
      %select_n3A_107 = arith.select %and3A_103, %sub3A_104, %broadcast_in_dim3A_106 : vector<16xi1>, vector<16xi32>
      %swap3A_108 = arith.constant 48 : index
      %swap3A_109 = tpu.vector_load %arg9[%swap3A_108] {strides = array<i32>} : memref<128xi32, #tpu.memory_space<vmem>>, vector<16xi32>,
      %swap3A_110 = vector.shape_cast %swap3A_109 : vector<16xi32> to vector<16xi32>
      %swap3A_111 = vector.shape_cast %select_n3A_107 : vector<16xi32> to vector<16xi32>
      tpu.vector_store %arg9[%swap3A_108], %swap3A_111 {strides = array<i32>} : memref<128xi32, #tpu.memory_space<vmem>>, vector<16xi32>,
      %get3A_112 = arith.constant 64 : index
      %get3A_113 = tpu.vector_load %arg8[%get3A_112] {strides = array<i32>} : memref<128xi32, #tpu.memory_space<vmem>>, vector<16xi32>,
      %get3A_114 = vector.shape_cast %get3A_113 : vector<16xi32> to vector<16xi32>
      %ge3A_115 = arith.cmpi sge, %get3A_114, %broadcast_in_dim3A : vector<16xi32>
      %lt3A_116 = arith.cmpi slt, %get3A_114, %broadcast_in_dim3A_6 : vector<16xi32>
      %and3A_117 = arith.andi %ge3A_115, %lt3A_116 : vector<16xi1>
      %sub3A_118 = arith.subi %get3A_114, %broadcast_in_dim3A : vector<16xi32>
      %jit3A_119 = arith.constant 26624 : i32
      %broadcast_in_dim3A_120 = vector.broadcast %jit3A_119 : i32 to vector<16xi32>
      %select_n3A_121 = arith.select %and3A_117, %sub3A_118, %broadcast_in_dim3A_120 : vector<16xi1>, vector<16xi32>
      %swap3A_122 = arith.constant 64 : index
      %swap3A_123 = tpu.vector_load %arg9[%swap3A_122] {strides = array<i32>} : memref<128xi32, #tpu.memory_space<vmem>>, vector<16xi32>,
      %swap3A_124 = vector.shape_cast %swap3A_123 : vector<16xi32> to vector<16xi32>
      %swap3A_125 = vector.shape_cast %select_n3A_121 : vector<16xi32> to vector<16xi32>
      tpu.vector_store %arg9[%swap3A_122], %swap3A_125 {strides = array<i32>} : memref<128xi32, #tpu.memory_space<vmem>>, vector<16xi32>,
      %get3A_126 = arith.constant 80 : index
      %get3A_127 = tpu.vector_load %arg8[%get3A_126] {strides = array<i32>} : memref<128xi32, #tpu.memory_space<vmem>>, vector<16xi32>,
      %get3A_128 = vector.shape_cast %get3A_127 : vector<16xi32> to vector<16xi32>
      %ge3A_129 = arith.cmpi sge, %get3A_128, %broadcast_in_dim3A : vector<16xi32>
      %lt3A_130 = arith.cmpi slt, %get3A_128, %broadcast_in_dim3A_6 : vector<16xi32>
      %and3A_131 = arith.andi %ge3A_129, %lt3A_130 : vector<16xi1>
      %sub3A_132 = arith.subi %get3A_128, %broadcast_in_dim3A : vector<16xi32>
      %jit3A_133 = arith.constant 26624 : i32
      %broadcast_in_dim3A_134 = vector.broadcast %jit3A_133 : i32 to vector<16xi32>
      %select_n3A_135 = arith.select %and3A_131, %sub3A_132, %broadcast_in_dim3A_134 : vector<16xi1>, vector<16xi32>
      %swap3A_136 = arith.constant 80 : index
      %swap3A_137 = tpu.vector_load %arg9[%swap3A_136] {strides = array<i32>} : memref<128xi32, #tpu.memory_space<vmem>>, vector<16xi32>,
      %swap3A_138 = vector.shape_cast %swap3A_137 : vector<16xi32> to vector<16xi32>
      %swap3A_139 = vector.shape_cast %select_n3A_135 : vector<16xi32> to vector<16xi32>
      tpu.vector_store %arg9[%swap3A_136], %swap3A_139 {strides = array<i32>} : memref<128xi32, #tpu.memory_space<vmem>>, vector<16xi32>,
      %get3A_140 = arith.constant 96 : index
      %get3A_141 = tpu.vector_load %arg8[%get3A_140] {strides = array<i32>} : memref<128xi32, #tpu.memory_space<vmem>>, vector<16xi32>,
      %get3A_142 = vector.shape_cast %get3A_141 : vector<16xi32> to vector<16xi32>
      %ge3A_143 = arith.cmpi sge, %get3A_142, %broadcast_in_dim3A : vector<16xi32>
      %lt3A_144 = arith.cmpi slt, %get3A_142, %broadcast_in_dim3A_6 : vector<16xi32>
      %and3A_145 = arith.andi %ge3A_143, %lt3A_144 : vector<16xi1>
      %sub3A_146 = arith.subi %get3A_142, %broadcast_in_dim3A : vector<16xi32>
      %jit3A_147 = arith.constant 26624 : i32
      %broadcast_in_dim3A_148 = vector.broadcast %jit3A_147 : i32 to vector<16xi32>
      %select_n3A_149 = arith.select %and3A_145, %sub3A_146, %broadcast_in_dim3A_148 : vector<16xi1>, vector<16xi32>
      %swap3A_150 = arith.constant 96 : index
      %swap3A_151 = tpu.vector_load %arg9[%swap3A_150] {strides = array<i32>} : memref<128xi32, #tpu.memory_space<vmem>>, vector<16xi32>,
      %swap3A_152 = vector.shape_cast %swap3A_151 : vector<16xi32> to vector<16xi32>
      %swap3A_153 = vector.shape_cast %select_n3A_149 : vector<16xi32> to vector<16xi32>
      tpu.vector_store %arg9[%swap3A_150], %swap3A_153 {strides = array<i32>} : memref<128xi32, #tpu.memory_space<vmem>>, vector<16xi32>,
      %get3A_154 = arith.constant 112 : index
      %get3A_155 = tpu.vector_load %arg8[%get3A_154] {strides = array<i32>} : memref<128xi32, #tpu.memory_space<vmem>>, vector<16xi32>,
      %get3A_156 = vector.shape_cast %get3A_155 : vector<16xi32> to vector<16xi32>
      %ge3A_157 = arith.cmpi sge, %get3A_156, %broadcast_in_dim3A : vector<16xi32>
      %lt3A_158 = arith.cmpi slt, %get3A_156, %broadcast_in_dim3A_6 : vector<16xi32>
      %and3A_159 = arith.andi %ge3A_157, %lt3A_158 : vector<16xi1>
      %sub3A_160 = arith.subi %get3A_156, %broadcast_in_dim3A : vector<16xi32>
      %jit3A_161 = arith.constant 26624 : i32
      %broadcast_in_dim3A_162 = vector.broadcast %jit3A_161 : i32 to vector<16xi32>
      %select_n3A_163 = arith.select %and3A_159, %sub3A_160, %broadcast_in_dim3A_162 : vector<16xi1>, vector<16xi32>
      %swap3A_164 = arith.constant 112 : index
      %swap3A_165 = tpu.vector_load %arg9[%swap3A_164] {strides = array<i32>} : memref<128xi32, #tpu.memory_space<vmem>>, vector<16xi32>,
      %swap3A_166 = vector.shape_cast %swap3A_165 : vector<16xi32> to vector<16xi32>
      %swap3A_167 = vector.shape_cast %select_n3A_163 : vector<16xi32> to vector<16xi32>
      tpu.vector_store %arg9[%swap3A_164], %swap3A_167 {strides = array<i32>} : memref<128xi32, #tpu.memory_space<vmem>>, vector<16xi32>,
      "tpu.region"() ({
        %run_scoped3A = tpu.sem_alloc : memref<!tpu.dma_semaphore, #tpu.memory_space<semaphore_mem>>
        %dma_start3A = arith.constant 0 : i32
        %dma_start3A_168 = arith.constant 0 : i32
        %dma_start3A_169 = tpu.memref_slice %arg2[%dma_start3A, %dma_start3A_168] : memref<100000x64xf32, #tpu.memory_space<hbm>> -> memref<100000x64xf32, #tpu.memory_space<hbm>>
        tpu.enqueue_indirect_dma source(%dma_start3A_169 : memref<100000x64xf32, #tpu.memory_space<hbm>>) target(%arg10 : memref<128x64xf32, #tpu.memory_space<vmem>>) offsets(%arg7 : memref<128xi32, #tpu.memory_space<vmem>>) semaphore(%run_scoped3A : memref<!tpu.dma_semaphore, #tpu.memory_space<semaphore_mem>>)
        %dma_wait3A = arith.constant 0 : i32
        %dma_wait3A_170 = arith.constant 0 : i32
        %dma_wait3A_171 = tpu.memref_slice %arg2[%dma_wait3A, %dma_wait3A_170] : memref<100000x64xf32, #tpu.memory_space<hbm>> -> memref<100000x64xf32, #tpu.memory_space<hbm>>
        tpu.wait_indirect_dma semaphore(%run_scoped3A : memref<!tpu.dma_semaphore, #tpu.memory_space<semaphore_mem>>) src(%dma_wait3A_171 : memref<100000x64xf32, #tpu.memory_space<hbm>>) dst(%arg10 : memref<128x64xf32, #tpu.memory_space<vmem>>)
        tpu.yield
      }) : () -> ()
      "tpu.region"() ({
        %run_scoped3A = tpu.sem_alloc : memref<!tpu.dma_semaphore, #tpu.memory_space<semaphore_mem>>
        %dma_start3A = arith.constant 0 : i32
        %dma_start3A_168 = arith.constant 0 : i32
        %dma_start3A_169 = tpu.memref_slice %arg11[%dma_start3A, %dma_start3A_168] : memref<26632x64xf32, #tpu.memory_space<vmem_shared>> -> memref<26632x64xf32, #tpu.memory_space<vmem_shared>>
        tpu.enqueue_indirect_dma source(%arg10 : memref<128x64xf32, #tpu.memory_space<vmem>>) target(%dma_start3A_169 : memref<26632x64xf32, #tpu.memory_space<vmem_shared>>) offsets(%arg9 : memref<128xi32, #tpu.memory_space<vmem>>) semaphore(%run_scoped3A : memref<!tpu.dma_semaphore, #tpu.memory_space<semaphore_mem>>) {add = true}
        %dma_wait3A = arith.constant 0 : i32
        %dma_wait3A_170 = arith.constant 0 : i32
        %dma_wait3A_171 = tpu.memref_slice %arg11[%dma_wait3A, %dma_wait3A_170] : memref<26632x64xf32, #tpu.memory_space<vmem_shared>> -> memref<26632x64xf32, #tpu.memory_space<vmem_shared>>
        tpu.wait_indirect_dma semaphore(%run_scoped3A : memref<!tpu.dma_semaphore, #tpu.memory_space<semaphore_mem>>) src(%arg10 : memref<128x64xf32, #tpu.memory_space<vmem>>) dst(%dma_wait3A_171 : memref<26632x64xf32, #tpu.memory_space<vmem_shared>>)
        tpu.yield
      }) : () -> ()
    } else {
    }
    %barrier3A_19 = arith.constant 0 : index
    tpu.barrier barrier_id(%barrier3A_19)
    %mul3A_20 = arith.constant 1664 : i32
    %mul3A_21 = arith.muli %arg1, %mul3A_20 : i32
    %mul3A_22 = arith.constant 1664 : i32
    %mul3A_23 = arith.muli %arg1, %mul3A_22 : i32
    %add3A_24 = arith.addi %mul3A_3, %mul3A_23 : i32
    "tpu.region"() ({
      %run_scoped3A = tpu.sem_alloc : memref<!tpu.dma_semaphore, #tpu.memory_space<semaphore_mem>>
      %dma_start3A = arith.constant 0 : i32
      %dma_start3A_59 = tpu.memref_slice %arg6[%add3A_24, %dma_start3A] : memref<106496x64xf32, #tpu.memory_space<hbm>> -> memref<1664x64xf32, #tpu.memory_space<hbm>>
      %dma_start3A_60 = arith.constant 0 : i32
      %dma_start3A_61 = tpu.memref_slice %arg11[%mul3A_21, %dma_start3A_60] : memref<26632x64xf32, #tpu.memory_space<vmem_shared>> -> memref<1664x64xf32, #tpu.memory_space<vmem_shared>>
      tpu.enqueue_dma source(%dma_start3A_61 : memref<1664x64xf32, #tpu.memory_space<vmem_shared>>) target(%dma_start3A_59 : memref<1664x64xf32, #tpu.memory_space<hbm>>) target_semaphore(%run_scoped3A : memref<!tpu.dma_semaphore, #tpu.memory_space<semaphore_mem>>)
      %dma_wait3A = arith.constant 0 : i32
      %dma_wait3A_62 = tpu.memref_slice %arg6[%add3A_24, %dma_wait3A] : memref<106496x64xf32, #tpu.memory_space<hbm>> -> memref<1664x64xf32, #tpu.memory_space<hbm>>
      %dma_wait3A_63 = arith.constant 0 : i32
      %dma_wait3A_64 = tpu.memref_slice %arg11[%mul3A_21, %dma_wait3A_63] : memref<26632x64xf32, #tpu.memory_space<vmem_shared>> -> memref<1664x64xf32, #tpu.memory_space<vmem_shared>>
      tpu.wait_dma2 semaphore(%run_scoped3A : memref<!tpu.dma_semaphore, #tpu.memory_space<semaphore_mem>>) src(%dma_wait3A_64 : memref<1664x64xf32, #tpu.memory_space<vmem_shared>>) dst(%dma_wait3A_62 : memref<1664x64xf32, #tpu.memory_space<hbm>>)
      tpu.yield
    }) : () -> ()
    %mul3A_25 = arith.constant 2 : i32
    %mul3A_26 = arith.muli %mul3A_25, %arg0 : i32
    %add3A_27 = arith.constant 1 : i32
    %add3A_28 = arith.addi %mul3A_26, %add3A_27 : i32
    %mul3A_29 = arith.constant 26624 : i32
    %mul3A_30 = arith.muli %add3A_28, %mul3A_29 : i32
    %broadcast_in_dim3A_31 = vector.broadcast %mul3A_30 : i32 to vector<16xi32>
    %add3A_32 = arith.constant 26624 : i32
    %add3A_33 = arith.addi %mul3A_30, %add3A_32 : i32
    %broadcast_in_dim3A_34 = vector.broadcast %add3A_33 : i32 to vector<16xi32>
    %mul3A_35 = arith.constant 1664 : i32
    %mul3A_36 = arith.muli %arg1, %mul3A_35 : i32
    "tpu.region"() ({
      %run_scoped3A = tpu.sem_alloc : memref<!tpu.dma_semaphore, #tpu.memory_space<semaphore_mem>>
      %dma_start3A = arith.constant 0 : i32
      %dma_start3A_59 = tpu.memref_slice %arg11[%mul3A_36, %dma_start3A] : memref<26632x64xf32, #tpu.memory_space<vmem_shared>> -> memref<1664x64xf32, #tpu.memory_space<vmem_shared>>
      tpu.enqueue_dma source(%arg5 : memref<1664x64xf32, #tpu.memory_space<hbm>>) target(%dma_start3A_59 : memref<1664x64xf32, #tpu.memory_space<vmem_shared>>) target_semaphore(%run_scoped3A : memref<!tpu.dma_semaphore, #tpu.memory_space<semaphore_mem>>)
      %dma_wait3A = arith.constant 0 : i32
      %dma_wait3A_60 = tpu.memref_slice %arg11[%mul3A_36, %dma_wait3A] : memref<26632x64xf32, #tpu.memory_space<vmem_shared>> -> memref<1664x64xf32, #tpu.memory_space<vmem_shared>>
      tpu.wait_dma2 semaphore(%run_scoped3A : memref<!tpu.dma_semaphore, #tpu.memory_space<semaphore_mem>>) src(%arg5 : memref<1664x64xf32, #tpu.memory_space<hbm>>) dst(%dma_wait3A_60 : memref<1664x64xf32, #tpu.memory_space<vmem_shared>>)
      tpu.yield
    }) : () -> ()
    %eq3A_37 = arith.constant 0 : i32
    %eq3A_38 = arith.cmpi eq, %arg1, %eq3A_37 : i32
    %convert_element_type3A_39 = arith.extui %eq3A_38 : i1 to i32
    %cond3A_40 = arith.constant 0 : i32
    %cond3A_41 = arith.cmpi ne, %convert_element_type3A_39, %cond3A_40 : i32
    scf.if %cond3A_41 {
      "tpu.region"() ({
        %run_scoped3A = tpu.sem_alloc : memref<!tpu.dma_semaphore, #tpu.memory_space<semaphore_mem>>
        %dma_start3A = arith.constant 26624 : i32
        %dma_start3A_59 = arith.constant 0 : i32
        %dma_start3A_60 = tpu.memref_slice %arg11[%dma_start3A, %dma_start3A_59] : memref<26632x64xf32, #tpu.memory_space<vmem_shared>> -> memref<8x64xf32, #tpu.memory_space<vmem_shared>>
        %dma_start3A_61 = arith.constant 0 : i32
        %dma_start3A_62 = arith.constant 0 : i32
        %dma_start3A_63 = tpu.memref_slice %arg5[%dma_start3A_61, %dma_start3A_62] : memref<1664x64xf32, #tpu.memory_space<hbm>> -> memref<8x64xf32, #tpu.memory_space<hbm>>
        tpu.enqueue_dma source(%dma_start3A_63 : memref<8x64xf32, #tpu.memory_space<hbm>>) target(%dma_start3A_60 : memref<8x64xf32, #tpu.memory_space<vmem_shared>>) target_semaphore(%run_scoped3A : memref<!tpu.dma_semaphore, #tpu.memory_space<semaphore_mem>>)
        %dma_wait3A = arith.constant 26624 : i32
        %dma_wait3A_64 = arith.constant 0 : i32
        %dma_wait3A_65 = tpu.memref_slice %arg11[%dma_wait3A, %dma_wait3A_64] : memref<26632x64xf32, #tpu.memory_space<vmem_shared>> -> memref<8x64xf32, #tpu.memory_space<vmem_shared>>
        %dma_wait3A_66 = arith.constant 0 : i32
        %dma_wait3A_67 = arith.constant 0 : i32
        %dma_wait3A_68 = tpu.memref_slice %arg5[%dma_wait3A_66, %dma_wait3A_67] : memref<1664x64xf32, #tpu.memory_space<hbm>> -> memref<8x64xf32, #tpu.memory_space<hbm>>
        tpu.wait_dma2 semaphore(%run_scoped3A : memref<!tpu.dma_semaphore, #tpu.memory_space<semaphore_mem>>) src(%dma_wait3A_68 : memref<8x64xf32, #tpu.memory_space<hbm>>) dst(%dma_wait3A_65 : memref<8x64xf32, #tpu.memory_space<vmem_shared>>)
        tpu.yield
      }) : () -> ()
    } else {
    }
    %barrier3A_42 = arith.constant 0 : index
    tpu.barrier barrier_id(%barrier3A_42)
    %scan3A_43 = arith.constant 0 : i32
    %scan3A_44 = arith.constant 781 : i32
    %scan3A_45 = arith.addi %scan3A_43, %scan3A_44 : i32
    %scan3A_46 = arith.constant 1 : i32
    scf.for %scan3A_59 = %scan3A_43 to %scan3A_45 step %scan3A_46  : i32 {
      %mul3A_60 = arith.constant 1 : i32
      %mul3A_61 = arith.muli %scan3A_59, %mul3A_60 : i32
      %add3A_62 = arith.constant 0 : i32
      %add3A_63 = arith.addi %add3A_62, %mul3A_61 : i32
      %mul3A_64 = arith.constant 781 : i32
      %mul3A_65 = arith.muli %arg1, %mul3A_64 : i32
      %add3A_66 = arith.addi %mul3A_65, %add3A_63 : i32
      %mul3A_67 = arith.constant 128 : i32
      %mul3A_68 = arith.muli %add3A_66, %mul3A_67 : i32
      "tpu.region"() ({
        %run_scoped3A = tpu.sem_alloc : memref<!tpu.dma_semaphore, #tpu.memory_space<semaphore_mem>>
        %dma_start3A = tpu.memref_slice %arg4[%mul3A_68] : memref<1600000xi32, #tpu.memory_space<hbm>> -> memref<128xi32, #tpu.memory_space<hbm>>
        %dma_start3A_174 = tpu.memref_slice %arg4[%mul3A_68] : memref<1600000xi32, #tpu.memory_space<hbm>> -> memref<128xi32, #tpu.memory_space<hbm>>
        tpu.enqueue_dma source(%dma_start3A_174 : memref<128xi32, #tpu.memory_space<hbm>>) target(%arg8 : memref<128xi32, #tpu.memory_space<vmem>>) target_semaphore(%run_scoped3A : memref<!tpu.dma_semaphore, #tpu.memory_space<semaphore_mem>>)
        %dma_wait3A = tpu.memref_slice %arg4[%mul3A_68] : memref<1600000xi32, #tpu.memory_space<hbm>> -> memref<128xi32, #tpu.memory_space<hbm>>
        %dma_wait3A_175 = tpu.memref_slice %arg4[%mul3A_68] : memref<1600000xi32, #tpu.memory_space<hbm>> -> memref<128xi32, #tpu.memory_space<hbm>>
        tpu.wait_dma2 semaphore(%run_scoped3A : memref<!tpu.dma_semaphore, #tpu.memory_space<semaphore_mem>>) src(%dma_wait3A_175 : memref<128xi32, #tpu.memory_space<hbm>>) dst(%arg8 : memref<128xi32, #tpu.memory_space<vmem>>)
        tpu.yield
      }) : () -> ()
      "tpu.region"() ({
        %run_scoped3A = tpu.sem_alloc : memref<!tpu.dma_semaphore, #tpu.memory_space<semaphore_mem>>
        %dma_start3A = tpu.memref_slice %arg3[%mul3A_68] : memref<1600000xi32, #tpu.memory_space<hbm>> -> memref<128xi32, #tpu.memory_space<hbm>>
        %dma_start3A_174 = tpu.memref_slice %arg3[%mul3A_68] : memref<1600000xi32, #tpu.memory_space<hbm>> -> memref<128xi32, #tpu.memory_space<hbm>>
        tpu.enqueue_dma source(%dma_start3A_174 : memref<128xi32, #tpu.memory_space<hbm>>) target(%arg7 : memref<128xi32, #tpu.memory_space<vmem>>) target_semaphore(%run_scoped3A : memref<!tpu.dma_semaphore, #tpu.memory_space<semaphore_mem>>)
        %dma_wait3A = tpu.memref_slice %arg3[%mul3A_68] : memref<1600000xi32, #tpu.memory_space<hbm>> -> memref<128xi32, #tpu.memory_space<hbm>>
        %dma_wait3A_175 = tpu.memref_slice %arg3[%mul3A_68] : memref<1600000xi32, #tpu.memory_space<hbm>> -> memref<128xi32, #tpu.memory_space<hbm>>
        tpu.wait_dma2 semaphore(%run_scoped3A : memref<!tpu.dma_semaphore, #tpu.memory_space<semaphore_mem>>) src(%dma_wait3A_175 : memref<128xi32, #tpu.memory_space<hbm>>) dst(%arg7 : memref<128xi32, #tpu.memory_space<vmem>>)
        tpu.yield
      }) : () -> ()
      %get3A = arith.constant 0 : index
      %get3A_69 = tpu.vector_load %arg8[%get3A] {strides = array<i32>} : memref<128xi32, #tpu.memory_space<vmem>>, vector<16xi32>,
      %get3A_70 = vector.shape_cast %get3A_69 : vector<16xi32> to vector<16xi32>
      %ge3A = arith.cmpi sge, %get3A_70, %broadcast_in_dim3A_31 : vector<16xi32>
      %lt3A_71 = arith.cmpi slt, %get3A_70, %broadcast_in_dim3A_34 : vector<16xi32>
      %and3A = arith.andi %ge3A, %lt3A_71 : vector<16xi1>
      %sub3A = arith.subi %get3A_70, %broadcast_in_dim3A_31 : vector<16xi32>
      %jit3A = arith.constant 26624 : i32
      %broadcast_in_dim3A_72 = vector.broadcast %jit3A : i32 to vector<16xi32>
      %select_n3A = arith.select %and3A, %sub3A, %broadcast_in_dim3A_72 : vector<16xi1>, vector<16xi32>
      %swap3A = arith.constant 0 : index
      %swap3A_73 = tpu.vector_load %arg9[%swap3A] {strides = array<i32>} : memref<128xi32, #tpu.memory_space<vmem>>, vector<16xi32>,
      %swap3A_74 = vector.shape_cast %swap3A_73 : vector<16xi32> to vector<16xi32>
      %swap3A_75 = vector.shape_cast %select_n3A : vector<16xi32> to vector<16xi32>
      tpu.vector_store %arg9[%swap3A], %swap3A_75 {strides = array<i32>} : memref<128xi32, #tpu.memory_space<vmem>>, vector<16xi32>,
      %get3A_76 = arith.constant 16 : index
      %get3A_77 = tpu.vector_load %arg8[%get3A_76] {strides = array<i32>} : memref<128xi32, #tpu.memory_space<vmem>>, vector<16xi32>,
      %get3A_78 = vector.shape_cast %get3A_77 : vector<16xi32> to vector<16xi32>
      %ge3A_79 = arith.cmpi sge, %get3A_78, %broadcast_in_dim3A_31 : vector<16xi32>
      %lt3A_80 = arith.cmpi slt, %get3A_78, %broadcast_in_dim3A_34 : vector<16xi32>
      %and3A_81 = arith.andi %ge3A_79, %lt3A_80 : vector<16xi1>
      %sub3A_82 = arith.subi %get3A_78, %broadcast_in_dim3A_31 : vector<16xi32>
      %jit3A_83 = arith.constant 26624 : i32
      %broadcast_in_dim3A_84 = vector.broadcast %jit3A_83 : i32 to vector<16xi32>
      %select_n3A_85 = arith.select %and3A_81, %sub3A_82, %broadcast_in_dim3A_84 : vector<16xi1>, vector<16xi32>
      %swap3A_86 = arith.constant 16 : index
      %swap3A_87 = tpu.vector_load %arg9[%swap3A_86] {strides = array<i32>} : memref<128xi32, #tpu.memory_space<vmem>>, vector<16xi32>,
      %swap3A_88 = vector.shape_cast %swap3A_87 : vector<16xi32> to vector<16xi32>
      %swap3A_89 = vector.shape_cast %select_n3A_85 : vector<16xi32> to vector<16xi32>
      tpu.vector_store %arg9[%swap3A_86], %swap3A_89 {strides = array<i32>} : memref<128xi32, #tpu.memory_space<vmem>>, vector<16xi32>,
      %get3A_90 = arith.constant 32 : index
      %get3A_91 = tpu.vector_load %arg8[%get3A_90] {strides = array<i32>} : memref<128xi32, #tpu.memory_space<vmem>>, vector<16xi32>,
      %get3A_92 = vector.shape_cast %get3A_91 : vector<16xi32> to vector<16xi32>
      %ge3A_93 = arith.cmpi sge, %get3A_92, %broadcast_in_dim3A_31 : vector<16xi32>
      %lt3A_94 = arith.cmpi slt, %get3A_92, %broadcast_in_dim3A_34 : vector<16xi32>
      %and3A_95 = arith.andi %ge3A_93, %lt3A_94 : vector<16xi1>
      %sub3A_96 = arith.subi %get3A_92, %broadcast_in_dim3A_31 : vector<16xi32>
      %jit3A_97 = arith.constant 26624 : i32
      %broadcast_in_dim3A_98 = vector.broadcast %jit3A_97 : i32 to vector<16xi32>
      %select_n3A_99 = arith.select %and3A_95, %sub3A_96, %broadcast_in_dim3A_98 : vector<16xi1>, vector<16xi32>
      %swap3A_100 = arith.constant 32 : index
      %swap3A_101 = tpu.vector_load %arg9[%swap3A_100] {strides = array<i32>} : memref<128xi32, #tpu.memory_space<vmem>>, vector<16xi32>,
      %swap3A_102 = vector.shape_cast %swap3A_101 : vector<16xi32> to vector<16xi32>
      %swap3A_103 = vector.shape_cast %select_n3A_99 : vector<16xi32> to vector<16xi32>
      tpu.vector_store %arg9[%swap3A_100], %swap3A_103 {strides = array<i32>} : memref<128xi32, #tpu.memory_space<vmem>>, vector<16xi32>,
      %get3A_104 = arith.constant 48 : index
      %get3A_105 = tpu.vector_load %arg8[%get3A_104] {strides = array<i32>} : memref<128xi32, #tpu.memory_space<vmem>>, vector<16xi32>,
      %get3A_106 = vector.shape_cast %get3A_105 : vector<16xi32> to vector<16xi32>
      %ge3A_107 = arith.cmpi sge, %get3A_106, %broadcast_in_dim3A_31 : vector<16xi32>
      %lt3A_108 = arith.cmpi slt, %get3A_106, %broadcast_in_dim3A_34 : vector<16xi32>
      %and3A_109 = arith.andi %ge3A_107, %lt3A_108 : vector<16xi1>
      %sub3A_110 = arith.subi %get3A_106, %broadcast_in_dim3A_31 : vector<16xi32>
      %jit3A_111 = arith.constant 26624 : i32
      %broadcast_in_dim3A_112 = vector.broadcast %jit3A_111 : i32 to vector<16xi32>
      %select_n3A_113 = arith.select %and3A_109, %sub3A_110, %broadcast_in_dim3A_112 : vector<16xi1>, vector<16xi32>
      %swap3A_114 = arith.constant 48 : index
      %swap3A_115 = tpu.vector_load %arg9[%swap3A_114] {strides = array<i32>} : memref<128xi32, #tpu.memory_space<vmem>>, vector<16xi32>,
      %swap3A_116 = vector.shape_cast %swap3A_115 : vector<16xi32> to vector<16xi32>
      %swap3A_117 = vector.shape_cast %select_n3A_113 : vector<16xi32> to vector<16xi32>
      tpu.vector_store %arg9[%swap3A_114], %swap3A_117 {strides = array<i32>} : memref<128xi32, #tpu.memory_space<vmem>>, vector<16xi32>,
      %get3A_118 = arith.constant 64 : index
      %get3A_119 = tpu.vector_load %arg8[%get3A_118] {strides = array<i32>} : memref<128xi32, #tpu.memory_space<vmem>>, vector<16xi32>,
      %get3A_120 = vector.shape_cast %get3A_119 : vector<16xi32> to vector<16xi32>
      %ge3A_121 = arith.cmpi sge, %get3A_120, %broadcast_in_dim3A_31 : vector<16xi32>
      %lt3A_122 = arith.cmpi slt, %get3A_120, %broadcast_in_dim3A_34 : vector<16xi32>
      %and3A_123 = arith.andi %ge3A_121, %lt3A_122 : vector<16xi1>
      %sub3A_124 = arith.subi %get3A_120, %broadcast_in_dim3A_31 : vector<16xi32>
      %jit3A_125 = arith.constant 26624 : i32
      %broadcast_in_dim3A_126 = vector.broadcast %jit3A_125 : i32 to vector<16xi32>
      %select_n3A_127 = arith.select %and3A_123, %sub3A_124, %broadcast_in_dim3A_126 : vector<16xi1>, vector<16xi32>
      %swap3A_128 = arith.constant 64 : index
      %swap3A_129 = tpu.vector_load %arg9[%swap3A_128] {strides = array<i32>} : memref<128xi32, #tpu.memory_space<vmem>>, vector<16xi32>,
      %swap3A_130 = vector.shape_cast %swap3A_129 : vector<16xi32> to vector<16xi32>
      %swap3A_131 = vector.shape_cast %select_n3A_127 : vector<16xi32> to vector<16xi32>
      tpu.vector_store %arg9[%swap3A_128], %swap3A_131 {strides = array<i32>} : memref<128xi32, #tpu.memory_space<vmem>>, vector<16xi32>,
      %get3A_132 = arith.constant 80 : index
      %get3A_133 = tpu.vector_load %arg8[%get3A_132] {strides = array<i32>} : memref<128xi32, #tpu.memory_space<vmem>>, vector<16xi32>,
      %get3A_134 = vector.shape_cast %get3A_133 : vector<16xi32> to vector<16xi32>
      %ge3A_135 = arith.cmpi sge, %get3A_134, %broadcast_in_dim3A_31 : vector<16xi32>
      %lt3A_136 = arith.cmpi slt, %get3A_134, %broadcast_in_dim3A_34 : vector<16xi32>
      %and3A_137 = arith.andi %ge3A_135, %lt3A_136 : vector<16xi1>
      %sub3A_138 = arith.subi %get3A_134, %broadcast_in_dim3A_31 : vector<16xi32>
      %jit3A_139 = arith.constant 26624 : i32
      %broadcast_in_dim3A_140 = vector.broadcast %jit3A_139 : i32 to vector<16xi32>
      %select_n3A_141 = arith.select %and3A_137, %sub3A_138, %broadcast_in_dim3A_140 : vector<16xi1>, vector<16xi32>
      %swap3A_142 = arith.constant 80 : index
      %swap3A_143 = tpu.vector_load %arg9[%swap3A_142] {strides = array<i32>} : memref<128xi32, #tpu.memory_space<vmem>>, vector<16xi32>,
      %swap3A_144 = vector.shape_cast %swap3A_143 : vector<16xi32> to vector<16xi32>
      %swap3A_145 = vector.shape_cast %select_n3A_141 : vector<16xi32> to vector<16xi32>
      tpu.vector_store %arg9[%swap3A_142], %swap3A_145 {strides = array<i32>} : memref<128xi32, #tpu.memory_space<vmem>>, vector<16xi32>,
      %get3A_146 = arith.constant 96 : index
      %get3A_147 = tpu.vector_load %arg8[%get3A_146] {strides = array<i32>} : memref<128xi32, #tpu.memory_space<vmem>>, vector<16xi32>,
      %get3A_148 = vector.shape_cast %get3A_147 : vector<16xi32> to vector<16xi32>
      %ge3A_149 = arith.cmpi sge, %get3A_148, %broadcast_in_dim3A_31 : vector<16xi32>
      %lt3A_150 = arith.cmpi slt, %get3A_148, %broadcast_in_dim3A_34 : vector<16xi32>
      %and3A_151 = arith.andi %ge3A_149, %lt3A_150 : vector<16xi1>
      %sub3A_152 = arith.subi %get3A_148, %broadcast_in_dim3A_31 : vector<16xi32>
      %jit3A_153 = arith.constant 26624 : i32
      %broadcast_in_dim3A_154 = vector.broadcast %jit3A_153 : i32 to vector<16xi32>
      %select_n3A_155 = arith.select %and3A_151, %sub3A_152, %broadcast_in_dim3A_154 : vector<16xi1>, vector<16xi32>
      %swap3A_156 = arith.constant 96 : index
      %swap3A_157 = tpu.vector_load %arg9[%swap3A_156] {strides = array<i32>} : memref<128xi32, #tpu.memory_space<vmem>>, vector<16xi32>,
      %swap3A_158 = vector.shape_cast %swap3A_157 : vector<16xi32> to vector<16xi32>
      %swap3A_159 = vector.shape_cast %select_n3A_155 : vector<16xi32> to vector<16xi32>
      tpu.vector_store %arg9[%swap3A_156], %swap3A_159 {strides = array<i32>} : memref<128xi32, #tpu.memory_space<vmem>>, vector<16xi32>,
      %get3A_160 = arith.constant 112 : index
      %get3A_161 = tpu.vector_load %arg8[%get3A_160] {strides = array<i32>} : memref<128xi32, #tpu.memory_space<vmem>>, vector<16xi32>,
      %get3A_162 = vector.shape_cast %get3A_161 : vector<16xi32> to vector<16xi32>
      %ge3A_163 = arith.cmpi sge, %get3A_162, %broadcast_in_dim3A_31 : vector<16xi32>
      %lt3A_164 = arith.cmpi slt, %get3A_162, %broadcast_in_dim3A_34 : vector<16xi32>
      %and3A_165 = arith.andi %ge3A_163, %lt3A_164 : vector<16xi1>
      %sub3A_166 = arith.subi %get3A_162, %broadcast_in_dim3A_31 : vector<16xi32>
      %jit3A_167 = arith.constant 26624 : i32
      %broadcast_in_dim3A_168 = vector.broadcast %jit3A_167 : i32 to vector<16xi32>
      %select_n3A_169 = arith.select %and3A_165, %sub3A_166, %broadcast_in_dim3A_168 : vector<16xi1>, vector<16xi32>
      %swap3A_170 = arith.constant 112 : index
      %swap3A_171 = tpu.vector_load %arg9[%swap3A_170] {strides = array<i32>} : memref<128xi32, #tpu.memory_space<vmem>>, vector<16xi32>,
      %swap3A_172 = vector.shape_cast %swap3A_171 : vector<16xi32> to vector<16xi32>
      %swap3A_173 = vector.shape_cast %select_n3A_169 : vector<16xi32> to vector<16xi32>
      tpu.vector_store %arg9[%swap3A_170], %swap3A_173 {strides = array<i32>} : memref<128xi32, #tpu.memory_space<vmem>>, vector<16xi32>,
      "tpu.region"() ({
        %run_scoped3A = tpu.sem_alloc : memref<!tpu.dma_semaphore, #tpu.memory_space<semaphore_mem>>
        %dma_start3A = arith.constant 0 : i32
        %dma_start3A_174 = arith.constant 0 : i32
        %dma_start3A_175 = tpu.memref_slice %arg2[%dma_start3A, %dma_start3A_174] : memref<100000x64xf32, #tpu.memory_space<hbm>> -> memref<100000x64xf32, #tpu.memory_space<hbm>>
        tpu.enqueue_indirect_dma source(%dma_start3A_175 : memref<100000x64xf32, #tpu.memory_space<hbm>>) target(%arg10 : memref<128x64xf32, #tpu.memory_space<vmem>>) offsets(%arg7 : memref<128xi32, #tpu.memory_space<vmem>>) semaphore(%run_scoped3A : memref<!tpu.dma_semaphore, #tpu.memory_space<semaphore_mem>>)
        %dma_wait3A = arith.constant 0 : i32
        %dma_wait3A_176 = arith.constant 0 : i32
        %dma_wait3A_177 = tpu.memref_slice %arg2[%dma_wait3A, %dma_wait3A_176] : memref<100000x64xf32, #tpu.memory_space<hbm>> -> memref<100000x64xf32, #tpu.memory_space<hbm>>
        tpu.wait_indirect_dma semaphore(%run_scoped3A : memref<!tpu.dma_semaphore, #tpu.memory_space<semaphore_mem>>) src(%dma_wait3A_177 : memref<100000x64xf32, #tpu.memory_space<hbm>>) dst(%arg10 : memref<128x64xf32, #tpu.memory_space<vmem>>)
        tpu.yield
      }) : () -> ()
      "tpu.region"() ({
        %run_scoped3A = tpu.sem_alloc : memref<!tpu.dma_semaphore, #tpu.memory_space<semaphore_mem>>
        %dma_start3A = arith.constant 0 : i32
        %dma_start3A_174 = arith.constant 0 : i32
        %dma_start3A_175 = tpu.memref_slice %arg11[%dma_start3A, %dma_start3A_174] : memref<26632x64xf32, #tpu.memory_space<vmem_shared>> -> memref<26632x64xf32, #tpu.memory_space<vmem_shared>>
        tpu.enqueue_indirect_dma source(%arg10 : memref<128x64xf32, #tpu.memory_space<vmem>>) target(%dma_start3A_175 : memref<26632x64xf32, #tpu.memory_space<vmem_shared>>) offsets(%arg9 : memref<128xi32, #tpu.memory_space<vmem>>) semaphore(%run_scoped3A : memref<!tpu.dma_semaphore, #tpu.memory_space<semaphore_mem>>) {add = true}
        %dma_wait3A = arith.constant 0 : i32
        %dma_wait3A_176 = arith.constant 0 : i32
        %dma_wait3A_177 = tpu.memref_slice %arg11[%dma_wait3A, %dma_wait3A_176] : memref<26632x64xf32, #tpu.memory_space<vmem_shared>> -> memref<26632x64xf32, #tpu.memory_space<vmem_shared>>
        tpu.wait_indirect_dma semaphore(%run_scoped3A : memref<!tpu.dma_semaphore, #tpu.memory_space<semaphore_mem>>) src(%arg10 : memref<128x64xf32, #tpu.memory_space<vmem>>) dst(%dma_wait3A_177 : memref<26632x64xf32, #tpu.memory_space<vmem_shared>>)
        tpu.yield
      }) : () -> ()
    }
    %scan3A_47 = arith.constant 781 : i32
    %lt3A_48 = arith.constant 4 : i32
    %lt3A_49 = arith.cmpi slt, %arg1, %lt3A_48 : i32
    %convert_element_type3A_50 = arith.extui %lt3A_49 : i1 to i32
    %cond3A_51 = arith.constant 0 : i32
    %cond3A_52 = arith.cmpi ne, %convert_element_type3A_50, %cond3A_51 : i32
    scf.if %cond3A_52 {
      %add3A_59 = arith.constant 12496 : i32
      %add3A_60 = arith.addi %add3A_59, %arg1 : i32
      %mul3A_61 = arith.constant 128 : i32
      %mul3A_62 = arith.muli %add3A_60, %mul3A_61 : i32
      "tpu.region"() ({
        %run_scoped3A = tpu.sem_alloc : memref<!tpu.dma_semaphore, #tpu.memory_space<semaphore_mem>>
        %dma_start3A = tpu.memref_slice %arg4[%mul3A_62] : memref<1600000xi32, #tpu.memory_space<hbm>> -> memref<128xi32, #tpu.memory_space<hbm>>
        %dma_start3A_168 = tpu.memref_slice %arg4[%mul3A_62] : memref<1600000xi32, #tpu.memory_space<hbm>> -> memref<128xi32, #tpu.memory_space<hbm>>
        tpu.enqueue_dma source(%dma_start3A_168 : memref<128xi32, #tpu.memory_space<hbm>>) target(%arg8 : memref<128xi32, #tpu.memory_space<vmem>>) target_semaphore(%run_scoped3A : memref<!tpu.dma_semaphore, #tpu.memory_space<semaphore_mem>>)
        %dma_wait3A = tpu.memref_slice %arg4[%mul3A_62] : memref<1600000xi32, #tpu.memory_space<hbm>> -> memref<128xi32, #tpu.memory_space<hbm>>
        %dma_wait3A_169 = tpu.memref_slice %arg4[%mul3A_62] : memref<1600000xi32, #tpu.memory_space<hbm>> -> memref<128xi32, #tpu.memory_space<hbm>>
        tpu.wait_dma2 semaphore(%run_scoped3A : memref<!tpu.dma_semaphore, #tpu.memory_space<semaphore_mem>>) src(%dma_wait3A_169 : memref<128xi32, #tpu.memory_space<hbm>>) dst(%arg8 : memref<128xi32, #tpu.memory_space<vmem>>)
        tpu.yield
      }) : () -> ()
      "tpu.region"() ({
        %run_scoped3A = tpu.sem_alloc : memref<!tpu.dma_semaphore, #tpu.memory_space<semaphore_mem>>
        %dma_start3A = tpu.memref_slice %arg3[%mul3A_62] : memref<1600000xi32, #tpu.memory_space<hbm>> -> memref<128xi32, #tpu.memory_space<hbm>>
        %dma_start3A_168 = tpu.memref_slice %arg3[%mul3A_62] : memref<1600000xi32, #tpu.memory_space<hbm>> -> memref<128xi32, #tpu.memory_space<hbm>>
        tpu.enqueue_dma source(%dma_start3A_168 : memref<128xi32, #tpu.memory_space<hbm>>) target(%arg7 : memref<128xi32, #tpu.memory_space<vmem>>) target_semaphore(%run_scoped3A : memref<!tpu.dma_semaphore, #tpu.memory_space<semaphore_mem>>)
        %dma_wait3A = tpu.memref_slice %arg3[%mul3A_62] : memref<1600000xi32, #tpu.memory_space<hbm>> -> memref<128xi32, #tpu.memory_space<hbm>>
        %dma_wait3A_169 = tpu.memref_slice %arg3[%mul3A_62] : memref<1600000xi32, #tpu.memory_space<hbm>> -> memref<128xi32, #tpu.memory_space<hbm>>
        tpu.wait_dma2 semaphore(%run_scoped3A : memref<!tpu.dma_semaphore, #tpu.memory_space<semaphore_mem>>) src(%dma_wait3A_169 : memref<128xi32, #tpu.memory_space<hbm>>) dst(%arg7 : memref<128xi32, #tpu.memory_space<vmem>>)
        tpu.yield
      }) : () -> ()
      %get3A = arith.constant 0 : index
      %get3A_63 = tpu.vector_load %arg8[%get3A] {strides = array<i32>} : memref<128xi32, #tpu.memory_space<vmem>>, vector<16xi32>,
      %get3A_64 = vector.shape_cast %get3A_63 : vector<16xi32> to vector<16xi32>
      %ge3A = arith.cmpi sge, %get3A_64, %broadcast_in_dim3A_31 : vector<16xi32>
      %lt3A_65 = arith.cmpi slt, %get3A_64, %broadcast_in_dim3A_34 : vector<16xi32>
      %and3A = arith.andi %ge3A, %lt3A_65 : vector<16xi1>
      %sub3A = arith.subi %get3A_64, %broadcast_in_dim3A_31 : vector<16xi32>
      %jit3A = arith.constant 26624 : i32
      %broadcast_in_dim3A_66 = vector.broadcast %jit3A : i32 to vector<16xi32>
      %select_n3A = arith.select %and3A, %sub3A, %broadcast_in_dim3A_66 : vector<16xi1>, vector<16xi32>
      %swap3A = arith.constant 0 : index
      %swap3A_67 = tpu.vector_load %arg9[%swap3A] {strides = array<i32>} : memref<128xi32, #tpu.memory_space<vmem>>, vector<16xi32>,
      %swap3A_68 = vector.shape_cast %swap3A_67 : vector<16xi32> to vector<16xi32>
      %swap3A_69 = vector.shape_cast %select_n3A : vector<16xi32> to vector<16xi32>
      tpu.vector_store %arg9[%swap3A], %swap3A_69 {strides = array<i32>} : memref<128xi32, #tpu.memory_space<vmem>>, vector<16xi32>,
      %get3A_70 = arith.constant 16 : index
      %get3A_71 = tpu.vector_load %arg8[%get3A_70] {strides = array<i32>} : memref<128xi32, #tpu.memory_space<vmem>>, vector<16xi32>,
      %get3A_72 = vector.shape_cast %get3A_71 : vector<16xi32> to vector<16xi32>
      %ge3A_73 = arith.cmpi sge, %get3A_72, %broadcast_in_dim3A_31 : vector<16xi32>
      %lt3A_74 = arith.cmpi slt, %get3A_72, %broadcast_in_dim3A_34 : vector<16xi32>
      %and3A_75 = arith.andi %ge3A_73, %lt3A_74 : vector<16xi1>
      %sub3A_76 = arith.subi %get3A_72, %broadcast_in_dim3A_31 : vector<16xi32>
      %jit3A_77 = arith.constant 26624 : i32
      %broadcast_in_dim3A_78 = vector.broadcast %jit3A_77 : i32 to vector<16xi32>
      %select_n3A_79 = arith.select %and3A_75, %sub3A_76, %broadcast_in_dim3A_78 : vector<16xi1>, vector<16xi32>
      %swap3A_80 = arith.constant 16 : index
      %swap3A_81 = tpu.vector_load %arg9[%swap3A_80] {strides = array<i32>} : memref<128xi32, #tpu.memory_space<vmem>>, vector<16xi32>,
      %swap3A_82 = vector.shape_cast %swap3A_81 : vector<16xi32> to vector<16xi32>
      %swap3A_83 = vector.shape_cast %select_n3A_79 : vector<16xi32> to vector<16xi32>
      tpu.vector_store %arg9[%swap3A_80], %swap3A_83 {strides = array<i32>} : memref<128xi32, #tpu.memory_space<vmem>>, vector<16xi32>,
      %get3A_84 = arith.constant 32 : index
      %get3A_85 = tpu.vector_load %arg8[%get3A_84] {strides = array<i32>} : memref<128xi32, #tpu.memory_space<vmem>>, vector<16xi32>,
      %get3A_86 = vector.shape_cast %get3A_85 : vector<16xi32> to vector<16xi32>
      %ge3A_87 = arith.cmpi sge, %get3A_86, %broadcast_in_dim3A_31 : vector<16xi32>
      %lt3A_88 = arith.cmpi slt, %get3A_86, %broadcast_in_dim3A_34 : vector<16xi32>
      %and3A_89 = arith.andi %ge3A_87, %lt3A_88 : vector<16xi1>
      %sub3A_90 = arith.subi %get3A_86, %broadcast_in_dim3A_31 : vector<16xi32>
      %jit3A_91 = arith.constant 26624 : i32
      %broadcast_in_dim3A_92 = vector.broadcast %jit3A_91 : i32 to vector<16xi32>
      %select_n3A_93 = arith.select %and3A_89, %sub3A_90, %broadcast_in_dim3A_92 : vector<16xi1>, vector<16xi32>
      %swap3A_94 = arith.constant 32 : index
      %swap3A_95 = tpu.vector_load %arg9[%swap3A_94] {strides = array<i32>} : memref<128xi32, #tpu.memory_space<vmem>>, vector<16xi32>,
      %swap3A_96 = vector.shape_cast %swap3A_95 : vector<16xi32> to vector<16xi32>
      %swap3A_97 = vector.shape_cast %select_n3A_93 : vector<16xi32> to vector<16xi32>
      tpu.vector_store %arg9[%swap3A_94], %swap3A_97 {strides = array<i32>} : memref<128xi32, #tpu.memory_space<vmem>>, vector<16xi32>,
      %get3A_98 = arith.constant 48 : index
      %get3A_99 = tpu.vector_load %arg8[%get3A_98] {strides = array<i32>} : memref<128xi32, #tpu.memory_space<vmem>>, vector<16xi32>,
      %get3A_100 = vector.shape_cast %get3A_99 : vector<16xi32> to vector<16xi32>
      %ge3A_101 = arith.cmpi sge, %get3A_100, %broadcast_in_dim3A_31 : vector<16xi32>
      %lt3A_102 = arith.cmpi slt, %get3A_100, %broadcast_in_dim3A_34 : vector<16xi32>
      %and3A_103 = arith.andi %ge3A_101, %lt3A_102 : vector<16xi1>
      %sub3A_104 = arith.subi %get3A_100, %broadcast_in_dim3A_31 : vector<16xi32>
      %jit3A_105 = arith.constant 26624 : i32
      %broadcast_in_dim3A_106 = vector.broadcast %jit3A_105 : i32 to vector<16xi32>
      %select_n3A_107 = arith.select %and3A_103, %sub3A_104, %broadcast_in_dim3A_106 : vector<16xi1>, vector<16xi32>
      %swap3A_108 = arith.constant 48 : index
      %swap3A_109 = tpu.vector_load %arg9[%swap3A_108] {strides = array<i32>} : memref<128xi32, #tpu.memory_space<vmem>>, vector<16xi32>,
      %swap3A_110 = vector.shape_cast %swap3A_109 : vector<16xi32> to vector<16xi32>
      %swap3A_111 = vector.shape_cast %select_n3A_107 : vector<16xi32> to vector<16xi32>
      tpu.vector_store %arg9[%swap3A_108], %swap3A_111 {strides = array<i32>} : memref<128xi32, #tpu.memory_space<vmem>>, vector<16xi32>,
      %get3A_112 = arith.constant 64 : index
      %get3A_113 = tpu.vector_load %arg8[%get3A_112] {strides = array<i32>} : memref<128xi32, #tpu.memory_space<vmem>>, vector<16xi32>,
      %get3A_114 = vector.shape_cast %get3A_113 : vector<16xi32> to vector<16xi32>
      %ge3A_115 = arith.cmpi sge, %get3A_114, %broadcast_in_dim3A_31 : vector<16xi32>
      %lt3A_116 = arith.cmpi slt, %get3A_114, %broadcast_in_dim3A_34 : vector<16xi32>
      %and3A_117 = arith.andi %ge3A_115, %lt3A_116 : vector<16xi1>
      %sub3A_118 = arith.subi %get3A_114, %broadcast_in_dim3A_31 : vector<16xi32>
      %jit3A_119 = arith.constant 26624 : i32
      %broadcast_in_dim3A_120 = vector.broadcast %jit3A_119 : i32 to vector<16xi32>
      %select_n3A_121 = arith.select %and3A_117, %sub3A_118, %broadcast_in_dim3A_120 : vector<16xi1>, vector<16xi32>
      %swap3A_122 = arith.constant 64 : index
      %swap3A_123 = tpu.vector_load %arg9[%swap3A_122] {strides = array<i32>} : memref<128xi32, #tpu.memory_space<vmem>>, vector<16xi32>,
      %swap3A_124 = vector.shape_cast %swap3A_123 : vector<16xi32> to vector<16xi32>
      %swap3A_125 = vector.shape_cast %select_n3A_121 : vector<16xi32> to vector<16xi32>
      tpu.vector_store %arg9[%swap3A_122], %swap3A_125 {strides = array<i32>} : memref<128xi32, #tpu.memory_space<vmem>>, vector<16xi32>,
      %get3A_126 = arith.constant 80 : index
      %get3A_127 = tpu.vector_load %arg8[%get3A_126] {strides = array<i32>} : memref<128xi32, #tpu.memory_space<vmem>>, vector<16xi32>,
      %get3A_128 = vector.shape_cast %get3A_127 : vector<16xi32> to vector<16xi32>
      %ge3A_129 = arith.cmpi sge, %get3A_128, %broadcast_in_dim3A_31 : vector<16xi32>
      %lt3A_130 = arith.cmpi slt, %get3A_128, %broadcast_in_dim3A_34 : vector<16xi32>
      %and3A_131 = arith.andi %ge3A_129, %lt3A_130 : vector<16xi1>
      %sub3A_132 = arith.subi %get3A_128, %broadcast_in_dim3A_31 : vector<16xi32>
      %jit3A_133 = arith.constant 26624 : i32
      %broadcast_in_dim3A_134 = vector.broadcast %jit3A_133 : i32 to vector<16xi32>
      %select_n3A_135 = arith.select %and3A_131, %sub3A_132, %broadcast_in_dim3A_134 : vector<16xi1>, vector<16xi32>
      %swap3A_136 = arith.constant 80 : index
      %swap3A_137 = tpu.vector_load %arg9[%swap3A_136] {strides = array<i32>} : memref<128xi32, #tpu.memory_space<vmem>>, vector<16xi32>,
      %swap3A_138 = vector.shape_cast %swap3A_137 : vector<16xi32> to vector<16xi32>
      %swap3A_139 = vector.shape_cast %select_n3A_135 : vector<16xi32> to vector<16xi32>
      tpu.vector_store %arg9[%swap3A_136], %swap3A_139 {strides = array<i32>} : memref<128xi32, #tpu.memory_space<vmem>>, vector<16xi32>,
      %get3A_140 = arith.constant 96 : index
      %get3A_141 = tpu.vector_load %arg8[%get3A_140] {strides = array<i32>} : memref<128xi32, #tpu.memory_space<vmem>>, vector<16xi32>,
      %get3A_142 = vector.shape_cast %get3A_141 : vector<16xi32> to vector<16xi32>
      %ge3A_143 = arith.cmpi sge, %get3A_142, %broadcast_in_dim3A_31 : vector<16xi32>
      %lt3A_144 = arith.cmpi slt, %get3A_142, %broadcast_in_dim3A_34 : vector<16xi32>
      %and3A_145 = arith.andi %ge3A_143, %lt3A_144 : vector<16xi1>
      %sub3A_146 = arith.subi %get3A_142, %broadcast_in_dim3A_31 : vector<16xi32>
      %jit3A_147 = arith.constant 26624 : i32
      %broadcast_in_dim3A_148 = vector.broadcast %jit3A_147 : i32 to vector<16xi32>
      %select_n3A_149 = arith.select %and3A_145, %sub3A_146, %broadcast_in_dim3A_148 : vector<16xi1>, vector<16xi32>
      %swap3A_150 = arith.constant 96 : index
      %swap3A_151 = tpu.vector_load %arg9[%swap3A_150] {strides = array<i32>} : memref<128xi32, #tpu.memory_space<vmem>>, vector<16xi32>,
      %swap3A_152 = vector.shape_cast %swap3A_151 : vector<16xi32> to vector<16xi32>
      %swap3A_153 = vector.shape_cast %select_n3A_149 : vector<16xi32> to vector<16xi32>
      tpu.vector_store %arg9[%swap3A_150], %swap3A_153 {strides = array<i32>} : memref<128xi32, #tpu.memory_space<vmem>>, vector<16xi32>,
      %get3A_154 = arith.constant 112 : index
      %get3A_155 = tpu.vector_load %arg8[%get3A_154] {strides = array<i32>} : memref<128xi32, #tpu.memory_space<vmem>>, vector<16xi32>,
      %get3A_156 = vector.shape_cast %get3A_155 : vector<16xi32> to vector<16xi32>
      %ge3A_157 = arith.cmpi sge, %get3A_156, %broadcast_in_dim3A_31 : vector<16xi32>
      %lt3A_158 = arith.cmpi slt, %get3A_156, %broadcast_in_dim3A_34 : vector<16xi32>
      %and3A_159 = arith.andi %ge3A_157, %lt3A_158 : vector<16xi1>
      %sub3A_160 = arith.subi %get3A_156, %broadcast_in_dim3A_31 : vector<16xi32>
      %jit3A_161 = arith.constant 26624 : i32
      %broadcast_in_dim3A_162 = vector.broadcast %jit3A_161 : i32 to vector<16xi32>
      %select_n3A_163 = arith.select %and3A_159, %sub3A_160, %broadcast_in_dim3A_162 : vector<16xi1>, vector<16xi32>
      %swap3A_164 = arith.constant 112 : index
      %swap3A_165 = tpu.vector_load %arg9[%swap3A_164] {strides = array<i32>} : memref<128xi32, #tpu.memory_space<vmem>>, vector<16xi32>,
      %swap3A_166 = vector.shape_cast %swap3A_165 : vector<16xi32> to vector<16xi32>
      %swap3A_167 = vector.shape_cast %select_n3A_163 : vector<16xi32> to vector<16xi32>
      tpu.vector_store %arg9[%swap3A_164], %swap3A_167 {strides = array<i32>} : memref<128xi32, #tpu.memory_space<vmem>>, vector<16xi32>,
      "tpu.region"() ({
        %run_scoped3A = tpu.sem_alloc : memref<!tpu.dma_semaphore, #tpu.memory_space<semaphore_mem>>
        %dma_start3A = arith.constant 0 : i32
        %dma_start3A_168 = arith.constant 0 : i32
        %dma_start3A_169 = tpu.memref_slice %arg2[%dma_start3A, %dma_start3A_168] : memref<100000x64xf32, #tpu.memory_space<hbm>> -> memref<100000x64xf32, #tpu.memory_space<hbm>>
        tpu.enqueue_indirect_dma source(%dma_start3A_169 : memref<100000x64xf32, #tpu.memory_space<hbm>>) target(%arg10 : memref<128x64xf32, #tpu.memory_space<vmem>>) offsets(%arg7 : memref<128xi32, #tpu.memory_space<vmem>>) semaphore(%run_scoped3A : memref<!tpu.dma_semaphore, #tpu.memory_space<semaphore_mem>>)
        %dma_wait3A = arith.constant 0 : i32
        %dma_wait3A_170 = arith.constant 0 : i32
        %dma_wait3A_171 = tpu.memref_slice %arg2[%dma_wait3A, %dma_wait3A_170] : memref<100000x64xf32, #tpu.memory_space<hbm>> -> memref<100000x64xf32, #tpu.memory_space<hbm>>
        tpu.wait_indirect_dma semaphore(%run_scoped3A : memref<!tpu.dma_semaphore, #tpu.memory_space<semaphore_mem>>) src(%dma_wait3A_171 : memref<100000x64xf32, #tpu.memory_space<hbm>>) dst(%arg10 : memref<128x64xf32, #tpu.memory_space<vmem>>)
        tpu.yield
      }) : () -> ()
      "tpu.region"() ({
        %run_scoped3A = tpu.sem_alloc : memref<!tpu.dma_semaphore, #tpu.memory_space<semaphore_mem>>
        %dma_start3A = arith.constant 0 : i32
        %dma_start3A_168 = arith.constant 0 : i32
        %dma_start3A_169 = tpu.memref_slice %arg11[%dma_start3A, %dma_start3A_168] : memref<26632x64xf32, #tpu.memory_space<vmem_shared>> -> memref<26632x64xf32, #tpu.memory_space<vmem_shared>>
        tpu.enqueue_indirect_dma source(%arg10 : memref<128x64xf32, #tpu.memory_space<vmem>>) target(%dma_start3A_169 : memref<26632x64xf32, #tpu.memory_space<vmem_shared>>) offsets(%arg9 : memref<128xi32, #tpu.memory_space<vmem>>) semaphore(%run_scoped3A : memref<!tpu.dma_semaphore, #tpu.memory_space<semaphore_mem>>) {add = true}
        %dma_wait3A = arith.constant 0 : i32
        %dma_wait3A_170 = arith.constant 0 : i32
        %dma_wait3A_171 = tpu.memref_slice %arg11[%dma_wait3A, %dma_wait3A_170] : memref<26632x64xf32, #tpu.memory_space<vmem_shared>> -> memref<26632x64xf32, #tpu.memory_space<vmem_shared>>
        tpu.wait_indirect_dma semaphore(%run_scoped3A : memref<!tpu.dma_semaphore, #tpu.memory_space<semaphore_mem>>) src(%arg10 : memref<128x64xf32, #tpu.memory_space<vmem>>) dst(%dma_wait3A_171 : memref<26632x64xf32, #tpu.memory_space<vmem_shared>>)
        tpu.yield
      }) : () -> ()
    } else {
    }
    %barrier3A_53 = arith.constant 0 : index
    tpu.barrier barrier_id(%barrier3A_53)
    %mul3A_54 = arith.constant 1664 : i32
    %mul3A_55 = arith.muli %arg1, %mul3A_54 : i32
    %mul3A_56 = arith.constant 1664 : i32
    %mul3A_57 = arith.muli %arg1, %mul3A_56 : i32
    %add3A_58 = arith.addi %mul3A_30, %mul3A_57 : i32
    "tpu.region"() ({
      %run_scoped3A = tpu.sem_alloc : memref<!tpu.dma_semaphore, #tpu.memory_space<semaphore_mem>>
      %dma_start3A = arith.constant 0 : i32
      %dma_start3A_59 = tpu.memref_slice %arg6[%add3A_58, %dma_start3A] : memref<106496x64xf32, #tpu.memory_space<hbm>> -> memref<1664x64xf32, #tpu.memory_space<hbm>>
      %dma_start3A_60 = arith.constant 0 : i32
      %dma_start3A_61 = tpu.memref_slice %arg11[%mul3A_55, %dma_start3A_60] : memref<26632x64xf32, #tpu.memory_space<vmem_shared>> -> memref<1664x64xf32, #tpu.memory_space<vmem_shared>>
      tpu.enqueue_dma source(%dma_start3A_61 : memref<1664x64xf32, #tpu.memory_space<vmem_shared>>) target(%dma_start3A_59 : memref<1664x64xf32, #tpu.memory_space<hbm>>) target_semaphore(%run_scoped3A : memref<!tpu.dma_semaphore, #tpu.memory_space<semaphore_mem>>)
      %dma_wait3A = arith.constant 0 : i32
      %dma_wait3A_62 = tpu.memref_slice %arg6[%add3A_58, %dma_wait3A] : memref<106496x64xf32, #tpu.memory_space<hbm>> -> memref<1664x64xf32, #tpu.memory_space<hbm>>
      %dma_wait3A_63 = arith.constant 0 : i32
      %dma_wait3A_64 = tpu.memref_slice %arg11[%mul3A_55, %dma_wait3A_63] : memref<26632x64xf32, #tpu.memory_space<vmem_shared>> -> memref<1664x64xf32, #tpu.memory_space<vmem_shared>>
      tpu.wait_dma2 semaphore(%run_scoped3A : memref<!tpu.dma_semaphore, #tpu.memory_space<semaphore_mem>>) src(%dma_wait3A_64 : memref<1664x64xf32, #tpu.memory_space<vmem_shared>>) dst(%dma_wait3A_62 : memref<1664x64xf32, #tpu.memory_space<hbm>>)
      tpu.yield
    }) : () -> ()
    return
  }
}

#map = affine_map<(d0, d1) -> (0, 0)>
#map1 = affine_map<(d0, d1) -> (0)>
module attributes {stable_mosaic.version = 14 : i64} {
  func.func @k(%arg0: i32, %arg1: i32, %arg2: memref<100000x64xf32, #tpu.memory_space<hbm>>, %arg3: memref<1600000xi32, #tpu.memory_space<hbm>>, %arg4: memref<1600000xi32, #tpu.memory_space<hbm>>, %arg5: memref<1664x64xf32, #tpu.memory_space<hbm>>, %arg6: memref<106496x64xf32, #tpu.memory_space<hbm>>, %arg7: memref<128xi32, #tpu.memory_space<vmem>>, %arg8: memref<128xi32, #tpu.memory_space<vmem>>, %arg9: memref<128xi32, #tpu.memory_space<vmem>>, %arg10: memref<128x64xf32, #tpu.memory_space<vmem>>, %arg11: memref<26632x64xf32, #tpu.memory_space<vmem_shared>>) attributes {dimension_semantics = [#tpu.dimension_semantics<core_parallel>, #tpu.dimension_semantics<subcore_parallel>], iteration_bounds = array<i64: 2, 16>, scalar_prefetch = 0 : i64, scratch_operands = 5 : i64, tpu.core_type = #tpu.core_type<sc_vector_subcore>, window_params = [{transform_indices = #map}, {transform_indices = #map1}, {transform_indices = #map1}, {transform_indices = #map}, {transform_indices = #map}]} {
    %mul3A = arith.constant 2 : i32
    %mul3A_0 = arith.muli %mul3A, %arg0 : i32
    %add3A = arith.constant 0 : i32
    %add3A_1 = arith.addi %mul3A_0, %add3A : i32
    %mul3A_2 = arith.constant 26624 : i32
    %mul3A_3 = arith.muli %add3A_1, %mul3A_2 : i32
    %broadcast_in_dim3A = vector.broadcast %mul3A_3 : i32 to vector<16xi32>
    %add3A_4 = arith.constant 26624 : i32
    %add3A_5 = arith.addi %mul3A_3, %add3A_4 : i32
    %broadcast_in_dim3A_6 = vector.broadcast %add3A_5 : i32 to vector<16xi32>
    %mul3A_7 = arith.constant 1664 : i32
    %mul3A_8 = arith.muli %arg1, %mul3A_7 : i32
    "tpu.region"() ({
      %run_scoped3A = tpu.sem_alloc : memref<!tpu.dma_semaphore, #tpu.memory_space<semaphore_mem>>
      %dma_start3A = arith.constant 0 : i32
      %dma_start3A_59 = tpu.memref_slice %arg11[%mul3A_8, %dma_start3A] : memref<26632x64xf32, #tpu.memory_space<vmem_shared>> -> memref<1664x64xf32, #tpu.memory_space<vmem_shared>>
      tpu.enqueue_dma source(%arg5 : memref<1664x64xf32, #tpu.memory_space<hbm>>) target(%dma_start3A_59 : memref<1664x64xf32, #tpu.memory_space<vmem_shared>>) target_semaphore(%run_scoped3A : memref<!tpu.dma_semaphore, #tpu.memory_space<semaphore_mem>>)
      %dma_wait3A = arith.constant 0 : i32
      %dma_wait3A_60 = tpu.memref_slice %arg11[%mul3A_8, %dma_wait3A] : memref<26632x64xf32, #tpu.memory_space<vmem_shared>> -> memref<1664x64xf32, #tpu.memory_space<vmem_shared>>
      tpu.wait_dma2 semaphore(%run_scoped3A : memref<!tpu.dma_semaphore, #tpu.memory_space<semaphore_mem>>) src(%arg5 : memref<1664x64xf32, #tpu.memory_space<hbm>>) dst(%dma_wait3A_60 : memref<1664x64xf32, #tpu.memory_space<vmem_shared>>)
      tpu.yield
    }) : () -> ()
    %eq3A = arith.constant 0 : i32
    %eq3A_9 = arith.cmpi eq, %arg1, %eq3A : i32
    %convert_element_type3A = arith.extui %eq3A_9 : i1 to i32
    %cond3A = arith.constant 0 : i32
    %cond3A_10 = arith.cmpi ne, %convert_element_type3A, %cond3A : i32
    scf.if %cond3A_10 {
      "tpu.region"() ({
        %run_scoped3A = tpu.sem_alloc : memref<!tpu.dma_semaphore, #tpu.memory_space<semaphore_mem>>
        %dma_start3A = arith.constant 26624 : i32
        %dma_start3A_59 = arith.constant 0 : i32
        %dma_start3A_60 = tpu.memref_slice %arg11[%dma_start3A, %dma_start3A_59] : memref<26632x64xf32, #tpu.memory_space<vmem_shared>> -> memref<8x64xf32, #tpu.memory_space<vmem_shared>>
        %dma_start3A_61 = arith.constant 0 : i32
        %dma_start3A_62 = arith.constant 0 : i32
        %dma_start3A_63 = tpu.memref_slice %arg5[%dma_start3A_61, %dma_start3A_62] : memref<1664x64xf32, #tpu.memory_space<hbm>> -> memref<8x64xf32, #tpu.memory_space<hbm>>
        tpu.enqueue_dma source(%dma_start3A_63 : memref<8x64xf32, #tpu.memory_space<hbm>>) target(%dma_start3A_60 : memref<8x64xf32, #tpu.memory_space<vmem_shared>>) target_semaphore(%run_scoped3A : memref<!tpu.dma_semaphore, #tpu.memory_space<semaphore_mem>>)
        %dma_wait3A = arith.constant 26624 : i32
        %dma_wait3A_64 = arith.constant 0 : i32
        %dma_wait3A_65 = tpu.memref_slice %arg11[%dma_wait3A, %dma_wait3A_64] : memref<26632x64xf32, #tpu.memory_space<vmem_shared>> -> memref<8x64xf32, #tpu.memory_space<vmem_shared>>
        %dma_wait3A_66 = arith.constant 0 : i32
        %dma_wait3A_67 = arith.constant 0 : i32
        %dma_wait3A_68 = tpu.memref_slice %arg5[%dma_wait3A_66, %dma_wait3A_67] : memref<1664x64xf32, #tpu.memory_space<hbm>> -> memref<8x64xf32, #tpu.memory_space<hbm>>
        tpu.wait_dma2 semaphore(%run_scoped3A : memref<!tpu.dma_semaphore, #tpu.memory_space<semaphore_mem>>) src(%dma_wait3A_68 : memref<8x64xf32, #tpu.memory_space<hbm>>) dst(%dma_wait3A_65 : memref<8x64xf32, #tpu.memory_space<vmem_shared>>)
        tpu.yield
      }) : () -> ()
    } else {
    }
    %barrier3A = arith.constant 0 : index
    tpu.barrier barrier_id(%barrier3A)
    %scan3A = arith.constant 0 : i32
    %scan3A_11 = arith.constant 781 : i32
    %scan3A_12 = arith.addi %scan3A, %scan3A_11 : i32
    %scan3A_13 = arith.constant 1 : i32
    scf.for %scan3A_59 = %scan3A to %scan3A_12 step %scan3A_13  : i32 {
      %mul3A_60 = arith.constant 1 : i32
      %mul3A_61 = arith.muli %scan3A_59, %mul3A_60 : i32
      %add3A_62 = arith.constant 0 : i32
      %add3A_63 = arith.addi %add3A_62, %mul3A_61 : i32
      %mul3A_64 = arith.constant 781 : i32
      %mul3A_65 = arith.muli %arg1, %mul3A_64 : i32
      %add3A_66 = arith.addi %mul3A_65, %add3A_63 : i32
      %mul3A_67 = arith.constant 128 : i32
      %mul3A_68 = arith.muli %add3A_66, %mul3A_67 : i32
      "tpu.region"() ({
        %run_scoped3A = tpu.sem_alloc : memref<!tpu.dma_semaphore, #tpu.memory_space<semaphore_mem>>
        %dma_start3A = tpu.memref_slice %arg4[%mul3A_68] : memref<1600000xi32, #tpu.memory_space<hbm>> -> memref<128xi32, #tpu.memory_space<hbm>>
        %dma_start3A_174 = tpu.memref_slice %arg4[%mul3A_68] : memref<1600000xi32, #tpu.memory_space<hbm>> -> memref<128xi32, #tpu.memory_space<hbm>>
        tpu.enqueue_dma source(%dma_start3A_174 : memref<128xi32, #tpu.memory_space<hbm>>) target(%arg8 : memref<128xi32, #tpu.memory_space<vmem>>) target_semaphore(%run_scoped3A : memref<!tpu.dma_semaphore, #tpu.memory_space<semaphore_mem>>)
        %dma_wait3A = tpu.memref_slice %arg4[%mul3A_68] : memref<1600000xi32, #tpu.memory_space<hbm>> -> memref<128xi32, #tpu.memory_space<hbm>>
        %dma_wait3A_175 = tpu.memref_slice %arg4[%mul3A_68] : memref<1600000xi32, #tpu.memory_space<hbm>> -> memref<128xi32, #tpu.memory_space<hbm>>
        tpu.wait_dma2 semaphore(%run_scoped3A : memref<!tpu.dma_semaphore, #tpu.memory_space<semaphore_mem>>) src(%dma_wait3A_175 : memref<128xi32, #tpu.memory_space<hbm>>) dst(%arg8 : memref<128xi32, #tpu.memory_space<vmem>>)
        tpu.yield
      }) : () -> ()
      "tpu.region"() ({
        %run_scoped3A = tpu.sem_alloc : memref<!tpu.dma_semaphore, #tpu.memory_space<semaphore_mem>>
        %dma_start3A = tpu.memref_slice %arg3[%mul3A_68] : memref<1600000xi32, #tpu.memory_space<hbm>> -> memref<128xi32, #tpu.memory_space<hbm>>
        %dma_start3A_174 = tpu.memref_slice %arg3[%mul3A_68] : memref<1600000xi32, #tpu.memory_space<hbm>> -> memref<128xi32, #tpu.memory_space<hbm>>
        tpu.enqueue_dma source(%dma_start3A_174 : memref<128xi32, #tpu.memory_space<hbm>>) target(%arg7 : memref<128xi32, #tpu.memory_space<vmem>>) target_semaphore(%run_scoped3A : memref<!tpu.dma_semaphore, #tpu.memory_space<semaphore_mem>>)
        %dma_wait3A = tpu.memref_slice %arg3[%mul3A_68] : memref<1600000xi32, #tpu.memory_space<hbm>> -> memref<128xi32, #tpu.memory_space<hbm>>
        %dma_wait3A_175 = tpu.memref_slice %arg3[%mul3A_68] : memref<1600000xi32, #tpu.memory_space<hbm>> -> memref<128xi32, #tpu.memory_space<hbm>>
        tpu.wait_dma2 semaphore(%run_scoped3A : memref<!tpu.dma_semaphore, #tpu.memory_space<semaphore_mem>>) src(%dma_wait3A_175 : memref<128xi32, #tpu.memory_space<hbm>>) dst(%arg7 : memref<128xi32, #tpu.memory_space<vmem>>)
        tpu.yield
      }) : () -> ()
      %get3A = arith.constant 0 : index
      %get3A_69 = tpu.vector_load %arg8[%get3A] {strides = array<i32>} : memref<128xi32, #tpu.memory_space<vmem>>, vector<16xi32>,
      %get3A_70 = vector.shape_cast %get3A_69 : vector<16xi32> to vector<16xi32>
      %ge3A = arith.cmpi sge, %get3A_70, %broadcast_in_dim3A : vector<16xi32>
      %lt3A_71 = arith.cmpi slt, %get3A_70, %broadcast_in_dim3A_6 : vector<16xi32>
      %and3A = arith.andi %ge3A, %lt3A_71 : vector<16xi1>
      %sub3A = arith.subi %get3A_70, %broadcast_in_dim3A : vector<16xi32>
      %jit3A = arith.constant 26624 : i32
      %broadcast_in_dim3A_72 = vector.broadcast %jit3A : i32 to vector<16xi32>
      %select_n3A = arith.select %and3A, %sub3A, %broadcast_in_dim3A_72 : vector<16xi1>, vector<16xi32>
      %swap3A = arith.constant 0 : index
      %swap3A_73 = tpu.vector_load %arg9[%swap3A] {strides = array<i32>} : memref<128xi32, #tpu.memory_space<vmem>>, vector<16xi32>,
      %swap3A_74 = vector.shape_cast %swap3A_73 : vector<16xi32> to vector<16xi32>
      %swap3A_75 = vector.shape_cast %select_n3A : vector<16xi32> to vector<16xi32>
      tpu.vector_store %arg9[%swap3A], %swap3A_75 {strides = array<i32>} : memref<128xi32, #tpu.memory_space<vmem>>, vector<16xi32>,
      %get3A_76 = arith.constant 16 : index
      %get3A_77 = tpu.vector_load %arg8[%get3A_76] {strides = array<i32>} : memref<128xi32, #tpu.memory_space<vmem>>, vector<16xi32>,
      %get3A_78 = vector.shape_cast %get3A_77 : vector<16xi32> to vector<16xi32>
      %ge3A_79 = arith.cmpi sge, %get3A_78, %broadcast_in_dim3A : vector<16xi32>
      %lt3A_80 = arith.cmpi slt, %get3A_78, %broadcast_in_dim3A_6 : vector<16xi32>
      %and3A_81 = arith.andi %ge3A_79, %lt3A_80 : vector<16xi1>
      %sub3A_82 = arith.subi %get3A_78, %broadcast_in_dim3A : vector<16xi32>
      %jit3A_83 = arith.constant 26624 : i32
      %broadcast_in_dim3A_84 = vector.broadcast %jit3A_83 : i32 to vector<16xi32>
      %select_n3A_85 = arith.select %and3A_81, %sub3A_82, %broadcast_in_dim3A_84 : vector<16xi1>, vector<16xi32>
      %swap3A_86 = arith.constant 16 : index
      %swap3A_87 = tpu.vector_load %arg9[%swap3A_86] {strides = array<i32>} : memref<128xi32, #tpu.memory_space<vmem>>, vector<16xi32>,
      %swap3A_88 = vector.shape_cast %swap3A_87 : vector<16xi32> to vector<16xi32>
      %swap3A_89 = vector.shape_cast %select_n3A_85 : vector<16xi32> to vector<16xi32>
      tpu.vector_store %arg9[%swap3A_86], %swap3A_89 {strides = array<i32>} : memref<128xi32, #tpu.memory_space<vmem>>, vector<16xi32>,
      %get3A_90 = arith.constant 32 : index
      %get3A_91 = tpu.vector_load %arg8[%get3A_90] {strides = array<i32>} : memref<128xi32, #tpu.memory_space<vmem>>, vector<16xi32>,
      %get3A_92 = vector.shape_cast %get3A_91 : vector<16xi32> to vector<16xi32>
      %ge3A_93 = arith.cmpi sge, %get3A_92, %broadcast_in_dim3A : vector<16xi32>
      %lt3A_94 = arith.cmpi slt, %get3A_92, %broadcast_in_dim3A_6 : vector<16xi32>
      %and3A_95 = arith.andi %ge3A_93, %lt3A_94 : vector<16xi1>
      %sub3A_96 = arith.subi %get3A_92, %broadcast_in_dim3A : vector<16xi32>
      %jit3A_97 = arith.constant 26624 : i32
      %broadcast_in_dim3A_98 = vector.broadcast %jit3A_97 : i32 to vector<16xi32>
      %select_n3A_99 = arith.select %and3A_95, %sub3A_96, %broadcast_in_dim3A_98 : vector<16xi1>, vector<16xi32>
      %swap3A_100 = arith.constant 32 : index
      %swap3A_101 = tpu.vector_load %arg9[%swap3A_100] {strides = array<i32>} : memref<128xi32, #tpu.memory_space<vmem>>, vector<16xi32>,
      %swap3A_102 = vector.shape_cast %swap3A_101 : vector<16xi32> to vector<16xi32>
      %swap3A_103 = vector.shape_cast %select_n3A_99 : vector<16xi32> to vector<16xi32>
      tpu.vector_store %arg9[%swap3A_100], %swap3A_103 {strides = array<i32>} : memref<128xi32, #tpu.memory_space<vmem>>, vector<16xi32>,
      %get3A_104 = arith.constant 48 : index
      %get3A_105 = tpu.vector_load %arg8[%get3A_104] {strides = array<i32>} : memref<128xi32, #tpu.memory_space<vmem>>, vector<16xi32>,
      %get3A_106 = vector.shape_cast %get3A_105 : vector<16xi32> to vector<16xi32>
      %ge3A_107 = arith.cmpi sge, %get3A_106, %broadcast_in_dim3A : vector<16xi32>
      %lt3A_108 = arith.cmpi slt, %get3A_106, %broadcast_in_dim3A_6 : vector<16xi32>
      %and3A_109 = arith.andi %ge3A_107, %lt3A_108 : vector<16xi1>
      %sub3A_110 = arith.subi %get3A_106, %broadcast_in_dim3A : vector<16xi32>
      %jit3A_111 = arith.constant 26624 : i32
      %broadcast_in_dim3A_112 = vector.broadcast %jit3A_111 : i32 to vector<16xi32>
      %select_n3A_113 = arith.select %and3A_109, %sub3A_110, %broadcast_in_dim3A_112 : vector<16xi1>, vector<16xi32>
      %swap3A_114 = arith.constant 48 : index
      %swap3A_115 = tpu.vector_load %arg9[%swap3A_114] {strides = array<i32>} : memref<128xi32, #tpu.memory_space<vmem>>, vector<16xi32>,
      %swap3A_116 = vector.shape_cast %swap3A_115 : vector<16xi32> to vector<16xi32>
      %swap3A_117 = vector.shape_cast %select_n3A_113 : vector<16xi32> to vector<16xi32>
      tpu.vector_store %arg9[%swap3A_114], %swap3A_117 {strides = array<i32>} : memref<128xi32, #tpu.memory_space<vmem>>, vector<16xi32>,
      %get3A_118 = arith.constant 64 : index
      %get3A_119 = tpu.vector_load %arg8[%get3A_118] {strides = array<i32>} : memref<128xi32, #tpu.memory_space<vmem>>, vector<16xi32>,
      %get3A_120 = vector.shape_cast %get3A_119 : vector<16xi32> to vector<16xi32>
      %ge3A_121 = arith.cmpi sge, %get3A_120, %broadcast_in_dim3A : vector<16xi32>
      %lt3A_122 = arith.cmpi slt, %get3A_120, %broadcast_in_dim3A_6 : vector<16xi32>
      %and3A_123 = arith.andi %ge3A_121, %lt3A_122 : vector<16xi1>
      %sub3A_124 = arith.subi %get3A_120, %broadcast_in_dim3A : vector<16xi32>
      %jit3A_125 = arith.constant 26624 : i32
      %broadcast_in_dim3A_126 = vector.broadcast %jit3A_125 : i32 to vector<16xi32>
      %select_n3A_127 = arith.select %and3A_123, %sub3A_124, %broadcast_in_dim3A_126 : vector<16xi1>, vector<16xi32>
      %swap3A_128 = arith.constant 64 : index
      %swap3A_129 = tpu.vector_load %arg9[%swap3A_128] {strides = array<i32>} : memref<128xi32, #tpu.memory_space<vmem>>, vector<16xi32>,
      %swap3A_130 = vector.shape_cast %swap3A_129 : vector<16xi32> to vector<16xi32>
      %swap3A_131 = vector.shape_cast %select_n3A_127 : vector<16xi32> to vector<16xi32>
      tpu.vector_store %arg9[%swap3A_128], %swap3A_131 {strides = array<i32>} : memref<128xi32, #tpu.memory_space<vmem>>, vector<16xi32>,
      %get3A_132 = arith.constant 80 : index
      %get3A_133 = tpu.vector_load %arg8[%get3A_132] {strides = array<i32>} : memref<128xi32, #tpu.memory_space<vmem>>, vector<16xi32>,
      %get3A_134 = vector.shape_cast %get3A_133 : vector<16xi32> to vector<16xi32>
      %ge3A_135 = arith.cmpi sge, %get3A_134, %broadcast_in_dim3A : vector<16xi32>
      %lt3A_136 = arith.cmpi slt, %get3A_134, %broadcast_in_dim3A_6 : vector<16xi32>
      %and3A_137 = arith.andi %ge3A_135, %lt3A_136 : vector<16xi1>
      %sub3A_138 = arith.subi %get3A_134, %broadcast_in_dim3A : vector<16xi32>
      %jit3A_139 = arith.constant 26624 : i32
      %broadcast_in_dim3A_140 = vector.broadcast %jit3A_139 : i32 to vector<16xi32>
      %select_n3A_141 = arith.select %and3A_137, %sub3A_138, %broadcast_in_dim3A_140 : vector<16xi1>, vector<16xi32>
      %swap3A_142 = arith.constant 80 : index
      %swap3A_143 = tpu.vector_load %arg9[%swap3A_142] {strides = array<i32>} : memref<128xi32, #tpu.memory_space<vmem>>, vector<16xi32>,
      %swap3A_144 = vector.shape_cast %swap3A_143 : vector<16xi32> to vector<16xi32>
      %swap3A_145 = vector.shape_cast %select_n3A_141 : vector<16xi32> to vector<16xi32>
      tpu.vector_store %arg9[%swap3A_142], %swap3A_145 {strides = array<i32>} : memref<128xi32, #tpu.memory_space<vmem>>, vector<16xi32>,
      %get3A_146 = arith.constant 96 : index
      %get3A_147 = tpu.vector_load %arg8[%get3A_146] {strides = array<i32>} : memref<128xi32, #tpu.memory_space<vmem>>, vector<16xi32>,
      %get3A_148 = vector.shape_cast %get3A_147 : vector<16xi32> to vector<16xi32>
      %ge3A_149 = arith.cmpi sge, %get3A_148, %broadcast_in_dim3A : vector<16xi32>
      %lt3A_150 = arith.cmpi slt, %get3A_148, %broadcast_in_dim3A_6 : vector<16xi32>
      %and3A_151 = arith.andi %ge3A_149, %lt3A_150 : vector<16xi1>
      %sub3A_152 = arith.subi %get3A_148, %broadcast_in_dim3A : vector<16xi32>
      %jit3A_153 = arith.constant 26624 : i32
      %broadcast_in_dim3A_154 = vector.broadcast %jit3A_153 : i32 to vector<16xi32>
      %select_n3A_155 = arith.select %and3A_151, %sub3A_152, %broadcast_in_dim3A_154 : vector<16xi1>, vector<16xi32>
      %swap3A_156 = arith.constant 96 : index
      %swap3A_157 = tpu.vector_load %arg9[%swap3A_156] {strides = array<i32>} : memref<128xi32, #tpu.memory_space<vmem>>, vector<16xi32>,
      %swap3A_158 = vector.shape_cast %swap3A_157 : vector<16xi32> to vector<16xi32>
      %swap3A_159 = vector.shape_cast %select_n3A_155 : vector<16xi32> to vector<16xi32>
      tpu.vector_store %arg9[%swap3A_156], %swap3A_159 {strides = array<i32>} : memref<128xi32, #tpu.memory_space<vmem>>, vector<16xi32>,
      %get3A_160 = arith.constant 112 : index
      %get3A_161 = tpu.vector_load %arg8[%get3A_160] {strides = array<i32>} : memref<128xi32, #tpu.memory_space<vmem>>, vector<16xi32>,
      %get3A_162 = vector.shape_cast %get3A_161 : vector<16xi32> to vector<16xi32>
      %ge3A_163 = arith.cmpi sge, %get3A_162, %broadcast_in_dim3A : vector<16xi32>
      %lt3A_164 = arith.cmpi slt, %get3A_162, %broadcast_in_dim3A_6 : vector<16xi32>
      %and3A_165 = arith.andi %ge3A_163, %lt3A_164 : vector<16xi1>
      %sub3A_166 = arith.subi %get3A_162, %broadcast_in_dim3A : vector<16xi32>
      %jit3A_167 = arith.constant 26624 : i32
      %broadcast_in_dim3A_168 = vector.broadcast %jit3A_167 : i32 to vector<16xi32>
      %select_n3A_169 = arith.select %and3A_165, %sub3A_166, %broadcast_in_dim3A_168 : vector<16xi1>, vector<16xi32>
      %swap3A_170 = arith.constant 112 : index
      %swap3A_171 = tpu.vector_load %arg9[%swap3A_170] {strides = array<i32>} : memref<128xi32, #tpu.memory_space<vmem>>, vector<16xi32>,
      %swap3A_172 = vector.shape_cast %swap3A_171 : vector<16xi32> to vector<16xi32>
      %swap3A_173 = vector.shape_cast %select_n3A_169 : vector<16xi32> to vector<16xi32>
      tpu.vector_store %arg9[%swap3A_170], %swap3A_173 {strides = array<i32>} : memref<128xi32, #tpu.memory_space<vmem>>, vector<16xi32>,
      "tpu.region"() ({
        %run_scoped3A = tpu.sem_alloc : memref<!tpu.dma_semaphore, #tpu.memory_space<semaphore_mem>>
        %dma_start3A = arith.constant 0 : i32
        %dma_start3A_174 = arith.constant 0 : i32
        %dma_start3A_175 = tpu.memref_slice %arg2[%dma_start3A, %dma_start3A_174] : memref<100000x64xf32, #tpu.memory_space<hbm>> -> memref<100000x64xf32, #tpu.memory_space<hbm>>
        tpu.enqueue_indirect_dma source(%dma_start3A_175 : memref<100000x64xf32, #tpu.memory_space<hbm>>) target(%arg10 : memref<128x64xf32, #tpu.memory_space<vmem>>) offsets(%arg7 : memref<128xi32, #tpu.memory_space<vmem>>) semaphore(%run_scoped3A : memref<!tpu.dma_semaphore, #tpu.memory_space<semaphore_mem>>)
        %dma_wait3A = arith.constant 0 : i32
        %dma_wait3A_176 = arith.constant 0 : i32
        %dma_wait3A_177 = tpu.memref_slice %arg2[%dma_wait3A, %dma_wait3A_176] : memref<100000x64xf32, #tpu.memory_space<hbm>> -> memref<100000x64xf32, #tpu.memory_space<hbm>>
        tpu.wait_indirect_dma semaphore(%run_scoped3A : memref<!tpu.dma_semaphore, #tpu.memory_space<semaphore_mem>>) src(%dma_wait3A_177 : memref<100000x64xf32, #tpu.memory_space<hbm>>) dst(%arg10 : memref<128x64xf32, #tpu.memory_space<vmem>>)
        tpu.yield
      }) : () -> ()
      "tpu.region"() ({
        %run_scoped3A = tpu.sem_alloc : memref<!tpu.dma_semaphore, #tpu.memory_space<semaphore_mem>>
        %dma_start3A = arith.constant 0 : i32
        %dma_start3A_174 = arith.constant 0 : i32
        %dma_start3A_175 = tpu.memref_slice %arg11[%dma_start3A, %dma_start3A_174] : memref<26632x64xf32, #tpu.memory_space<vmem_shared>> -> memref<26632x64xf32, #tpu.memory_space<vmem_shared>>
        tpu.enqueue_indirect_dma source(%arg10 : memref<128x64xf32, #tpu.memory_space<vmem>>) target(%dma_start3A_175 : memref<26632x64xf32, #tpu.memory_space<vmem_shared>>) offsets(%arg9 : memref<128xi32, #tpu.memory_space<vmem>>) semaphore(%run_scoped3A : memref<!tpu.dma_semaphore, #tpu.memory_space<semaphore_mem>>) {add = true}
        %dma_wait3A = arith.constant 0 : i32
        %dma_wait3A_176 = arith.constant 0 : i32
        %dma_wait3A_177 = tpu.memref_slice %arg11[%dma_wait3A, %dma_wait3A_176] : memref<26632x64xf32, #tpu.memory_space<vmem_shared>> -> memref<26632x64xf32, #tpu.memory_space<vmem_shared>>
        tpu.wait_indirect_dma semaphore(%run_scoped3A : memref<!tpu.dma_semaphore, #tpu.memory_space<semaphore_mem>>) src(%arg10 : memref<128x64xf32, #tpu.memory_space<vmem>>) dst(%dma_wait3A_177 : memref<26632x64xf32, #tpu.memory_space<vmem_shared>>)
        tpu.yield
      }) : () -> ()
    }
    %scan3A_14 = arith.constant 781 : i32
    %lt3A = arith.constant 4 : i32
    %lt3A_15 = arith.cmpi slt, %arg1, %lt3A : i32
    %convert_element_type3A_16 = arith.extui %lt3A_15 : i1 to i32
    %cond3A_17 = arith.constant 0 : i32
    %cond3A_18 = arith.cmpi ne, %convert_element_type3A_16, %cond3A_17 : i32
    scf.if %cond3A_18 {
      %add3A_59 = arith.constant 12496 : i32
      %add3A_60 = arith.addi %add3A_59, %arg1 : i32
      %mul3A_61 = arith.constant 128 : i32
      %mul3A_62 = arith.muli %add3A_60, %mul3A_61 : i32
      "tpu.region"() ({
        %run_scoped3A = tpu.sem_alloc : memref<!tpu.dma_semaphore, #tpu.memory_space<semaphore_mem>>
        %dma_start3A = tpu.memref_slice %arg4[%mul3A_62] : memref<1600000xi32, #tpu.memory_space<hbm>> -> memref<128xi32, #tpu.memory_space<hbm>>
        %dma_start3A_168 = tpu.memref_slice %arg4[%mul3A_62] : memref<1600000xi32, #tpu.memory_space<hbm>> -> memref<128xi32, #tpu.memory_space<hbm>>
        tpu.enqueue_dma source(%dma_start3A_168 : memref<128xi32, #tpu.memory_space<hbm>>) target(%arg8 : memref<128xi32, #tpu.memory_space<vmem>>) target_semaphore(%run_scoped3A : memref<!tpu.dma_semaphore, #tpu.memory_space<semaphore_mem>>)
        %dma_wait3A = tpu.memref_slice %arg4[%mul3A_62] : memref<1600000xi32, #tpu.memory_space<hbm>> -> memref<128xi32, #tpu.memory_space<hbm>>
        %dma_wait3A_169 = tpu.memref_slice %arg4[%mul3A_62] : memref<1600000xi32, #tpu.memory_space<hbm>> -> memref<128xi32, #tpu.memory_space<hbm>>
        tpu.wait_dma2 semaphore(%run_scoped3A : memref<!tpu.dma_semaphore, #tpu.memory_space<semaphore_mem>>) src(%dma_wait3A_169 : memref<128xi32, #tpu.memory_space<hbm>>) dst(%arg8 : memref<128xi32, #tpu.memory_space<vmem>>)
        tpu.yield
      }) : () -> ()
      "tpu.region"() ({
        %run_scoped3A = tpu.sem_alloc : memref<!tpu.dma_semaphore, #tpu.memory_space<semaphore_mem>>
        %dma_start3A = tpu.memref_slice %arg3[%mul3A_62] : memref<1600000xi32, #tpu.memory_space<hbm>> -> memref<128xi32, #tpu.memory_space<hbm>>
        %dma_start3A_168 = tpu.memref_slice %arg3[%mul3A_62] : memref<1600000xi32, #tpu.memory_space<hbm>> -> memref<128xi32, #tpu.memory_space<hbm>>
        tpu.enqueue_dma source(%dma_start3A_168 : memref<128xi32, #tpu.memory_space<hbm>>) target(%arg7 : memref<128xi32, #tpu.memory_space<vmem>>) target_semaphore(%run_scoped3A : memref<!tpu.dma_semaphore, #tpu.memory_space<semaphore_mem>>)
        %dma_wait3A = tpu.memref_slice %arg3[%mul3A_62] : memref<1600000xi32, #tpu.memory_space<hbm>> -> memref<128xi32, #tpu.memory_space<hbm>>
        %dma_wait3A_169 = tpu.memref_slice %arg3[%mul3A_62] : memref<1600000xi32, #tpu.memory_space<hbm>> -> memref<128xi32, #tpu.memory_space<hbm>>
        tpu.wait_dma2 semaphore(%run_scoped3A : memref<!tpu.dma_semaphore, #tpu.memory_space<semaphore_mem>>) src(%dma_wait3A_169 : memref<128xi32, #tpu.memory_space<hbm>>) dst(%arg7 : memref<128xi32, #tpu.memory_space<vmem>>)
        tpu.yield
      }) : () -> ()
      %get3A = arith.constant 0 : index
      %get3A_63 = tpu.vector_load %arg8[%get3A] {strides = array<i32>} : memref<128xi32, #tpu.memory_space<vmem>>, vector<16xi32>,
      %get3A_64 = vector.shape_cast %get3A_63 : vector<16xi32> to vector<16xi32>
      %ge3A = arith.cmpi sge, %get3A_64, %broadcast_in_dim3A : vector<16xi32>
      %lt3A_65 = arith.cmpi slt, %get3A_64, %broadcast_in_dim3A_6 : vector<16xi32>
      %and3A = arith.andi %ge3A, %lt3A_65 : vector<16xi1>
      %sub3A = arith.subi %get3A_64, %broadcast_in_dim3A : vector<16xi32>
      %jit3A = arith.constant 26624 : i32
      %broadcast_in_dim3A_66 = vector.broadcast %jit3A : i32 to vector<16xi32>
      %select_n3A = arith.select %and3A, %sub3A, %broadcast_in_dim3A_66 : vector<16xi1>, vector<16xi32>
      %swap3A = arith.constant 0 : index
      %swap3A_67 = tpu.vector_load %arg9[%swap3A] {strides = array<i32>} : memref<128xi32, #tpu.memory_space<vmem>>, vector<16xi32>,
      %swap3A_68 = vector.shape_cast %swap3A_67 : vector<16xi32> to vector<16xi32>
      %swap3A_69 = vector.shape_cast %select_n3A : vector<16xi32> to vector<16xi32>
      tpu.vector_store %arg9[%swap3A], %swap3A_69 {strides = array<i32>} : memref<128xi32, #tpu.memory_space<vmem>>, vector<16xi32>,
      %get3A_70 = arith.constant 16 : index
      %get3A_71 = tpu.vector_load %arg8[%get3A_70] {strides = array<i32>} : memref<128xi32, #tpu.memory_space<vmem>>, vector<16xi32>,
      %get3A_72 = vector.shape_cast %get3A_71 : vector<16xi32> to vector<16xi32>
      %ge3A_73 = arith.cmpi sge, %get3A_72, %broadcast_in_dim3A : vector<16xi32>
      %lt3A_74 = arith.cmpi slt, %get3A_72, %broadcast_in_dim3A_6 : vector<16xi32>
      %and3A_75 = arith.andi %ge3A_73, %lt3A_74 : vector<16xi1>
      %sub3A_76 = arith.subi %get3A_72, %broadcast_in_dim3A : vector<16xi32>
      %jit3A_77 = arith.constant 26624 : i32
      %broadcast_in_dim3A_78 = vector.broadcast %jit3A_77 : i32 to vector<16xi32>
      %select_n3A_79 = arith.select %and3A_75, %sub3A_76, %broadcast_in_dim3A_78 : vector<16xi1>, vector<16xi32>
      %swap3A_80 = arith.constant 16 : index
      %swap3A_81 = tpu.vector_load %arg9[%swap3A_80] {strides = array<i32>} : memref<128xi32, #tpu.memory_space<vmem>>, vector<16xi32>,
      %swap3A_82 = vector.shape_cast %swap3A_81 : vector<16xi32> to vector<16xi32>
      %swap3A_83 = vector.shape_cast %select_n3A_79 : vector<16xi32> to vector<16xi32>
      tpu.vector_store %arg9[%swap3A_80], %swap3A_83 {strides = array<i32>} : memref<128xi32, #tpu.memory_space<vmem>>, vector<16xi32>,
      %get3A_84 = arith.constant 32 : index
      %get3A_85 = tpu.vector_load %arg8[%get3A_84] {strides = array<i32>} : memref<128xi32, #tpu.memory_space<vmem>>, vector<16xi32>,
      %get3A_86 = vector.shape_cast %get3A_85 : vector<16xi32> to vector<16xi32>
      %ge3A_87 = arith.cmpi sge, %get3A_86, %broadcast_in_dim3A : vector<16xi32>
      %lt3A_88 = arith.cmpi slt, %get3A_86, %broadcast_in_dim3A_6 : vector<16xi32>
      %and3A_89 = arith.andi %ge3A_87, %lt3A_88 : vector<16xi1>
      %sub3A_90 = arith.subi %get3A_86, %broadcast_in_dim3A : vector<16xi32>
      %jit3A_91 = arith.constant 26624 : i32
      %broadcast_in_dim3A_92 = vector.broadcast %jit3A_91 : i32 to vector<16xi32>
      %select_n3A_93 = arith.select %and3A_89, %sub3A_90, %broadcast_in_dim3A_92 : vector<16xi1>, vector<16xi32>
      %swap3A_94 = arith.constant 32 : index
      %swap3A_95 = tpu.vector_load %arg9[%swap3A_94] {strides = array<i32>} : memref<128xi32, #tpu.memory_space<vmem>>, vector<16xi32>,
      %swap3A_96 = vector.shape_cast %swap3A_95 : vector<16xi32> to vector<16xi32>
      %swap3A_97 = vector.shape_cast %select_n3A_93 : vector<16xi32> to vector<16xi32>
      tpu.vector_store %arg9[%swap3A_94], %swap3A_97 {strides = array<i32>} : memref<128xi32, #tpu.memory_space<vmem>>, vector<16xi32>,
      %get3A_98 = arith.constant 48 : index
      %get3A_99 = tpu.vector_load %arg8[%get3A_98] {strides = array<i32>} : memref<128xi32, #tpu.memory_space<vmem>>, vector<16xi32>,
      %get3A_100 = vector.shape_cast %get3A_99 : vector<16xi32> to vector<16xi32>
      %ge3A_101 = arith.cmpi sge, %get3A_100, %broadcast_in_dim3A : vector<16xi32>
      %lt3A_102 = arith.cmpi slt, %get3A_100, %broadcast_in_dim3A_6 : vector<16xi32>
      %and3A_103 = arith.andi %ge3A_101, %lt3A_102 : vector<16xi1>
      %sub3A_104 = arith.subi %get3A_100, %broadcast_in_dim3A : vector<16xi32>
      %jit3A_105 = arith.constant 26624 : i32
      %broadcast_in_dim3A_106 = vector.broadcast %jit3A_105 : i32 to vector<16xi32>
      %select_n3A_107 = arith.select %and3A_103, %sub3A_104, %broadcast_in_dim3A_106 : vector<16xi1>, vector<16xi32>
      %swap3A_108 = arith.constant 48 : index
      %swap3A_109 = tpu.vector_load %arg9[%swap3A_108] {strides = array<i32>} : memref<128xi32, #tpu.memory_space<vmem>>, vector<16xi32>,
      %swap3A_110 = vector.shape_cast %swap3A_109 : vector<16xi32> to vector<16xi32>
      %swap3A_111 = vector.shape_cast %select_n3A_107 : vector<16xi32> to vector<16xi32>
      tpu.vector_store %arg9[%swap3A_108], %swap3A_111 {strides = array<i32>} : memref<128xi32, #tpu.memory_space<vmem>>, vector<16xi32>,
      %get3A_112 = arith.constant 64 : index
      %get3A_113 = tpu.vector_load %arg8[%get3A_112] {strides = array<i32>} : memref<128xi32, #tpu.memory_space<vmem>>, vector<16xi32>,
      %get3A_114 = vector.shape_cast %get3A_113 : vector<16xi32> to vector<16xi32>
      %ge3A_115 = arith.cmpi sge, %get3A_114, %broadcast_in_dim3A : vector<16xi32>
      %lt3A_116 = arith.cmpi slt, %get3A_114, %broadcast_in_dim3A_6 : vector<16xi32>
      %and3A_117 = arith.andi %ge3A_115, %lt3A_116 : vector<16xi1>
      %sub3A_118 = arith.subi %get3A_114, %broadcast_in_dim3A : vector<16xi32>
      %jit3A_119 = arith.constant 26624 : i32
      %broadcast_in_dim3A_120 = vector.broadcast %jit3A_119 : i32 to vector<16xi32>
      %select_n3A_121 = arith.select %and3A_117, %sub3A_118, %broadcast_in_dim3A_120 : vector<16xi1>, vector<16xi32>
      %swap3A_122 = arith.constant 64 : index
      %swap3A_123 = tpu.vector_load %arg9[%swap3A_122] {strides = array<i32>} : memref<128xi32, #tpu.memory_space<vmem>>, vector<16xi32>,
      %swap3A_124 = vector.shape_cast %swap3A_123 : vector<16xi32> to vector<16xi32>
      %swap3A_125 = vector.shape_cast %select_n3A_121 : vector<16xi32> to vector<16xi32>
      tpu.vector_store %arg9[%swap3A_122], %swap3A_125 {strides = array<i32>} : memref<128xi32, #tpu.memory_space<vmem>>, vector<16xi32>,
      %get3A_126 = arith.constant 80 : index
      %get3A_127 = tpu.vector_load %arg8[%get3A_126] {strides = array<i32>} : memref<128xi32, #tpu.memory_space<vmem>>, vector<16xi32>,
      %get3A_128 = vector.shape_cast %get3A_127 : vector<16xi32> to vector<16xi32>
      %ge3A_129 = arith.cmpi sge, %get3A_128, %broadcast_in_dim3A : vector<16xi32>
      %lt3A_130 = arith.cmpi slt, %get3A_128, %broadcast_in_dim3A_6 : vector<16xi32>
      %and3A_131 = arith.andi %ge3A_129, %lt3A_130 : vector<16xi1>
      %sub3A_132 = arith.subi %get3A_128, %broadcast_in_dim3A : vector<16xi32>
      %jit3A_133 = arith.constant 26624 : i32
      %broadcast_in_dim3A_134 = vector.broadcast %jit3A_133 : i32 to vector<16xi32>
      %select_n3A_135 = arith.select %and3A_131, %sub3A_132, %broadcast_in_dim3A_134 : vector<16xi1>, vector<16xi32>
      %swap3A_136 = arith.constant 80 : index
      %swap3A_137 = tpu.vector_load %arg9[%swap3A_136] {strides = array<i32>} : memref<128xi32, #tpu.memory_space<vmem>>, vector<16xi32>,
      %swap3A_138 = vector.shape_cast %swap3A_137 : vector<16xi32> to vector<16xi32>
      %swap3A_139 = vector.shape_cast %select_n3A_135 : vector<16xi32> to vector<16xi32>
      tpu.vector_store %arg9[%swap3A_136], %swap3A_139 {strides = array<i32>} : memref<128xi32, #tpu.memory_space<vmem>>, vector<16xi32>,
      %get3A_140 = arith.constant 96 : index
      %get3A_141 = tpu.vector_load %arg8[%get3A_140] {strides = array<i32>} : memref<128xi32, #tpu.memory_space<vmem>>, vector<16xi32>,
      %get3A_142 = vector.shape_cast %get3A_141 : vector<16xi32> to vector<16xi32>
      %ge3A_143 = arith.cmpi sge, %get3A_142, %broadcast_in_dim3A : vector<16xi32>
      %lt3A_144 = arith.cmpi slt, %get3A_142, %broadcast_in_dim3A_6 : vector<16xi32>
      %and3A_145 = arith.andi %ge3A_143, %lt3A_144 : vector<16xi1>
      %sub3A_146 = arith.subi %get3A_142, %broadcast_in_dim3A : vector<16xi32>
      %jit3A_147 = arith.constant 26624 : i32
      %broadcast_in_dim3A_148 = vector.broadcast %jit3A_147 : i32 to vector<16xi32>
      %select_n3A_149 = arith.select %and3A_145, %sub3A_146, %broadcast_in_dim3A_148 : vector<16xi1>, vector<16xi32>
      %swap3A_150 = arith.constant 96 : index
      %swap3A_151 = tpu.vector_load %arg9[%swap3A_150] {strides = array<i32>} : memref<128xi32, #tpu.memory_space<vmem>>, vector<16xi32>,
      %swap3A_152 = vector.shape_cast %swap3A_151 : vector<16xi32> to vector<16xi32>
      %swap3A_153 = vector.shape_cast %select_n3A_149 : vector<16xi32> to vector<16xi32>
      tpu.vector_store %arg9[%swap3A_150], %swap3A_153 {strides = array<i32>} : memref<128xi32, #tpu.memory_space<vmem>>, vector<16xi32>,
      %get3A_154 = arith.constant 112 : index
      %get3A_155 = tpu.vector_load %arg8[%get3A_154] {strides = array<i32>} : memref<128xi32, #tpu.memory_space<vmem>>, vector<16xi32>,
      %get3A_156 = vector.shape_cast %get3A_155 : vector<16xi32> to vector<16xi32>
      %ge3A_157 = arith.cmpi sge, %get3A_156, %broadcast_in_dim3A : vector<16xi32>
      %lt3A_158 = arith.cmpi slt, %get3A_156, %broadcast_in_dim3A_6 : vector<16xi32>
      %and3A_159 = arith.andi %ge3A_157, %lt3A_158 : vector<16xi1>
      %sub3A_160 = arith.subi %get3A_156, %broadcast_in_dim3A : vector<16xi32>
      %jit3A_161 = arith.constant 26624 : i32
      %broadcast_in_dim3A_162 = vector.broadcast %jit3A_161 : i32 to vector<16xi32>
      %select_n3A_163 = arith.select %and3A_159, %sub3A_160, %broadcast_in_dim3A_162 : vector<16xi1>, vector<16xi32>
      %swap3A_164 = arith.constant 112 : index
      %swap3A_165 = tpu.vector_load %arg9[%swap3A_164] {strides = array<i32>} : memref<128xi32, #tpu.memory_space<vmem>>, vector<16xi32>,
      %swap3A_166 = vector.shape_cast %swap3A_165 : vector<16xi32> to vector<16xi32>
      %swap3A_167 = vector.shape_cast %select_n3A_163 : vector<16xi32> to vector<16xi32>
      tpu.vector_store %arg9[%swap3A_164], %swap3A_167 {strides = array<i32>} : memref<128xi32, #tpu.memory_space<vmem>>, vector<16xi32>,
      "tpu.region"() ({
        %run_scoped3A = tpu.sem_alloc : memref<!tpu.dma_semaphore, #tpu.memory_space<semaphore_mem>>
        %dma_start3A = arith.constant 0 : i32
        %dma_start3A_168 = arith.constant 0 : i32
        %dma_start3A_169 = tpu.memref_slice %arg2[%dma_start3A, %dma_start3A_168] : memref<100000x64xf32, #tpu.memory_space<hbm>> -> memref<100000x64xf32, #tpu.memory_space<hbm>>
        tpu.enqueue_indirect_dma source(%dma_start3A_169 : memref<100000x64xf32, #tpu.memory_space<hbm>>) target(%arg10 : memref<128x64xf32, #tpu.memory_space<vmem>>) offsets(%arg7 : memref<128xi32, #tpu.memory_space<vmem>>) semaphore(%run_scoped3A : memref<!tpu.dma_semaphore, #tpu.memory_space<semaphore_mem>>)
        %dma_wait3A = arith.constant 0 : i32
        %dma_wait3A_170 = arith.constant 0 : i32
        %dma_wait3A_171 = tpu.memref_slice %arg2[%dma_wait3A, %dma_wait3A_170] : memref<100000x64xf32, #tpu.memory_space<hbm>> -> memref<100000x64xf32, #tpu.memory_space<hbm>>
        tpu.wait_indirect_dma semaphore(%run_scoped3A : memref<!tpu.dma_semaphore, #tpu.memory_space<semaphore_mem>>) src(%dma_wait3A_171 : memref<100000x64xf32, #tpu.memory_space<hbm>>) dst(%arg10 : memref<128x64xf32, #tpu.memory_space<vmem>>)
        tpu.yield
      }) : () -> ()
      "tpu.region"() ({
        %run_scoped3A = tpu.sem_alloc : memref<!tpu.dma_semaphore, #tpu.memory_space<semaphore_mem>>
        %dma_start3A = arith.constant 0 : i32
        %dma_start3A_168 = arith.constant 0 : i32
        %dma_start3A_169 = tpu.memref_slice %arg11[%dma_start3A, %dma_start3A_168] : memref<26632x64xf32, #tpu.memory_space<vmem_shared>> -> memref<26632x64xf32, #tpu.memory_space<vmem_shared>>
        tpu.enqueue_indirect_dma source(%arg10 : memref<128x64xf32, #tpu.memory_space<vmem>>) target(%dma_start3A_169 : memref<26632x64xf32, #tpu.memory_space<vmem_shared>>) offsets(%arg9 : memref<128xi32, #tpu.memory_space<vmem>>) semaphore(%run_scoped3A : memref<!tpu.dma_semaphore, #tpu.memory_space<semaphore_mem>>) {add = true}
        %dma_wait3A = arith.constant 0 : i32
        %dma_wait3A_170 = arith.constant 0 : i32
        %dma_wait3A_171 = tpu.memref_slice %arg11[%dma_wait3A, %dma_wait3A_170] : memref<26632x64xf32, #tpu.memory_space<vmem_shared>> -> memref<26632x64xf32, #tpu.memory_space<vmem_shared>>
        tpu.wait_indirect_dma semaphore(%run_scoped3A : memref<!tpu.dma_semaphore, #tpu.memory_space<semaphore_mem>>) src(%arg10 : memref<128x64xf32, #tpu.memory_space<vmem>>) dst(%dma_wait3A_171 : memref<26632x64xf32, #tpu.memory_space<vmem_shared>>)
        tpu.yield
      }) : () -> ()
    } else {
    }
    %barrier3A_19 = arith.constant 0 : index
    tpu.barrier barrier_id(%barrier3A_19)
    %mul3A_20 = arith.constant 1664 : i32
    %mul3A_21 = arith.muli %arg1, %mul3A_20 : i32
    %mul3A_22 = arith.constant 1664 : i32
    %mul3A_23 = arith.muli %arg1, %mul3A_22 : i32
    %add3A_24 = arith.addi %mul3A_3, %mul3A_23 : i32
    "tpu.region"() ({
      %run_scoped3A = tpu.sem_alloc : memref<!tpu.dma_semaphore, #tpu.memory_space<semaphore_mem>>
      %dma_start3A = arith.constant 0 : i32
      %dma_start3A_59 = tpu.memref_slice %arg6[%add3A_24, %dma_start3A] : memref<106496x64xf32, #tpu.memory_space<hbm>> -> memref<1664x64xf32, #tpu.memory_space<hbm>>
      %dma_start3A_60 = arith.constant 0 : i32
      %dma_start3A_61 = tpu.memref_slice %arg11[%mul3A_21, %dma_start3A_60] : memref<26632x64xf32, #tpu.memory_space<vmem_shared>> -> memref<1664x64xf32, #tpu.memory_space<vmem_shared>>
      tpu.enqueue_dma source(%dma_start3A_61 : memref<1664x64xf32, #tpu.memory_space<vmem_shared>>) target(%dma_start3A_59 : memref<1664x64xf32, #tpu.memory_space<hbm>>) target_semaphore(%run_scoped3A : memref<!tpu.dma_semaphore, #tpu.memory_space<semaphore_mem>>)
      %dma_wait3A = arith.constant 0 : i32
      %dma_wait3A_62 = tpu.memref_slice %arg6[%add3A_24, %dma_wait3A] : memref<106496x64xf32, #tpu.memory_space<hbm>> -> memref<1664x64xf32, #tpu.memory_space<hbm>>
      %dma_wait3A_63 = arith.constant 0 : i32
      %dma_wait3A_64 = tpu.memref_slice %arg11[%mul3A_21, %dma_wait3A_63] : memref<26632x64xf32, #tpu.memory_space<vmem_shared>> -> memref<1664x64xf32, #tpu.memory_space<vmem_shared>>
      tpu.wait_dma2 semaphore(%run_scoped3A : memref<!tpu.dma_semaphore, #tpu.memory_space<semaphore_mem>>) src(%dma_wait3A_64 : memref<1664x64xf32, #tpu.memory_space<vmem_shared>>) dst(%dma_wait3A_62 : memref<1664x64xf32, #tpu.memory_space<hbm>>)
      tpu.yield
    }) : () -> ()
    %mul3A_25 = arith.constant 2 : i32
    %mul3A_26 = arith.muli %mul3A_25, %arg0 : i32
    %add3A_27 = arith.constant 1 : i32
    %add3A_28 = arith.addi %mul3A_26, %add3A_27 : i32
    %mul3A_29 = arith.constant 26624 : i32
    %mul3A_30 = arith.muli %add3A_28, %mul3A_29 : i32
    %broadcast_in_dim3A_31 = vector.broadcast %mul3A_30 : i32 to vector<16xi32>
    %add3A_32 = arith.constant 26624 : i32
    %add3A_33 = arith.addi %mul3A_30, %add3A_32 : i32
    %broadcast_in_dim3A_34 = vector.broadcast %add3A_33 : i32 to vector<16xi32>
    %mul3A_35 = arith.constant 1664 : i32
    %mul3A_36 = arith.muli %arg1, %mul3A_35 : i32
    "tpu.region"() ({
      %run_scoped3A = tpu.sem_alloc : memref<!tpu.dma_semaphore, #tpu.memory_space<semaphore_mem>>
      %dma_start3A = arith.constant 0 : i32
      %dma_start3A_59 = tpu.memref_slice %arg11[%mul3A_36, %dma_start3A] : memref<26632x64xf32, #tpu.memory_space<vmem_shared>> -> memref<1664x64xf32, #tpu.memory_space<vmem_shared>>
      tpu.enqueue_dma source(%arg5 : memref<1664x64xf32, #tpu.memory_space<hbm>>) target(%dma_start3A_59 : memref<1664x64xf32, #tpu.memory_space<vmem_shared>>) target_semaphore(%run_scoped3A : memref<!tpu.dma_semaphore, #tpu.memory_space<semaphore_mem>>)
      %dma_wait3A = arith.constant 0 : i32
      %dma_wait3A_60 = tpu.memref_slice %arg11[%mul3A_36, %dma_wait3A] : memref<26632x64xf32, #tpu.memory_space<vmem_shared>> -> memref<1664x64xf32, #tpu.memory_space<vmem_shared>>
      tpu.wait_dma2 semaphore(%run_scoped3A : memref<!tpu.dma_semaphore, #tpu.memory_space<semaphore_mem>>) src(%arg5 : memref<1664x64xf32, #tpu.memory_space<hbm>>) dst(%dma_wait3A_60 : memref<1664x64xf32, #tpu.memory_space<vmem_shared>>)
      tpu.yield
    }) : () -> ()
    %eq3A_37 = arith.constant 0 : i32
    %eq3A_38 = arith.cmpi eq, %arg1, %eq3A_37 : i32
    %convert_element_type3A_39 = arith.extui %eq3A_38 : i1 to i32
    %cond3A_40 = arith.constant 0 : i32
    %cond3A_41 = arith.cmpi ne, %convert_element_type3A_39, %cond3A_40 : i32
    scf.if %cond3A_41 {
      "tpu.region"() ({
        %run_scoped3A = tpu.sem_alloc : memref<!tpu.dma_semaphore, #tpu.memory_space<semaphore_mem>>
        %dma_start3A = arith.constant 26624 : i32
        %dma_start3A_59 = arith.constant 0 : i32
        %dma_start3A_60 = tpu.memref_slice %arg11[%dma_start3A, %dma_start3A_59] : memref<26632x64xf32, #tpu.memory_space<vmem_shared>> -> memref<8x64xf32, #tpu.memory_space<vmem_shared>>
        %dma_start3A_61 = arith.constant 0 : i32
        %dma_start3A_62 = arith.constant 0 : i32
        %dma_start3A_63 = tpu.memref_slice %arg5[%dma_start3A_61, %dma_start3A_62] : memref<1664x64xf32, #tpu.memory_space<hbm>> -> memref<8x64xf32, #tpu.memory_space<hbm>>
        tpu.enqueue_dma source(%dma_start3A_63 : memref<8x64xf32, #tpu.memory_space<hbm>>) target(%dma_start3A_60 : memref<8x64xf32, #tpu.memory_space<vmem_shared>>) target_semaphore(%run_scoped3A : memref<!tpu.dma_semaphore, #tpu.memory_space<semaphore_mem>>)
        %dma_wait3A = arith.constant 26624 : i32
        %dma_wait3A_64 = arith.constant 0 : i32
        %dma_wait3A_65 = tpu.memref_slice %arg11[%dma_wait3A, %dma_wait3A_64] : memref<26632x64xf32, #tpu.memory_space<vmem_shared>> -> memref<8x64xf32, #tpu.memory_space<vmem_shared>>
        %dma_wait3A_66 = arith.constant 0 : i32
        %dma_wait3A_67 = arith.constant 0 : i32
        %dma_wait3A_68 = tpu.memref_slice %arg5[%dma_wait3A_66, %dma_wait3A_67] : memref<1664x64xf32, #tpu.memory_space<hbm>> -> memref<8x64xf32, #tpu.memory_space<hbm>>
        tpu.wait_dma2 semaphore(%run_scoped3A : memref<!tpu.dma_semaphore, #tpu.memory_space<semaphore_mem>>) src(%dma_wait3A_68 : memref<8x64xf32, #tpu.memory_space<hbm>>) dst(%dma_wait3A_65 : memref<8x64xf32, #tpu.memory_space<vmem_shared>>)
        tpu.yield
      }) : () -> ()
    } else {
    }
    %barrier3A_42 = arith.constant 0 : index
    tpu.barrier barrier_id(%barrier3A_42)
    %scan3A_43 = arith.constant 0 : i32
    %scan3A_44 = arith.constant 781 : i32
    %scan3A_45 = arith.addi %scan3A_43, %scan3A_44 : i32
    %scan3A_46 = arith.constant 1 : i32
    scf.for %scan3A_59 = %scan3A_43 to %scan3A_45 step %scan3A_46  : i32 {
      %mul3A_60 = arith.constant 1 : i32
      %mul3A_61 = arith.muli %scan3A_59, %mul3A_60 : i32
      %add3A_62 = arith.constant 0 : i32
      %add3A_63 = arith.addi %add3A_62, %mul3A_61 : i32
      %mul3A_64 = arith.constant 781 : i32
      %mul3A_65 = arith.muli %arg1, %mul3A_64 : i32
      %add3A_66 = arith.addi %mul3A_65, %add3A_63 : i32
      %mul3A_67 = arith.constant 128 : i32
      %mul3A_68 = arith.muli %add3A_66, %mul3A_67 : i32
      "tpu.region"() ({
        %run_scoped3A = tpu.sem_alloc : memref<!tpu.dma_semaphore, #tpu.memory_space<semaphore_mem>>
        %dma_start3A = tpu.memref_slice %arg4[%mul3A_68] : memref<1600000xi32, #tpu.memory_space<hbm>> -> memref<128xi32, #tpu.memory_space<hbm>>
        %dma_start3A_174 = tpu.memref_slice %arg4[%mul3A_68] : memref<1600000xi32, #tpu.memory_space<hbm>> -> memref<128xi32, #tpu.memory_space<hbm>>
        tpu.enqueue_dma source(%dma_start3A_174 : memref<128xi32, #tpu.memory_space<hbm>>) target(%arg8 : memref<128xi32, #tpu.memory_space<vmem>>) target_semaphore(%run_scoped3A : memref<!tpu.dma_semaphore, #tpu.memory_space<semaphore_mem>>)
        %dma_wait3A = tpu.memref_slice %arg4[%mul3A_68] : memref<1600000xi32, #tpu.memory_space<hbm>> -> memref<128xi32, #tpu.memory_space<hbm>>
        %dma_wait3A_175 = tpu.memref_slice %arg4[%mul3A_68] : memref<1600000xi32, #tpu.memory_space<hbm>> -> memref<128xi32, #tpu.memory_space<hbm>>
        tpu.wait_dma2 semaphore(%run_scoped3A : memref<!tpu.dma_semaphore, #tpu.memory_space<semaphore_mem>>) src(%dma_wait3A_175 : memref<128xi32, #tpu.memory_space<hbm>>) dst(%arg8 : memref<128xi32, #tpu.memory_space<vmem>>)
        tpu.yield
      }) : () -> ()
      "tpu.region"() ({
        %run_scoped3A = tpu.sem_alloc : memref<!tpu.dma_semaphore, #tpu.memory_space<semaphore_mem>>
        %dma_start3A = tpu.memref_slice %arg3[%mul3A_68] : memref<1600000xi32, #tpu.memory_space<hbm>> -> memref<128xi32, #tpu.memory_space<hbm>>
        %dma_start3A_174 = tpu.memref_slice %arg3[%mul3A_68] : memref<1600000xi32, #tpu.memory_space<hbm>> -> memref<128xi32, #tpu.memory_space<hbm>>
        tpu.enqueue_dma source(%dma_start3A_174 : memref<128xi32, #tpu.memory_space<hbm>>) target(%arg7 : memref<128xi32, #tpu.memory_space<vmem>>) target_semaphore(%run_scoped3A : memref<!tpu.dma_semaphore, #tpu.memory_space<semaphore_mem>>)
        %dma_wait3A = tpu.memref_slice %arg3[%mul3A_68] : memref<1600000xi32, #tpu.memory_space<hbm>> -> memref<128xi32, #tpu.memory_space<hbm>>
        %dma_wait3A_175 = tpu.memref_slice %arg3[%mul3A_68] : memref<1600000xi32, #tpu.memory_space<hbm>> -> memref<128xi32, #tpu.memory_space<hbm>>
        tpu.wait_dma2 semaphore(%run_scoped3A : memref<!tpu.dma_semaphore, #tpu.memory_space<semaphore_mem>>) src(%dma_wait3A_175 : memref<128xi32, #tpu.memory_space<hbm>>) dst(%arg7 : memref<128xi32, #tpu.memory_space<vmem>>)
        tpu.yield
      }) : () -> ()
      %get3A = arith.constant 0 : index
      %get3A_69 = tpu.vector_load %arg8[%get3A] {strides = array<i32>} : memref<128xi32, #tpu.memory_space<vmem>>, vector<16xi32>,
      %get3A_70 = vector.shape_cast %get3A_69 : vector<16xi32> to vector<16xi32>
      %ge3A = arith.cmpi sge, %get3A_70, %broadcast_in_dim3A_31 : vector<16xi32>
      %lt3A_71 = arith.cmpi slt, %get3A_70, %broadcast_in_dim3A_34 : vector<16xi32>
      %and3A = arith.andi %ge3A, %lt3A_71 : vector<16xi1>
      %sub3A = arith.subi %get3A_70, %broadcast_in_dim3A_31 : vector<16xi32>
      %jit3A = arith.constant 26624 : i32
      %broadcast_in_dim3A_72 = vector.broadcast %jit3A : i32 to vector<16xi32>
      %select_n3A = arith.select %and3A, %sub3A, %broadcast_in_dim3A_72 : vector<16xi1>, vector<16xi32>
      %swap3A = arith.constant 0 : index
      %swap3A_73 = tpu.vector_load %arg9[%swap3A] {strides = array<i32>} : memref<128xi32, #tpu.memory_space<vmem>>, vector<16xi32>,
      %swap3A_74 = vector.shape_cast %swap3A_73 : vector<16xi32> to vector<16xi32>
      %swap3A_75 = vector.shape_cast %select_n3A : vector<16xi32> to vector<16xi32>
      tpu.vector_store %arg9[%swap3A], %swap3A_75 {strides = array<i32>} : memref<128xi32, #tpu.memory_space<vmem>>, vector<16xi32>,
      %get3A_76 = arith.constant 16 : index
      %get3A_77 = tpu.vector_load %arg8[%get3A_76] {strides = array<i32>} : memref<128xi32, #tpu.memory_space<vmem>>, vector<16xi32>,
      %get3A_78 = vector.shape_cast %get3A_77 : vector<16xi32> to vector<16xi32>
      %ge3A_79 = arith.cmpi sge, %get3A_78, %broadcast_in_dim3A_31 : vector<16xi32>
      %lt3A_80 = arith.cmpi slt, %get3A_78, %broadcast_in_dim3A_34 : vector<16xi32>
      %and3A_81 = arith.andi %ge3A_79, %lt3A_80 : vector<16xi1>
      %sub3A_82 = arith.subi %get3A_78, %broadcast_in_dim3A_31 : vector<16xi32>
      %jit3A_83 = arith.constant 26624 : i32
      %broadcast_in_dim3A_84 = vector.broadcast %jit3A_83 : i32 to vector<16xi32>
      %select_n3A_85 = arith.select %and3A_81, %sub3A_82, %broadcast_in_dim3A_84 : vector<16xi1>, vector<16xi32>
      %swap3A_86 = arith.constant 16 : index
      %swap3A_87 = tpu.vector_load %arg9[%swap3A_86] {strides = array<i32>} : memref<128xi32, #tpu.memory_space<vmem>>, vector<16xi32>,
      %swap3A_88 = vector.shape_cast %swap3A_87 : vector<16xi32> to vector<16xi32>
      %swap3A_89 = vector.shape_cast %select_n3A_85 : vector<16xi32> to vector<16xi32>
      tpu.vector_store %arg9[%swap3A_86], %swap3A_89 {strides = array<i32>} : memref<128xi32, #tpu.memory_space<vmem>>, vector<16xi32>,
      %get3A_90 = arith.constant 32 : index
      %get3A_91 = tpu.vector_load %arg8[%get3A_90] {strides = array<i32>} : memref<128xi32, #tpu.memory_space<vmem>>, vector<16xi32>,
      %get3A_92 = vector.shape_cast %get3A_91 : vector<16xi32> to vector<16xi32>
      %ge3A_93 = arith.cmpi sge, %get3A_92, %broadcast_in_dim3A_31 : vector<16xi32>
      %lt3A_94 = arith.cmpi slt, %get3A_92, %broadcast_in_dim3A_34 : vector<16xi32>
      %and3A_95 = arith.andi %ge3A_93, %lt3A_94 : vector<16xi1>
      %sub3A_96 = arith.subi %get3A_92, %broadcast_in_dim3A_31 : vector<16xi32>
      %jit3A_97 = arith.constant 26624 : i32
      %broadcast_in_dim3A_98 = vector.broadcast %jit3A_97 : i32 to vector<16xi32>
      %select_n3A_99 = arith.select %and3A_95, %sub3A_96, %broadcast_in_dim3A_98 : vector<16xi1>, vector<16xi32>
      %swap3A_100 = arith.constant 32 : index
      %swap3A_101 = tpu.vector_load %arg9[%swap3A_100] {strides = array<i32>} : memref<128xi32, #tpu.memory_space<vmem>>, vector<16xi32>,
      %swap3A_102 = vector.shape_cast %swap3A_101 : vector<16xi32> to vector<16xi32>
      %swap3A_103 = vector.shape_cast %select_n3A_99 : vector<16xi32> to vector<16xi32>
      tpu.vector_store %arg9[%swap3A_100], %swap3A_103 {strides = array<i32>} : memref<128xi32, #tpu.memory_space<vmem>>, vector<16xi32>,
      %get3A_104 = arith.constant 48 : index
      %get3A_105 = tpu.vector_load %arg8[%get3A_104] {strides = array<i32>} : memref<128xi32, #tpu.memory_space<vmem>>, vector<16xi32>,
      %get3A_106 = vector.shape_cast %get3A_105 : vector<16xi32> to vector<16xi32>
      %ge3A_107 = arith.cmpi sge, %get3A_106, %broadcast_in_dim3A_31 : vector<16xi32>
      %lt3A_108 = arith.cmpi slt, %get3A_106, %broadcast_in_dim3A_34 : vector<16xi32>
      %and3A_109 = arith.andi %ge3A_107, %lt3A_108 : vector<16xi1>
      %sub3A_110 = arith.subi %get3A_106, %broadcast_in_dim3A_31 : vector<16xi32>
      %jit3A_111 = arith.constant 26624 : i32
      %broadcast_in_dim3A_112 = vector.broadcast %jit3A_111 : i32 to vector<16xi32>
      %select_n3A_113 = arith.select %and3A_109, %sub3A_110, %broadcast_in_dim3A_112 : vector<16xi1>, vector<16xi32>
      %swap3A_114 = arith.constant 48 : index
      %swap3A_115 = tpu.vector_load %arg9[%swap3A_114] {strides = array<i32>} : memref<128xi32, #tpu.memory_space<vmem>>, vector<16xi32>,
      %swap3A_116 = vector.shape_cast %swap3A_115 : vector<16xi32> to vector<16xi32>
      %swap3A_117 = vector.shape_cast %select_n3A_113 : vector<16xi32> to vector<16xi32>
      tpu.vector_store %arg9[%swap3A_114], %swap3A_117 {strides = array<i32>} : memref<128xi32, #tpu.memory_space<vmem>>, vector<16xi32>,
      %get3A_118 = arith.constant 64 : index
      %get3A_119 = tpu.vector_load %arg8[%get3A_118] {strides = array<i32>} : memref<128xi32, #tpu.memory_space<vmem>>, vector<16xi32>,
      %get3A_120 = vector.shape_cast %get3A_119 : vector<16xi32> to vector<16xi32>
      %ge3A_121 = arith.cmpi sge, %get3A_120, %broadcast_in_dim3A_31 : vector<16xi32>
      %lt3A_122 = arith.cmpi slt, %get3A_120, %broadcast_in_dim3A_34 : vector<16xi32>
      %and3A_123 = arith.andi %ge3A_121, %lt3A_122 : vector<16xi1>
      %sub3A_124 = arith.subi %get3A_120, %broadcast_in_dim3A_31 : vector<16xi32>
      %jit3A_125 = arith.constant 26624 : i32
      %broadcast_in_dim3A_126 = vector.broadcast %jit3A_125 : i32 to vector<16xi32>
      %select_n3A_127 = arith.select %and3A_123, %sub3A_124, %broadcast_in_dim3A_126 : vector<16xi1>, vector<16xi32>
      %swap3A_128 = arith.constant 64 : index
      %swap3A_129 = tpu.vector_load %arg9[%swap3A_128] {strides = array<i32>} : memref<128xi32, #tpu.memory_space<vmem>>, vector<16xi32>,
      %swap3A_130 = vector.shape_cast %swap3A_129 : vector<16xi32> to vector<16xi32>
      %swap3A_131 = vector.shape_cast %select_n3A_127 : vector<16xi32> to vector<16xi32>
      tpu.vector_store %arg9[%swap3A_128], %swap3A_131 {strides = array<i32>} : memref<128xi32, #tpu.memory_space<vmem>>, vector<16xi32>,
      %get3A_132 = arith.constant 80 : index
      %get3A_133 = tpu.vector_load %arg8[%get3A_132] {strides = array<i32>} : memref<128xi32, #tpu.memory_space<vmem>>, vector<16xi32>,
      %get3A_134 = vector.shape_cast %get3A_133 : vector<16xi32> to vector<16xi32>
      %ge3A_135 = arith.cmpi sge, %get3A_134, %broadcast_in_dim3A_31 : vector<16xi32>
      %lt3A_136 = arith.cmpi slt, %get3A_134, %broadcast_in_dim3A_34 : vector<16xi32>
      %and3A_137 = arith.andi %ge3A_135, %lt3A_136 : vector<16xi1>
      %sub3A_138 = arith.subi %get3A_134, %broadcast_in_dim3A_31 : vector<16xi32>
      %jit3A_139 = arith.constant 26624 : i32
      %broadcast_in_dim3A_140 = vector.broadcast %jit3A_139 : i32 to vector<16xi32>
      %select_n3A_141 = arith.select %and3A_137, %sub3A_138, %broadcast_in_dim3A_140 : vector<16xi1>, vector<16xi32>
      %swap3A_142 = arith.constant 80 : index
      %swap3A_143 = tpu.vector_load %arg9[%swap3A_142] {strides = array<i32>} : memref<128xi32, #tpu.memory_space<vmem>>, vector<16xi32>,
      %swap3A_144 = vector.shape_cast %swap3A_143 : vector<16xi32> to vector<16xi32>
      %swap3A_145 = vector.shape_cast %select_n3A_141 : vector<16xi32> to vector<16xi32>
      tpu.vector_store %arg9[%swap3A_142], %swap3A_145 {strides = array<i32>} : memref<128xi32, #tpu.memory_space<vmem>>, vector<16xi32>,
      %get3A_146 = arith.constant 96 : index
      %get3A_147 = tpu.vector_load %arg8[%get3A_146] {strides = array<i32>} : memref<128xi32, #tpu.memory_space<vmem>>, vector<16xi32>,
      %get3A_148 = vector.shape_cast %get3A_147 : vector<16xi32> to vector<16xi32>
      %ge3A_149 = arith.cmpi sge, %get3A_148, %broadcast_in_dim3A_31 : vector<16xi32>
      %lt3A_150 = arith.cmpi slt, %get3A_148, %broadcast_in_dim3A_34 : vector<16xi32>
      %and3A_151 = arith.andi %ge3A_149, %lt3A_150 : vector<16xi1>
      %sub3A_152 = arith.subi %get3A_148, %broadcast_in_dim3A_31 : vector<16xi32>
      %jit3A_153 = arith.constant 26624 : i32
      %broadcast_in_dim3A_154 = vector.broadcast %jit3A_153 : i32 to vector<16xi32>
      %select_n3A_155 = arith.select %and3A_151, %sub3A_152, %broadcast_in_dim3A_154 : vector<16xi1>, vector<16xi32>
      %swap3A_156 = arith.constant 96 : index
      %swap3A_157 = tpu.vector_load %arg9[%swap3A_156] {strides = array<i32>} : memref<128xi32, #tpu.memory_space<vmem>>, vector<16xi32>,
      %swap3A_158 = vector.shape_cast %swap3A_157 : vector<16xi32> to vector<16xi32>
      %swap3A_159 = vector.shape_cast %select_n3A_155 : vector<16xi32> to vector<16xi32>
      tpu.vector_store %arg9[%swap3A_156], %swap3A_159 {strides = array<i32>} : memref<128xi32, #tpu.memory_space<vmem>>, vector<16xi32>,
      %get3A_160 = arith.constant 112 : index
      %get3A_161 = tpu.vector_load %arg8[%get3A_160] {strides = array<i32>} : memref<128xi32, #tpu.memory_space<vmem>>, vector<16xi32>,
      %get3A_162 = vector.shape_cast %get3A_161 : vector<16xi32> to vector<16xi32>
      %ge3A_163 = arith.cmpi sge, %get3A_162, %broadcast_in_dim3A_31 : vector<16xi32>
      %lt3A_164 = arith.cmpi slt, %get3A_162, %broadcast_in_dim3A_34 : vector<16xi32>
      %and3A_165 = arith.andi %ge3A_163, %lt3A_164 : vector<16xi1>
      %sub3A_166 = arith.subi %get3A_162, %broadcast_in_dim3A_31 : vector<16xi32>
      %jit3A_167 = arith.constant 26624 : i32
      %broadcast_in_dim3A_168 = vector.broadcast %jit3A_167 : i32 to vector<16xi32>
      %select_n3A_169 = arith.select %and3A_165, %sub3A_166, %broadcast_in_dim3A_168 : vector<16xi1>, vector<16xi32>
      %swap3A_170 = arith.constant 112 : index
      %swap3A_171 = tpu.vector_load %arg9[%swap3A_170] {strides = array<i32>} : memref<128xi32, #tpu.memory_space<vmem>>, vector<16xi32>,
      %swap3A_172 = vector.shape_cast %swap3A_171 : vector<16xi32> to vector<16xi32>
      %swap3A_173 = vector.shape_cast %select_n3A_169 : vector<16xi32> to vector<16xi32>
      tpu.vector_store %arg9[%swap3A_170], %swap3A_173 {strides = array<i32>} : memref<128xi32, #tpu.memory_space<vmem>>, vector<16xi32>,
      "tpu.region"() ({
        %run_scoped3A = tpu.sem_alloc : memref<!tpu.dma_semaphore, #tpu.memory_space<semaphore_mem>>
        %dma_start3A = arith.constant 0 : i32
        %dma_start3A_174 = arith.constant 0 : i32
        %dma_start3A_175 = tpu.memref_slice %arg2[%dma_start3A, %dma_start3A_174] : memref<100000x64xf32, #tpu.memory_space<hbm>> -> memref<100000x64xf32, #tpu.memory_space<hbm>>
        tpu.enqueue_indirect_dma source(%dma_start3A_175 : memref<100000x64xf32, #tpu.memory_space<hbm>>) target(%arg10 : memref<128x64xf32, #tpu.memory_space<vmem>>) offsets(%arg7 : memref<128xi32, #tpu.memory_space<vmem>>) semaphore(%run_scoped3A : memref<!tpu.dma_semaphore, #tpu.memory_space<semaphore_mem>>)
        %dma_wait3A = arith.constant 0 : i32
        %dma_wait3A_176 = arith.constant 0 : i32
        %dma_wait3A_177 = tpu.memref_slice %arg2[%dma_wait3A, %dma_wait3A_176] : memref<100000x64xf32, #tpu.memory_space<hbm>> -> memref<100000x64xf32, #tpu.memory_space<hbm>>
        tpu.wait_indirect_dma semaphore(%run_scoped3A : memref<!tpu.dma_semaphore, #tpu.memory_space<semaphore_mem>>) src(%dma_wait3A_177 : memref<100000x64xf32, #tpu.memory_space<hbm>>) dst(%arg10 : memref<128x64xf32, #tpu.memory_space<vmem>>)
        tpu.yield
      }) : () -> ()
      "tpu.region"() ({
        %run_scoped3A = tpu.sem_alloc : memref<!tpu.dma_semaphore, #tpu.memory_space<semaphore_mem>>
        %dma_start3A = arith.constant 0 : i32
        %dma_start3A_174 = arith.constant 0 : i32
        %dma_start3A_175 = tpu.memref_slice %arg11[%dma_start3A, %dma_start3A_174] : memref<26632x64xf32, #tpu.memory_space<vmem_shared>> -> memref<26632x64xf32, #tpu.memory_space<vmem_shared>>
        tpu.enqueue_indirect_dma source(%arg10 : memref<128x64xf32, #tpu.memory_space<vmem>>) target(%dma_start3A_175 : memref<26632x64xf32, #tpu.memory_space<vmem_shared>>) offsets(%arg9 : memref<128xi32, #tpu.memory_space<vmem>>) semaphore(%run_scoped3A : memref<!tpu.dma_semaphore, #tpu.memory_space<semaphore_mem>>) {add = true}
        %dma_wait3A = arith.constant 0 : i32
        %dma_wait3A_176 = arith.constant 0 : i32
        %dma_wait3A_177 = tpu.memref_slice %arg11[%dma_wait3A, %dma_wait3A_176] : memref<26632x64xf32, #tpu.memory_space<vmem_shared>> -> memref<26632x64xf32, #tpu.memory_space<vmem_shared>>
        tpu.wait_indirect_dma semaphore(%run_scoped3A : memref<!tpu.dma_semaphore, #tpu.memory_space<semaphore_mem>>) src(%arg10 : memref<128x64xf32, #tpu.memory_space<vmem>>) dst(%dma_wait3A_177 : memref<26632x64xf32, #tpu.memory_space<vmem_shared>>)
        tpu.yield
      }) : () -> ()
    }
    %scan3A_47 = arith.constant 781 : i32
    %lt3A_48 = arith.constant 4 : i32
    %lt3A_49 = arith.cmpi slt, %arg1, %lt3A_48 : i32
    %convert_element_type3A_50 = arith.extui %lt3A_49 : i1 to i32
    %cond3A_51 = arith.constant 0 : i32
    %cond3A_52 = arith.cmpi ne, %convert_element_type3A_50, %cond3A_51 : i32
    scf.if %cond3A_52 {
      %add3A_59 = arith.constant 12496 : i32
      %add3A_60 = arith.addi %add3A_59, %arg1 : i32
      %mul3A_61 = arith.constant 128 : i32
      %mul3A_62 = arith.muli %add3A_60, %mul3A_61 : i32
      "tpu.region"() ({
        %run_scoped3A = tpu.sem_alloc : memref<!tpu.dma_semaphore, #tpu.memory_space<semaphore_mem>>
        %dma_start3A = tpu.memref_slice %arg4[%mul3A_62] : memref<1600000xi32, #tpu.memory_space<hbm>> -> memref<128xi32, #tpu.memory_space<hbm>>
        %dma_start3A_168 = tpu.memref_slice %arg4[%mul3A_62] : memref<1600000xi32, #tpu.memory_space<hbm>> -> memref<128xi32, #tpu.memory_space<hbm>>
        tpu.enqueue_dma source(%dma_start3A_168 : memref<128xi32, #tpu.memory_space<hbm>>) target(%arg8 : memref<128xi32, #tpu.memory_space<vmem>>) target_semaphore(%run_scoped3A : memref<!tpu.dma_semaphore, #tpu.memory_space<semaphore_mem>>)
        %dma_wait3A = tpu.memref_slice %arg4[%mul3A_62] : memref<1600000xi32, #tpu.memory_space<hbm>> -> memref<128xi32, #tpu.memory_space<hbm>>
        %dma_wait3A_169 = tpu.memref_slice %arg4[%mul3A_62] : memref<1600000xi32, #tpu.memory_space<hbm>> -> memref<128xi32, #tpu.memory_space<hbm>>
        tpu.wait_dma2 semaphore(%run_scoped3A : memref<!tpu.dma_semaphore, #tpu.memory_space<semaphore_mem>>) src(%dma_wait3A_169 : memref<128xi32, #tpu.memory_space<hbm>>) dst(%arg8 : memref<128xi32, #tpu.memory_space<vmem>>)
        tpu.yield
      }) : () -> ()
      "tpu.region"() ({
        %run_scoped3A = tpu.sem_alloc : memref<!tpu.dma_semaphore, #tpu.memory_space<semaphore_mem>>
        %dma_start3A = tpu.memref_slice %arg3[%mul3A_62] : memref<1600000xi32, #tpu.memory_space<hbm>> -> memref<128xi32, #tpu.memory_space<hbm>>
        %dma_start3A_168 = tpu.memref_slice %arg3[%mul3A_62] : memref<1600000xi32, #tpu.memory_space<hbm>> -> memref<128xi32, #tpu.memory_space<hbm>>
        tpu.enqueue_dma source(%dma_start3A_168 : memref<128xi32, #tpu.memory_space<hbm>>) target(%arg7 : memref<128xi32, #tpu.memory_space<vmem>>) target_semaphore(%run_scoped3A : memref<!tpu.dma_semaphore, #tpu.memory_space<semaphore_mem>>)
        %dma_wait3A = tpu.memref_slice %arg3[%mul3A_62] : memref<1600000xi32, #tpu.memory_space<hbm>> -> memref<128xi32, #tpu.memory_space<hbm>>
        %dma_wait3A_169 = tpu.memref_slice %arg3[%mul3A_62] : memref<1600000xi32, #tpu.memory_space<hbm>> -> memref<128xi32, #tpu.memory_space<hbm>>
        tpu.wait_dma2 semaphore(%run_scoped3A : memref<!tpu.dma_semaphore, #tpu.memory_space<semaphore_mem>>) src(%dma_wait3A_169 : memref<128xi32, #tpu.memory_space<hbm>>) dst(%arg7 : memref<128xi32, #tpu.memory_space<vmem>>)
        tpu.yield
      }) : () -> ()
      %get3A = arith.constant 0 : index
      %get3A_63 = tpu.vector_load %arg8[%get3A] {strides = array<i32>} : memref<128xi32, #tpu.memory_space<vmem>>, vector<16xi32>,
      %get3A_64 = vector.shape_cast %get3A_63 : vector<16xi32> to vector<16xi32>
      %ge3A = arith.cmpi sge, %get3A_64, %broadcast_in_dim3A_31 : vector<16xi32>
      %lt3A_65 = arith.cmpi slt, %get3A_64, %broadcast_in_dim3A_34 : vector<16xi32>
      %and3A = arith.andi %ge3A, %lt3A_65 : vector<16xi1>
      %sub3A = arith.subi %get3A_64, %broadcast_in_dim3A_31 : vector<16xi32>
      %jit3A = arith.constant 26624 : i32
      %broadcast_in_dim3A_66 = vector.broadcast %jit3A : i32 to vector<16xi32>
      %select_n3A = arith.select %and3A, %sub3A, %broadcast_in_dim3A_66 : vector<16xi1>, vector<16xi32>
      %swap3A = arith.constant 0 : index
      %swap3A_67 = tpu.vector_load %arg9[%swap3A] {strides = array<i32>} : memref<128xi32, #tpu.memory_space<vmem>>, vector<16xi32>,
      %swap3A_68 = vector.shape_cast %swap3A_67 : vector<16xi32> to vector<16xi32>
      %swap3A_69 = vector.shape_cast %select_n3A : vector<16xi32> to vector<16xi32>
      tpu.vector_store %arg9[%swap3A], %swap3A_69 {strides = array<i32>} : memref<128xi32, #tpu.memory_space<vmem>>, vector<16xi32>,
      %get3A_70 = arith.constant 16 : index
      %get3A_71 = tpu.vector_load %arg8[%get3A_70] {strides = array<i32>} : memref<128xi32, #tpu.memory_space<vmem>>, vector<16xi32>,
      %get3A_72 = vector.shape_cast %get3A_71 : vector<16xi32> to vector<16xi32>
      %ge3A_73 = arith.cmpi sge, %get3A_72, %broadcast_in_dim3A_31 : vector<16xi32>
      %lt3A_74 = arith.cmpi slt, %get3A_72, %broadcast_in_dim3A_34 : vector<16xi32>
      %and3A_75 = arith.andi %ge3A_73, %lt3A_74 : vector<16xi1>
      %sub3A_76 = arith.subi %get3A_72, %broadcast_in_dim3A_31 : vector<16xi32>
      %jit3A_77 = arith.constant 26624 : i32
      %broadcast_in_dim3A_78 = vector.broadcast %jit3A_77 : i32 to vector<16xi32>
      %select_n3A_79 = arith.select %and3A_75, %sub3A_76, %broadcast_in_dim3A_78 : vector<16xi1>, vector<16xi32>
      %swap3A_80 = arith.constant 16 : index
      %swap3A_81 = tpu.vector_load %arg9[%swap3A_80] {strides = array<i32>} : memref<128xi32, #tpu.memory_space<vmem>>, vector<16xi32>,
      %swap3A_82 = vector.shape_cast %swap3A_81 : vector<16xi32> to vector<16xi32>
      %swap3A_83 = vector.shape_cast %select_n3A_79 : vector<16xi32> to vector<16xi32>
      tpu.vector_store %arg9[%swap3A_80], %swap3A_83 {strides = array<i32>} : memref<128xi32, #tpu.memory_space<vmem>>, vector<16xi32>,
      %get3A_84 = arith.constant 32 : index
      %get3A_85 = tpu.vector_load %arg8[%get3A_84] {strides = array<i32>} : memref<128xi32, #tpu.memory_space<vmem>>, vector<16xi32>,
      %get3A_86 = vector.shape_cast %get3A_85 : vector<16xi32> to vector<16xi32>
      %ge3A_87 = arith.cmpi sge, %get3A_86, %broadcast_in_dim3A_31 : vector<16xi32>
      %lt3A_88 = arith.cmpi slt, %get3A_86, %broadcast_in_dim3A_34 : vector<16xi32>
      %and3A_89 = arith.andi %ge3A_87, %lt3A_88 : vector<16xi1>
      %sub3A_90 = arith.subi %get3A_86, %broadcast_in_dim3A_31 : vector<16xi32>
      %jit3A_91 = arith.constant 26624 : i32
      %broadcast_in_dim3A_92 = vector.broadcast %jit3A_91 : i32 to vector<16xi32>
      %select_n3A_93 = arith.select %and3A_89, %sub3A_90, %broadcast_in_dim3A_92 : vector<16xi1>, vector<16xi32>
      %swap3A_94 = arith.constant 32 : index
      %swap3A_95 = tpu.vector_load %arg9[%swap3A_94] {strides = array<i32>} : memref<128xi32, #tpu.memory_space<vmem>>, vector<16xi32>,
      %swap3A_96 = vector.shape_cast %swap3A_95 : vector<16xi32> to vector<16xi32>
      %swap3A_97 = vector.shape_cast %select_n3A_93 : vector<16xi32> to vector<16xi32>
      tpu.vector_store %arg9[%swap3A_94], %swap3A_97 {strides = array<i32>} : memref<128xi32, #tpu.memory_space<vmem>>, vector<16xi32>,
      %get3A_98 = arith.constant 48 : index
      %get3A_99 = tpu.vector_load %arg8[%get3A_98] {strides = array<i32>} : memref<128xi32, #tpu.memory_space<vmem>>, vector<16xi32>,
      %get3A_100 = vector.shape_cast %get3A_99 : vector<16xi32> to vector<16xi32>
      %ge3A_101 = arith.cmpi sge, %get3A_100, %broadcast_in_dim3A_31 : vector<16xi32>
      %lt3A_102 = arith.cmpi slt, %get3A_100, %broadcast_in_dim3A_34 : vector<16xi32>
      %and3A_103 = arith.andi %ge3A_101, %lt3A_102 : vector<16xi1>
      %sub3A_104 = arith.subi %get3A_100, %broadcast_in_dim3A_31 : vector<16xi32>
      %jit3A_105 = arith.constant 26624 : i32
      %broadcast_in_dim3A_106 = vector.broadcast %jit3A_105 : i32 to vector<16xi32>
      %select_n3A_107 = arith.select %and3A_103, %sub3A_104, %broadcast_in_dim3A_106 : vector<16xi1>, vector<16xi32>
      %swap3A_108 = arith.constant 48 : index
      %swap3A_109 = tpu.vector_load %arg9[%swap3A_108] {strides = array<i32>} : memref<128xi32, #tpu.memory_space<vmem>>, vector<16xi32>,
      %swap3A_110 = vector.shape_cast %swap3A_109 : vector<16xi32> to vector<16xi32>
      %swap3A_111 = vector.shape_cast %select_n3A_107 : vector<16xi32> to vector<16xi32>
      tpu.vector_store %arg9[%swap3A_108], %swap3A_111 {strides = array<i32>} : memref<128xi32, #tpu.memory_space<vmem>>, vector<16xi32>,
      %get3A_112 = arith.constant 64 : index
      %get3A_113 = tpu.vector_load %arg8[%get3A_112] {strides = array<i32>} : memref<128xi32, #tpu.memory_space<vmem>>, vector<16xi32>,
      %get3A_114 = vector.shape_cast %get3A_113 : vector<16xi32> to vector<16xi32>
      %ge3A_115 = arith.cmpi sge, %get3A_114, %broadcast_in_dim3A_31 : vector<16xi32>
      %lt3A_116 = arith.cmpi slt, %get3A_114, %broadcast_in_dim3A_34 : vector<16xi32>
      %and3A_117 = arith.andi %ge3A_115, %lt3A_116 : vector<16xi1>
      %sub3A_118 = arith.subi %get3A_114, %broadcast_in_dim3A_31 : vector<16xi32>
      %jit3A_119 = arith.constant 26624 : i32
      %broadcast_in_dim3A_120 = vector.broadcast %jit3A_119 : i32 to vector<16xi32>
      %select_n3A_121 = arith.select %and3A_117, %sub3A_118, %broadcast_in_dim3A_120 : vector<16xi1>, vector<16xi32>
      %swap3A_122 = arith.constant 64 : index
      %swap3A_123 = tpu.vector_load %arg9[%swap3A_122] {strides = array<i32>} : memref<128xi32, #tpu.memory_space<vmem>>, vector<16xi32>,
      %swap3A_124 = vector.shape_cast %swap3A_123 : vector<16xi32> to vector<16xi32>
      %swap3A_125 = vector.shape_cast %select_n3A_121 : vector<16xi32> to vector<16xi32>
      tpu.vector_store %arg9[%swap3A_122], %swap3A_125 {strides = array<i32>} : memref<128xi32, #tpu.memory_space<vmem>>, vector<16xi32>,
      %get3A_126 = arith.constant 80 : index
      %get3A_127 = tpu.vector_load %arg8[%get3A_126] {strides = array<i32>} : memref<128xi32, #tpu.memory_space<vmem>>, vector<16xi32>,
      %get3A_128 = vector.shape_cast %get3A_127 : vector<16xi32> to vector<16xi32>
      %ge3A_129 = arith.cmpi sge, %get3A_128, %broadcast_in_dim3A_31 : vector<16xi32>
      %lt3A_130 = arith.cmpi slt, %get3A_128, %broadcast_in_dim3A_34 : vector<16xi32>
      %and3A_131 = arith.andi %ge3A_129, %lt3A_130 : vector<16xi1>
      %sub3A_132 = arith.subi %get3A_128, %broadcast_in_dim3A_31 : vector<16xi32>
      %jit3A_133 = arith.constant 26624 : i32
      %broadcast_in_dim3A_134 = vector.broadcast %jit3A_133 : i32 to vector<16xi32>
      %select_n3A_135 = arith.select %and3A_131, %sub3A_132, %broadcast_in_dim3A_134 : vector<16xi1>, vector<16xi32>
      %swap3A_136 = arith.constant 80 : index
      %swap3A_137 = tpu.vector_load %arg9[%swap3A_136] {strides = array<i32>} : memref<128xi32, #tpu.memory_space<vmem>>, vector<16xi32>,
      %swap3A_138 = vector.shape_cast %swap3A_137 : vector<16xi32> to vector<16xi32>
      %swap3A_139 = vector.shape_cast %select_n3A_135 : vector<16xi32> to vector<16xi32>
      tpu.vector_store %arg9[%swap3A_136], %swap3A_139 {strides = array<i32>} : memref<128xi32, #tpu.memory_space<vmem>>, vector<16xi32>,
      %get3A_140 = arith.constant 96 : index
      %get3A_141 = tpu.vector_load %arg8[%get3A_140] {strides = array<i32>} : memref<128xi32, #tpu.memory_space<vmem>>, vector<16xi32>,
      %get3A_142 = vector.shape_cast %get3A_141 : vector<16xi32> to vector<16xi32>
      %ge3A_143 = arith.cmpi sge, %get3A_142, %broadcast_in_dim3A_31 : vector<16xi32>
      %lt3A_144 = arith.cmpi slt, %get3A_142, %broadcast_in_dim3A_34 : vector<16xi32>
      %and3A_145 = arith.andi %ge3A_143, %lt3A_144 : vector<16xi1>
      %sub3A_146 = arith.subi %get3A_142, %broadcast_in_dim3A_31 : vector<16xi32>
      %jit3A_147 = arith.constant 26624 : i32
      %broadcast_in_dim3A_148 = vector.broadcast %jit3A_147 : i32 to vector<16xi32>
      %select_n3A_149 = arith.select %and3A_145, %sub3A_146, %broadcast_in_dim3A_148 : vector<16xi1>, vector<16xi32>
      %swap3A_150 = arith.constant 96 : index
      %swap3A_151 = tpu.vector_load %arg9[%swap3A_150] {strides = array<i32>} : memref<128xi32, #tpu.memory_space<vmem>>, vector<16xi32>,
      %swap3A_152 = vector.shape_cast %swap3A_151 : vector<16xi32> to vector<16xi32>
      %swap3A_153 = vector.shape_cast %select_n3A_149 : vector<16xi32> to vector<16xi32>
      tpu.vector_store %arg9[%swap3A_150], %swap3A_153 {strides = array<i32>} : memref<128xi32, #tpu.memory_space<vmem>>, vector<16xi32>,
      %get3A_154 = arith.constant 112 : index
      %get3A_155 = tpu.vector_load %arg8[%get3A_154] {strides = array<i32>} : memref<128xi32, #tpu.memory_space<vmem>>, vector<16xi32>,
      %get3A_156 = vector.shape_cast %get3A_155 : vector<16xi32> to vector<16xi32>
      %ge3A_157 = arith.cmpi sge, %get3A_156, %broadcast_in_dim3A_31 : vector<16xi32>
      %lt3A_158 = arith.cmpi slt, %get3A_156, %broadcast_in_dim3A_34 : vector<16xi32>
      %and3A_159 = arith.andi %ge3A_157, %lt3A_158 : vector<16xi1>
      %sub3A_160 = arith.subi %get3A_156, %broadcast_in_dim3A_31 : vector<16xi32>
      %jit3A_161 = arith.constant 26624 : i32
      %broadcast_in_dim3A_162 = vector.broadcast %jit3A_161 : i32 to vector<16xi32>
      %select_n3A_163 = arith.select %and3A_159, %sub3A_160, %broadcast_in_dim3A_162 : vector<16xi1>, vector<16xi32>
      %swap3A_164 = arith.constant 112 : index
      %swap3A_165 = tpu.vector_load %arg9[%swap3A_164] {strides = array<i32>} : memref<128xi32, #tpu.memory_space<vmem>>, vector<16xi32>,
      %swap3A_166 = vector.shape_cast %swap3A_165 : vector<16xi32> to vector<16xi32>
      %swap3A_167 = vector.shape_cast %select_n3A_163 : vector<16xi32> to vector<16xi32>
      tpu.vector_store %arg9[%swap3A_164], %swap3A_167 {strides = array<i32>} : memref<128xi32, #tpu.memory_space<vmem>>, vector<16xi32>,
      "tpu.region"() ({
        %run_scoped3A = tpu.sem_alloc : memref<!tpu.dma_semaphore, #tpu.memory_space<semaphore_mem>>
        %dma_start3A = arith.constant 0 : i32
        %dma_start3A_168 = arith.constant 0 : i32
        %dma_start3A_169 = tpu.memref_slice %arg2[%dma_start3A, %dma_start3A_168] : memref<100000x64xf32, #tpu.memory_space<hbm>> -> memref<100000x64xf32, #tpu.memory_space<hbm>>
        tpu.enqueue_indirect_dma source(%dma_start3A_169 : memref<100000x64xf32, #tpu.memory_space<hbm>>) target(%arg10 : memref<128x64xf32, #tpu.memory_space<vmem>>) offsets(%arg7 : memref<128xi32, #tpu.memory_space<vmem>>) semaphore(%run_scoped3A : memref<!tpu.dma_semaphore, #tpu.memory_space<semaphore_mem>>)
        %dma_wait3A = arith.constant 0 : i32
        %dma_wait3A_170 = arith.constant 0 : i32
        %dma_wait3A_171 = tpu.memref_slice %arg2[%dma_wait3A, %dma_wait3A_170] : memref<100000x64xf32, #tpu.memory_space<hbm>> -> memref<100000x64xf32, #tpu.memory_space<hbm>>
        tpu.wait_indirect_dma semaphore(%run_scoped3A : memref<!tpu.dma_semaphore, #tpu.memory_space<semaphore_mem>>) src(%dma_wait3A_171 : memref<100000x64xf32, #tpu.memory_space<hbm>>) dst(%arg10 : memref<128x64xf32, #tpu.memory_space<vmem>>)
        tpu.yield
      }) : () -> ()
      "tpu.region"() ({
        %run_scoped3A = tpu.sem_alloc : memref<!tpu.dma_semaphore, #tpu.memory_space<semaphore_mem>>
        %dma_start3A = arith.constant 0 : i32
        %dma_start3A_168 = arith.constant 0 : i32
        %dma_start3A_169 = tpu.memref_slice %arg11[%dma_start3A, %dma_start3A_168] : memref<26632x64xf32, #tpu.memory_space<vmem_shared>> -> memref<26632x64xf32, #tpu.memory_space<vmem_shared>>
        tpu.enqueue_indirect_dma source(%arg10 : memref<128x64xf32, #tpu.memory_space<vmem>>) target(%dma_start3A_169 : memref<26632x64xf32, #tpu.memory_space<vmem_shared>>) offsets(%arg9 : memref<128xi32, #tpu.memory_space<vmem>>) semaphore(%run_scoped3A : memref<!tpu.dma_semaphore, #tpu.memory_space<semaphore_mem>>) {add = true}
        %dma_wait3A = arith.constant 0 : i32
        %dma_wait3A_170 = arith.constant 0 : i32
        %dma_wait3A_171 = tpu.memref_slice %arg11[%dma_wait3A, %dma_wait3A_170] : memref<26632x64xf32, #tpu.memory_space<vmem_shared>> -> memref<26632x64xf32, #tpu.memory_space<vmem_shared>>
        tpu.wait_indirect_dma semaphore(%run_scoped3A : memref<!tpu.dma_semaphore, #tpu.memory_space<semaphore_mem>>) src(%arg10 : memref<128x64xf32, #tpu.memory_space<vmem>>) dst(%dma_wait3A_171 : memref<26632x64xf32, #tpu.memory_space<vmem_shared>>)
        tpu.yield
      }) : () -> ()
    } else {
    }
    %barrier3A_53 = arith.constant 0 : index
    tpu.barrier barrier_id(%barrier3A_53)
    %mul3A_54 = arith.constant 1664 : i32
    %mul3A_55 = arith.muli %arg1, %mul3A_54 : i32
    %mul3A_56 = arith.constant 1664 : i32
    %mul3A_57 = arith.muli %arg1, %mul3A_56 : i32
    %add3A_58 = arith.addi %mul3A_30, %mul3A_57 : i32
    "tpu.region"() ({
      %run_scoped3A = tpu.sem_alloc : memref<!tpu.dma_semaphore, #tpu.memory_space<semaphore_mem>>
      %dma_start3A = arith.constant 0 : i32
      %dma_start3A_59 = tpu.memref_slice %arg6[%add3A_58, %dma_start3A] : memref<106496x64xf32, #tpu.memory_space<hbm>> -> memref<1664x64xf32, #tpu.memory_space<hbm>>
      %dma_start3A_60 = arith.constant 0 : i32
      %dma_start3A_61 = tpu.memref_slice %arg11[%mul3A_55, %dma_start3A_60] : memref<26632x64xf32, #tpu.memory_space<vmem_shared>> -> memref<1664x64xf32, #tpu.memory_space<vmem_shared>>
      tpu.enqueue_dma source(%dma_start3A_61 : memref<1664x64xf32, #tpu.memory_space<vmem_shared>>) target(%dma_start3A_59 : memref<1664x64xf32, #tpu.memory_space<hbm>>) target_semaphore(%run_scoped3A : memref<!tpu.dma_semaphore, #tpu.memory_space<semaphore_mem>>)
      %dma_wait3A = arith.constant 0 : i32
      %dma_wait3A_62 = tpu.memref_slice %arg6[%add3A_58, %dma_wait3A] : memref<106496x64xf32, #tpu.memory_space<hbm>> -> memref<1664x64xf32, #tpu.memory_space<hbm>>
      %dma_wait3A_63 = arith.constant 0 : i32
      %dma_wait3A_64 = tpu.memref_slice %arg11[%mul3A_55, %dma_wait3A_63] : memref<26632x64xf32, #tpu.memory_space<vmem_shared>> -> memref<1664x64xf32, #tpu.memory_space<vmem_shared>>
      tpu.wait_dma2 semaphore(%run_scoped3A : memref<!tpu.dma_semaphore, #tpu.memory_space<semaphore_mem>>) src(%dma_wait3A_64 : memref<1664x64xf32, #tpu.memory_space<vmem_shared>>) dst(%dma_wait3A_62 : memref<1664x64xf32, #tpu.memory_space<hbm>>)
      tpu.yield
    }) : () -> ()
    return
  }
}

#map = affine_map<(d0, d1) -> (0)>
#map1 = affine_map<(d0, d1) -> (0, 0)>
#map2 = affine_map<(d0, d1) -> (0, 0, 0)>
module attributes {stable_mosaic.version = 14 : i64} {
  func.func @k(%arg0: i32, %arg1: i32, %arg2: memref<1600000xi32, #tpu.memory_space<hbm>>, %arg3: memref<128x16xf32, #tpu.memory_space<hbm>>, %arg4: memref<6256x16xf32, #tpu.memory_space<hbm>>, %arg5: memref<2x100096x16xf32, #tpu.memory_space<hbm>>, %arg6: memref<128xi32, #tpu.memory_space<vmem>>, %arg7: memref<128x16xf32, #tpu.memory_space<vmem>>, %arg8: memref<100096x16xf32, #tpu.memory_space<vmem_shared>>) attributes {dimension_semantics = [#tpu.dimension_semantics<core_parallel>, #tpu.dimension_semantics<subcore_parallel>], iteration_bounds = array<i64: 2, 16>, scalar_prefetch = 0 : i64, scratch_operands = 3 : i64, tpu.core_type = #tpu.core_type<sc_vector_subcore>, window_params = [{transform_indices = #map}, {transform_indices = #map1}, {transform_indices = #map1}, {transform_indices = #map2}]} {
    "tpu.region"() ({
      %run_scoped3A = tpu.sem_alloc : memref<!tpu.dma_semaphore, #tpu.memory_space<semaphore_mem>>
      tpu.enqueue_dma source(%arg3 : memref<128x16xf32, #tpu.memory_space<hbm>>) target(%arg7 : memref<128x16xf32, #tpu.memory_space<vmem>>) target_semaphore(%run_scoped3A : memref<!tpu.dma_semaphore, #tpu.memory_space<semaphore_mem>>)
      tpu.wait_dma2 semaphore(%run_scoped3A : memref<!tpu.dma_semaphore, #tpu.memory_space<semaphore_mem>>) src(%arg3 : memref<128x16xf32, #tpu.memory_space<hbm>>) dst(%arg7 : memref<128x16xf32, #tpu.memory_space<vmem>>)
      tpu.yield
    }) : () -> ()
    %mul3A = arith.constant 6256 : i32
    %mul3A_0 = arith.muli %arg1, %mul3A : i32
    "tpu.region"() ({
      %run_scoped3A = tpu.sem_alloc : memref<!tpu.dma_semaphore, #tpu.memory_space<semaphore_mem>>
      %dma_start3A = arith.constant 0 : i32
      %dma_start3A_12 = tpu.memref_slice %arg8[%mul3A_0, %dma_start3A] : memref<100096x16xf32, #tpu.memory_space<vmem_shared>> -> memref<6256x16xf32, #tpu.memory_space<vmem_shared>>
      tpu.enqueue_dma source(%arg4 : memref<6256x16xf32, #tpu.memory_space<hbm>>) target(%dma_start3A_12 : memref<6256x16xf32, #tpu.memory_space<vmem_shared>>) target_semaphore(%run_scoped3A : memref<!tpu.dma_semaphore, #tpu.memory_space<semaphore_mem>>)
      %dma_wait3A = arith.constant 0 : i32
      %dma_wait3A_13 = tpu.memref_slice %arg8[%mul3A_0, %dma_wait3A] : memref<100096x16xf32, #tpu.memory_space<vmem_shared>> -> memref<6256x16xf32, #tpu.memory_space<vmem_shared>>
      tpu.wait_dma2 semaphore(%run_scoped3A : memref<!tpu.dma_semaphore, #tpu.memory_space<semaphore_mem>>) src(%arg4 : memref<6256x16xf32, #tpu.memory_space<hbm>>) dst(%dma_wait3A_13 : memref<6256x16xf32, #tpu.memory_space<vmem_shared>>)
      tpu.yield
    }) : () -> ()
    %barrier3A = arith.constant 0 : index
    tpu.barrier barrier_id(%barrier3A)
    %scan3A = arith.constant 0 : i32
    %scan3A_1 = arith.constant 390 : i32
    %scan3A_2 = arith.addi %scan3A, %scan3A_1 : i32
    %scan3A_3 = arith.constant 1 : i32
    scf.for %scan3A_12 = %scan3A to %scan3A_2 step %scan3A_3  : i32 {
      %mul3A_13 = arith.constant 1 : i32
      %mul3A_14 = arith.muli %scan3A_12, %mul3A_13 : i32
      %add3A = arith.constant 0 : i32
      %add3A_15 = arith.addi %add3A, %mul3A_14 : i32
      %mul3A_16 = arith.constant 6250 : i32
      %mul3A_17 = arith.muli %arg0, %mul3A_16 : i32
      %mul3A_18 = arith.constant 390 : i32
      %mul3A_19 = arith.muli %arg1, %mul3A_18 : i32
      %add3A_20 = arith.addi %mul3A_17, %mul3A_19 : i32
      %add3A_21 = arith.addi %add3A_20, %add3A_15 : i32
      %mul3A_22 = arith.constant 128 : i32
      %mul3A_23 = arith.muli %add3A_21, %mul3A_22 : i32
      "tpu.region"() ({
        %run_scoped3A = tpu.sem_alloc : memref<!tpu.dma_semaphore, #tpu.memory_space<semaphore_mem>>
        %dma_start3A = tpu.memref_slice %arg2[%mul3A_23] : memref<1600000xi32, #tpu.memory_space<hbm>> -> memref<128xi32, #tpu.memory_space<hbm>>
        %dma_start3A_24 = tpu.memref_slice %arg2[%mul3A_23] : memref<1600000xi32, #tpu.memory_space<hbm>> -> memref<128xi32, #tpu.memory_space<hbm>>
        tpu.enqueue_dma source(%dma_start3A_24 : memref<128xi32, #tpu.memory_space<hbm>>) target(%arg6 : memref<128xi32, #tpu.memory_space<vmem>>) target_semaphore(%run_scoped3A : memref<!tpu.dma_semaphore, #tpu.memory_space<semaphore_mem>>)
        %dma_wait3A = tpu.memref_slice %arg2[%mul3A_23] : memref<1600000xi32, #tpu.memory_space<hbm>> -> memref<128xi32, #tpu.memory_space<hbm>>
        %dma_wait3A_25 = tpu.memref_slice %arg2[%mul3A_23] : memref<1600000xi32, #tpu.memory_space<hbm>> -> memref<128xi32, #tpu.memory_space<hbm>>
        tpu.wait_dma2 semaphore(%run_scoped3A : memref<!tpu.dma_semaphore, #tpu.memory_space<semaphore_mem>>) src(%dma_wait3A_25 : memref<128xi32, #tpu.memory_space<hbm>>) dst(%arg6 : memref<128xi32, #tpu.memory_space<vmem>>)
        tpu.yield
      }) : () -> ()
      "tpu.region"() ({
        %run_scoped3A = tpu.sem_alloc : memref<!tpu.dma_semaphore, #tpu.memory_space<semaphore_mem>>
        %dma_start3A = arith.constant 0 : i32
        %dma_start3A_24 = arith.constant 0 : i32
        %dma_start3A_25 = tpu.memref_slice %arg8[%dma_start3A, %dma_start3A_24] : memref<100096x16xf32, #tpu.memory_space<vmem_shared>> -> memref<100096x16xf32, #tpu.memory_space<vmem_shared>>
        tpu.enqueue_indirect_dma source(%arg7 : memref<128x16xf32, #tpu.memory_space<vmem>>) target(%dma_start3A_25 : memref<100096x16xf32, #tpu.memory_space<vmem_shared>>) offsets(%arg6 : memref<128xi32, #tpu.memory_space<vmem>>) semaphore(%run_scoped3A : memref<!tpu.dma_semaphore, #tpu.memory_space<semaphore_mem>>) {add = true}
        %dma_wait3A = arith.constant 0 : i32
        %dma_wait3A_26 = arith.constant 0 : i32
        %dma_wait3A_27 = tpu.memref_slice %arg8[%dma_wait3A, %dma_wait3A_26] : memref<100096x16xf32, #tpu.memory_space<vmem_shared>> -> memref<100096x16xf32, #tpu.memory_space<vmem_shared>>
        tpu.wait_indirect_dma semaphore(%run_scoped3A : memref<!tpu.dma_semaphore, #tpu.memory_space<semaphore_mem>>) src(%arg7 : memref<128x16xf32, #tpu.memory_space<vmem>>) dst(%dma_wait3A_27 : memref<100096x16xf32, #tpu.memory_space<vmem_shared>>)
        tpu.yield
      }) : () -> ()
    }
    %scan3A_4 = arith.constant 390 : i32
    %lt3A = arith.constant 10 : i32
    %lt3A_5 = arith.cmpi slt, %arg1, %lt3A : i32
    %convert_element_type3A = arith.extui %lt3A_5 : i1 to i32
    %cond3A = arith.constant 0 : i32
    %cond3A_6 = arith.cmpi ne, %convert_element_type3A, %cond3A : i32
    scf.if %cond3A_6 {
      %mul3A_12 = arith.constant 6250 : i32
      %mul3A_13 = arith.muli %arg0, %mul3A_12 : i32
      %add3A = arith.constant 6240 : i32
      %add3A_14 = arith.addi %mul3A_13, %add3A : i32
      %add3A_15 = arith.addi %add3A_14, %arg1 : i32
      %mul3A_16 = arith.constant 128 : i32
      %mul3A_17 = arith.muli %add3A_15, %mul3A_16 : i32
      "tpu.region"() ({
        %run_scoped3A = tpu.sem_alloc : memref<!tpu.dma_semaphore, #tpu.memory_space<semaphore_mem>>
        %dma_start3A = tpu.memref_slice %arg2[%mul3A_17] : memref<1600000xi32, #tpu.memory_space<hbm>> -> memref<128xi32, #tpu.memory_space<hbm>>
        %dma_start3A_18 = tpu.memref_slice %arg2[%mul3A_17] : memref<1600000xi32, #tpu.memory_space<hbm>> -> memref<128xi32, #tpu.memory_space<hbm>>
        tpu.enqueue_dma source(%dma_start3A_18 : memref<128xi32, #tpu.memory_space<hbm>>) target(%arg6 : memref<128xi32, #tpu.memory_space<vmem>>) target_semaphore(%run_scoped3A : memref<!tpu.dma_semaphore, #tpu.memory_space<semaphore_mem>>)
        %dma_wait3A = tpu.memref_slice %arg2[%mul3A_17] : memref<1600000xi32, #tpu.memory_space<hbm>> -> memref<128xi32, #tpu.memory_space<hbm>>
        %dma_wait3A_19 = tpu.memref_slice %arg2[%mul3A_17] : memref<1600000xi32, #tpu.memory_space<hbm>> -> memref<128xi32, #tpu.memory_space<hbm>>
        tpu.wait_dma2 semaphore(%run_scoped3A : memref<!tpu.dma_semaphore, #tpu.memory_space<semaphore_mem>>) src(%dma_wait3A_19 : memref<128xi32, #tpu.memory_space<hbm>>) dst(%arg6 : memref<128xi32, #tpu.memory_space<vmem>>)
        tpu.yield
      }) : () -> ()
      "tpu.region"() ({
        %run_scoped3A = tpu.sem_alloc : memref<!tpu.dma_semaphore, #tpu.memory_space<semaphore_mem>>
        %dma_start3A = arith.constant 0 : i32
        %dma_start3A_18 = arith.constant 0 : i32
        %dma_start3A_19 = tpu.memref_slice %arg8[%dma_start3A, %dma_start3A_18] : memref<100096x16xf32, #tpu.memory_space<vmem_shared>> -> memref<100096x16xf32, #tpu.memory_space<vmem_shared>>
        tpu.enqueue_indirect_dma source(%arg7 : memref<128x16xf32, #tpu.memory_space<vmem>>) target(%dma_start3A_19 : memref<100096x16xf32, #tpu.memory_space<vmem_shared>>) offsets(%arg6 : memref<128xi32, #tpu.memory_space<vmem>>) semaphore(%run_scoped3A : memref<!tpu.dma_semaphore, #tpu.memory_space<semaphore_mem>>) {add = true}
        %dma_wait3A = arith.constant 0 : i32
        %dma_wait3A_20 = arith.constant 0 : i32
        %dma_wait3A_21 = tpu.memref_slice %arg8[%dma_wait3A, %dma_wait3A_20] : memref<100096x16xf32, #tpu.memory_space<vmem_shared>> -> memref<100096x16xf32, #tpu.memory_space<vmem_shared>>
        tpu.wait_indirect_dma semaphore(%run_scoped3A : memref<!tpu.dma_semaphore, #tpu.memory_space<semaphore_mem>>) src(%arg7 : memref<128x16xf32, #tpu.memory_space<vmem>>) dst(%dma_wait3A_21 : memref<100096x16xf32, #tpu.memory_space<vmem_shared>>)
        tpu.yield
      }) : () -> ()
    } else {
    }
    %barrier3A_7 = arith.constant 0 : index
    tpu.barrier barrier_id(%barrier3A_7)
    %mul3A_8 = arith.constant 6256 : i32
    %mul3A_9 = arith.muli %arg1, %mul3A_8 : i32
    %mul3A_10 = arith.constant 6256 : i32
    %mul3A_11 = arith.muli %arg1, %mul3A_10 : i32
    "tpu.region"() ({
      %run_scoped3A = tpu.sem_alloc : memref<!tpu.dma_semaphore, #tpu.memory_space<semaphore_mem>>
      %dma_start3A = arith.constant 0 : i32
      %dma_start3A_12 = tpu.memref_slice %arg5[%arg0, %mul3A_11, %dma_start3A] : memref<2x100096x16xf32, #tpu.memory_space<hbm>> -> memref<1x6256x16xf32, #tpu.memory_space<hbm>>
      %dma_start3A_13 = tpu.memref_squeeze %dma_start3A_12 : memref<1x6256x16xf32, #tpu.memory_space<hbm>> -> memref<6256x16xf32, #tpu.memory_space<hbm>>
      %dma_start3A_14 = arith.constant 0 : i32
      %dma_start3A_15 = tpu.memref_slice %arg8[%mul3A_9, %dma_start3A_14] : memref<100096x16xf32, #tpu.memory_space<vmem_shared>> -> memref<6256x16xf32, #tpu.memory_space<vmem_shared>>
      tpu.enqueue_dma source(%dma_start3A_15 : memref<6256x16xf32, #tpu.memory_space<vmem_shared>>) target(%dma_start3A_13 : memref<6256x16xf32, #tpu.memory_space<hbm>>) target_semaphore(%run_scoped3A : memref<!tpu.dma_semaphore, #tpu.memory_space<semaphore_mem>>)
      %dma_wait3A = arith.constant 0 : i32
      %dma_wait3A_16 = tpu.memref_slice %arg5[%arg0, %mul3A_11, %dma_wait3A] : memref<2x100096x16xf32, #tpu.memory_space<hbm>> -> memref<1x6256x16xf32, #tpu.memory_space<hbm>>
      %dma_wait3A_17 = tpu.memref_squeeze %dma_wait3A_16 : memref<1x6256x16xf32, #tpu.memory_space<hbm>> -> memref<6256x16xf32, #tpu.memory_space<hbm>>
      %dma_wait3A_18 = arith.constant 0 : i32
      %dma_wait3A_19 = tpu.memref_slice %arg8[%mul3A_9, %dma_wait3A_18] : memref<100096x16xf32, #tpu.memory_space<vmem_shared>> -> memref<6256x16xf32, #tpu.memory_space<vmem_shared>>
      tpu.wait_dma2 semaphore(%run_scoped3A : memref<!tpu.dma_semaphore, #tpu.memory_space<semaphore_mem>>) src(%dma_wait3A_19 : memref<6256x16xf32, #tpu.memory_space<vmem_shared>>) dst(%dma_wait3A_17 : memref<6256x16xf32, #tpu.memory_space<hbm>>)
      tpu.yield
    }) : () -> ()
    return
  }
}

#map = affine_map<(d0, d1) -> (0, 0)>
#map1 = affine_map<(d0, d1) -> (0)>
module attributes {stable_mosaic.version = 14 : i64} {
  func.func @k(%arg0: i32, %arg1: i32, %arg2: memref<100000x64xf32, #tpu.memory_space<hbm>>, %arg3: memref<1600000xi32, #tpu.memory_space<hbm>>, %arg4: memref<1600000xi32, #tpu.memory_space<hbm>>, %arg5: memref<1664x64xf32, #tpu.memory_space<hbm>>, %arg6: memref<106496x64xf32, #tpu.memory_space<hbm>>, %arg7: memref<128xi32, #tpu.memory_space<vmem>>, %arg8: memref<128xi32, #tpu.memory_space<vmem>>, %arg9: memref<128xi32, #tpu.memory_space<vmem>>, %arg10: memref<128x64xf32, #tpu.memory_space<vmem>>, %arg11: memref<26632x64xf32, #tpu.memory_space<vmem_shared>>) attributes {dimension_semantics = [#tpu.dimension_semantics<core_parallel>, #tpu.dimension_semantics<subcore_parallel>], iteration_bounds = array<i64: 2, 16>, scalar_prefetch = 0 : i64, scratch_operands = 5 : i64, tpu.core_type = #tpu.core_type<sc_vector_subcore>, window_params = [{transform_indices = #map}, {transform_indices = #map1}, {transform_indices = #map1}, {transform_indices = #map}, {transform_indices = #map}]} {
    %mul3A = arith.constant 2 : i32
    %mul3A_0 = arith.muli %mul3A, %arg0 : i32
    %add3A = arith.constant 0 : i32
    %add3A_1 = arith.addi %mul3A_0, %add3A : i32
    %mul3A_2 = arith.constant 26624 : i32
    %mul3A_3 = arith.muli %add3A_1, %mul3A_2 : i32
    %broadcast_in_dim3A = vector.broadcast %mul3A_3 : i32 to vector<16xi32>
    %add3A_4 = arith.constant 26624 : i32
    %add3A_5 = arith.addi %mul3A_3, %add3A_4 : i32
    %broadcast_in_dim3A_6 = vector.broadcast %add3A_5 : i32 to vector<16xi32>
    %mul3A_7 = arith.constant 1664 : i32
    %mul3A_8 = arith.muli %arg1, %mul3A_7 : i32
    "tpu.region"() ({
      %run_scoped3A = tpu.sem_alloc : memref<!tpu.dma_semaphore, #tpu.memory_space<semaphore_mem>>
      %dma_start3A = arith.constant 0 : i32
      %dma_start3A_59 = tpu.memref_slice %arg11[%mul3A_8, %dma_start3A] : memref<26632x64xf32, #tpu.memory_space<vmem_shared>> -> memref<1664x64xf32, #tpu.memory_space<vmem_shared>>
      tpu.enqueue_dma source(%arg5 : memref<1664x64xf32, #tpu.memory_space<hbm>>) target(%dma_start3A_59 : memref<1664x64xf32, #tpu.memory_space<vmem_shared>>) target_semaphore(%run_scoped3A : memref<!tpu.dma_semaphore, #tpu.memory_space<semaphore_mem>>)
      %dma_wait3A = arith.constant 0 : i32
      %dma_wait3A_60 = tpu.memref_slice %arg11[%mul3A_8, %dma_wait3A] : memref<26632x64xf32, #tpu.memory_space<vmem_shared>> -> memref<1664x64xf32, #tpu.memory_space<vmem_shared>>
      tpu.wait_dma2 semaphore(%run_scoped3A : memref<!tpu.dma_semaphore, #tpu.memory_space<semaphore_mem>>) src(%arg5 : memref<1664x64xf32, #tpu.memory_space<hbm>>) dst(%dma_wait3A_60 : memref<1664x64xf32, #tpu.memory_space<vmem_shared>>)
      tpu.yield
    }) : () -> ()
    %eq3A = arith.constant 0 : i32
    %eq3A_9 = arith.cmpi eq, %arg1, %eq3A : i32
    %convert_element_type3A = arith.extui %eq3A_9 : i1 to i32
    %cond3A = arith.constant 0 : i32
    %cond3A_10 = arith.cmpi ne, %convert_element_type3A, %cond3A : i32
    scf.if %cond3A_10 {
      "tpu.region"() ({
        %run_scoped3A = tpu.sem_alloc : memref<!tpu.dma_semaphore, #tpu.memory_space<semaphore_mem>>
        %dma_start3A = arith.constant 26624 : i32
        %dma_start3A_59 = arith.constant 0 : i32
        %dma_start3A_60 = tpu.memref_slice %arg11[%dma_start3A, %dma_start3A_59] : memref<26632x64xf32, #tpu.memory_space<vmem_shared>> -> memref<8x64xf32, #tpu.memory_space<vmem_shared>>
        %dma_start3A_61 = arith.constant 0 : i32
        %dma_start3A_62 = arith.constant 0 : i32
        %dma_start3A_63 = tpu.memref_slice %arg5[%dma_start3A_61, %dma_start3A_62] : memref<1664x64xf32, #tpu.memory_space<hbm>> -> memref<8x64xf32, #tpu.memory_space<hbm>>
        tpu.enqueue_dma source(%dma_start3A_63 : memref<8x64xf32, #tpu.memory_space<hbm>>) target(%dma_start3A_60 : memref<8x64xf32, #tpu.memory_space<vmem_shared>>) target_semaphore(%run_scoped3A : memref<!tpu.dma_semaphore, #tpu.memory_space<semaphore_mem>>)
        %dma_wait3A = arith.constant 26624 : i32
        %dma_wait3A_64 = arith.constant 0 : i32
        %dma_wait3A_65 = tpu.memref_slice %arg11[%dma_wait3A, %dma_wait3A_64] : memref<26632x64xf32, #tpu.memory_space<vmem_shared>> -> memref<8x64xf32, #tpu.memory_space<vmem_shared>>
        %dma_wait3A_66 = arith.constant 0 : i32
        %dma_wait3A_67 = arith.constant 0 : i32
        %dma_wait3A_68 = tpu.memref_slice %arg5[%dma_wait3A_66, %dma_wait3A_67] : memref<1664x64xf32, #tpu.memory_space<hbm>> -> memref<8x64xf32, #tpu.memory_space<hbm>>
        tpu.wait_dma2 semaphore(%run_scoped3A : memref<!tpu.dma_semaphore, #tpu.memory_space<semaphore_mem>>) src(%dma_wait3A_68 : memref<8x64xf32, #tpu.memory_space<hbm>>) dst(%dma_wait3A_65 : memref<8x64xf32, #tpu.memory_space<vmem_shared>>)
        tpu.yield
      }) : () -> ()
    } else {
    }
    %barrier3A = arith.constant 0 : index
    tpu.barrier barrier_id(%barrier3A)
    %scan3A = arith.constant 0 : i32
    %scan3A_11 = arith.constant 781 : i32
    %scan3A_12 = arith.addi %scan3A, %scan3A_11 : i32
    %scan3A_13 = arith.constant 1 : i32
    scf.for %scan3A_59 = %scan3A to %scan3A_12 step %scan3A_13  : i32 {
      %mul3A_60 = arith.constant 1 : i32
      %mul3A_61 = arith.muli %scan3A_59, %mul3A_60 : i32
      %add3A_62 = arith.constant 0 : i32
      %add3A_63 = arith.addi %add3A_62, %mul3A_61 : i32
      %mul3A_64 = arith.constant 781 : i32
      %mul3A_65 = arith.muli %arg1, %mul3A_64 : i32
      %add3A_66 = arith.addi %mul3A_65, %add3A_63 : i32
      %mul3A_67 = arith.constant 128 : i32
      %mul3A_68 = arith.muli %add3A_66, %mul3A_67 : i32
      "tpu.region"() ({
        %run_scoped3A = tpu.sem_alloc : memref<!tpu.dma_semaphore, #tpu.memory_space<semaphore_mem>>
        %dma_start3A = tpu.memref_slice %arg4[%mul3A_68] : memref<1600000xi32, #tpu.memory_space<hbm>> -> memref<128xi32, #tpu.memory_space<hbm>>
        %dma_start3A_174 = tpu.memref_slice %arg4[%mul3A_68] : memref<1600000xi32, #tpu.memory_space<hbm>> -> memref<128xi32, #tpu.memory_space<hbm>>
        tpu.enqueue_dma source(%dma_start3A_174 : memref<128xi32, #tpu.memory_space<hbm>>) target(%arg8 : memref<128xi32, #tpu.memory_space<vmem>>) target_semaphore(%run_scoped3A : memref<!tpu.dma_semaphore, #tpu.memory_space<semaphore_mem>>)
        %dma_wait3A = tpu.memref_slice %arg4[%mul3A_68] : memref<1600000xi32, #tpu.memory_space<hbm>> -> memref<128xi32, #tpu.memory_space<hbm>>
        %dma_wait3A_175 = tpu.memref_slice %arg4[%mul3A_68] : memref<1600000xi32, #tpu.memory_space<hbm>> -> memref<128xi32, #tpu.memory_space<hbm>>
        tpu.wait_dma2 semaphore(%run_scoped3A : memref<!tpu.dma_semaphore, #tpu.memory_space<semaphore_mem>>) src(%dma_wait3A_175 : memref<128xi32, #tpu.memory_space<hbm>>) dst(%arg8 : memref<128xi32, #tpu.memory_space<vmem>>)
        tpu.yield
      }) : () -> ()
      "tpu.region"() ({
        %run_scoped3A = tpu.sem_alloc : memref<!tpu.dma_semaphore, #tpu.memory_space<semaphore_mem>>
        %dma_start3A = tpu.memref_slice %arg3[%mul3A_68] : memref<1600000xi32, #tpu.memory_space<hbm>> -> memref<128xi32, #tpu.memory_space<hbm>>
        %dma_start3A_174 = tpu.memref_slice %arg3[%mul3A_68] : memref<1600000xi32, #tpu.memory_space<hbm>> -> memref<128xi32, #tpu.memory_space<hbm>>
        tpu.enqueue_dma source(%dma_start3A_174 : memref<128xi32, #tpu.memory_space<hbm>>) target(%arg7 : memref<128xi32, #tpu.memory_space<vmem>>) target_semaphore(%run_scoped3A : memref<!tpu.dma_semaphore, #tpu.memory_space<semaphore_mem>>)
        %dma_wait3A = tpu.memref_slice %arg3[%mul3A_68] : memref<1600000xi32, #tpu.memory_space<hbm>> -> memref<128xi32, #tpu.memory_space<hbm>>
        %dma_wait3A_175 = tpu.memref_slice %arg3[%mul3A_68] : memref<1600000xi32, #tpu.memory_space<hbm>> -> memref<128xi32, #tpu.memory_space<hbm>>
        tpu.wait_dma2 semaphore(%run_scoped3A : memref<!tpu.dma_semaphore, #tpu.memory_space<semaphore_mem>>) src(%dma_wait3A_175 : memref<128xi32, #tpu.memory_space<hbm>>) dst(%arg7 : memref<128xi32, #tpu.memory_space<vmem>>)
        tpu.yield
      }) : () -> ()
      %get3A = arith.constant 0 : index
      %get3A_69 = tpu.vector_load %arg8[%get3A] {strides = array<i32>} : memref<128xi32, #tpu.memory_space<vmem>>, vector<16xi32>,
      %get3A_70 = vector.shape_cast %get3A_69 : vector<16xi32> to vector<16xi32>
      %ge3A = arith.cmpi sge, %get3A_70, %broadcast_in_dim3A : vector<16xi32>
      %lt3A_71 = arith.cmpi slt, %get3A_70, %broadcast_in_dim3A_6 : vector<16xi32>
      %and3A = arith.andi %ge3A, %lt3A_71 : vector<16xi1>
      %sub3A = arith.subi %get3A_70, %broadcast_in_dim3A : vector<16xi32>
      %jit3A = arith.constant 26624 : i32
      %broadcast_in_dim3A_72 = vector.broadcast %jit3A : i32 to vector<16xi32>
      %select_n3A = arith.select %and3A, %sub3A, %broadcast_in_dim3A_72 : vector<16xi1>, vector<16xi32>
      %swap3A = arith.constant 0 : index
      %swap3A_73 = tpu.vector_load %arg9[%swap3A] {strides = array<i32>} : memref<128xi32, #tpu.memory_space<vmem>>, vector<16xi32>,
      %swap3A_74 = vector.shape_cast %swap3A_73 : vector<16xi32> to vector<16xi32>
      %swap3A_75 = vector.shape_cast %select_n3A : vector<16xi32> to vector<16xi32>
      tpu.vector_store %arg9[%swap3A], %swap3A_75 {strides = array<i32>} : memref<128xi32, #tpu.memory_space<vmem>>, vector<16xi32>,
      %get3A_76 = arith.constant 16 : index
      %get3A_77 = tpu.vector_load %arg8[%get3A_76] {strides = array<i32>} : memref<128xi32, #tpu.memory_space<vmem>>, vector<16xi32>,
      %get3A_78 = vector.shape_cast %get3A_77 : vector<16xi32> to vector<16xi32>
      %ge3A_79 = arith.cmpi sge, %get3A_78, %broadcast_in_dim3A : vector<16xi32>
      %lt3A_80 = arith.cmpi slt, %get3A_78, %broadcast_in_dim3A_6 : vector<16xi32>
      %and3A_81 = arith.andi %ge3A_79, %lt3A_80 : vector<16xi1>
      %sub3A_82 = arith.subi %get3A_78, %broadcast_in_dim3A : vector<16xi32>
      %jit3A_83 = arith.constant 26624 : i32
      %broadcast_in_dim3A_84 = vector.broadcast %jit3A_83 : i32 to vector<16xi32>
      %select_n3A_85 = arith.select %and3A_81, %sub3A_82, %broadcast_in_dim3A_84 : vector<16xi1>, vector<16xi32>
      %swap3A_86 = arith.constant 16 : index
      %swap3A_87 = tpu.vector_load %arg9[%swap3A_86] {strides = array<i32>} : memref<128xi32, #tpu.memory_space<vmem>>, vector<16xi32>,
      %swap3A_88 = vector.shape_cast %swap3A_87 : vector<16xi32> to vector<16xi32>
      %swap3A_89 = vector.shape_cast %select_n3A_85 : vector<16xi32> to vector<16xi32>
      tpu.vector_store %arg9[%swap3A_86], %swap3A_89 {strides = array<i32>} : memref<128xi32, #tpu.memory_space<vmem>>, vector<16xi32>,
      %get3A_90 = arith.constant 32 : index
      %get3A_91 = tpu.vector_load %arg8[%get3A_90] {strides = array<i32>} : memref<128xi32, #tpu.memory_space<vmem>>, vector<16xi32>,
      %get3A_92 = vector.shape_cast %get3A_91 : vector<16xi32> to vector<16xi32>
      %ge3A_93 = arith.cmpi sge, %get3A_92, %broadcast_in_dim3A : vector<16xi32>
      %lt3A_94 = arith.cmpi slt, %get3A_92, %broadcast_in_dim3A_6 : vector<16xi32>
      %and3A_95 = arith.andi %ge3A_93, %lt3A_94 : vector<16xi1>
      %sub3A_96 = arith.subi %get3A_92, %broadcast_in_dim3A : vector<16xi32>
      %jit3A_97 = arith.constant 26624 : i32
      %broadcast_in_dim3A_98 = vector.broadcast %jit3A_97 : i32 to vector<16xi32>
      %select_n3A_99 = arith.select %and3A_95, %sub3A_96, %broadcast_in_dim3A_98 : vector<16xi1>, vector<16xi32>
      %swap3A_100 = arith.constant 32 : index
      %swap3A_101 = tpu.vector_load %arg9[%swap3A_100] {strides = array<i32>} : memref<128xi32, #tpu.memory_space<vmem>>, vector<16xi32>,
      %swap3A_102 = vector.shape_cast %swap3A_101 : vector<16xi32> to vector<16xi32>
      %swap3A_103 = vector.shape_cast %select_n3A_99 : vector<16xi32> to vector<16xi32>
      tpu.vector_store %arg9[%swap3A_100], %swap3A_103 {strides = array<i32>} : memref<128xi32, #tpu.memory_space<vmem>>, vector<16xi32>,
      %get3A_104 = arith.constant 48 : index
      %get3A_105 = tpu.vector_load %arg8[%get3A_104] {strides = array<i32>} : memref<128xi32, #tpu.memory_space<vmem>>, vector<16xi32>,
      %get3A_106 = vector.shape_cast %get3A_105 : vector<16xi32> to vector<16xi32>
      %ge3A_107 = arith.cmpi sge, %get3A_106, %broadcast_in_dim3A : vector<16xi32>
      %lt3A_108 = arith.cmpi slt, %get3A_106, %broadcast_in_dim3A_6 : vector<16xi32>
      %and3A_109 = arith.andi %ge3A_107, %lt3A_108 : vector<16xi1>
      %sub3A_110 = arith.subi %get3A_106, %broadcast_in_dim3A : vector<16xi32>
      %jit3A_111 = arith.constant 26624 : i32
      %broadcast_in_dim3A_112 = vector.broadcast %jit3A_111 : i32 to vector<16xi32>
      %select_n3A_113 = arith.select %and3A_109, %sub3A_110, %broadcast_in_dim3A_112 : vector<16xi1>, vector<16xi32>
      %swap3A_114 = arith.constant 48 : index
      %swap3A_115 = tpu.vector_load %arg9[%swap3A_114] {strides = array<i32>} : memref<128xi32, #tpu.memory_space<vmem>>, vector<16xi32>,
      %swap3A_116 = vector.shape_cast %swap3A_115 : vector<16xi32> to vector<16xi32>
      %swap3A_117 = vector.shape_cast %select_n3A_113 : vector<16xi32> to vector<16xi32>
      tpu.vector_store %arg9[%swap3A_114], %swap3A_117 {strides = array<i32>} : memref<128xi32, #tpu.memory_space<vmem>>, vector<16xi32>,
      %get3A_118 = arith.constant 64 : index
      %get3A_119 = tpu.vector_load %arg8[%get3A_118] {strides = array<i32>} : memref<128xi32, #tpu.memory_space<vmem>>, vector<16xi32>,
      %get3A_120 = vector.shape_cast %get3A_119 : vector<16xi32> to vector<16xi32>
      %ge3A_121 = arith.cmpi sge, %get3A_120, %broadcast_in_dim3A : vector<16xi32>
      %lt3A_122 = arith.cmpi slt, %get3A_120, %broadcast_in_dim3A_6 : vector<16xi32>
      %and3A_123 = arith.andi %ge3A_121, %lt3A_122 : vector<16xi1>
      %sub3A_124 = arith.subi %get3A_120, %broadcast_in_dim3A : vector<16xi32>
      %jit3A_125 = arith.constant 26624 : i32
      %broadcast_in_dim3A_126 = vector.broadcast %jit3A_125 : i32 to vector<16xi32>
      %select_n3A_127 = arith.select %and3A_123, %sub3A_124, %broadcast_in_dim3A_126 : vector<16xi1>, vector<16xi32>
      %swap3A_128 = arith.constant 64 : index
      %swap3A_129 = tpu.vector_load %arg9[%swap3A_128] {strides = array<i32>} : memref<128xi32, #tpu.memory_space<vmem>>, vector<16xi32>,
      %swap3A_130 = vector.shape_cast %swap3A_129 : vector<16xi32> to vector<16xi32>
      %swap3A_131 = vector.shape_cast %select_n3A_127 : vector<16xi32> to vector<16xi32>
      tpu.vector_store %arg9[%swap3A_128], %swap3A_131 {strides = array<i32>} : memref<128xi32, #tpu.memory_space<vmem>>, vector<16xi32>,
      %get3A_132 = arith.constant 80 : index
      %get3A_133 = tpu.vector_load %arg8[%get3A_132] {strides = array<i32>} : memref<128xi32, #tpu.memory_space<vmem>>, vector<16xi32>,
      %get3A_134 = vector.shape_cast %get3A_133 : vector<16xi32> to vector<16xi32>
      %ge3A_135 = arith.cmpi sge, %get3A_134, %broadcast_in_dim3A : vector<16xi32>
      %lt3A_136 = arith.cmpi slt, %get3A_134, %broadcast_in_dim3A_6 : vector<16xi32>
      %and3A_137 = arith.andi %ge3A_135, %lt3A_136 : vector<16xi1>
      %sub3A_138 = arith.subi %get3A_134, %broadcast_in_dim3A : vector<16xi32>
      %jit3A_139 = arith.constant 26624 : i32
      %broadcast_in_dim3A_140 = vector.broadcast %jit3A_139 : i32 to vector<16xi32>
      %select_n3A_141 = arith.select %and3A_137, %sub3A_138, %broadcast_in_dim3A_140 : vector<16xi1>, vector<16xi32>
      %swap3A_142 = arith.constant 80 : index
      %swap3A_143 = tpu.vector_load %arg9[%swap3A_142] {strides = array<i32>} : memref<128xi32, #tpu.memory_space<vmem>>, vector<16xi32>,
      %swap3A_144 = vector.shape_cast %swap3A_143 : vector<16xi32> to vector<16xi32>
      %swap3A_145 = vector.shape_cast %select_n3A_141 : vector<16xi32> to vector<16xi32>
      tpu.vector_store %arg9[%swap3A_142], %swap3A_145 {strides = array<i32>} : memref<128xi32, #tpu.memory_space<vmem>>, vector<16xi32>,
      %get3A_146 = arith.constant 96 : index
      %get3A_147 = tpu.vector_load %arg8[%get3A_146] {strides = array<i32>} : memref<128xi32, #tpu.memory_space<vmem>>, vector<16xi32>,
      %get3A_148 = vector.shape_cast %get3A_147 : vector<16xi32> to vector<16xi32>
      %ge3A_149 = arith.cmpi sge, %get3A_148, %broadcast_in_dim3A : vector<16xi32>
      %lt3A_150 = arith.cmpi slt, %get3A_148, %broadcast_in_dim3A_6 : vector<16xi32>
      %and3A_151 = arith.andi %ge3A_149, %lt3A_150 : vector<16xi1>
      %sub3A_152 = arith.subi %get3A_148, %broadcast_in_dim3A : vector<16xi32>
      %jit3A_153 = arith.constant 26624 : i32
      %broadcast_in_dim3A_154 = vector.broadcast %jit3A_153 : i32 to vector<16xi32>
      %select_n3A_155 = arith.select %and3A_151, %sub3A_152, %broadcast_in_dim3A_154 : vector<16xi1>, vector<16xi32>
      %swap3A_156 = arith.constant 96 : index
      %swap3A_157 = tpu.vector_load %arg9[%swap3A_156] {strides = array<i32>} : memref<128xi32, #tpu.memory_space<vmem>>, vector<16xi32>,
      %swap3A_158 = vector.shape_cast %swap3A_157 : vector<16xi32> to vector<16xi32>
      %swap3A_159 = vector.shape_cast %select_n3A_155 : vector<16xi32> to vector<16xi32>
      tpu.vector_store %arg9[%swap3A_156], %swap3A_159 {strides = array<i32>} : memref<128xi32, #tpu.memory_space<vmem>>, vector<16xi32>,
      %get3A_160 = arith.constant 112 : index
      %get3A_161 = tpu.vector_load %arg8[%get3A_160] {strides = array<i32>} : memref<128xi32, #tpu.memory_space<vmem>>, vector<16xi32>,
      %get3A_162 = vector.shape_cast %get3A_161 : vector<16xi32> to vector<16xi32>
      %ge3A_163 = arith.cmpi sge, %get3A_162, %broadcast_in_dim3A : vector<16xi32>
      %lt3A_164 = arith.cmpi slt, %get3A_162, %broadcast_in_dim3A_6 : vector<16xi32>
      %and3A_165 = arith.andi %ge3A_163, %lt3A_164 : vector<16xi1>
      %sub3A_166 = arith.subi %get3A_162, %broadcast_in_dim3A : vector<16xi32>
      %jit3A_167 = arith.constant 26624 : i32
      %broadcast_in_dim3A_168 = vector.broadcast %jit3A_167 : i32 to vector<16xi32>
      %select_n3A_169 = arith.select %and3A_165, %sub3A_166, %broadcast_in_dim3A_168 : vector<16xi1>, vector<16xi32>
      %swap3A_170 = arith.constant 112 : index
      %swap3A_171 = tpu.vector_load %arg9[%swap3A_170] {strides = array<i32>} : memref<128xi32, #tpu.memory_space<vmem>>, vector<16xi32>,
      %swap3A_172 = vector.shape_cast %swap3A_171 : vector<16xi32> to vector<16xi32>
      %swap3A_173 = vector.shape_cast %select_n3A_169 : vector<16xi32> to vector<16xi32>
      tpu.vector_store %arg9[%swap3A_170], %swap3A_173 {strides = array<i32>} : memref<128xi32, #tpu.memory_space<vmem>>, vector<16xi32>,
      "tpu.region"() ({
        %run_scoped3A = tpu.sem_alloc : memref<!tpu.dma_semaphore, #tpu.memory_space<semaphore_mem>>
        %dma_start3A = arith.constant 0 : i32
        %dma_start3A_174 = arith.constant 0 : i32
        %dma_start3A_175 = tpu.memref_slice %arg2[%dma_start3A, %dma_start3A_174] : memref<100000x64xf32, #tpu.memory_space<hbm>> -> memref<100000x64xf32, #tpu.memory_space<hbm>>
        tpu.enqueue_indirect_dma source(%dma_start3A_175 : memref<100000x64xf32, #tpu.memory_space<hbm>>) target(%arg10 : memref<128x64xf32, #tpu.memory_space<vmem>>) offsets(%arg7 : memref<128xi32, #tpu.memory_space<vmem>>) semaphore(%run_scoped3A : memref<!tpu.dma_semaphore, #tpu.memory_space<semaphore_mem>>)
        %dma_wait3A = arith.constant 0 : i32
        %dma_wait3A_176 = arith.constant 0 : i32
        %dma_wait3A_177 = tpu.memref_slice %arg2[%dma_wait3A, %dma_wait3A_176] : memref<100000x64xf32, #tpu.memory_space<hbm>> -> memref<100000x64xf32, #tpu.memory_space<hbm>>
        tpu.wait_indirect_dma semaphore(%run_scoped3A : memref<!tpu.dma_semaphore, #tpu.memory_space<semaphore_mem>>) src(%dma_wait3A_177 : memref<100000x64xf32, #tpu.memory_space<hbm>>) dst(%arg10 : memref<128x64xf32, #tpu.memory_space<vmem>>)
        tpu.yield
      }) : () -> ()
      "tpu.region"() ({
        %run_scoped3A = tpu.sem_alloc : memref<!tpu.dma_semaphore, #tpu.memory_space<semaphore_mem>>
        %dma_start3A = arith.constant 0 : i32
        %dma_start3A_174 = arith.constant 0 : i32
        %dma_start3A_175 = tpu.memref_slice %arg11[%dma_start3A, %dma_start3A_174] : memref<26632x64xf32, #tpu.memory_space<vmem_shared>> -> memref<26632x64xf32, #tpu.memory_space<vmem_shared>>
        tpu.enqueue_indirect_dma source(%arg10 : memref<128x64xf32, #tpu.memory_space<vmem>>) target(%dma_start3A_175 : memref<26632x64xf32, #tpu.memory_space<vmem_shared>>) offsets(%arg9 : memref<128xi32, #tpu.memory_space<vmem>>) semaphore(%run_scoped3A : memref<!tpu.dma_semaphore, #tpu.memory_space<semaphore_mem>>) {add = true}
        %dma_wait3A = arith.constant 0 : i32
        %dma_wait3A_176 = arith.constant 0 : i32
        %dma_wait3A_177 = tpu.memref_slice %arg11[%dma_wait3A, %dma_wait3A_176] : memref<26632x64xf32, #tpu.memory_space<vmem_shared>> -> memref<26632x64xf32, #tpu.memory_space<vmem_shared>>
        tpu.wait_indirect_dma semaphore(%run_scoped3A : memref<!tpu.dma_semaphore, #tpu.memory_space<semaphore_mem>>) src(%arg10 : memref<128x64xf32, #tpu.memory_space<vmem>>) dst(%dma_wait3A_177 : memref<26632x64xf32, #tpu.memory_space<vmem_shared>>)
        tpu.yield
      }) : () -> ()
    }
    %scan3A_14 = arith.constant 781 : i32
    %lt3A = arith.constant 4 : i32
    %lt3A_15 = arith.cmpi slt, %arg1, %lt3A : i32
    %convert_element_type3A_16 = arith.extui %lt3A_15 : i1 to i32
    %cond3A_17 = arith.constant 0 : i32
    %cond3A_18 = arith.cmpi ne, %convert_element_type3A_16, %cond3A_17 : i32
    scf.if %cond3A_18 {
      %add3A_59 = arith.constant 12496 : i32
      %add3A_60 = arith.addi %add3A_59, %arg1 : i32
      %mul3A_61 = arith.constant 128 : i32
      %mul3A_62 = arith.muli %add3A_60, %mul3A_61 : i32
      "tpu.region"() ({
        %run_scoped3A = tpu.sem_alloc : memref<!tpu.dma_semaphore, #tpu.memory_space<semaphore_mem>>
        %dma_start3A = tpu.memref_slice %arg4[%mul3A_62] : memref<1600000xi32, #tpu.memory_space<hbm>> -> memref<128xi32, #tpu.memory_space<hbm>>
        %dma_start3A_168 = tpu.memref_slice %arg4[%mul3A_62] : memref<1600000xi32, #tpu.memory_space<hbm>> -> memref<128xi32, #tpu.memory_space<hbm>>
        tpu.enqueue_dma source(%dma_start3A_168 : memref<128xi32, #tpu.memory_space<hbm>>) target(%arg8 : memref<128xi32, #tpu.memory_space<vmem>>) target_semaphore(%run_scoped3A : memref<!tpu.dma_semaphore, #tpu.memory_space<semaphore_mem>>)
        %dma_wait3A = tpu.memref_slice %arg4[%mul3A_62] : memref<1600000xi32, #tpu.memory_space<hbm>> -> memref<128xi32, #tpu.memory_space<hbm>>
        %dma_wait3A_169 = tpu.memref_slice %arg4[%mul3A_62] : memref<1600000xi32, #tpu.memory_space<hbm>> -> memref<128xi32, #tpu.memory_space<hbm>>
        tpu.wait_dma2 semaphore(%run_scoped3A : memref<!tpu.dma_semaphore, #tpu.memory_space<semaphore_mem>>) src(%dma_wait3A_169 : memref<128xi32, #tpu.memory_space<hbm>>) dst(%arg8 : memref<128xi32, #tpu.memory_space<vmem>>)
        tpu.yield
      }) : () -> ()
      "tpu.region"() ({
        %run_scoped3A = tpu.sem_alloc : memref<!tpu.dma_semaphore, #tpu.memory_space<semaphore_mem>>
        %dma_start3A = tpu.memref_slice %arg3[%mul3A_62] : memref<1600000xi32, #tpu.memory_space<hbm>> -> memref<128xi32, #tpu.memory_space<hbm>>
        %dma_start3A_168 = tpu.memref_slice %arg3[%mul3A_62] : memref<1600000xi32, #tpu.memory_space<hbm>> -> memref<128xi32, #tpu.memory_space<hbm>>
        tpu.enqueue_dma source(%dma_start3A_168 : memref<128xi32, #tpu.memory_space<hbm>>) target(%arg7 : memref<128xi32, #tpu.memory_space<vmem>>) target_semaphore(%run_scoped3A : memref<!tpu.dma_semaphore, #tpu.memory_space<semaphore_mem>>)
        %dma_wait3A = tpu.memref_slice %arg3[%mul3A_62] : memref<1600000xi32, #tpu.memory_space<hbm>> -> memref<128xi32, #tpu.memory_space<hbm>>
        %dma_wait3A_169 = tpu.memref_slice %arg3[%mul3A_62] : memref<1600000xi32, #tpu.memory_space<hbm>> -> memref<128xi32, #tpu.memory_space<hbm>>
        tpu.wait_dma2 semaphore(%run_scoped3A : memref<!tpu.dma_semaphore, #tpu.memory_space<semaphore_mem>>) src(%dma_wait3A_169 : memref<128xi32, #tpu.memory_space<hbm>>) dst(%arg7 : memref<128xi32, #tpu.memory_space<vmem>>)
        tpu.yield
      }) : () -> ()
      %get3A = arith.constant 0 : index
      %get3A_63 = tpu.vector_load %arg8[%get3A] {strides = array<i32>} : memref<128xi32, #tpu.memory_space<vmem>>, vector<16xi32>,
      %get3A_64 = vector.shape_cast %get3A_63 : vector<16xi32> to vector<16xi32>
      %ge3A = arith.cmpi sge, %get3A_64, %broadcast_in_dim3A : vector<16xi32>
      %lt3A_65 = arith.cmpi slt, %get3A_64, %broadcast_in_dim3A_6 : vector<16xi32>
      %and3A = arith.andi %ge3A, %lt3A_65 : vector<16xi1>
      %sub3A = arith.subi %get3A_64, %broadcast_in_dim3A : vector<16xi32>
      %jit3A = arith.constant 26624 : i32
      %broadcast_in_dim3A_66 = vector.broadcast %jit3A : i32 to vector<16xi32>
      %select_n3A = arith.select %and3A, %sub3A, %broadcast_in_dim3A_66 : vector<16xi1>, vector<16xi32>
      %swap3A = arith.constant 0 : index
      %swap3A_67 = tpu.vector_load %arg9[%swap3A] {strides = array<i32>} : memref<128xi32, #tpu.memory_space<vmem>>, vector<16xi32>,
      %swap3A_68 = vector.shape_cast %swap3A_67 : vector<16xi32> to vector<16xi32>
      %swap3A_69 = vector.shape_cast %select_n3A : vector<16xi32> to vector<16xi32>
      tpu.vector_store %arg9[%swap3A], %swap3A_69 {strides = array<i32>} : memref<128xi32, #tpu.memory_space<vmem>>, vector<16xi32>,
      %get3A_70 = arith.constant 16 : index
      %get3A_71 = tpu.vector_load %arg8[%get3A_70] {strides = array<i32>} : memref<128xi32, #tpu.memory_space<vmem>>, vector<16xi32>,
      %get3A_72 = vector.shape_cast %get3A_71 : vector<16xi32> to vector<16xi32>
      %ge3A_73 = arith.cmpi sge, %get3A_72, %broadcast_in_dim3A : vector<16xi32>
      %lt3A_74 = arith.cmpi slt, %get3A_72, %broadcast_in_dim3A_6 : vector<16xi32>
      %and3A_75 = arith.andi %ge3A_73, %lt3A_74 : vector<16xi1>
      %sub3A_76 = arith.subi %get3A_72, %broadcast_in_dim3A : vector<16xi32>
      %jit3A_77 = arith.constant 26624 : i32
      %broadcast_in_dim3A_78 = vector.broadcast %jit3A_77 : i32 to vector<16xi32>
      %select_n3A_79 = arith.select %and3A_75, %sub3A_76, %broadcast_in_dim3A_78 : vector<16xi1>, vector<16xi32>
      %swap3A_80 = arith.constant 16 : index
      %swap3A_81 = tpu.vector_load %arg9[%swap3A_80] {strides = array<i32>} : memref<128xi32, #tpu.memory_space<vmem>>, vector<16xi32>,
      %swap3A_82 = vector.shape_cast %swap3A_81 : vector<16xi32> to vector<16xi32>
      %swap3A_83 = vector.shape_cast %select_n3A_79 : vector<16xi32> to vector<16xi32>
      tpu.vector_store %arg9[%swap3A_80], %swap3A_83 {strides = array<i32>} : memref<128xi32, #tpu.memory_space<vmem>>, vector<16xi32>,
      %get3A_84 = arith.constant 32 : index
      %get3A_85 = tpu.vector_load %arg8[%get3A_84] {strides = array<i32>} : memref<128xi32, #tpu.memory_space<vmem>>, vector<16xi32>,
      %get3A_86 = vector.shape_cast %get3A_85 : vector<16xi32> to vector<16xi32>
      %ge3A_87 = arith.cmpi sge, %get3A_86, %broadcast_in_dim3A : vector<16xi32>
      %lt3A_88 = arith.cmpi slt, %get3A_86, %broadcast_in_dim3A_6 : vector<16xi32>
      %and3A_89 = arith.andi %ge3A_87, %lt3A_88 : vector<16xi1>
      %sub3A_90 = arith.subi %get3A_86, %broadcast_in_dim3A : vector<16xi32>
      %jit3A_91 = arith.constant 26624 : i32
      %broadcast_in_dim3A_92 = vector.broadcast %jit3A_91 : i32 to vector<16xi32>
      %select_n3A_93 = arith.select %and3A_89, %sub3A_90, %broadcast_in_dim3A_92 : vector<16xi1>, vector<16xi32>
      %swap3A_94 = arith.constant 32 : index
      %swap3A_95 = tpu.vector_load %arg9[%swap3A_94] {strides = array<i32>} : memref<128xi32, #tpu.memory_space<vmem>>, vector<16xi32>,
      %swap3A_96 = vector.shape_cast %swap3A_95 : vector<16xi32> to vector<16xi32>
      %swap3A_97 = vector.shape_cast %select_n3A_93 : vector<16xi32> to vector<16xi32>
      tpu.vector_store %arg9[%swap3A_94], %swap3A_97 {strides = array<i32>} : memref<128xi32, #tpu.memory_space<vmem>>, vector<16xi32>,
      %get3A_98 = arith.constant 48 : index
      %get3A_99 = tpu.vector_load %arg8[%get3A_98] {strides = array<i32>} : memref<128xi32, #tpu.memory_space<vmem>>, vector<16xi32>,
      %get3A_100 = vector.shape_cast %get3A_99 : vector<16xi32> to vector<16xi32>
      %ge3A_101 = arith.cmpi sge, %get3A_100, %broadcast_in_dim3A : vector<16xi32>
      %lt3A_102 = arith.cmpi slt, %get3A_100, %broadcast_in_dim3A_6 : vector<16xi32>
      %and3A_103 = arith.andi %ge3A_101, %lt3A_102 : vector<16xi1>
      %sub3A_104 = arith.subi %get3A_100, %broadcast_in_dim3A : vector<16xi32>
      %jit3A_105 = arith.constant 26624 : i32
      %broadcast_in_dim3A_106 = vector.broadcast %jit3A_105 : i32 to vector<16xi32>
      %select_n3A_107 = arith.select %and3A_103, %sub3A_104, %broadcast_in_dim3A_106 : vector<16xi1>, vector<16xi32>
      %swap3A_108 = arith.constant 48 : index
      %swap3A_109 = tpu.vector_load %arg9[%swap3A_108] {strides = array<i32>} : memref<128xi32, #tpu.memory_space<vmem>>, vector<16xi32>,
      %swap3A_110 = vector.shape_cast %swap3A_109 : vector<16xi32> to vector<16xi32>
      %swap3A_111 = vector.shape_cast %select_n3A_107 : vector<16xi32> to vector<16xi32>
      tpu.vector_store %arg9[%swap3A_108], %swap3A_111 {strides = array<i32>} : memref<128xi32, #tpu.memory_space<vmem>>, vector<16xi32>,
      %get3A_112 = arith.constant 64 : index
      %get3A_113 = tpu.vector_load %arg8[%get3A_112] {strides = array<i32>} : memref<128xi32, #tpu.memory_space<vmem>>, vector<16xi32>,
      %get3A_114 = vector.shape_cast %get3A_113 : vector<16xi32> to vector<16xi32>
      %ge3A_115 = arith.cmpi sge, %get3A_114, %broadcast_in_dim3A : vector<16xi32>
      %lt3A_116 = arith.cmpi slt, %get3A_114, %broadcast_in_dim3A_6 : vector<16xi32>
      %and3A_117 = arith.andi %ge3A_115, %lt3A_116 : vector<16xi1>
      %sub3A_118 = arith.subi %get3A_114, %broadcast_in_dim3A : vector<16xi32>
      %jit3A_119 = arith.constant 26624 : i32
      %broadcast_in_dim3A_120 = vector.broadcast %jit3A_119 : i32 to vector<16xi32>
      %select_n3A_121 = arith.select %and3A_117, %sub3A_118, %broadcast_in_dim3A_120 : vector<16xi1>, vector<16xi32>
      %swap3A_122 = arith.constant 64 : index
      %swap3A_123 = tpu.vector_load %arg9[%swap3A_122] {strides = array<i32>} : memref<128xi32, #tpu.memory_space<vmem>>, vector<16xi32>,
      %swap3A_124 = vector.shape_cast %swap3A_123 : vector<16xi32> to vector<16xi32>
      %swap3A_125 = vector.shape_cast %select_n3A_121 : vector<16xi32> to vector<16xi32>
      tpu.vector_store %arg9[%swap3A_122], %swap3A_125 {strides = array<i32>} : memref<128xi32, #tpu.memory_space<vmem>>, vector<16xi32>,
      %get3A_126 = arith.constant 80 : index
      %get3A_127 = tpu.vector_load %arg8[%get3A_126] {strides = array<i32>} : memref<128xi32, #tpu.memory_space<vmem>>, vector<16xi32>,
      %get3A_128 = vector.shape_cast %get3A_127 : vector<16xi32> to vector<16xi32>
      %ge3A_129 = arith.cmpi sge, %get3A_128, %broadcast_in_dim3A : vector<16xi32>
      %lt3A_130 = arith.cmpi slt, %get3A_128, %broadcast_in_dim3A_6 : vector<16xi32>
      %and3A_131 = arith.andi %ge3A_129, %lt3A_130 : vector<16xi1>
      %sub3A_132 = arith.subi %get3A_128, %broadcast_in_dim3A : vector<16xi32>
      %jit3A_133 = arith.constant 26624 : i32
      %broadcast_in_dim3A_134 = vector.broadcast %jit3A_133 : i32 to vector<16xi32>
      %select_n3A_135 = arith.select %and3A_131, %sub3A_132, %broadcast_in_dim3A_134 : vector<16xi1>, vector<16xi32>
      %swap3A_136 = arith.constant 80 : index
      %swap3A_137 = tpu.vector_load %arg9[%swap3A_136] {strides = array<i32>} : memref<128xi32, #tpu.memory_space<vmem>>, vector<16xi32>,
      %swap3A_138 = vector.shape_cast %swap3A_137 : vector<16xi32> to vector<16xi32>
      %swap3A_139 = vector.shape_cast %select_n3A_135 : vector<16xi32> to vector<16xi32>
      tpu.vector_store %arg9[%swap3A_136], %swap3A_139 {strides = array<i32>} : memref<128xi32, #tpu.memory_space<vmem>>, vector<16xi32>,
      %get3A_140 = arith.constant 96 : index
      %get3A_141 = tpu.vector_load %arg8[%get3A_140] {strides = array<i32>} : memref<128xi32, #tpu.memory_space<vmem>>, vector<16xi32>,
      %get3A_142 = vector.shape_cast %get3A_141 : vector<16xi32> to vector<16xi32>
      %ge3A_143 = arith.cmpi sge, %get3A_142, %broadcast_in_dim3A : vector<16xi32>
      %lt3A_144 = arith.cmpi slt, %get3A_142, %broadcast_in_dim3A_6 : vector<16xi32>
      %and3A_145 = arith.andi %ge3A_143, %lt3A_144 : vector<16xi1>
      %sub3A_146 = arith.subi %get3A_142, %broadcast_in_dim3A : vector<16xi32>
      %jit3A_147 = arith.constant 26624 : i32
      %broadcast_in_dim3A_148 = vector.broadcast %jit3A_147 : i32 to vector<16xi32>
      %select_n3A_149 = arith.select %and3A_145, %sub3A_146, %broadcast_in_dim3A_148 : vector<16xi1>, vector<16xi32>
      %swap3A_150 = arith.constant 96 : index
      %swap3A_151 = tpu.vector_load %arg9[%swap3A_150] {strides = array<i32>} : memref<128xi32, #tpu.memory_space<vmem>>, vector<16xi32>,
      %swap3A_152 = vector.shape_cast %swap3A_151 : vector<16xi32> to vector<16xi32>
      %swap3A_153 = vector.shape_cast %select_n3A_149 : vector<16xi32> to vector<16xi32>
      tpu.vector_store %arg9[%swap3A_150], %swap3A_153 {strides = array<i32>} : memref<128xi32, #tpu.memory_space<vmem>>, vector<16xi32>,
      %get3A_154 = arith.constant 112 : index
      %get3A_155 = tpu.vector_load %arg8[%get3A_154] {strides = array<i32>} : memref<128xi32, #tpu.memory_space<vmem>>, vector<16xi32>,
      %get3A_156 = vector.shape_cast %get3A_155 : vector<16xi32> to vector<16xi32>
      %ge3A_157 = arith.cmpi sge, %get3A_156, %broadcast_in_dim3A : vector<16xi32>
      %lt3A_158 = arith.cmpi slt, %get3A_156, %broadcast_in_dim3A_6 : vector<16xi32>
      %and3A_159 = arith.andi %ge3A_157, %lt3A_158 : vector<16xi1>
      %sub3A_160 = arith.subi %get3A_156, %broadcast_in_dim3A : vector<16xi32>
      %jit3A_161 = arith.constant 26624 : i32
      %broadcast_in_dim3A_162 = vector.broadcast %jit3A_161 : i32 to vector<16xi32>
      %select_n3A_163 = arith.select %and3A_159, %sub3A_160, %broadcast_in_dim3A_162 : vector<16xi1>, vector<16xi32>
      %swap3A_164 = arith.constant 112 : index
      %swap3A_165 = tpu.vector_load %arg9[%swap3A_164] {strides = array<i32>} : memref<128xi32, #tpu.memory_space<vmem>>, vector<16xi32>,
      %swap3A_166 = vector.shape_cast %swap3A_165 : vector<16xi32> to vector<16xi32>
      %swap3A_167 = vector.shape_cast %select_n3A_163 : vector<16xi32> to vector<16xi32>
      tpu.vector_store %arg9[%swap3A_164], %swap3A_167 {strides = array<i32>} : memref<128xi32, #tpu.memory_space<vmem>>, vector<16xi32>,
      "tpu.region"() ({
        %run_scoped3A = tpu.sem_alloc : memref<!tpu.dma_semaphore, #tpu.memory_space<semaphore_mem>>
        %dma_start3A = arith.constant 0 : i32
        %dma_start3A_168 = arith.constant 0 : i32
        %dma_start3A_169 = tpu.memref_slice %arg2[%dma_start3A, %dma_start3A_168] : memref<100000x64xf32, #tpu.memory_space<hbm>> -> memref<100000x64xf32, #tpu.memory_space<hbm>>
        tpu.enqueue_indirect_dma source(%dma_start3A_169 : memref<100000x64xf32, #tpu.memory_space<hbm>>) target(%arg10 : memref<128x64xf32, #tpu.memory_space<vmem>>) offsets(%arg7 : memref<128xi32, #tpu.memory_space<vmem>>) semaphore(%run_scoped3A : memref<!tpu.dma_semaphore, #tpu.memory_space<semaphore_mem>>)
        %dma_wait3A = arith.constant 0 : i32
        %dma_wait3A_170 = arith.constant 0 : i32
        %dma_wait3A_171 = tpu.memref_slice %arg2[%dma_wait3A, %dma_wait3A_170] : memref<100000x64xf32, #tpu.memory_space<hbm>> -> memref<100000x64xf32, #tpu.memory_space<hbm>>
        tpu.wait_indirect_dma semaphore(%run_scoped3A : memref<!tpu.dma_semaphore, #tpu.memory_space<semaphore_mem>>) src(%dma_wait3A_171 : memref<100000x64xf32, #tpu.memory_space<hbm>>) dst(%arg10 : memref<128x64xf32, #tpu.memory_space<vmem>>)
        tpu.yield
      }) : () -> ()
      "tpu.region"() ({
        %run_scoped3A = tpu.sem_alloc : memref<!tpu.dma_semaphore, #tpu.memory_space<semaphore_mem>>
        %dma_start3A = arith.constant 0 : i32
        %dma_start3A_168 = arith.constant 0 : i32
        %dma_start3A_169 = tpu.memref_slice %arg11[%dma_start3A, %dma_start3A_168] : memref<26632x64xf32, #tpu.memory_space<vmem_shared>> -> memref<26632x64xf32, #tpu.memory_space<vmem_shared>>
        tpu.enqueue_indirect_dma source(%arg10 : memref<128x64xf32, #tpu.memory_space<vmem>>) target(%dma_start3A_169 : memref<26632x64xf32, #tpu.memory_space<vmem_shared>>) offsets(%arg9 : memref<128xi32, #tpu.memory_space<vmem>>) semaphore(%run_scoped3A : memref<!tpu.dma_semaphore, #tpu.memory_space<semaphore_mem>>) {add = true}
        %dma_wait3A = arith.constant 0 : i32
        %dma_wait3A_170 = arith.constant 0 : i32
        %dma_wait3A_171 = tpu.memref_slice %arg11[%dma_wait3A, %dma_wait3A_170] : memref<26632x64xf32, #tpu.memory_space<vmem_shared>> -> memref<26632x64xf32, #tpu.memory_space<vmem_shared>>
        tpu.wait_indirect_dma semaphore(%run_scoped3A : memref<!tpu.dma_semaphore, #tpu.memory_space<semaphore_mem>>) src(%arg10 : memref<128x64xf32, #tpu.memory_space<vmem>>) dst(%dma_wait3A_171 : memref<26632x64xf32, #tpu.memory_space<vmem_shared>>)
        tpu.yield
      }) : () -> ()
    } else {
    }
    %barrier3A_19 = arith.constant 0 : index
    tpu.barrier barrier_id(%barrier3A_19)
    %mul3A_20 = arith.constant 1664 : i32
    %mul3A_21 = arith.muli %arg1, %mul3A_20 : i32
    %mul3A_22 = arith.constant 1664 : i32
    %mul3A_23 = arith.muli %arg1, %mul3A_22 : i32
    %add3A_24 = arith.addi %mul3A_3, %mul3A_23 : i32
    "tpu.region"() ({
      %run_scoped3A = tpu.sem_alloc : memref<!tpu.dma_semaphore, #tpu.memory_space<semaphore_mem>>
      %dma_start3A = arith.constant 0 : i32
      %dma_start3A_59 = tpu.memref_slice %arg6[%add3A_24, %dma_start3A] : memref<106496x64xf32, #tpu.memory_space<hbm>> -> memref<1664x64xf32, #tpu.memory_space<hbm>>
      %dma_start3A_60 = arith.constant 0 : i32
      %dma_start3A_61 = tpu.memref_slice %arg11[%mul3A_21, %dma_start3A_60] : memref<26632x64xf32, #tpu.memory_space<vmem_shared>> -> memref<1664x64xf32, #tpu.memory_space<vmem_shared>>
      tpu.enqueue_dma source(%dma_start3A_61 : memref<1664x64xf32, #tpu.memory_space<vmem_shared>>) target(%dma_start3A_59 : memref<1664x64xf32, #tpu.memory_space<hbm>>) target_semaphore(%run_scoped3A : memref<!tpu.dma_semaphore, #tpu.memory_space<semaphore_mem>>)
      %dma_wait3A = arith.constant 0 : i32
      %dma_wait3A_62 = tpu.memref_slice %arg6[%add3A_24, %dma_wait3A] : memref<106496x64xf32, #tpu.memory_space<hbm>> -> memref<1664x64xf32, #tpu.memory_space<hbm>>
      %dma_wait3A_63 = arith.constant 0 : i32
      %dma_wait3A_64 = tpu.memref_slice %arg11[%mul3A_21, %dma_wait3A_63] : memref<26632x64xf32, #tpu.memory_space<vmem_shared>> -> memref<1664x64xf32, #tpu.memory_space<vmem_shared>>
      tpu.wait_dma2 semaphore(%run_scoped3A : memref<!tpu.dma_semaphore, #tpu.memory_space<semaphore_mem>>) src(%dma_wait3A_64 : memref<1664x64xf32, #tpu.memory_space<vmem_shared>>) dst(%dma_wait3A_62 : memref<1664x64xf32, #tpu.memory_space<hbm>>)
      tpu.yield
    }) : () -> ()
    %mul3A_25 = arith.constant 2 : i32
    %mul3A_26 = arith.muli %mul3A_25, %arg0 : i32
    %add3A_27 = arith.constant 1 : i32
    %add3A_28 = arith.addi %mul3A_26, %add3A_27 : i32
    %mul3A_29 = arith.constant 26624 : i32
    %mul3A_30 = arith.muli %add3A_28, %mul3A_29 : i32
    %broadcast_in_dim3A_31 = vector.broadcast %mul3A_30 : i32 to vector<16xi32>
    %add3A_32 = arith.constant 26624 : i32
    %add3A_33 = arith.addi %mul3A_30, %add3A_32 : i32
    %broadcast_in_dim3A_34 = vector.broadcast %add3A_33 : i32 to vector<16xi32>
    %mul3A_35 = arith.constant 1664 : i32
    %mul3A_36 = arith.muli %arg1, %mul3A_35 : i32
    "tpu.region"() ({
      %run_scoped3A = tpu.sem_alloc : memref<!tpu.dma_semaphore, #tpu.memory_space<semaphore_mem>>
      %dma_start3A = arith.constant 0 : i32
      %dma_start3A_59 = tpu.memref_slice %arg11[%mul3A_36, %dma_start3A] : memref<26632x64xf32, #tpu.memory_space<vmem_shared>> -> memref<1664x64xf32, #tpu.memory_space<vmem_shared>>
      tpu.enqueue_dma source(%arg5 : memref<1664x64xf32, #tpu.memory_space<hbm>>) target(%dma_start3A_59 : memref<1664x64xf32, #tpu.memory_space<vmem_shared>>) target_semaphore(%run_scoped3A : memref<!tpu.dma_semaphore, #tpu.memory_space<semaphore_mem>>)
      %dma_wait3A = arith.constant 0 : i32
      %dma_wait3A_60 = tpu.memref_slice %arg11[%mul3A_36, %dma_wait3A] : memref<26632x64xf32, #tpu.memory_space<vmem_shared>> -> memref<1664x64xf32, #tpu.memory_space<vmem_shared>>
      tpu.wait_dma2 semaphore(%run_scoped3A : memref<!tpu.dma_semaphore, #tpu.memory_space<semaphore_mem>>) src(%arg5 : memref<1664x64xf32, #tpu.memory_space<hbm>>) dst(%dma_wait3A_60 : memref<1664x64xf32, #tpu.memory_space<vmem_shared>>)
      tpu.yield
    }) : () -> ()
    %eq3A_37 = arith.constant 0 : i32
    %eq3A_38 = arith.cmpi eq, %arg1, %eq3A_37 : i32
    %convert_element_type3A_39 = arith.extui %eq3A_38 : i1 to i32
    %cond3A_40 = arith.constant 0 : i32
    %cond3A_41 = arith.cmpi ne, %convert_element_type3A_39, %cond3A_40 : i32
    scf.if %cond3A_41 {
      "tpu.region"() ({
        %run_scoped3A = tpu.sem_alloc : memref<!tpu.dma_semaphore, #tpu.memory_space<semaphore_mem>>
        %dma_start3A = arith.constant 26624 : i32
        %dma_start3A_59 = arith.constant 0 : i32
        %dma_start3A_60 = tpu.memref_slice %arg11[%dma_start3A, %dma_start3A_59] : memref<26632x64xf32, #tpu.memory_space<vmem_shared>> -> memref<8x64xf32, #tpu.memory_space<vmem_shared>>
        %dma_start3A_61 = arith.constant 0 : i32
        %dma_start3A_62 = arith.constant 0 : i32
        %dma_start3A_63 = tpu.memref_slice %arg5[%dma_start3A_61, %dma_start3A_62] : memref<1664x64xf32, #tpu.memory_space<hbm>> -> memref<8x64xf32, #tpu.memory_space<hbm>>
        tpu.enqueue_dma source(%dma_start3A_63 : memref<8x64xf32, #tpu.memory_space<hbm>>) target(%dma_start3A_60 : memref<8x64xf32, #tpu.memory_space<vmem_shared>>) target_semaphore(%run_scoped3A : memref<!tpu.dma_semaphore, #tpu.memory_space<semaphore_mem>>)
        %dma_wait3A = arith.constant 26624 : i32
        %dma_wait3A_64 = arith.constant 0 : i32
        %dma_wait3A_65 = tpu.memref_slice %arg11[%dma_wait3A, %dma_wait3A_64] : memref<26632x64xf32, #tpu.memory_space<vmem_shared>> -> memref<8x64xf32, #tpu.memory_space<vmem_shared>>
        %dma_wait3A_66 = arith.constant 0 : i32
        %dma_wait3A_67 = arith.constant 0 : i32
        %dma_wait3A_68 = tpu.memref_slice %arg5[%dma_wait3A_66, %dma_wait3A_67] : memref<1664x64xf32, #tpu.memory_space<hbm>> -> memref<8x64xf32, #tpu.memory_space<hbm>>
        tpu.wait_dma2 semaphore(%run_scoped3A : memref<!tpu.dma_semaphore, #tpu.memory_space<semaphore_mem>>) src(%dma_wait3A_68 : memref<8x64xf32, #tpu.memory_space<hbm>>) dst(%dma_wait3A_65 : memref<8x64xf32, #tpu.memory_space<vmem_shared>>)
        tpu.yield
      }) : () -> ()
    } else {
    }
    %barrier3A_42 = arith.constant 0 : index
    tpu.barrier barrier_id(%barrier3A_42)
    %scan3A_43 = arith.constant 0 : i32
    %scan3A_44 = arith.constant 781 : i32
    %scan3A_45 = arith.addi %scan3A_43, %scan3A_44 : i32
    %scan3A_46 = arith.constant 1 : i32
    scf.for %scan3A_59 = %scan3A_43 to %scan3A_45 step %scan3A_46  : i32 {
      %mul3A_60 = arith.constant 1 : i32
      %mul3A_61 = arith.muli %scan3A_59, %mul3A_60 : i32
      %add3A_62 = arith.constant 0 : i32
      %add3A_63 = arith.addi %add3A_62, %mul3A_61 : i32
      %mul3A_64 = arith.constant 781 : i32
      %mul3A_65 = arith.muli %arg1, %mul3A_64 : i32
      %add3A_66 = arith.addi %mul3A_65, %add3A_63 : i32
      %mul3A_67 = arith.constant 128 : i32
      %mul3A_68 = arith.muli %add3A_66, %mul3A_67 : i32
      "tpu.region"() ({
        %run_scoped3A = tpu.sem_alloc : memref<!tpu.dma_semaphore, #tpu.memory_space<semaphore_mem>>
        %dma_start3A = tpu.memref_slice %arg4[%mul3A_68] : memref<1600000xi32, #tpu.memory_space<hbm>> -> memref<128xi32, #tpu.memory_space<hbm>>
        %dma_start3A_174 = tpu.memref_slice %arg4[%mul3A_68] : memref<1600000xi32, #tpu.memory_space<hbm>> -> memref<128xi32, #tpu.memory_space<hbm>>
        tpu.enqueue_dma source(%dma_start3A_174 : memref<128xi32, #tpu.memory_space<hbm>>) target(%arg8 : memref<128xi32, #tpu.memory_space<vmem>>) target_semaphore(%run_scoped3A : memref<!tpu.dma_semaphore, #tpu.memory_space<semaphore_mem>>)
        %dma_wait3A = tpu.memref_slice %arg4[%mul3A_68] : memref<1600000xi32, #tpu.memory_space<hbm>> -> memref<128xi32, #tpu.memory_space<hbm>>
        %dma_wait3A_175 = tpu.memref_slice %arg4[%mul3A_68] : memref<1600000xi32, #tpu.memory_space<hbm>> -> memref<128xi32, #tpu.memory_space<hbm>>
        tpu.wait_dma2 semaphore(%run_scoped3A : memref<!tpu.dma_semaphore, #tpu.memory_space<semaphore_mem>>) src(%dma_wait3A_175 : memref<128xi32, #tpu.memory_space<hbm>>) dst(%arg8 : memref<128xi32, #tpu.memory_space<vmem>>)
        tpu.yield
      }) : () -> ()
      "tpu.region"() ({
        %run_scoped3A = tpu.sem_alloc : memref<!tpu.dma_semaphore, #tpu.memory_space<semaphore_mem>>
        %dma_start3A = tpu.memref_slice %arg3[%mul3A_68] : memref<1600000xi32, #tpu.memory_space<hbm>> -> memref<128xi32, #tpu.memory_space<hbm>>
        %dma_start3A_174 = tpu.memref_slice %arg3[%mul3A_68] : memref<1600000xi32, #tpu.memory_space<hbm>> -> memref<128xi32, #tpu.memory_space<hbm>>
        tpu.enqueue_dma source(%dma_start3A_174 : memref<128xi32, #tpu.memory_space<hbm>>) target(%arg7 : memref<128xi32, #tpu.memory_space<vmem>>) target_semaphore(%run_scoped3A : memref<!tpu.dma_semaphore, #tpu.memory_space<semaphore_mem>>)
        %dma_wait3A = tpu.memref_slice %arg3[%mul3A_68] : memref<1600000xi32, #tpu.memory_space<hbm>> -> memref<128xi32, #tpu.memory_space<hbm>>
        %dma_wait3A_175 = tpu.memref_slice %arg3[%mul3A_68] : memref<1600000xi32, #tpu.memory_space<hbm>> -> memref<128xi32, #tpu.memory_space<hbm>>
        tpu.wait_dma2 semaphore(%run_scoped3A : memref<!tpu.dma_semaphore, #tpu.memory_space<semaphore_mem>>) src(%dma_wait3A_175 : memref<128xi32, #tpu.memory_space<hbm>>) dst(%arg7 : memref<128xi32, #tpu.memory_space<vmem>>)
        tpu.yield
      }) : () -> ()
      %get3A = arith.constant 0 : index
      %get3A_69 = tpu.vector_load %arg8[%get3A] {strides = array<i32>} : memref<128xi32, #tpu.memory_space<vmem>>, vector<16xi32>,
      %get3A_70 = vector.shape_cast %get3A_69 : vector<16xi32> to vector<16xi32>
      %ge3A = arith.cmpi sge, %get3A_70, %broadcast_in_dim3A_31 : vector<16xi32>
      %lt3A_71 = arith.cmpi slt, %get3A_70, %broadcast_in_dim3A_34 : vector<16xi32>
      %and3A = arith.andi %ge3A, %lt3A_71 : vector<16xi1>
      %sub3A = arith.subi %get3A_70, %broadcast_in_dim3A_31 : vector<16xi32>
      %jit3A = arith.constant 26624 : i32
      %broadcast_in_dim3A_72 = vector.broadcast %jit3A : i32 to vector<16xi32>
      %select_n3A = arith.select %and3A, %sub3A, %broadcast_in_dim3A_72 : vector<16xi1>, vector<16xi32>
      %swap3A = arith.constant 0 : index
      %swap3A_73 = tpu.vector_load %arg9[%swap3A] {strides = array<i32>} : memref<128xi32, #tpu.memory_space<vmem>>, vector<16xi32>,
      %swap3A_74 = vector.shape_cast %swap3A_73 : vector<16xi32> to vector<16xi32>
      %swap3A_75 = vector.shape_cast %select_n3A : vector<16xi32> to vector<16xi32>
      tpu.vector_store %arg9[%swap3A], %swap3A_75 {strides = array<i32>} : memref<128xi32, #tpu.memory_space<vmem>>, vector<16xi32>,
      %get3A_76 = arith.constant 16 : index
      %get3A_77 = tpu.vector_load %arg8[%get3A_76] {strides = array<i32>} : memref<128xi32, #tpu.memory_space<vmem>>, vector<16xi32>,
      %get3A_78 = vector.shape_cast %get3A_77 : vector<16xi32> to vector<16xi32>
      %ge3A_79 = arith.cmpi sge, %get3A_78, %broadcast_in_dim3A_31 : vector<16xi32>
      %lt3A_80 = arith.cmpi slt, %get3A_78, %broadcast_in_dim3A_34 : vector<16xi32>
      %and3A_81 = arith.andi %ge3A_79, %lt3A_80 : vector<16xi1>
      %sub3A_82 = arith.subi %get3A_78, %broadcast_in_dim3A_31 : vector<16xi32>
      %jit3A_83 = arith.constant 26624 : i32
      %broadcast_in_dim3A_84 = vector.broadcast %jit3A_83 : i32 to vector<16xi32>
      %select_n3A_85 = arith.select %and3A_81, %sub3A_82, %broadcast_in_dim3A_84 : vector<16xi1>, vector<16xi32>
      %swap3A_86 = arith.constant 16 : index
      %swap3A_87 = tpu.vector_load %arg9[%swap3A_86] {strides = array<i32>} : memref<128xi32, #tpu.memory_space<vmem>>, vector<16xi32>,
      %swap3A_88 = vector.shape_cast %swap3A_87 : vector<16xi32> to vector<16xi32>
      %swap3A_89 = vector.shape_cast %select_n3A_85 : vector<16xi32> to vector<16xi32>
      tpu.vector_store %arg9[%swap3A_86], %swap3A_89 {strides = array<i32>} : memref<128xi32, #tpu.memory_space<vmem>>, vector<16xi32>,
      %get3A_90 = arith.constant 32 : index
      %get3A_91 = tpu.vector_load %arg8[%get3A_90] {strides = array<i32>} : memref<128xi32, #tpu.memory_space<vmem>>, vector<16xi32>,
      %get3A_92 = vector.shape_cast %get3A_91 : vector<16xi32> to vector<16xi32>
      %ge3A_93 = arith.cmpi sge, %get3A_92, %broadcast_in_dim3A_31 : vector<16xi32>
      %lt3A_94 = arith.cmpi slt, %get3A_92, %broadcast_in_dim3A_34 : vector<16xi32>
      %and3A_95 = arith.andi %ge3A_93, %lt3A_94 : vector<16xi1>
      %sub3A_96 = arith.subi %get3A_92, %broadcast_in_dim3A_31 : vector<16xi32>
      %jit3A_97 = arith.constant 26624 : i32
      %broadcast_in_dim3A_98 = vector.broadcast %jit3A_97 : i32 to vector<16xi32>
      %select_n3A_99 = arith.select %and3A_95, %sub3A_96, %broadcast_in_dim3A_98 : vector<16xi1>, vector<16xi32>
      %swap3A_100 = arith.constant 32 : index
      %swap3A_101 = tpu.vector_load %arg9[%swap3A_100] {strides = array<i32>} : memref<128xi32, #tpu.memory_space<vmem>>, vector<16xi32>,
      %swap3A_102 = vector.shape_cast %swap3A_101 : vector<16xi32> to vector<16xi32>
      %swap3A_103 = vector.shape_cast %select_n3A_99 : vector<16xi32> to vector<16xi32>
      tpu.vector_store %arg9[%swap3A_100], %swap3A_103 {strides = array<i32>} : memref<128xi32, #tpu.memory_space<vmem>>, vector<16xi32>,
      %get3A_104 = arith.constant 48 : index
      %get3A_105 = tpu.vector_load %arg8[%get3A_104] {strides = array<i32>} : memref<128xi32, #tpu.memory_space<vmem>>, vector<16xi32>,
      %get3A_106 = vector.shape_cast %get3A_105 : vector<16xi32> to vector<16xi32>
      %ge3A_107 = arith.cmpi sge, %get3A_106, %broadcast_in_dim3A_31 : vector<16xi32>
      %lt3A_108 = arith.cmpi slt, %get3A_106, %broadcast_in_dim3A_34 : vector<16xi32>
      %and3A_109 = arith.andi %ge3A_107, %lt3A_108 : vector<16xi1>
      %sub3A_110 = arith.subi %get3A_106, %broadcast_in_dim3A_31 : vector<16xi32>
      %jit3A_111 = arith.constant 26624 : i32
      %broadcast_in_dim3A_112 = vector.broadcast %jit3A_111 : i32 to vector<16xi32>
      %select_n3A_113 = arith.select %and3A_109, %sub3A_110, %broadcast_in_dim3A_112 : vector<16xi1>, vector<16xi32>
      %swap3A_114 = arith.constant 48 : index
      %swap3A_115 = tpu.vector_load %arg9[%swap3A_114] {strides = array<i32>} : memref<128xi32, #tpu.memory_space<vmem>>, vector<16xi32>,
      %swap3A_116 = vector.shape_cast %swap3A_115 : vector<16xi32> to vector<16xi32>
      %swap3A_117 = vector.shape_cast %select_n3A_113 : vector<16xi32> to vector<16xi32>
      tpu.vector_store %arg9[%swap3A_114], %swap3A_117 {strides = array<i32>} : memref<128xi32, #tpu.memory_space<vmem>>, vector<16xi32>,
      %get3A_118 = arith.constant 64 : index
      %get3A_119 = tpu.vector_load %arg8[%get3A_118] {strides = array<i32>} : memref<128xi32, #tpu.memory_space<vmem>>, vector<16xi32>,
      %get3A_120 = vector.shape_cast %get3A_119 : vector<16xi32> to vector<16xi32>
      %ge3A_121 = arith.cmpi sge, %get3A_120, %broadcast_in_dim3A_31 : vector<16xi32>
      %lt3A_122 = arith.cmpi slt, %get3A_120, %broadcast_in_dim3A_34 : vector<16xi32>
      %and3A_123 = arith.andi %ge3A_121, %lt3A_122 : vector<16xi1>
      %sub3A_124 = arith.subi %get3A_120, %broadcast_in_dim3A_31 : vector<16xi32>
      %jit3A_125 = arith.constant 26624 : i32
      %broadcast_in_dim3A_126 = vector.broadcast %jit3A_125 : i32 to vector<16xi32>
      %select_n3A_127 = arith.select %and3A_123, %sub3A_124, %broadcast_in_dim3A_126 : vector<16xi1>, vector<16xi32>
      %swap3A_128 = arith.constant 64 : index
      %swap3A_129 = tpu.vector_load %arg9[%swap3A_128] {strides = array<i32>} : memref<128xi32, #tpu.memory_space<vmem>>, vector<16xi32>,
      %swap3A_130 = vector.shape_cast %swap3A_129 : vector<16xi32> to vector<16xi32>
      %swap3A_131 = vector.shape_cast %select_n3A_127 : vector<16xi32> to vector<16xi32>
      tpu.vector_store %arg9[%swap3A_128], %swap3A_131 {strides = array<i32>} : memref<128xi32, #tpu.memory_space<vmem>>, vector<16xi32>,
      %get3A_132 = arith.constant 80 : index
      %get3A_133 = tpu.vector_load %arg8[%get3A_132] {strides = array<i32>} : memref<128xi32, #tpu.memory_space<vmem>>, vector<16xi32>,
      %get3A_134 = vector.shape_cast %get3A_133 : vector<16xi32> to vector<16xi32>
      %ge3A_135 = arith.cmpi sge, %get3A_134, %broadcast_in_dim3A_31 : vector<16xi32>
      %lt3A_136 = arith.cmpi slt, %get3A_134, %broadcast_in_dim3A_34 : vector<16xi32>
      %and3A_137 = arith.andi %ge3A_135, %lt3A_136 : vector<16xi1>
      %sub3A_138 = arith.subi %get3A_134, %broadcast_in_dim3A_31 : vector<16xi32>
      %jit3A_139 = arith.constant 26624 : i32
      %broadcast_in_dim3A_140 = vector.broadcast %jit3A_139 : i32 to vector<16xi32>
      %select_n3A_141 = arith.select %and3A_137, %sub3A_138, %broadcast_in_dim3A_140 : vector<16xi1>, vector<16xi32>
      %swap3A_142 = arith.constant 80 : index
      %swap3A_143 = tpu.vector_load %arg9[%swap3A_142] {strides = array<i32>} : memref<128xi32, #tpu.memory_space<vmem>>, vector<16xi32>,
      %swap3A_144 = vector.shape_cast %swap3A_143 : vector<16xi32> to vector<16xi32>
      %swap3A_145 = vector.shape_cast %select_n3A_141 : vector<16xi32> to vector<16xi32>
      tpu.vector_store %arg9[%swap3A_142], %swap3A_145 {strides = array<i32>} : memref<128xi32, #tpu.memory_space<vmem>>, vector<16xi32>,
      %get3A_146 = arith.constant 96 : index
      %get3A_147 = tpu.vector_load %arg8[%get3A_146] {strides = array<i32>} : memref<128xi32, #tpu.memory_space<vmem>>, vector<16xi32>,
      %get3A_148 = vector.shape_cast %get3A_147 : vector<16xi32> to vector<16xi32>
      %ge3A_149 = arith.cmpi sge, %get3A_148, %broadcast_in_dim3A_31 : vector<16xi32>
      %lt3A_150 = arith.cmpi slt, %get3A_148, %broadcast_in_dim3A_34 : vector<16xi32>
      %and3A_151 = arith.andi %ge3A_149, %lt3A_150 : vector<16xi1>
      %sub3A_152 = arith.subi %get3A_148, %broadcast_in_dim3A_31 : vector<16xi32>
      %jit3A_153 = arith.constant 26624 : i32
      %broadcast_in_dim3A_154 = vector.broadcast %jit3A_153 : i32 to vector<16xi32>
      %select_n3A_155 = arith.select %and3A_151, %sub3A_152, %broadcast_in_dim3A_154 : vector<16xi1>, vector<16xi32>
      %swap3A_156 = arith.constant 96 : index
      %swap3A_157 = tpu.vector_load %arg9[%swap3A_156] {strides = array<i32>} : memref<128xi32, #tpu.memory_space<vmem>>, vector<16xi32>,
      %swap3A_158 = vector.shape_cast %swap3A_157 : vector<16xi32> to vector<16xi32>
      %swap3A_159 = vector.shape_cast %select_n3A_155 : vector<16xi32> to vector<16xi32>
      tpu.vector_store %arg9[%swap3A_156], %swap3A_159 {strides = array<i32>} : memref<128xi32, #tpu.memory_space<vmem>>, vector<16xi32>,
      %get3A_160 = arith.constant 112 : index
      %get3A_161 = tpu.vector_load %arg8[%get3A_160] {strides = array<i32>} : memref<128xi32, #tpu.memory_space<vmem>>, vector<16xi32>,
      %get3A_162 = vector.shape_cast %get3A_161 : vector<16xi32> to vector<16xi32>
      %ge3A_163 = arith.cmpi sge, %get3A_162, %broadcast_in_dim3A_31 : vector<16xi32>
      %lt3A_164 = arith.cmpi slt, %get3A_162, %broadcast_in_dim3A_34 : vector<16xi32>
      %and3A_165 = arith.andi %ge3A_163, %lt3A_164 : vector<16xi1>
      %sub3A_166 = arith.subi %get3A_162, %broadcast_in_dim3A_31 : vector<16xi32>
      %jit3A_167 = arith.constant 26624 : i32
      %broadcast_in_dim3A_168 = vector.broadcast %jit3A_167 : i32 to vector<16xi32>
      %select_n3A_169 = arith.select %and3A_165, %sub3A_166, %broadcast_in_dim3A_168 : vector<16xi1>, vector<16xi32>
      %swap3A_170 = arith.constant 112 : index
      %swap3A_171 = tpu.vector_load %arg9[%swap3A_170] {strides = array<i32>} : memref<128xi32, #tpu.memory_space<vmem>>, vector<16xi32>,
      %swap3A_172 = vector.shape_cast %swap3A_171 : vector<16xi32> to vector<16xi32>
      %swap3A_173 = vector.shape_cast %select_n3A_169 : vector<16xi32> to vector<16xi32>
      tpu.vector_store %arg9[%swap3A_170], %swap3A_173 {strides = array<i32>} : memref<128xi32, #tpu.memory_space<vmem>>, vector<16xi32>,
      "tpu.region"() ({
        %run_scoped3A = tpu.sem_alloc : memref<!tpu.dma_semaphore, #tpu.memory_space<semaphore_mem>>
        %dma_start3A = arith.constant 0 : i32
        %dma_start3A_174 = arith.constant 0 : i32
        %dma_start3A_175 = tpu.memref_slice %arg2[%dma_start3A, %dma_start3A_174] : memref<100000x64xf32, #tpu.memory_space<hbm>> -> memref<100000x64xf32, #tpu.memory_space<hbm>>
        tpu.enqueue_indirect_dma source(%dma_start3A_175 : memref<100000x64xf32, #tpu.memory_space<hbm>>) target(%arg10 : memref<128x64xf32, #tpu.memory_space<vmem>>) offsets(%arg7 : memref<128xi32, #tpu.memory_space<vmem>>) semaphore(%run_scoped3A : memref<!tpu.dma_semaphore, #tpu.memory_space<semaphore_mem>>)
        %dma_wait3A = arith.constant 0 : i32
        %dma_wait3A_176 = arith.constant 0 : i32
        %dma_wait3A_177 = tpu.memref_slice %arg2[%dma_wait3A, %dma_wait3A_176] : memref<100000x64xf32, #tpu.memory_space<hbm>> -> memref<100000x64xf32, #tpu.memory_space<hbm>>
        tpu.wait_indirect_dma semaphore(%run_scoped3A : memref<!tpu.dma_semaphore, #tpu.memory_space<semaphore_mem>>) src(%dma_wait3A_177 : memref<100000x64xf32, #tpu.memory_space<hbm>>) dst(%arg10 : memref<128x64xf32, #tpu.memory_space<vmem>>)
        tpu.yield
      }) : () -> ()
      "tpu.region"() ({
        %run_scoped3A = tpu.sem_alloc : memref<!tpu.dma_semaphore, #tpu.memory_space<semaphore_mem>>
        %dma_start3A = arith.constant 0 : i32
        %dma_start3A_174 = arith.constant 0 : i32
        %dma_start3A_175 = tpu.memref_slice %arg11[%dma_start3A, %dma_start3A_174] : memref<26632x64xf32, #tpu.memory_space<vmem_shared>> -> memref<26632x64xf32, #tpu.memory_space<vmem_shared>>
        tpu.enqueue_indirect_dma source(%arg10 : memref<128x64xf32, #tpu.memory_space<vmem>>) target(%dma_start3A_175 : memref<26632x64xf32, #tpu.memory_space<vmem_shared>>) offsets(%arg9 : memref<128xi32, #tpu.memory_space<vmem>>) semaphore(%run_scoped3A : memref<!tpu.dma_semaphore, #tpu.memory_space<semaphore_mem>>) {add = true}
        %dma_wait3A = arith.constant 0 : i32
        %dma_wait3A_176 = arith.constant 0 : i32
        %dma_wait3A_177 = tpu.memref_slice %arg11[%dma_wait3A, %dma_wait3A_176] : memref<26632x64xf32, #tpu.memory_space<vmem_shared>> -> memref<26632x64xf32, #tpu.memory_space<vmem_shared>>
        tpu.wait_indirect_dma semaphore(%run_scoped3A : memref<!tpu.dma_semaphore, #tpu.memory_space<semaphore_mem>>) src(%arg10 : memref<128x64xf32, #tpu.memory_space<vmem>>) dst(%dma_wait3A_177 : memref<26632x64xf32, #tpu.memory_space<vmem_shared>>)
        tpu.yield
      }) : () -> ()
    }
    %scan3A_47 = arith.constant 781 : i32
    %lt3A_48 = arith.constant 4 : i32
    %lt3A_49 = arith.cmpi slt, %arg1, %lt3A_48 : i32
    %convert_element_type3A_50 = arith.extui %lt3A_49 : i1 to i32
    %cond3A_51 = arith.constant 0 : i32
    %cond3A_52 = arith.cmpi ne, %convert_element_type3A_50, %cond3A_51 : i32
    scf.if %cond3A_52 {
      %add3A_59 = arith.constant 12496 : i32
      %add3A_60 = arith.addi %add3A_59, %arg1 : i32
      %mul3A_61 = arith.constant 128 : i32
      %mul3A_62 = arith.muli %add3A_60, %mul3A_61 : i32
      "tpu.region"() ({
        %run_scoped3A = tpu.sem_alloc : memref<!tpu.dma_semaphore, #tpu.memory_space<semaphore_mem>>
        %dma_start3A = tpu.memref_slice %arg4[%mul3A_62] : memref<1600000xi32, #tpu.memory_space<hbm>> -> memref<128xi32, #tpu.memory_space<hbm>>
        %dma_start3A_168 = tpu.memref_slice %arg4[%mul3A_62] : memref<1600000xi32, #tpu.memory_space<hbm>> -> memref<128xi32, #tpu.memory_space<hbm>>
        tpu.enqueue_dma source(%dma_start3A_168 : memref<128xi32, #tpu.memory_space<hbm>>) target(%arg8 : memref<128xi32, #tpu.memory_space<vmem>>) target_semaphore(%run_scoped3A : memref<!tpu.dma_semaphore, #tpu.memory_space<semaphore_mem>>)
        %dma_wait3A = tpu.memref_slice %arg4[%mul3A_62] : memref<1600000xi32, #tpu.memory_space<hbm>> -> memref<128xi32, #tpu.memory_space<hbm>>
        %dma_wait3A_169 = tpu.memref_slice %arg4[%mul3A_62] : memref<1600000xi32, #tpu.memory_space<hbm>> -> memref<128xi32, #tpu.memory_space<hbm>>
        tpu.wait_dma2 semaphore(%run_scoped3A : memref<!tpu.dma_semaphore, #tpu.memory_space<semaphore_mem>>) src(%dma_wait3A_169 : memref<128xi32, #tpu.memory_space<hbm>>) dst(%arg8 : memref<128xi32, #tpu.memory_space<vmem>>)
        tpu.yield
      }) : () -> ()
      "tpu.region"() ({
        %run_scoped3A = tpu.sem_alloc : memref<!tpu.dma_semaphore, #tpu.memory_space<semaphore_mem>>
        %dma_start3A = tpu.memref_slice %arg3[%mul3A_62] : memref<1600000xi32, #tpu.memory_space<hbm>> -> memref<128xi32, #tpu.memory_space<hbm>>
        %dma_start3A_168 = tpu.memref_slice %arg3[%mul3A_62] : memref<1600000xi32, #tpu.memory_space<hbm>> -> memref<128xi32, #tpu.memory_space<hbm>>
        tpu.enqueue_dma source(%dma_start3A_168 : memref<128xi32, #tpu.memory_space<hbm>>) target(%arg7 : memref<128xi32, #tpu.memory_space<vmem>>) target_semaphore(%run_scoped3A : memref<!tpu.dma_semaphore, #tpu.memory_space<semaphore_mem>>)
        %dma_wait3A = tpu.memref_slice %arg3[%mul3A_62] : memref<1600000xi32, #tpu.memory_space<hbm>> -> memref<128xi32, #tpu.memory_space<hbm>>
        %dma_wait3A_169 = tpu.memref_slice %arg3[%mul3A_62] : memref<1600000xi32, #tpu.memory_space<hbm>> -> memref<128xi32, #tpu.memory_space<hbm>>
        tpu.wait_dma2 semaphore(%run_scoped3A : memref<!tpu.dma_semaphore, #tpu.memory_space<semaphore_mem>>) src(%dma_wait3A_169 : memref<128xi32, #tpu.memory_space<hbm>>) dst(%arg7 : memref<128xi32, #tpu.memory_space<vmem>>)
        tpu.yield
      }) : () -> ()
      %get3A = arith.constant 0 : index
      %get3A_63 = tpu.vector_load %arg8[%get3A] {strides = array<i32>} : memref<128xi32, #tpu.memory_space<vmem>>, vector<16xi32>,
      %get3A_64 = vector.shape_cast %get3A_63 : vector<16xi32> to vector<16xi32>
      %ge3A = arith.cmpi sge, %get3A_64, %broadcast_in_dim3A_31 : vector<16xi32>
      %lt3A_65 = arith.cmpi slt, %get3A_64, %broadcast_in_dim3A_34 : vector<16xi32>
      %and3A = arith.andi %ge3A, %lt3A_65 : vector<16xi1>
      %sub3A = arith.subi %get3A_64, %broadcast_in_dim3A_31 : vector<16xi32>
      %jit3A = arith.constant 26624 : i32
      %broadcast_in_dim3A_66 = vector.broadcast %jit3A : i32 to vector<16xi32>
      %select_n3A = arith.select %and3A, %sub3A, %broadcast_in_dim3A_66 : vector<16xi1>, vector<16xi32>
      %swap3A = arith.constant 0 : index
      %swap3A_67 = tpu.vector_load %arg9[%swap3A] {strides = array<i32>} : memref<128xi32, #tpu.memory_space<vmem>>, vector<16xi32>,
      %swap3A_68 = vector.shape_cast %swap3A_67 : vector<16xi32> to vector<16xi32>
      %swap3A_69 = vector.shape_cast %select_n3A : vector<16xi32> to vector<16xi32>
      tpu.vector_store %arg9[%swap3A], %swap3A_69 {strides = array<i32>} : memref<128xi32, #tpu.memory_space<vmem>>, vector<16xi32>,
      %get3A_70 = arith.constant 16 : index
      %get3A_71 = tpu.vector_load %arg8[%get3A_70] {strides = array<i32>} : memref<128xi32, #tpu.memory_space<vmem>>, vector<16xi32>,
      %get3A_72 = vector.shape_cast %get3A_71 : vector<16xi32> to vector<16xi32>
      %ge3A_73 = arith.cmpi sge, %get3A_72, %broadcast_in_dim3A_31 : vector<16xi32>
      %lt3A_74 = arith.cmpi slt, %get3A_72, %broadcast_in_dim3A_34 : vector<16xi32>
      %and3A_75 = arith.andi %ge3A_73, %lt3A_74 : vector<16xi1>
      %sub3A_76 = arith.subi %get3A_72, %broadcast_in_dim3A_31 : vector<16xi32>
      %jit3A_77 = arith.constant 26624 : i32
      %broadcast_in_dim3A_78 = vector.broadcast %jit3A_77 : i32 to vector<16xi32>
      %select_n3A_79 = arith.select %and3A_75, %sub3A_76, %broadcast_in_dim3A_78 : vector<16xi1>, vector<16xi32>
      %swap3A_80 = arith.constant 16 : index
      %swap3A_81 = tpu.vector_load %arg9[%swap3A_80] {strides = array<i32>} : memref<128xi32, #tpu.memory_space<vmem>>, vector<16xi32>,
      %swap3A_82 = vector.shape_cast %swap3A_81 : vector<16xi32> to vector<16xi32>
      %swap3A_83 = vector.shape_cast %select_n3A_79 : vector<16xi32> to vector<16xi32>
      tpu.vector_store %arg9[%swap3A_80], %swap3A_83 {strides = array<i32>} : memref<128xi32, #tpu.memory_space<vmem>>, vector<16xi32>,
      %get3A_84 = arith.constant 32 : index
      %get3A_85 = tpu.vector_load %arg8[%get3A_84] {strides = array<i32>} : memref<128xi32, #tpu.memory_space<vmem>>, vector<16xi32>,
      %get3A_86 = vector.shape_cast %get3A_85 : vector<16xi32> to vector<16xi32>
      %ge3A_87 = arith.cmpi sge, %get3A_86, %broadcast_in_dim3A_31 : vector<16xi32>
      %lt3A_88 = arith.cmpi slt, %get3A_86, %broadcast_in_dim3A_34 : vector<16xi32>
      %and3A_89 = arith.andi %ge3A_87, %lt3A_88 : vector<16xi1>
      %sub3A_90 = arith.subi %get3A_86, %broadcast_in_dim3A_31 : vector<16xi32>
      %jit3A_91 = arith.constant 26624 : i32
      %broadcast_in_dim3A_92 = vector.broadcast %jit3A_91 : i32 to vector<16xi32>
      %select_n3A_93 = arith.select %and3A_89, %sub3A_90, %broadcast_in_dim3A_92 : vector<16xi1>, vector<16xi32>
      %swap3A_94 = arith.constant 32 : index
      %swap3A_95 = tpu.vector_load %arg9[%swap3A_94] {strides = array<i32>} : memref<128xi32, #tpu.memory_space<vmem>>, vector<16xi32>,
      %swap3A_96 = vector.shape_cast %swap3A_95 : vector<16xi32> to vector<16xi32>
      %swap3A_97 = vector.shape_cast %select_n3A_93 : vector<16xi32> to vector<16xi32>
      tpu.vector_store %arg9[%swap3A_94], %swap3A_97 {strides = array<i32>} : memref<128xi32, #tpu.memory_space<vmem>>, vector<16xi32>,
      %get3A_98 = arith.constant 48 : index
      %get3A_99 = tpu.vector_load %arg8[%get3A_98] {strides = array<i32>} : memref<128xi32, #tpu.memory_space<vmem>>, vector<16xi32>,
      %get3A_100 = vector.shape_cast %get3A_99 : vector<16xi32> to vector<16xi32>
      %ge3A_101 = arith.cmpi sge, %get3A_100, %broadcast_in_dim3A_31 : vector<16xi32>
      %lt3A_102 = arith.cmpi slt, %get3A_100, %broadcast_in_dim3A_34 : vector<16xi32>
      %and3A_103 = arith.andi %ge3A_101, %lt3A_102 : vector<16xi1>
      %sub3A_104 = arith.subi %get3A_100, %broadcast_in_dim3A_31 : vector<16xi32>
      %jit3A_105 = arith.constant 26624 : i32
      %broadcast_in_dim3A_106 = vector.broadcast %jit3A_105 : i32 to vector<16xi32>
      %select_n3A_107 = arith.select %and3A_103, %sub3A_104, %broadcast_in_dim3A_106 : vector<16xi1>, vector<16xi32>
      %swap3A_108 = arith.constant 48 : index
      %swap3A_109 = tpu.vector_load %arg9[%swap3A_108] {strides = array<i32>} : memref<128xi32, #tpu.memory_space<vmem>>, vector<16xi32>,
      %swap3A_110 = vector.shape_cast %swap3A_109 : vector<16xi32> to vector<16xi32>
      %swap3A_111 = vector.shape_cast %select_n3A_107 : vector<16xi32> to vector<16xi32>
      tpu.vector_store %arg9[%swap3A_108], %swap3A_111 {strides = array<i32>} : memref<128xi32, #tpu.memory_space<vmem>>, vector<16xi32>,
      %get3A_112 = arith.constant 64 : index
      %get3A_113 = tpu.vector_load %arg8[%get3A_112] {strides = array<i32>} : memref<128xi32, #tpu.memory_space<vmem>>, vector<16xi32>,
      %get3A_114 = vector.shape_cast %get3A_113 : vector<16xi32> to vector<16xi32>
      %ge3A_115 = arith.cmpi sge, %get3A_114, %broadcast_in_dim3A_31 : vector<16xi32>
      %lt3A_116 = arith.cmpi slt, %get3A_114, %broadcast_in_dim3A_34 : vector<16xi32>
      %and3A_117 = arith.andi %ge3A_115, %lt3A_116 : vector<16xi1>
      %sub3A_118 = arith.subi %get3A_114, %broadcast_in_dim3A_31 : vector<16xi32>
      %jit3A_119 = arith.constant 26624 : i32
      %broadcast_in_dim3A_120 = vector.broadcast %jit3A_119 : i32 to vector<16xi32>
      %select_n3A_121 = arith.select %and3A_117, %sub3A_118, %broadcast_in_dim3A_120 : vector<16xi1>, vector<16xi32>
      %swap3A_122 = arith.constant 64 : index
      %swap3A_123 = tpu.vector_load %arg9[%swap3A_122] {strides = array<i32>} : memref<128xi32, #tpu.memory_space<vmem>>, vector<16xi32>,
      %swap3A_124 = vector.shape_cast %swap3A_123 : vector<16xi32> to vector<16xi32>
      %swap3A_125 = vector.shape_cast %select_n3A_121 : vector<16xi32> to vector<16xi32>
      tpu.vector_store %arg9[%swap3A_122], %swap3A_125 {strides = array<i32>} : memref<128xi32, #tpu.memory_space<vmem>>, vector<16xi32>,
      %get3A_126 = arith.constant 80 : index
      %get3A_127 = tpu.vector_load %arg8[%get3A_126] {strides = array<i32>} : memref<128xi32, #tpu.memory_space<vmem>>, vector<16xi32>,
      %get3A_128 = vector.shape_cast %get3A_127 : vector<16xi32> to vector<16xi32>
      %ge3A_129 = arith.cmpi sge, %get3A_128, %broadcast_in_dim3A_31 : vector<16xi32>
      %lt3A_130 = arith.cmpi slt, %get3A_128, %broadcast_in_dim3A_34 : vector<16xi32>
      %and3A_131 = arith.andi %ge3A_129, %lt3A_130 : vector<16xi1>
      %sub3A_132 = arith.subi %get3A_128, %broadcast_in_dim3A_31 : vector<16xi32>
      %jit3A_133 = arith.constant 26624 : i32
      %broadcast_in_dim3A_134 = vector.broadcast %jit3A_133 : i32 to vector<16xi32>
      %select_n3A_135 = arith.select %and3A_131, %sub3A_132, %broadcast_in_dim3A_134 : vector<16xi1>, vector<16xi32>
      %swap3A_136 = arith.constant 80 : index
      %swap3A_137 = tpu.vector_load %arg9[%swap3A_136] {strides = array<i32>} : memref<128xi32, #tpu.memory_space<vmem>>, vector<16xi32>,
      %swap3A_138 = vector.shape_cast %swap3A_137 : vector<16xi32> to vector<16xi32>
      %swap3A_139 = vector.shape_cast %select_n3A_135 : vector<16xi32> to vector<16xi32>
      tpu.vector_store %arg9[%swap3A_136], %swap3A_139 {strides = array<i32>} : memref<128xi32, #tpu.memory_space<vmem>>, vector<16xi32>,
      %get3A_140 = arith.constant 96 : index
      %get3A_141 = tpu.vector_load %arg8[%get3A_140] {strides = array<i32>} : memref<128xi32, #tpu.memory_space<vmem>>, vector<16xi32>,
      %get3A_142 = vector.shape_cast %get3A_141 : vector<16xi32> to vector<16xi32>
      %ge3A_143 = arith.cmpi sge, %get3A_142, %broadcast_in_dim3A_31 : vector<16xi32>
      %lt3A_144 = arith.cmpi slt, %get3A_142, %broadcast_in_dim3A_34 : vector<16xi32>
      %and3A_145 = arith.andi %ge3A_143, %lt3A_144 : vector<16xi1>
      %sub3A_146 = arith.subi %get3A_142, %broadcast_in_dim3A_31 : vector<16xi32>
      %jit3A_147 = arith.constant 26624 : i32
      %broadcast_in_dim3A_148 = vector.broadcast %jit3A_147 : i32 to vector<16xi32>
      %select_n3A_149 = arith.select %and3A_145, %sub3A_146, %broadcast_in_dim3A_148 : vector<16xi1>, vector<16xi32>
      %swap3A_150 = arith.constant 96 : index
      %swap3A_151 = tpu.vector_load %arg9[%swap3A_150] {strides = array<i32>} : memref<128xi32, #tpu.memory_space<vmem>>, vector<16xi32>,
      %swap3A_152 = vector.shape_cast %swap3A_151 : vector<16xi32> to vector<16xi32>
      %swap3A_153 = vector.shape_cast %select_n3A_149 : vector<16xi32> to vector<16xi32>
      tpu.vector_store %arg9[%swap3A_150], %swap3A_153 {strides = array<i32>} : memref<128xi32, #tpu.memory_space<vmem>>, vector<16xi32>,
      %get3A_154 = arith.constant 112 : index
      %get3A_155 = tpu.vector_load %arg8[%get3A_154] {strides = array<i32>} : memref<128xi32, #tpu.memory_space<vmem>>, vector<16xi32>,
      %get3A_156 = vector.shape_cast %get3A_155 : vector<16xi32> to vector<16xi32>
      %ge3A_157 = arith.cmpi sge, %get3A_156, %broadcast_in_dim3A_31 : vector<16xi32>
      %lt3A_158 = arith.cmpi slt, %get3A_156, %broadcast_in_dim3A_34 : vector<16xi32>
      %and3A_159 = arith.andi %ge3A_157, %lt3A_158 : vector<16xi1>
      %sub3A_160 = arith.subi %get3A_156, %broadcast_in_dim3A_31 : vector<16xi32>
      %jit3A_161 = arith.constant 26624 : i32
      %broadcast_in_dim3A_162 = vector.broadcast %jit3A_161 : i32 to vector<16xi32>
      %select_n3A_163 = arith.select %and3A_159, %sub3A_160, %broadcast_in_dim3A_162 : vector<16xi1>, vector<16xi32>
      %swap3A_164 = arith.constant 112 : index
      %swap3A_165 = tpu.vector_load %arg9[%swap3A_164] {strides = array<i32>} : memref<128xi32, #tpu.memory_space<vmem>>, vector<16xi32>,
      %swap3A_166 = vector.shape_cast %swap3A_165 : vector<16xi32> to vector<16xi32>
      %swap3A_167 = vector.shape_cast %select_n3A_163 : vector<16xi32> to vector<16xi32>
      tpu.vector_store %arg9[%swap3A_164], %swap3A_167 {strides = array<i32>} : memref<128xi32, #tpu.memory_space<vmem>>, vector<16xi32>,
      "tpu.region"() ({
        %run_scoped3A = tpu.sem_alloc : memref<!tpu.dma_semaphore, #tpu.memory_space<semaphore_mem>>
        %dma_start3A = arith.constant 0 : i32
        %dma_start3A_168 = arith.constant 0 : i32
        %dma_start3A_169 = tpu.memref_slice %arg2[%dma_start3A, %dma_start3A_168] : memref<100000x64xf32, #tpu.memory_space<hbm>> -> memref<100000x64xf32, #tpu.memory_space<hbm>>
        tpu.enqueue_indirect_dma source(%dma_start3A_169 : memref<100000x64xf32, #tpu.memory_space<hbm>>) target(%arg10 : memref<128x64xf32, #tpu.memory_space<vmem>>) offsets(%arg7 : memref<128xi32, #tpu.memory_space<vmem>>) semaphore(%run_scoped3A : memref<!tpu.dma_semaphore, #tpu.memory_space<semaphore_mem>>)
        %dma_wait3A = arith.constant 0 : i32
        %dma_wait3A_170 = arith.constant 0 : i32
        %dma_wait3A_171 = tpu.memref_slice %arg2[%dma_wait3A, %dma_wait3A_170] : memref<100000x64xf32, #tpu.memory_space<hbm>> -> memref<100000x64xf32, #tpu.memory_space<hbm>>
        tpu.wait_indirect_dma semaphore(%run_scoped3A : memref<!tpu.dma_semaphore, #tpu.memory_space<semaphore_mem>>) src(%dma_wait3A_171 : memref<100000x64xf32, #tpu.memory_space<hbm>>) dst(%arg10 : memref<128x64xf32, #tpu.memory_space<vmem>>)
        tpu.yield
      }) : () -> ()
      "tpu.region"() ({
        %run_scoped3A = tpu.sem_alloc : memref<!tpu.dma_semaphore, #tpu.memory_space<semaphore_mem>>
        %dma_start3A = arith.constant 0 : i32
        %dma_start3A_168 = arith.constant 0 : i32
        %dma_start3A_169 = tpu.memref_slice %arg11[%dma_start3A, %dma_start3A_168] : memref<26632x64xf32, #tpu.memory_space<vmem_shared>> -> memref<26632x64xf32, #tpu.memory_space<vmem_shared>>
        tpu.enqueue_indirect_dma source(%arg10 : memref<128x64xf32, #tpu.memory_space<vmem>>) target(%dma_start3A_169 : memref<26632x64xf32, #tpu.memory_space<vmem_shared>>) offsets(%arg9 : memref<128xi32, #tpu.memory_space<vmem>>) semaphore(%run_scoped3A : memref<!tpu.dma_semaphore, #tpu.memory_space<semaphore_mem>>) {add = true}
        %dma_wait3A = arith.constant 0 : i32
        %dma_wait3A_170 = arith.constant 0 : i32
        %dma_wait3A_171 = tpu.memref_slice %arg11[%dma_wait3A, %dma_wait3A_170] : memref<26632x64xf32, #tpu.memory_space<vmem_shared>> -> memref<26632x64xf32, #tpu.memory_space<vmem_shared>>
        tpu.wait_indirect_dma semaphore(%run_scoped3A : memref<!tpu.dma_semaphore, #tpu.memory_space<semaphore_mem>>) src(%arg10 : memref<128x64xf32, #tpu.memory_space<vmem>>) dst(%dma_wait3A_171 : memref<26632x64xf32, #tpu.memory_space<vmem_shared>>)
        tpu.yield
      }) : () -> ()
    } else {
    }
    %barrier3A_53 = arith.constant 0 : index
    tpu.barrier barrier_id(%barrier3A_53)
    %mul3A_54 = arith.constant 1664 : i32
    %mul3A_55 = arith.muli %arg1, %mul3A_54 : i32
    %mul3A_56 = arith.constant 1664 : i32
    %mul3A_57 = arith.muli %arg1, %mul3A_56 : i32
    %add3A_58 = arith.addi %mul3A_30, %mul3A_57 : i32
    "tpu.region"() ({
      %run_scoped3A = tpu.sem_alloc : memref<!tpu.dma_semaphore, #tpu.memory_space<semaphore_mem>>
      %dma_start3A = arith.constant 0 : i32
      %dma_start3A_59 = tpu.memref_slice %arg6[%add3A_58, %dma_start3A] : memref<106496x64xf32, #tpu.memory_space<hbm>> -> memref<1664x64xf32, #tpu.memory_space<hbm>>
      %dma_start3A_60 = arith.constant 0 : i32
      %dma_start3A_61 = tpu.memref_slice %arg11[%mul3A_55, %dma_start3A_60] : memref<26632x64xf32, #tpu.memory_space<vmem_shared>> -> memref<1664x64xf32, #tpu.memory_space<vmem_shared>>
      tpu.enqueue_dma source(%dma_start3A_61 : memref<1664x64xf32, #tpu.memory_space<vmem_shared>>) target(%dma_start3A_59 : memref<1664x64xf32, #tpu.memory_space<hbm>>) target_semaphore(%run_scoped3A : memref<!tpu.dma_semaphore, #tpu.memory_space<semaphore_mem>>)
      %dma_wait3A = arith.constant 0 : i32
      %dma_wait3A_62 = tpu.memref_slice %arg6[%add3A_58, %dma_wait3A] : memref<106496x64xf32, #tpu.memory_space<hbm>> -> memref<1664x64xf32, #tpu.memory_space<hbm>>
      %dma_wait3A_63 = arith.constant 0 : i32
      %dma_wait3A_64 = tpu.memref_slice %arg11[%mul3A_55, %dma_wait3A_63] : memref<26632x64xf32, #tpu.memory_space<vmem_shared>> -> memref<1664x64xf32, #tpu.memory_space<vmem_shared>>
      tpu.wait_dma2 semaphore(%run_scoped3A : memref<!tpu.dma_semaphore, #tpu.memory_space<semaphore_mem>>) src(%dma_wait3A_64 : memref<1664x64xf32, #tpu.memory_space<vmem_shared>>) dst(%dma_wait3A_62 : memref<1664x64xf32, #tpu.memory_space<hbm>>)
      tpu.yield
    }) : () -> ()
    return
  }
}

module attributes {stable_mosaic.version = 14 : i64} {
  func.func @body(%arg0: i32, %arg1: memref<2000x32xf32, #tpu.memory_space<vmem>>, %arg2: memref<32x256xf32, #tpu.memory_space<vmem>>, %arg3: memref<1x256xf32, #tpu.memory_space<vmem>>, %arg4: memref<256x128xf32, #tpu.memory_space<vmem>>, %arg5: memref<1x128xf32, #tpu.memory_space<vmem>>, %arg6: memref<2000x128xf32, #tpu.memory_space<vmem>>) attributes {dimension_semantics = [#tpu.dimension_semantics<arbitrary>], iteration_bounds = array<i64: 50>, scalar_prefetch = 0 : i64, scratch_operands = 0 : i64, tpu.core_type = #tpu.core_type<tc>, window_params = [{transform_indices = @transform_0, window_bounds = array<i64: 2000, 32>}, {pipeline_mode = #tpu.pipeline_mode<synchronous>, transform_indices = @transform_1, window_bounds = array<i64: 32, 256>}, {pipeline_mode = #tpu.pipeline_mode<synchronous>, transform_indices = @transform_2, window_bounds = array<i64: 1, 256>}, {pipeline_mode = #tpu.pipeline_mode<synchronous>, transform_indices = @transform_3, window_bounds = array<i64: 256, 128>}, {pipeline_mode = #tpu.pipeline_mode<synchronous>, transform_indices = @transform_4, window_bounds = array<i64: 1, 128>}, {transform_indices = @transform_5, window_bounds = array<i64: 2000, 128>}]} {
    %get3A = arith.constant 0 : index
    %get3A_0 = arith.constant 0 : index
    %get3A_1 = vector.load %arg1[%get3A, %get3A_0] : memref<2000x32xf32, #tpu.memory_space<vmem>>, vector<2000x32xf32>
    %get3A_2 = arith.constant 0 : index
    %get3A_3 = arith.constant 0 : index
    %get3A_4 = vector.load %arg2[%get3A_2, %get3A_3] : memref<32x256xf32, #tpu.memory_space<vmem>>, vector<32x256xf32>
    %dot_general3A = arith.constant dense<0.000000e+00> : vector<2000x256xf32>
    %dot_general3A_5 = tpu.matmul %get3A_1, %get3A_4, %dot_general3A {dimension_numbers = #tpu.dot_dimension_numbers<[1], [0], [0], [1], [0, 0, 1, 1], [], []>, transpose_lhs_hint = false} : vector<2000x32xf32>, vector<32x256xf32>, vector<2000x256xf32> -> vector<2000x256xf32>
    %get3A_6 = arith.constant 0 : index
    %get3A_7 = arith.constant 0 : index
    %get3A_8 = vector.load %arg3[%get3A_6, %get3A_7] : memref<1x256xf32, #tpu.memory_space<vmem>>, vector<1x256xf32>
    %add3A = vector.broadcast %get3A_8 : vector<1x256xf32> to vector<2000x256xf32>
    %add3A_9 = arith.addf %dot_general3A_5, %add3A : vector<2000x256xf32>
    %max3A = arith.constant 0.000000e+00 : f32
    %max3A_10 = vector.broadcast %max3A : f32 to vector<2000x256xf32>
    %max3A_11 = arith.maximumf %add3A_9, %max3A_10 : vector<2000x256xf32>
    %get3A_12 = arith.constant 0 : index
    %get3A_13 = arith.constant 0 : index
    %get3A_14 = vector.load %arg4[%get3A_12, %get3A_13] : memref<256x128xf32, #tpu.memory_space<vmem>>, vector<256x128xf32>
    %dot_general3A_15 = arith.constant dense<0.000000e+00> : vector<2000x128xf32>
    %dot_general3A_16 = tpu.matmul %max3A_11, %get3A_14, %dot_general3A_15 {dimension_numbers = #tpu.dot_dimension_numbers<[1], [0], [0], [1], [0, 0, 1, 1], [], []>, transpose_lhs_hint = false} : vector<2000x256xf32>, vector<256x128xf32>, vector<2000x128xf32> -> vector<2000x128xf32>
    %get3A_17 = arith.constant 0 : index
    %get3A_18 = arith.constant 0 : index
    %get3A_19 = vector.load %arg5[%get3A_17, %get3A_18] : memref<1x128xf32, #tpu.memory_space<vmem>>, vector<1x128xf32>
    %add3A_20 = vector.broadcast %get3A_19 : vector<1x128xf32> to vector<2000x128xf32>
    %add3A_21 = arith.addf %dot_general3A_16, %add3A_20 : vector<2000x128xf32>
    %max3A_22 = arith.constant 0.000000e+00 : f32
    %max3A_23 = vector.broadcast %max3A_22 : f32 to vector<2000x128xf32>
    %max3A_24 = arith.maximumf %add3A_21, %max3A_23 : vector<2000x128xf32>
    %swap3A = arith.constant 0 : index
    %swap3A_25 = arith.constant 0 : index
    %swap3A_26 = vector.load %arg6[%swap3A, %swap3A_25] : memref<2000x128xf32, #tpu.memory_space<vmem>>, vector<2000x128xf32>
    tpu.vector_store %arg6[%swap3A, %swap3A_25], %max3A_24 {strides = array<i32>} : memref<2000x128xf32, #tpu.memory_space<vmem>>, vector<2000x128xf32>,
    return
  }
  func.func @transform_0(%arg0: i32) -> (i32, i32) {
    %c0_i32 = arith.constant 0 : i32
    %c0_i32_0 = arith.constant 0 : i32
    return %arg0, %c0_i32 : i32, i32
  }
  func.func @transform_1(%arg0: i32) -> (i32, i32) {
    %c0_i32 = arith.constant 0 : i32
    %c0_i32_0 = arith.constant 0 : i32
    %c0_i32_1 = arith.constant 0 : i32
    return %c0_i32, %c0_i32_0 : i32, i32
  }
  func.func @transform_2(%arg0: i32) -> (i32, i32) {
    %c0_i32 = arith.constant 0 : i32
    %c0_i32_0 = arith.constant 0 : i32
    %c0_i32_1 = arith.constant 0 : i32
    return %c0_i32, %c0_i32_0 : i32, i32
  }
  func.func @transform_3(%arg0: i32) -> (i32, i32) {
    %c0_i32 = arith.constant 0 : i32
    %c0_i32_0 = arith.constant 0 : i32
    %c0_i32_1 = arith.constant 0 : i32
    return %c0_i32, %c0_i32_0 : i32, i32
  }
  func.func @transform_4(%arg0: i32) -> (i32, i32) {
    %c0_i32 = arith.constant 0 : i32
    %c0_i32_0 = arith.constant 0 : i32
    %c0_i32_1 = arith.constant 0 : i32
    return %c0_i32, %c0_i32_0 : i32, i32
  }
  func.func @transform_5(%arg0: i32) -> (i32, i32) {
    %c0_i32 = arith.constant 0 : i32
    %c0_i32_0 = arith.constant 0 : i32
    return %arg0, %c0_i32 : i32, i32
  }
}

module attributes {stable_mosaic.version = 14 : i64} {
  func.func @body(%arg0: i32, %arg1: memref<2x2000x16xf32, #tpu.memory_space<vmem>>, %arg2: memref<2000x1xf32, #tpu.memory_space<vmem>>) attributes {dimension_semantics = [#tpu.dimension_semantics<arbitrary>], iteration_bounds = array<i64: 50>, scalar_prefetch = 0 : i64, scratch_operands = 0 : i64, tpu.core_type = #tpu.core_type<tc>, window_params = [{transform_indices = @transform_0, window_bounds = array<i64: 2, 2000, 16>}, {transform_indices = @transform_1, window_bounds = array<i64: 2000, 1>}]} {
    %get3A = arith.constant 0 : index
    %get3A_0 = arith.constant 0 : index
    %get3A_1 = arith.constant 0 : index
    %get3A_2 = vector.load %arg1[%get3A, %get3A_0, %get3A_1] : memref<2x2000x16xf32, #tpu.memory_space<vmem>>, vector<2x2000x16xf32>
    %slice3A = vector.extract_strided_slice %get3A_2 {offsets = [0, 0, 0], sizes = [1, 2000, 1], strides = [1, 1, 1]} : vector<2x2000x16xf32> to vector<1x2000x1xf32>
    %squeeze3A = vector.shape_cast %slice3A : vector<1x2000x1xf32> to vector<2000x1xf32>
    %slice3A_3 = vector.extract_strided_slice %get3A_2 {offsets = [1, 0, 0], sizes = [1, 2000, 1], strides = [1, 1, 1]} : vector<2x2000x16xf32> to vector<1x2000x1xf32>
    %squeeze3A_4 = vector.shape_cast %slice3A_3 : vector<1x2000x1xf32> to vector<2000x1xf32>
    %add3A = arith.addf %squeeze3A, %squeeze3A_4 : vector<2000x1xf32>
    %add3A_5 = arith.constant 1.000000e+00 : f32
    %add3A_6 = vector.broadcast %add3A_5 : f32 to vector<2000x1xf32>
    %add3A_7 = arith.addf %add3A, %add3A_6 : vector<2000x1xf32>
    %rsqrt3A = math.rsqrt %add3A_7 : vector<2000x1xf32>
    %swap3A = arith.constant 0 : index
    %swap3A_8 = arith.constant 0 : index
    %swap3A_9 = vector.load %arg2[%swap3A, %swap3A_8] : memref<2000x1xf32, #tpu.memory_space<vmem>>, vector<2000x1xf32>
    tpu.vector_store %arg2[%swap3A, %swap3A_8], %rsqrt3A {strides = array<i32>} : memref<2000x1xf32, #tpu.memory_space<vmem>>, vector<2000x1xf32>,
    return
  }
  func.func @transform_0(%arg0: i32) -> (i32, i32, i32) {
    %c0_i32 = arith.constant 0 : i32
    %c0_i32_0 = arith.constant 0 : i32
    %c0_i32_1 = arith.constant 0 : i32
    return %c0_i32, %arg0, %c0_i32_0 : i32, i32, i32
  }
  func.func @transform_1(%arg0: i32) -> (i32, i32) {
    %c0_i32 = arith.constant 0 : i32
    %c0_i32_0 = arith.constant 0 : i32
    return %arg0, %c0_i32 : i32, i32
  }
}

module attributes {stable_mosaic.version = 14 : i64} {
  func.func @body(%arg0: i32, %arg1: memref<2000x128xf32, #tpu.memory_space<vmem>>, %arg2: memref<128x64xf32, #tpu.memory_space<vmem>>, %arg3: memref<2000x1xf32, #tpu.memory_space<vmem>>, %arg4: memref<2000x64xf32, #tpu.memory_space<vmem>>) attributes {dimension_semantics = [#tpu.dimension_semantics<arbitrary>], iteration_bounds = array<i64: 50>, scalar_prefetch = 0 : i64, scratch_operands = 0 : i64, tpu.core_type = #tpu.core_type<tc>, window_params = [{transform_indices = @transform_0, window_bounds = array<i64: 2000, 128>}, {pipeline_mode = #tpu.pipeline_mode<synchronous>, transform_indices = @transform_1, window_bounds = array<i64: 128, 64>}, {transform_indices = @transform_2, window_bounds = array<i64: 2000, 1>}, {transform_indices = @transform_3, window_bounds = array<i64: 2000, 64>}]} {
    %get3A = arith.constant 0 : index
    %get3A_0 = arith.constant 0 : index
    %get3A_1 = vector.load %arg1[%get3A, %get3A_0] : memref<2000x128xf32, #tpu.memory_space<vmem>>, vector<2000x128xf32>
    %get3A_2 = arith.constant 0 : index
    %get3A_3 = arith.constant 0 : index
    %get3A_4 = vector.load %arg2[%get3A_2, %get3A_3] : memref<128x64xf32, #tpu.memory_space<vmem>>, vector<128x64xf32>
    %dot_general3A = arith.constant dense<0.000000e+00> : vector<2000x64xf32>
    %dot_general3A_5 = tpu.matmul %get3A_1, %get3A_4, %dot_general3A {dimension_numbers = #tpu.dot_dimension_numbers<[1], [0], [0], [1], [0, 0, 1, 1], [], []>, transpose_lhs_hint = false} : vector<2000x128xf32>, vector<128x64xf32>, vector<2000x64xf32> -> vector<2000x64xf32>
    %get3A_6 = arith.constant 0 : index
    %get3A_7 = arith.constant 0 : index
    %get3A_8 = vector.load %arg3[%get3A_6, %get3A_7] : memref<2000x1xf32, #tpu.memory_space<vmem>>, vector<2000x1xf32>
    %mul3A = vector.broadcast %get3A_8 : vector<2000x1xf32> to vector<2000x64xf32>
    %mul3A_9 = arith.mulf %dot_general3A_5, %mul3A : vector<2000x64xf32>
    %swap3A = arith.constant 0 : index
    %swap3A_10 = arith.constant 0 : index
    %swap3A_11 = vector.load %arg4[%swap3A, %swap3A_10] : memref<2000x64xf32, #tpu.memory_space<vmem>>, vector<2000x64xf32>
    tpu.vector_store %arg4[%swap3A, %swap3A_10], %mul3A_9 {strides = array<i32>} : memref<2000x64xf32, #tpu.memory_space<vmem>>, vector<2000x64xf32>,
    return
  }
  func.func @transform_0(%arg0: i32) -> (i32, i32) {
    %c0_i32 = arith.constant 0 : i32
    %c0_i32_0 = arith.constant 0 : i32
    return %arg0, %c0_i32 : i32, i32
  }
  func.func @transform_1(%arg0: i32) -> (i32, i32) {
    %c0_i32 = arith.constant 0 : i32
    %c0_i32_0 = arith.constant 0 : i32
    %c0_i32_1 = arith.constant 0 : i32
    return %c0_i32, %c0_i32_0 : i32, i32
  }
  func.func @transform_2(%arg0: i32) -> (i32, i32) {
    %c0_i32 = arith.constant 0 : i32
    %c0_i32_0 = arith.constant 0 : i32
    return %arg0, %c0_i32 : i32, i32
  }
  func.func @transform_3(%arg0: i32) -> (i32, i32) {
    %c0_i32 = arith.constant 0 : i32
    %c0_i32_0 = arith.constant 0 : i32
    return %arg0, %c0_i32 : i32, i32
  }
}

module attributes {stable_mosaic.version = 14 : i64} {
  func.func @body_nores(%arg0: i32, %arg1: memref<2000x64xf32, #tpu.memory_space<vmem>>, %arg2: memref<2000x64xf32, #tpu.memory_space<vmem>>, %arg3: memref<2000x1xf32, #tpu.memory_space<vmem>>, %arg4: memref<1x64xf32, #tpu.memory_space<vmem>>, %arg5: memref<2000x64xf32, #tpu.memory_space<vmem>>) attributes {dimension_semantics = [#tpu.dimension_semantics<arbitrary>], iteration_bounds = array<i64: 50>, scalar_prefetch = 0 : i64, scratch_operands = 0 : i64, tpu.core_type = #tpu.core_type<tc>, window_params = [{transform_indices = @transform_0, window_bounds = array<i64: 2000, 64>}, {transform_indices = @transform_1, window_bounds = array<i64: 2000, 64>}, {transform_indices = @transform_2, window_bounds = array<i64: 2000, 1>}, {pipeline_mode = #tpu.pipeline_mode<synchronous>, transform_indices = @transform_3, window_bounds = array<i64: 1, 64>}, {transform_indices = @transform_4, window_bounds = array<i64: 2000, 64>}]} {
    %get3A = arith.constant 0 : index
    %get3A_0 = arith.constant 0 : index
    %get3A_1 = vector.load %arg3[%get3A, %get3A_0] : memref<2000x1xf32, #tpu.memory_space<vmem>>, vector<2000x1xf32>
    %get3A_2 = arith.constant 0 : index
    %get3A_3 = arith.constant 0 : index
    %get3A_4 = vector.load %arg1[%get3A_2, %get3A_3] : memref<2000x64xf32, #tpu.memory_space<vmem>>, vector<2000x64xf32>
    %get3A_5 = arith.constant 0 : index
    %get3A_6 = arith.constant 0 : index
    %get3A_7 = vector.load %arg2[%get3A_5, %get3A_6] : memref<2000x64xf32, #tpu.memory_space<vmem>>, vector<2000x64xf32>
    %add3A = arith.addf %get3A_4, %get3A_7 : vector<2000x64xf32>
    %mul3A = vector.broadcast %get3A_1 : vector<2000x1xf32> to vector<2000x64xf32>
    %mul3A_8 = arith.mulf %mul3A, %add3A : vector<2000x64xf32>
    %get3A_9 = arith.constant 0 : index
    %get3A_10 = arith.constant 0 : index
    %get3A_11 = vector.load %arg4[%get3A_9, %get3A_10] : memref<1x64xf32, #tpu.memory_space<vmem>>, vector<1x64xf32>
    %add3A_12 = vector.broadcast %get3A_11 : vector<1x64xf32> to vector<2000x64xf32>
    %add3A_13 = arith.addf %mul3A_8, %add3A_12 : vector<2000x64xf32>
    %max3A = arith.constant 0.000000e+00 : f32
    %max3A_14 = vector.broadcast %max3A : f32 to vector<2000x64xf32>
    %max3A_15 = arith.maximumf %add3A_13, %max3A_14 : vector<2000x64xf32>
    %swap3A = arith.constant 0 : index
    %swap3A_16 = arith.constant 0 : index
    %swap3A_17 = vector.load %arg5[%swap3A, %swap3A_16] : memref<2000x64xf32, #tpu.memory_space<vmem>>, vector<2000x64xf32>
    tpu.vector_store %arg5[%swap3A, %swap3A_16], %max3A_15 {strides = array<i32>} : memref<2000x64xf32, #tpu.memory_space<vmem>>, vector<2000x64xf32>,
    return
  }
  func.func @transform_0(%arg0: i32) -> (i32, i32) {
    %c0_i32 = arith.constant 0 : i32
    %c0_i32_0 = arith.constant 0 : i32
    return %arg0, %c0_i32 : i32, i32
  }
  func.func @transform_1(%arg0: i32) -> (i32, i32) {
    %c0_i32 = arith.constant 0 : i32
    %c0_i32_0 = arith.constant 0 : i32
    return %arg0, %c0_i32 : i32, i32
  }
  func.func @transform_2(%arg0: i32) -> (i32, i32) {
    %c0_i32 = arith.constant 0 : i32
    %c0_i32_0 = arith.constant 0 : i32
    return %arg0, %c0_i32 : i32, i32
  }
  func.func @transform_3(%arg0: i32) -> (i32, i32) {
    %c0_i32 = arith.constant 0 : i32
    %c0_i32_0 = arith.constant 0 : i32
    %c0_i32_1 = arith.constant 0 : i32
    return %c0_i32, %c0_i32_0 : i32, i32
  }
  func.func @transform_4(%arg0: i32) -> (i32, i32) {
    %c0_i32 = arith.constant 0 : i32
    %c0_i32_0 = arith.constant 0 : i32
    return %arg0, %c0_i32 : i32, i32
  }
}

module attributes {stable_mosaic.version = 14 : i64} {
  func.func @body(%arg0: i32, %arg1: memref<2000x64xf32, #tpu.memory_space<vmem>>, %arg2: memref<64x64xf32, #tpu.memory_space<vmem>>, %arg3: memref<2000x1xf32, #tpu.memory_space<vmem>>, %arg4: memref<2000x64xf32, #tpu.memory_space<vmem>>) attributes {dimension_semantics = [#tpu.dimension_semantics<arbitrary>], iteration_bounds = array<i64: 50>, scalar_prefetch = 0 : i64, scratch_operands = 0 : i64, tpu.core_type = #tpu.core_type<tc>, window_params = [{transform_indices = @transform_0, window_bounds = array<i64: 2000, 64>}, {pipeline_mode = #tpu.pipeline_mode<synchronous>, transform_indices = @transform_1, window_bounds = array<i64: 64, 64>}, {transform_indices = @transform_2, window_bounds = array<i64: 2000, 1>}, {transform_indices = @transform_3, window_bounds = array<i64: 2000, 64>}]} {
    %get3A = arith.constant 0 : index
    %get3A_0 = arith.constant 0 : index
    %get3A_1 = vector.load %arg1[%get3A, %get3A_0] : memref<2000x64xf32, #tpu.memory_space<vmem>>, vector<2000x64xf32>
    %get3A_2 = arith.constant 0 : index
    %get3A_3 = arith.constant 0 : index
    %get3A_4 = vector.load %arg2[%get3A_2, %get3A_3] : memref<64x64xf32, #tpu.memory_space<vmem>>, vector<64x64xf32>
    %dot_general3A = arith.constant dense<0.000000e+00> : vector<2000x64xf32>
    %dot_general3A_5 = tpu.matmul %get3A_1, %get3A_4, %dot_general3A {dimension_numbers = #tpu.dot_dimension_numbers<[1], [0], [0], [1], [0, 0, 1, 1], [], []>, transpose_lhs_hint = false} : vector<2000x64xf32>, vector<64x64xf32>, vector<2000x64xf32> -> vector<2000x64xf32>
    %get3A_6 = arith.constant 0 : index
    %get3A_7 = arith.constant 0 : index
    %get3A_8 = vector.load %arg3[%get3A_6, %get3A_7] : memref<2000x1xf32, #tpu.memory_space<vmem>>, vector<2000x1xf32>
    %mul3A = vector.broadcast %get3A_8 : vector<2000x1xf32> to vector<2000x64xf32>
    %mul3A_9 = arith.mulf %dot_general3A_5, %mul3A : vector<2000x64xf32>
    %swap3A = arith.constant 0 : index
    %swap3A_10 = arith.constant 0 : index
    %swap3A_11 = vector.load %arg4[%swap3A, %swap3A_10] : memref<2000x64xf32, #tpu.memory_space<vmem>>, vector<2000x64xf32>
    tpu.vector_store %arg4[%swap3A, %swap3A_10], %mul3A_9 {strides = array<i32>} : memref<2000x64xf32, #tpu.memory_space<vmem>>, vector<2000x64xf32>,
    return
  }
  func.func @transform_0(%arg0: i32) -> (i32, i32) {
    %c0_i32 = arith.constant 0 : i32
    %c0_i32_0 = arith.constant 0 : i32
    return %arg0, %c0_i32 : i32, i32
  }
  func.func @transform_1(%arg0: i32) -> (i32, i32) {
    %c0_i32 = arith.constant 0 : i32
    %c0_i32_0 = arith.constant 0 : i32
    %c0_i32_1 = arith.constant 0 : i32
    return %c0_i32, %c0_i32_0 : i32, i32
  }
  func.func @transform_2(%arg0: i32) -> (i32, i32) {
    %c0_i32 = arith.constant 0 : i32
    %c0_i32_0 = arith.constant 0 : i32
    return %arg0, %c0_i32 : i32, i32
  }
  func.func @transform_3(%arg0: i32) -> (i32, i32) {
    %c0_i32 = arith.constant 0 : i32
    %c0_i32_0 = arith.constant 0 : i32
    return %arg0, %c0_i32 : i32, i32
  }
}

module attributes {stable_mosaic.version = 14 : i64} {
  func.func @body_res(%arg0: i32, %arg1: memref<2000x64xf32, #tpu.memory_space<vmem>>, %arg2: memref<2000x64xf32, #tpu.memory_space<vmem>>, %arg3: memref<2000x1xf32, #tpu.memory_space<vmem>>, %arg4: memref<1x64xf32, #tpu.memory_space<vmem>>, %arg5: memref<2000x64xf32, #tpu.memory_space<vmem>>, %arg6: memref<2000x64xf32, #tpu.memory_space<vmem>>) attributes {dimension_semantics = [#tpu.dimension_semantics<arbitrary>], iteration_bounds = array<i64: 50>, scalar_prefetch = 0 : i64, scratch_operands = 0 : i64, tpu.core_type = #tpu.core_type<tc>, window_params = [{transform_indices = @transform_0, window_bounds = array<i64: 2000, 64>}, {transform_indices = @transform_1, window_bounds = array<i64: 2000, 64>}, {transform_indices = @transform_2, window_bounds = array<i64: 2000, 1>}, {pipeline_mode = #tpu.pipeline_mode<synchronous>, transform_indices = @transform_3, window_bounds = array<i64: 1, 64>}, {transform_indices = @transform_4, window_bounds = array<i64: 2000, 64>}, {transform_indices = @transform_5, window_bounds = array<i64: 2000, 64>}]} {
    %get3A = arith.constant 0 : index
    %get3A_0 = arith.constant 0 : index
    %get3A_1 = vector.load %arg3[%get3A, %get3A_0] : memref<2000x1xf32, #tpu.memory_space<vmem>>, vector<2000x1xf32>
    %get3A_2 = arith.constant 0 : index
    %get3A_3 = arith.constant 0 : index
    %get3A_4 = vector.load %arg1[%get3A_2, %get3A_3] : memref<2000x64xf32, #tpu.memory_space<vmem>>, vector<2000x64xf32>
    %get3A_5 = arith.constant 0 : index
    %get3A_6 = arith.constant 0 : index
    %get3A_7 = vector.load %arg2[%get3A_5, %get3A_6] : memref<2000x64xf32, #tpu.memory_space<vmem>>, vector<2000x64xf32>
    %add3A = arith.addf %get3A_4, %get3A_7 : vector<2000x64xf32>
    %mul3A = vector.broadcast %get3A_1 : vector<2000x1xf32> to vector<2000x64xf32>
    %mul3A_8 = arith.mulf %mul3A, %add3A : vector<2000x64xf32>
    %get3A_9 = arith.constant 0 : index
    %get3A_10 = arith.constant 0 : index
    %get3A_11 = vector.load %arg4[%get3A_9, %get3A_10] : memref<1x64xf32, #tpu.memory_space<vmem>>, vector<1x64xf32>
    %add3A_12 = vector.broadcast %get3A_11 : vector<1x64xf32> to vector<2000x64xf32>
    %add3A_13 = arith.addf %mul3A_8, %add3A_12 : vector<2000x64xf32>
    %get3A_14 = arith.constant 0 : index
    %get3A_15 = arith.constant 0 : index
    %get3A_16 = vector.load %arg5[%get3A_14, %get3A_15] : memref<2000x64xf32, #tpu.memory_space<vmem>>, vector<2000x64xf32>
    %max3A = arith.constant 0.000000e+00 : f32
    %max3A_17 = vector.broadcast %max3A : f32 to vector<2000x64xf32>
    %max3A_18 = arith.maximumf %add3A_13, %max3A_17 : vector<2000x64xf32>
    %add3A_19 = arith.addf %get3A_16, %max3A_18 : vector<2000x64xf32>
    %swap3A = arith.constant 0 : index
    %swap3A_20 = arith.constant 0 : index
    %swap3A_21 = vector.load %arg6[%swap3A, %swap3A_20] : memref<2000x64xf32, #tpu.memory_space<vmem>>, vector<2000x64xf32>
    tpu.vector_store %arg6[%swap3A, %swap3A_20], %add3A_19 {strides = array<i32>} : memref<2000x64xf32, #tpu.memory_space<vmem>>, vector<2000x64xf32>,
    return
  }
  func.func @transform_0(%arg0: i32) -> (i32, i32) {
    %c0_i32 = arith.constant 0 : i32
    %c0_i32_0 = arith.constant 0 : i32
    return %arg0, %c0_i32 : i32, i32
  }
  func.func @transform_1(%arg0: i32) -> (i32, i32) {
    %c0_i32 = arith.constant 0 : i32
    %c0_i32_0 = arith.constant 0 : i32
    return %arg0, %c0_i32 : i32, i32
  }
  func.func @transform_2(%arg0: i32) -> (i32, i32) {
    %c0_i32 = arith.constant 0 : i32
    %c0_i32_0 = arith.constant 0 : i32
    return %arg0, %c0_i32 : i32, i32
  }
  func.func @transform_3(%arg0: i32) -> (i32, i32) {
    %c0_i32 = arith.constant 0 : i32
    %c0_i32_0 = arith.constant 0 : i32
    %c0_i32_1 = arith.constant 0 : i32
    return %c0_i32, %c0_i32_0 : i32, i32
  }
  func.func @transform_4(%arg0: i32) -> (i32, i32) {
    %c0_i32 = arith.constant 0 : i32
    %c0_i32_0 = arith.constant 0 : i32
    return %arg0, %c0_i32 : i32, i32
  }
  func.func @transform_5(%arg0: i32) -> (i32, i32) {
    %c0_i32 = arith.constant 0 : i32
    %c0_i32_0 = arith.constant 0 : i32
    return %arg0, %c0_i32 : i32, i32
  }
}

</mosaic_0001>

<sc_bundles>
// kernel: kernel.14.cloned.1.call-start
scs
__scs_entry_jumppad:
0x0: {  	(pc) =	sbr.rel $0x88, $3  }
0x1: {  	(tag) =	ssettag $0x0;
	lr =	simm.s32 $0x1  }
0x2: {  	[smem:$0x3F95] =	sst lr;
	_ =	strace $0xD0000000  }
0x3: {  	_ = 	snop  }
0x4: {  	_ = 	snop  }
0x5: {  	_ = 	snop  }
0x6: {  	_ = 	snop  }
0x7: {  	_ = 	snop  }
__scs_overlays_trampoline_lowered:
0x8: {  	[smem:$0x3FA4] =	sst s0  }
0x9: {  	[smem:$0x3FA5] =	sst s1  }
0xa: {  	[smem:$0x3FA6] =	sst s2  }
0xb: {  	[smem:$0x3FA7] =	sst s3  }
0xc: {  	[smem:$0x3FA8] =	sst s4  }
0xd: {  	[smem:$0x3FA9] =	sst s5  }
0xe: {  	[smem:$0x3FAA] =	sst s6  }
0xf: {  	[smem:$0x3FAB] =	sst s7  }
0x10: {  	[smem:$0x3FAC] =	sst s8  }
0x11: {  	[smem:$0x3FAD] =	sst s9;
	s0 =	simm.s32 @!p0 $0x0  }
0x12: {  	s1 =	sld [smem:$0x3F93];
	s0 =	simm.s32 @p0 $0x1  }
0x13: {  	[smem:$0x3FAE] =	sst s0;
	s0 =	simm.s32 @!p1 $0x0  }
0x14: {  	s2 =	sld [smem:$0x3F92];
	s0 =	simm.s32 @p1 $0x1  }
0x15: {  	[smem:$0x3FAF] =	sst s0;
	s0 =	simm.s32 @!p2 $0x0  }
0x16: {  	s3 =	sld [smem:$0x3FDB];
	s0 =	simm.s32 @p2 $0x1  }
0x17: {  	s4 =	simm.s32 $0x1BF5;
	[smem:$0x3FB1] =	sst s0  }
0x18: {  	s0 =	sld [smem:$0x3F94];
	_ =	swait.ge [sflag:s4], $0x0  }
0x19: {  	s7 =	sld [smem:$0x3F95]  }
0x1a: {  	s8 =	sadd.s32 $0xFFFFE003, lr  }
0x1b: {  	s9 =	sadd.s32 $0xFFFFFEF7, lr;
	s5 =	simm.s32 $0xFFFFFFFF;
	p2 =	slt.u32 s8, $0xFFFFF086  }
0x1c: {  	p1 =	slt.u32 s9, $0xF7A;
	s5 =	simm.s32 @!p2 $0x0  }
0x1d: {  	s5 =	simm.s32 @p1 $0x1;
	p0 =	seq.s32 s7, s2  }
0x1e: {  	s7 =	smul.u32 @!p0 $0xF7A, s2;
	p2 =	seq.s32 @!p0 s5, $0x0  }
0x1f: {  	s9 =	smul.u32 $0xF7A, s1;
	s8 =	simm.s32 @!p0 $0x1BF5;
	p2 =	por !p2, p0  }
0x20: {  	[sflag:s8] =	ssyncset.s32 @!p0 $0xFFFFF086;
	s6 =	sadd.s32 @!p0 s3, s7;
	s7 =	simm.s32 @!p0 $0x108  }
0x21: {  	s3 =	sadd.s32 s3, s9;
	s6 =	sadd.s32 @!p0 $0x88, s6;
	s7 =	simm.s32 @p2 $0x1082  }
0x22: {  	[simem:s7], [sflag:s8] =	dma.local @!p0 [hbm:s6], $0xF7A  }
0x23: {  	s9 =	sor.u32 $0xD0000000, s2;
	s6 =	simm.s32 $0x108;
	_ =	swait.ge @!p0 [sflag:s8], $0x0  }
0x24: {  	s3 =	sadd.s32 $0x88, s3;
	s6 =	simm.s32 @!p1 $0x1082;
	[sflag:s4] =	ssyncset.s32 $0xFFFFF086  }
0x25: {  	[simem:s6], [sflag:s4] =	dma.local [hbm:s3], $0xF7A  }
0x26: {  	[smem:$0x3F95] =	sst s1;
	(tag) =	ssettag s2;
	_ =	strace s9  }
0x27: {  	s1 =	sld [smem:$0x3FA5]  }
0x28: {  	s2 =	sld [smem:$0x3FA6]  }
0x29: {  	s4 =	sld [smem:$0x3FA8]  }
0x2a: {  	p0 =	seq.s32 s5, $0x0;
	s5 =	sld [smem:$0x3FA9]  }
0x2b: {  	s6 =	sld [smem:$0x3FAA]  }
0x2c: {  	s7 =	sld [smem:$0x3FAB]  }
0x2d: {  	s3 =	simm.s32 $0x108;
	s8 =	sld [smem:$0x3FAC]  }
0x2e: {  	s3 =	simm.s32 @!p0 $0x1082;
	s9 =	sld [smem:$0x3FAD]  }
0x2f: {  	lr =	sadd.s32 s0, s3;
	s0 =	sld [smem:$0x3FA4]  }
0x30: {  	s3 =	sld [smem:$0x3FA7]  }
0x31: {  	[smem:$0x3FB0] =	sst s10  }
0x32: {  	s10 =	sld [smem:$0x3FAE];
	_ =	sdelay $0x3  }
0x33: {  	p0 =	seq.s32 s10, $0x1;
	s10 =	sld [smem:$0x3FB0];
	_ =	sdelay $0x3  }
0x34: {  	[smem:$0x3FB0] =	sst s10  }
0x35: {  	s10 =	sld [smem:$0x3FAF];
	_ =	sdelay $0x3  }
0x36: {  	p1 =	seq.s32 s10, $0x1;
	s10 =	sld [smem:$0x3FB0];
	_ =	sdelay $0x3  }
0x37: {  	[smem:$0x3FB0] =	sst s10  }
0x38: {  	s10 =	sld [smem:$0x3FB1]  }
0x39: {  	_ = 	snop;
	(pc) =	sbr.ind lr, $3  }
0x3a: {  	_ = 	snop  }
0x3b: {  	_ = 	snop  }
0x3c: {  	p2 =	seq.s32 s10, $0x1;
	s10 =	sld [smem:$0x3FB0]  }
0x3d: {  	_ =	shalt  }
0x3e: {  	_ =	shalt  }
0x3f: {  	_ =	shalt  }
0x40: {  	_ =	shalt  }
0x41: {  	_ =	shalt  }
0x42: {  	_ =	shalt  }
0x43: {  	_ =	shalt  }
0x44: {  	_ =	shalt  }
0x45: {  	_ =	shalt  }
0x46: {  	_ =	shalt  }
0x47: {  	_ =	shalt  }
0x48: {  	_ =	shalt  }
0x49: {  	_ =	shalt  }
0x4a: {  	_ =	shalt  }
0x4b: {  	_ =	shalt  }
0x4c: {  	_ =	shalt  }
0x4d: {  	_ =	shalt  }
0x4e: {  	_ =	shalt  }
0x4f: {  	_ =	shalt  }
0x50: {  	_ =	shalt  }
0x51: {  	_ =	shalt  }
0x52: {  	_ =	shalt  }
0x53: {  	_ =	shalt  }
0x54: {  	_ =	shalt  }
0x55: {  	_ =	shalt  }
0x56: {  	_ =	shalt  }
0x57: {  	_ =	shalt  }
0x58: {  	_ =	shalt  }
0x59: {  	_ =	shalt  }
0x5a: {  	_ =	shalt  }
0x5b: {  	_ =	shalt  }
0x5c: {  	_ =	shalt  }
0x5d: {  	_ =	shalt  }
0x5e: {  	_ =	shalt  }
0x5f: {  	_ =	shalt  }
0x60: {  	_ =	shalt  }
0x61: {  	_ =	shalt  }
0x62: {  	_ =	shalt  }
0x63: {  	_ =	shalt  }
0x64: {  	_ =	shalt  }
0x65: {  	_ =	shalt  }
0x66: {  	_ =	shalt  }
0x67: {  	_ =	shalt  }
0x68: {  	_ =	shalt  }
0x69: {  	_ =	shalt  }
0x6a: {  	_ =	shalt  }
0x6b: {  	_ =	shalt  }
0x6c: {  	_ =	shalt  }
0x6d: {  	_ =	shalt  }
0x6e: {  	_ =	shalt  }
0x6f: {  	_ =	shalt  }
0x70: {  	_ =	shalt  }
0x71: {  	_ =	shalt  }
0x72: {  	_ =	shalt  }
0x73: {  	_ =	shalt  }
0x74: {  	_ =	shalt  }
0x75: {  	_ =	shalt  }
0x76: {  	_ =	shalt  }
0x77: {  	_ =	shalt  }
0x78: {  	_ =	shalt  }
0x79: {  	_ =	shalt  }
0x7a: {  	_ =	shalt  }
0x7b: {  	_ =	shalt  }
0x7c: {  	_ =	shalt  }
0x7d: {  	_ =	shalt  }
0x7e: {  	_ =	shalt  }
0x7f: {  	_ =	shalt  }
0x80: {  	_ =	shalt  }
0x81: {  	_ =	shalt  }
0x82: {  	_ =	shalt  }
0x83: {  	_ =	shalt  }
0x84: {  	_ =	shalt  }
0x85: {  	_ =	shalt  }
0x86: {  	_ =	shalt  }
0x87: {  	_ =	shalt  }
.Lfunc_end0:
.L_simem_size_0:
called_computation_lowered:
.L_overlay_start_0:
0x88: {  	s2 =	sld [smem:$0x3FD9]  }
0x89: {  	s3 =	sld [smem:$0x3FFE];
	_ =	sdelay $0x1  }
0x8a: {  	s1 =	srdreg.scid  }
0x8b: {  	s0 =	sand.u32 $0x1, s1  }
0x8c: {  	s17 =	sshll.u32 s0, $0xA;
	s2 =	sadd.s32 s3, s2  }
0x8d: {  	s2 =	sadd.s32 s2, s17  }
0x8e: {  	[smem:$0x3FBC] =	sst s2  }
0x8f: {  	_ = 	snop  }
0x90: {  	s2 =	sld [smem:$0x3FD0];
	(tm) =	ssettm $0x1  }
0x91: {  	s18 =	sld [smem:$0x3FFB];
	_ =	sdelay $0x3  }
0x92: {  	_ =	strace s18  }
0x93: {  	s3 =	sld [smem:$0x3FFC];
	_ =	sdelay $0x3  }
0x94: {  	_ =	strace s3  }
0x95: {  	s3 =	sld [smem:$0x3FFD];
	_ =	sdelay $0x3  }
0x96: {  	_ =	strace s3  }
0x97: {  	_ =	strace $0x8FFFFFFF  }
0x98: {  	s19 =	sld [smem:$0x3FDB];
	_ =	sdelay $0x1  }
0x99: {  	s4 =	simm.s32 $_scs_section_size  }
0x9a: {  	s5 =	simm.s32 $_size__tile_overlayer_lowered;
	s6 =	simm.s32 $_tile_overlayer_lowered  }
0x9b: {  	s22 =	simm.s32 $0x1BFF;
	s21 =	sshll.u32 s6, $0x1;
	s3 =	sadd.s32 s4, s19  }
0x9c: {  	s7 =	simm.s32 $0x0;
	s20 =	sshll.u32 s5, $0x1;
	s5 =	sadd.s32 s21, s3  }
0x9d: {  	[timem:s7], [sflag:s22] =	dma.local [hbm:s5], s20  }
0x9e: {  	_ =	swait.ge [sflag:s22], s20  }
0x9f: {  	s4 =	ssub.s32 $0x0, s20;
	[sflag:s22] =	ssyncset.done $0x0  }
0xa0: {  	[sflag:s22] =	ssyncadd.s32 s4;
	_ =	sdelay $0x1  }
0xa1: {  	s23 =	simm.s32 $0x1B8B  }
0xa2: {  	_ =	swait.ge [sflag:s23], $0x1  }
0xa3: {  	[sflag:s23] =	ssyncset.done $0x0  }
0xa4: {  	s25 =	simm.s32 $0x1B8E;
	s24 =	sld [smem:$0x3FFE];
	[sflag:s23] =	ssyncadd.s32 $0xFFFFFFFF  }
0xa5: {  	s26 =	simm.s32 $execute0_lowered;
	[smem:$0x3FD2] =	sst s25  }
0xa6: {  	s5 =	sshll.u32 s26, $0x1;
	_ =	strace $0x80000046;
	[dreg:$0x1] =	wrdreg $0xFFFFFFFF  }
0xa7: {  	s28 =	simm.s32 $_size_execute0_lowered;
	s3 =	sadd.s32 s3, s5;
	[dreg:$0x0] =	wrdreg $0x0  }
0xa8: {  	s5 =	sshll.u32 s28, $0x1;
	[dreg:$0x2] =	wrdreg s3  }
0xa9: {  	[dreg:$0x3] =	wrdreg s5  }
0xaa: {  	[dreg:$0x4] =	wrdreg $0xC0  }
0xab: {  	_ =	task [dreg:s7], $0x5FFFF  }
0xac: {  	[dreg:$0x1] =	wrdreg $0xFFFFFFFF  }
0xad: {  	[dreg:$0x0] =	wrdreg $0x60  }
0xae: {  	[dreg:$0x2] =	wrdreg s24  }
0xaf: {  	[dreg:$0x3] =	wrdreg s2  }
0xb0: {  	[dreg:$0x4] =	wrdreg $0x8800  }
0xb1: {  	[dreg:$0x5] =	wrdreg $0x9  }
0xb2: {  	_ =	task.clear_ibuf [dreg:s7], $0x6FFFF;
	_ =	strace $0x90000046  }
0xb3: {  	s29 =	simm.s32 $0x9;
	_ =	strace $0x80000048  }
0xb4: {  	_ =	swait.ge [sflag:s29], $0x1  }
0xb5: {  	[sflag:s29] =	ssyncadd.s32 $0xFFFFFFFF  }
0xb6: {  	_ =	strace $0x90000048  }
0xb7: {  	_ =	sfence  }
0xb8: {  	s30 =	sld [smem:$0x0];
	_ =	sdelay $0x2  }
0xb9: {  	s31 =	sshll.u32 s1, $0xD;
	s1 =	sshrl.u32 s1, $0x2  }
0xba: {  	s3 =	sand.u32 $0x4000, s31;
	s1 =	sadd.s32 s1, s30  }
0xbb: {  	s0 =	sor.u32 s3, s0;
	s1 =	sshll.u32 s1, $0x11  }
0xbc: {  	s0 =	sor.u32 s1, s0  }
0xbd: {  	s0 =	sadd.s32 $0x8F2B, s0  }
0xbe: {  	[sflag:s0] =	ssyncadd.remote.s32 $0x1  }
0xbf: {  	_ =	sfence.sel $0xFFFF  }
0xc0: {  	[dreg:$0x0] =	wrdreg $0xFFFFFFFF;
	(pc) =	sbr.abs _section_cstart, $3  }
0xc1: {  	[dreg:$0x1] =	wrdreg $0xFFFFFFFF  }
0xc2: {  	_ =	task.clear_ibuf [dreg:s7], $0x2FFFF;
	_ =	strace $0x9FFFFFFF  }
0xc3: {  	(tm) =	ssettm $0x7FFFFFFF  }
tec
execute0_lowered:
.L_overlay_start_1:
0x0: {  	(tag) =	ssettag $0x1  }
0x1: {  	s5 =	rddreg [dreg:$0x0]  }
0x2: {  	s7 =	rddreg [dreg:$0x1]  }
0x3: {  	s1 =	rddreg [dreg:$0x2]  }
0x4: {  	s0 =	rddreg [dreg:$0x3]  }
0x5: {  	s3 =	simm.s32 $0x0;
	s4 =	srdreg.scid;
	s2 =	stileid.u32  }
0x6: {  	[smem:$0x7FF] =	sst s3;
	s9 =	smul.u32 $0x18700, s2  }
0x7: {  	s8 =	sadd.s32 $0x33A00, s5;
	s6 =	sand.u32 $0x1, s4;
	s29 =	smul.u32 $0x1860, s2  }
0x8: {  	s4 =	sadd.s32 $0x64800, s5;
	s5 =	sadd.s32 $0x64A00, s5;
	s11 =	smul.u32 $0x186A, s6  }
0x9: {  	s31 =	sshll.u32 s2, $0x6;
	s10 =	ssub.s32 $0x2, s6;
	s13 =	smul.u32 $0x187000, s6  }
0xa: {  	p0 =	sgt.u32 s2, $0x9;
	s26 =	smul.u32 $0x186A0, s6;
	s12 =	sshrl.u32 s10, $0x1  }
0xb: {  	_ =	strace $0x80000047;
	s14 =	sadd.s32 s9, s1;
	s10 =	ssub.s32 s10, s12  }
0xc: {  	s11 =	sadd.s32 s2, s11;
	s9 =	sadd.s32 s9, s13;
	s30 =	sadd.s32 s26, s8  }
0xd: {  	s12 =	sor.u32 $0x1C01, s31;
	s13 =	sshrl.u32 s14, $0x3;
	s11 =	sshll.u32 s11, $0x4  }
0xe: {  	s14 =	simm.s32 $0x0;
	s9 =	sshrl.u32 s9, $0x3;
	s28 =	sadd.s32 s8, s11  }
0xf: {  	s7 =	sadd.s32 s7, s9;
	s8 =	smax.u32 s10, $0x1;
	s9 =	sadd.s32 s29, s30  }
0x10: {  	s10 =	simm.s32 $0x80;
	s11 =	simm.s32 $0x1;
	s6 =	sadd.s32 $0x18600, s28  }
.LBB2_1:
0x11: {  	[tilespmem:s10], [sflag:$0x1] =	stream.linear.gather [hbm4b:s4+s3], $0x800, $0x38;
	[tilespmem:$0x18F80] =	vst v63  }
0x12: {  	_ =	swait.ge [sflag:s11], $0x800  }
0x13: {  	[sflag:s11] =	ssyncset.done $0x0  }
0x14: {  	[sflag:s11] =	ssyncadd.s32 $0xFFFFF800  }
0x15: {  	[spmem:s13], [sflag:s12] =	dma.local [hbm:s5], $0x30E0  }
0x16: {  	_ =	swait.ge [sflag:s11], $0x30E0  }
0x17: {  	[sflag:s11] =	ssyncset.done $0x0  }
0x18: {  	[sflag:s11] =	ssyncadd.s32 $0xFFFFCF20  }
0x19: {  	s15 =	sadd.s32 $0x0, s9;
	[bflag:$0x0] =	sbarrier.arrive $0xFFFF  }
0x1a: {  	[tilespmem:s3], [sflag:$0x1] =	stream.linear.gather [hbm4b:s15+s3], $0x80, $0x38;
	[tilespmem:$0x18F80] =	vst v63  }
0x1b: {  	_ =	swait.ge [sflag:s11], $0x80  }
0x1c: {  	[sflag:s11] =	ssyncset.done $0x0  }
0x1d: {  	[sflag:s11] =	ssyncadd.s32 $0xFFFFFF80  }
0x1e: {  	[spmem:s1] =	stream.indirect.scatter.add.f32 [tilespmem:s10], [sflag:$0x1], $0x10, s3, s10, $0xb8;
	[tilespmem:$0x18F80] =	vst v63  }
0x1f: {  	_ =	swait.ge [sflag:s11], $0x800  }
0x20: {  	s16 =	simm.s32 $0x20;
	s15 =	simm.s32 $0x10;
	[sflag:s11] =	ssyncset.done $0x0  }
.LBB2_2:
0x21: {  	s17 =	sadd.s32 s15, s9  }
0x22: {  	[sflag:s11] =	ssyncadd.s32 $0xFFFFF800;
	s15 =	smov.u32 s16;
	s18 =	sadd.s32 $0x10, s16  }
0x23: {  	[tilespmem:s3], [sflag:$0x1] =	stream.linear.gather [hbm4b:s17+s3], $0x80, $0x38;
	[tilespmem:$0x18F80] =	vst v63  }
0x24: {  	p1 =	sne.s32 s16, $0x1850;
	_ =	swait.ge [sflag:s11], $0x80  }
.Ltmp0:
0x25: {  	[sflag:s11] =	ssyncset.done $0x0;
	(pc) =	sbr.rel @p1 .LBB2_2-.Ltmp0, $4  }
0x26: {  	[sflag:s11] =	ssyncadd.s32 $0xFFFFFF80  }
0x27: {  	[spmem:s1] =	stream.indirect.scatter.add.f32 [tilespmem:s10], [sflag:$0x1], $0x10, s3, s10, $0xb8;
	[tilespmem:$0x18F80] =	vst v63  }
0x28: {  	_ =	swait.ge [sflag:s11], $0x800  }
0x29: {  	s16 =	smov.u32 s18;
	[sflag:s11] =	ssyncset.done $0x0  }
0x2a: {  	s15 =	sadd.s32 s15, s9;
	[sflag:s11] =	ssyncadd.s32 $0xFFFFF800  }
0x2b: {  	[tilespmem:s3], [sflag:$0x1] =	stream.linear.gather [hbm4b:s15+s3], $0x80, $0x38;
	[tilespmem:$0x18F80] =	vst v63  }
0x2c: {  	_ =	swait.ge [sflag:s11], $0x80  }
0x2d: {  	[sflag:s11] =	ssyncset.done $0x0  }
0x2e: {  	[sflag:s11] =	ssyncadd.s32 $0xFFFFFF80  }
0x2f: {  	[spmem:s1] =	stream.indirect.scatter.add.f32 [tilespmem:s10], [sflag:$0x1], $0x10, s3, s10, $0xb8;
	[tilespmem:$0x18F80] =	vst v63  }
0x30: {  	_ =	swait.ge [sflag:s11], $0x800  }
0x31: {  	[sflag:s11] =	ssyncset.done $0x0  }
0x32: {  	s16 =	simm.s32 @!p0 $0x1;
	s15 =	simm.s32 @!p0 $0x0;
	[sflag:s11] =	ssyncadd.s32 $0xFFFFF800  }
0x33: {  	[tilespmem:s15], [sflag:$0x1] =	stream.linear.gather @!p0 [hbm4b:s6+s15], $0x80, $0x38;
	[tilespmem:$0x18F80] =	vst v63  }
0x34: {  	_ =	swait.ge @!p0 [sflag:s16], $0x80  }
0x35: {  	[sflag:s16] =	ssyncset.done @!p0 $0x0  }
0x36: {  	s17 =	simm.s32 @!p0 $0x80;
	[sflag:s16] =	ssyncadd.s32 @!p0 $0xFFFFFF80  }
0x37: {  	[spmem:s1] =	stream.indirect.scatter.add.f32 @!p0 [tilespmem:s17], [sflag:$0x1], $0x10, s15, s17, $0xb8;
	[tilespmem:$0x18F80] =	vst v63  }
0x38: {  	_ =	swait.ge @!p0 [sflag:s16], $0x800  }
0x39: {  	s14 =	sadd.s32 $0x1, s14;
	[sflag:s16] =	ssyncset.done @!p0 $0x0  }
0x3a: {  	p1 =	sne.s32 s14, s8;
	[sflag:s16] =	ssyncadd.s32 @!p0 $0xFFFFF800  }
.Ltmp1:
0x3b: {  	[bflag:$0x0] =	sbarrier.arrive $0xFFFF;
	(pc) =	sbr.rel @p1 .LBB2_1-.Ltmp1, $4  }
0x3c: {  	[hbm:s7], [sflag:s12] =	dma.local [spmem:s13], $0x30E0  }
0x3d: {  	_ =	swait.ge [sflag:s11], $0x30E0  }
0x3e: {  	[sflag:s11] =	ssyncset.done $0x0  }
0x3f: {  	[sflag:s11] =	ssyncadd.s32 $0xFFFFCF20  }
0x40: {  	_ =	sfence.sel $0x180000  }
0x41: {  	[bflag:$0x0] =	sbarrier.arrive $0xFFFF  }
0x42: {  	p0 =	sne.s32 s2, $0x0;
	_ =	strace $0x90000047  }
0x43: {  	s0 =	sadd.s32 @!p0 $0x100000, s0;
	[bflag:$0x2] =	sbarrier.arrive $0xFFFF  }
0x44: {  	[sflag:s0] =	ssyncadd.tile.s32 @!p0 $0x1;
	_ =	shalt  }
.Lfunc_end2:
_tile_overlayer_lowered:
.L_overlay_start_2:
0x45: {  	(tag) =	ssettag $0x2  }
0x46: {  	s0 =	rddreg [dreg:$0x0];
	s2 =	stileid.u32  }
0x47: {  	s1 =	rddreg [dreg:$0x1];
	p0 =	sne.s32 s2, $0x0  }
0x48: {  	s3 =	rddreg [dreg:$0x2];
	[bflag:$0x3] =	sbarrier.arrive $0xFFFF;
	s2 =	simm.s32 @!p0 $0x1C01  }
0x49: {  	[timem:s3], [sflag:s2] =	dma.local @!p0 [hbm:s0], s1  }
0x4a: {  	s0 =	simm.s32 @!p0 $0x1  }
0x4b: {  	_ =	swait.ge @!p0 [sflag:s0], s1  }
0x4c: {  	s1 =	ssub.s32 @!p0 $0x0, s1;
	[sflag:s0] =	ssyncset.done @!p0 $0x0  }
0x4d: {  	[sflag:s0] =	ssyncadd.s32 @!p0 s1  }
0x4e: {  	[bflag:$0x3] =	sbarrier.arrive $0xFFFF  }
0x4f: {  	_ =	shalt  }

// kernel: kernel.17.cloned.1.call-start
scs
__scs_entry_jumppad:
0x0: {  	(pc) =	sbr.rel $0x88, $3  }
0x1: {  	(tag) =	ssettag $0x0;
	lr =	simm.s32 $0x1  }
0x2: {  	[smem:$0x3F95] =	sst lr;
	_ =	strace $0xD0000000  }
0x3: {  	_ = 	snop  }
0x4: {  	_ = 	snop  }
0x5: {  	_ = 	snop  }
0x6: {  	_ = 	snop  }
0x7: {  	_ = 	snop  }
__scs_overlays_trampoline_lowered:
0x8: {  	[smem:$0x3FA4] =	sst s0  }
0x9: {  	[smem:$0x3FA5] =	sst s1  }
0xa: {  	[smem:$0x3FA6] =	sst s2  }
0xb: {  	[smem:$0x3FA7] =	sst s3  }
0xc: {  	[smem:$0x3FA8] =	sst s4  }
0xd: {  	[smem:$0x3FA9] =	sst s5  }
0xe: {  	[smem:$0x3FAA] =	sst s6  }
0xf: {  	[smem:$0x3FAB] =	sst s7  }
0x10: {  	[smem:$0x3FAC] =	sst s8  }
0x11: {  	[smem:$0x3FAD] =	sst s9;
	s0 =	simm.s32 @!p0 $0x0  }
0x12: {  	s1 =	sld [smem:$0x3F93];
	s0 =	simm.s32 @p0 $0x1  }
0x13: {  	[smem:$0x3FAE] =	sst s0;
	s0 =	simm.s32 @!p1 $0x0  }
0x14: {  	s2 =	sld [smem:$0x3F92];
	s0 =	simm.s32 @p1 $0x1  }
0x15: {  	[smem:$0x3FAF] =	sst s0;
	s0 =	simm.s32 @!p2 $0x0  }
0x16: {  	s3 =	sld [smem:$0x3FDB];
	s0 =	simm.s32 @p2 $0x1  }
0x17: {  	s4 =	simm.s32 $0x1BF5;
	[smem:$0x3FB1] =	sst s0  }
0x18: {  	s0 =	sld [smem:$0x3F94];
	_ =	swait.ge [sflag:s4], $0x0  }
0x19: {  	s7 =	sld [smem:$0x3F95]  }
0x1a: {  	s8 =	sadd.s32 $0xFFFFE003, lr  }
0x1b: {  	s9 =	sadd.s32 $0xFFFFFEF7, lr;
	s5 =	simm.s32 $0xFFFFFFFF;
	p2 =	slt.u32 s8, $0xFFFFF086  }
0x1c: {  	p1 =	slt.u32 s9, $0xF7A;
	s5 =	simm.s32 @!p2 $0x0  }
0x1d: {  	s5 =	simm.s32 @p1 $0x1;
	p0 =	seq.s32 s7, s2  }
0x1e: {  	s7 =	smul.u32 @!p0 $0xF7A, s2;
	p2 =	seq.s32 @!p0 s5, $0x0  }
0x1f: {  	s9 =	smul.u32 $0xF7A, s1;
	s8 =	simm.s32 @!p0 $0x1BF5;
	p2 =	por !p2, p0  }
0x20: {  	[sflag:s8] =	ssyncset.s32 @!p0 $0xFFFFF086;
	s6 =	sadd.s32 @!p0 s3, s7;
	s7 =	simm.s32 @!p0 $0x108  }
0x21: {  	s3 =	sadd.s32 s3, s9;
	s6 =	sadd.s32 @!p0 $0x88, s6;
	s7 =	simm.s32 @p2 $0x1082  }
0x22: {  	[simem:s7], [sflag:s8] =	dma.local @!p0 [hbm:s6], $0xF7A  }
0x23: {  	s9 =	sor.u32 $0xD0000000, s2;
	s6 =	simm.s32 $0x108;
	_ =	swait.ge @!p0 [sflag:s8], $0x0  }
0x24: {  	s3 =	sadd.s32 $0x88, s3;
	s6 =	simm.s32 @!p1 $0x1082;
	[sflag:s4] =	ssyncset.s32 $0xFFFFF086  }
0x25: {  	[simem:s6], [sflag:s4] =	dma.local [hbm:s3], $0xF7A  }
0x26: {  	[smem:$0x3F95] =	sst s1;
	(tag) =	ssettag s2;
	_ =	strace s9  }
0x27: {  	s1 =	sld [smem:$0x3FA5]  }
0x28: {  	s2 =	sld [smem:$0x3FA6]  }
0x29: {  	s4 =	sld [smem:$0x3FA8]  }
0x2a: {  	p0 =	seq.s32 s5, $0x0;
	s5 =	sld [smem:$0x3FA9]  }
0x2b: {  	s6 =	sld [smem:$0x3FAA]  }
0x2c: {  	s7 =	sld [smem:$0x3FAB]  }
0x2d: {  	s3 =	simm.s32 $0x108;
	s8 =	sld [smem:$0x3FAC]  }
0x2e: {  	s3 =	simm.s32 @!p0 $0x1082;
	s9 =	sld [smem:$0x3FAD]  }
0x2f: {  	lr =	sadd.s32 s0, s3;
	s0 =	sld [smem:$0x3FA4]  }
0x30: {  	s3 =	sld [smem:$0x3FA7]  }
0x31: {  	[smem:$0x3FB0] =	sst s10  }
0x32: {  	s10 =	sld [smem:$0x3FAE];
	_ =	sdelay $0x3  }
0x33: {  	p0 =	seq.s32 s10, $0x1;
	s10 =	sld [smem:$0x3FB0];
	_ =	sdelay $0x3  }
0x34: {  	[smem:$0x3FB0] =	sst s10  }
0x35: {  	s10 =	sld [smem:$0x3FAF];
	_ =	sdelay $0x3  }
0x36: {  	p1 =	seq.s32 s10, $0x1;
	s10 =	sld [smem:$0x3FB0];
	_ =	sdelay $0x3  }
0x37: {  	[smem:$0x3FB0] =	sst s10  }
0x38: {  	s10 =	sld [smem:$0x3FB1]  }
0x39: {  	_ = 	snop;
	(pc) =	sbr.ind lr, $3  }
0x3a: {  	_ = 	snop  }
0x3b: {  	_ = 	snop  }
0x3c: {  	p2 =	seq.s32 s10, $0x1;
	s10 =	sld [smem:$0x3FB0]  }
0x3d: {  	_ =	shalt  }
0x3e: {  	_ =	shalt  }
0x3f: {  	_ =	shalt  }
0x40: {  	_ =	shalt  }
0x41: {  	_ =	shalt  }
0x42: {  	_ =	shalt  }
0x43: {  	_ =	shalt  }
0x44: {  	_ =	shalt  }
0x45: {  	_ =	shalt  }
0x46: {  	_ =	shalt  }
0x47: {  	_ =	shalt  }
0x48: {  	_ =	shalt  }
0x49: {  	_ =	shalt  }
0x4a: {  	_ =	shalt  }
0x4b: {  	_ =	shalt  }
0x4c: {  	_ =	shalt  }
0x4d: {  	_ =	shalt  }
0x4e: {  	_ =	shalt  }
0x4f: {  	_ =	shalt  }
0x50: {  	_ =	shalt  }
0x51: {  	_ =	shalt  }
0x52: {  	_ =	shalt  }
0x53: {  	_ =	shalt  }
0x54: {  	_ =	shalt  }
0x55: {  	_ =	shalt  }
0x56: {  	_ =	shalt  }
0x57: {  	_ =	shalt  }
0x58: {  	_ =	shalt  }
0x59: {  	_ =	shalt  }
0x5a: {  	_ =	shalt  }
0x5b: {  	_ =	shalt  }
0x5c: {  	_ =	shalt  }
0x5d: {  	_ =	shalt  }
0x5e: {  	_ =	shalt  }
0x5f: {  	_ =	shalt  }
0x60: {  	_ =	shalt  }
0x61: {  	_ =	shalt  }
0x62: {  	_ =	shalt  }
0x63: {  	_ =	shalt  }
0x64: {  	_ =	shalt  }
0x65: {  	_ =	shalt  }
0x66: {  	_ =	shalt  }
0x67: {  	_ =	shalt  }
0x68: {  	_ =	shalt  }
0x69: {  	_ =	shalt  }
0x6a: {  	_ =	shalt  }
0x6b: {  	_ =	shalt  }
0x6c: {  	_ =	shalt  }
0x6d: {  	_ =	shalt  }
0x6e: {  	_ =	shalt  }
0x6f: {  	_ =	shalt  }
0x70: {  	_ =	shalt  }
0x71: {  	_ =	shalt  }
0x72: {  	_ =	shalt  }
0x73: {  	_ =	shalt  }
0x74: {  	_ =	shalt  }
0x75: {  	_ =	shalt  }
0x76: {  	_ =	shalt  }
0x77: {  	_ =	shalt  }
0x78: {  	_ =	shalt  }
0x79: {  	_ =	shalt  }
0x7a: {  	_ =	shalt  }
0x7b: {  	_ =	shalt  }
0x7c: {  	_ =	shalt  }
0x7d: {  	_ =	shalt  }
0x7e: {  	_ =	shalt  }
0x7f: {  	_ =	shalt  }
0x80: {  	_ =	shalt  }
0x81: {  	_ =	shalt  }
0x82: {  	_ =	shalt  }
0x83: {  	_ =	shalt  }
0x84: {  	_ =	shalt  }
0x85: {  	_ =	shalt  }
0x86: {  	_ =	shalt  }
0x87: {  	_ =	shalt  }
.Lfunc_end0:
.L_simem_size_0:
called_computation.1_lowered:
.L_overlay_start_0:
0x88: {  	s2 =	sld [smem:$0x3FD9]  }
0x89: {  	s3 =	sld [smem:$0x3FFE];
	_ =	sdelay $0x1  }
0x8a: {  	s1 =	srdreg.scid  }
0x8b: {  	s0 =	sand.u32 $0x1, s1  }
0x8c: {  	s17 =	sshll.u32 s0, $0xA;
	s2 =	sadd.s32 s3, s2  }
0x8d: {  	s2 =	sadd.s32 s2, s17  }
0x8e: {  	[smem:$0x3FBC] =	sst s2  }
0x8f: {  	_ = 	snop  }
0x90: {  	s2 =	sld [smem:$0x3FD0];
	(tm) =	ssettm $0x1  }
0x91: {  	s18 =	sld [smem:$0x3FFB];
	_ =	sdelay $0x3  }
0x92: {  	_ =	strace s18  }
0x93: {  	s3 =	sld [smem:$0x3FFC];
	_ =	sdelay $0x3  }
0x94: {  	_ =	strace s3  }
0x95: {  	s3 =	sld [smem:$0x3FFD];
	_ =	sdelay $0x3  }
0x96: {  	_ =	strace s3  }
0x97: {  	_ =	strace $0x8FFFFFFF  }
0x98: {  	s19 =	sld [smem:$0x3FDB];
	_ =	sdelay $0x1  }
0x99: {  	s4 =	simm.s32 $_scs_section_size  }
0x9a: {  	s5 =	simm.s32 $_size__tile_overlayer_lowered;
	s6 =	simm.s32 $_tile_overlayer_lowered  }
0x9b: {  	s22 =	simm.s32 $0x1BFF;
	s21 =	sshll.u32 s6, $0x1;
	s3 =	sadd.s32 s4, s19  }
0x9c: {  	s7 =	simm.s32 $0x0;
	s20 =	sshll.u32 s5, $0x1;
	s5 =	sadd.s32 s21, s3  }
0x9d: {  	[timem:s7], [sflag:s22] =	dma.local [hbm:s5], s20  }
0x9e: {  	_ =	swait.ge [sflag:s22], s20  }
0x9f: {  	s4 =	ssub.s32 $0x0, s20;
	[sflag:s22] =	ssyncset.done $0x0  }
0xa0: {  	[sflag:s22] =	ssyncadd.s32 s4;
	_ =	sdelay $0x1  }
0xa1: {  	s23 =	simm.s32 $0x1B8B  }
0xa2: {  	_ =	swait.ge [sflag:s23], $0x1  }
0xa3: {  	[sflag:s23] =	ssyncset.done $0x0  }
0xa4: {  	s25 =	simm.s32 $0x1B8E;
	s24 =	sld [smem:$0x3FFE];
	[sflag:s23] =	ssyncadd.s32 $0xFFFFFFFF  }
0xa5: {  	s26 =	simm.s32 $execute0_lowered;
	[smem:$0x3FD2] =	sst s25  }
0xa6: {  	s5 =	sshll.u32 s26, $0x1;
	_ =	strace $0x80000049;
	[dreg:$0x1] =	wrdreg $0xFFFFFFFF  }
0xa7: {  	s28 =	simm.s32 $_size_execute0_lowered;
	s3 =	sadd.s32 s3, s5;
	[dreg:$0x0] =	wrdreg $0x0  }
0xa8: {  	s5 =	sshll.u32 s28, $0x1;
	[dreg:$0x2] =	wrdreg s3  }
0xa9: {  	[dreg:$0x3] =	wrdreg s5  }
0xaa: {  	[dreg:$0x4] =	wrdreg $0xC0  }
0xab: {  	_ =	task [dreg:s7], $0x5FFFF  }
0xac: {  	[dreg:$0x1] =	wrdreg $0xFFFFFFFF  }
0xad: {  	[dreg:$0x0] =	wrdreg $0x60  }
0xae: {  	[dreg:$0x2] =	wrdreg s2  }
0xaf: {  	[dreg:$0x3] =	wrdreg s24  }
0xb0: {  	[dreg:$0x4] =	wrdreg $0x21800  }
0xb1: {  	[dreg:$0x5] =	wrdreg $0x9  }
0xb2: {  	_ =	task.clear_ibuf [dreg:s7], $0x6FFFF;
	_ =	strace $0x90000049  }
0xb3: {  	s29 =	simm.s32 $0x9;
	_ =	strace $0x8000004B  }
0xb4: {  	_ =	swait.ge [sflag:s29], $0x1  }
0xb5: {  	[sflag:s29] =	ssyncadd.s32 $0xFFFFFFFF  }
0xb6: {  	_ =	strace $0x9000004B  }
0xb7: {  	_ =	sfence  }
0xb8: {  	s30 =	sld [smem:$0x0];
	_ =	sdelay $0x2  }
0xb9: {  	s31 =	sshll.u32 s1, $0xD;
	s1 =	sshrl.u32 s1, $0x2  }
0xba: {  	s3 =	sand.u32 $0x4000, s31;
	s1 =	sadd.s32 s1, s30  }
0xbb: {  	s0 =	sor.u32 s3, s0;
	s1 =	sshll.u32 s1, $0x11  }
0xbc: {  	s0 =	sor.u32 s1, s0  }
0xbd: {  	s0 =	sadd.s32 $0x8F2B, s0  }
0xbe: {  	[sflag:s0] =	ssyncadd.remote.s32 $0x1  }
0xbf: {  	_ =	sfence.sel $0xFFFF  }
0xc0: {  	[dreg:$0x0] =	wrdreg $0xFFFFFFFF;
	(pc) =	sbr.abs _section_cstart, $3  }
0xc1: {  	[dreg:$0x1] =	wrdreg $0xFFFFFFFF  }
0xc2: {  	_ =	task.clear_ibuf [dreg:s7], $0x2FFFF;
	_ =	strace $0x9FFFFFFF  }
0xc3: {  	(tm) =	ssettm $0x7FFFFFFF  }
tec
execute0_lowered:
.L_overlay_start_1:
0x0: {  	(tag) =	ssettag $0x1  }
0x1: {  	s1 =	rddreg [dreg:$0x0]  }
0x2: {  	s5 =	rddreg [dreg:$0x1]  }
0x3: {  	s2 =	rddreg [dreg:$0x2]  }
0x4: {  	s0 =	rddreg [dreg:$0x3];
	s3 =	simm.s32 $0x0;
	s4 =	srdreg.scid  }
0x5: {  	s19 =	stileid.u32;
	s17 =	simm.s32 $0x180;
	[smem:$0x7FF] =	sst s3  }
0x6: {  	s11 =	sadd.s32 $0x2C00, s5;
	s12 =	sadd.s32 $0x33A00, s5;
	s8 =	smul.u32 $0x68000, s19  }
0x7: {  	s4 =	sand.u32 $0x1, s4;
	s9 =	sadd.s32 $0x1EE600, s5;
	s13 =	smul.u32 $0x680, s19  }
0x8: {  	s28 =	sshll.u32 s19, $0x4;
	s29 =	sshll.u32 s19, $0x6;
	s15 =	sadd.s32 $0x1A0000, s2  }
0x9: {  	s16 =	smul.u32 $0x30D0, s19;
	p0 =	sne.s32 s19, $0x0;
	p1 =	sgt.u32 s19, $0x3  }
0xa: {  	s19 =	simm.s32 $0x0;
	_ =	strace $0x8000004A;
	s6 =	ssub.s32 $0x2, s4  }
0xb: {  	s18 =	smul.u32 $0xD000, s4;
	s4 =	sadd.s32 $0x1EB200, s5;
	s30 =	sor.u32 $0x30D00, s28  }
0xc: {  	s5 =	sor.u32 $0x1C01, s29;
	s15 =	sshrl.u32 @!p0 s15, $0x3;
	s7 =	sshrl.u32 s6, $0x1  }
0xd: {  	s26 =	sshrl.u32 s8, $0x2;
	s10 =	ssub.s32 s6, s7;
	s20 =	sadd.s32 $0x6800, s18  }
0xe: {  	s14 =	sadd.s32 s26, s2;
	s6 =	sadd.s32 s12, s30;
	s7 =	sadd.s32 s11, s30  }
.Ltmp0:
0xf: {  	s31 =	sadd.s32 s13, s18;
	s21 =	sadd.s32 $0xD000, s18;
	(pc) =	sbr.rel .LBB2_1-.Ltmp0, $4  }
0x10: {  	s11 =	sadd.s32 s16, s11;
	s12 =	sadd.s32 s16, s12;
	s16 =	simm.s32 $0x80  }
0x11: {  	v0 =	vmov s18;
	s18 =	simm.s32 $0x100;
	s13 =	sadd.s32 s13, s20;
	s8 =	sshll.u32 s31, $0x3  }
0x12: {  	s10 =	smax.u32 s10, $0x1;
	s13 =	sshll.u32 s13, $0x3;
	s8 =	sadd.s32 s9, s8  }
0x13: {  	v1 =	vmov s20;
	v2 =	vmov s21;
	s9 =	sadd.s32 s9, s13;
	s13 =	sshrl.u32 s14, $0x3;
	s14 =	simm.s32 $0x1  }
.LBB2_9:
0x14: {  	s19 =	sadd.s32 $0x1, s19  }
0x15: {  	p2 =	sne.s32 s19, s10  }
.Ltmp1:
0x16: {  	[bflag:$0x0] =	sbarrier.arrive $0xFFFF;
	(pc) =	sbr.rel @!p2 .LBB2_10-.Ltmp1, $4  }
0x17: {  	[hbm:s9], [sflag:s5] =	dma.local [spmem:s13], $0x3400  }
0x18: {  	_ =	swait.ge [sflag:s14], $0x3400  }
0x19: {  	[sflag:s14] =	ssyncset.done $0x0  }
0x1a: {  	[sflag:s14] =	ssyncadd.s32 $0xFFFFCC00  }
.LBB2_1:
0x1b: {  	[spmem:s13], [sflag:s5] =	dma.local [hbm:s4], $0x3400  }
0x1c: {  	_ =	swait.ge [sflag:s14], $0x3400  }
0x1d: {  	[sflag:s14] =	ssyncset.done $0x0  }
0x1e: {  	s20 =	simm.s32 @!p0 $0x1;
	[sflag:s14] =	ssyncadd.s32 $0xFFFFCC00  }
0x1f: {  	[spmem:s15], [sflag:s5] =	dma.local @!p0 [hbm:s4], $0x40  }
0x20: {  	_ =	swait.ge @!p0 [sflag:s20], $0x40  }
0x21: {  	[sflag:s20] =	ssyncset.done @!p0 $0x0  }
0x22: {  	[sflag:s20] =	ssyncadd.s32 @!p0 $0xFFFFFFC0  }
0x23: {  	s30 =	sadd.s32 $0x0, s12;
	[bflag:$0x0] =	sbarrier.arrive $0xFFFF  }
0x24: {  	[tilespmem:s16], [sflag:$0x1] =	stream.linear.gather [hbm4b:s30+s3], $0x80, $0x38;
	[tilespmem:$0x1C1A0] =	vst v63  }
0x25: {  	_ =	swait.ge [sflag:s14], $0x80  }
0x26: {  	[sflag:s14] =	ssyncset.done $0x0  }
0x27: {  	s31 =	sadd.s32 $0x0, s11;
	[sflag:s14] =	ssyncadd.s32 $0xFFFFFF80  }
0x28: {  	[tilespmem:s3], [sflag:$0x1] =	stream.linear.gather [hbm4b:s31+s3], $0x80, $0x38;
	[tilespmem:$0x1C1A0] =	vst v63  }
0x29: {  	_ =	swait.ge [sflag:s14], $0x80  }
0x2a: {  	[sflag:s14] =	ssyncset.done $0x0  }
0x2b: {  	[sflag:s14] =	ssyncadd.s32 $0xFFFFFF80  }
0x2c: {  	v3 =	vld [tilespmem:$0xF0]  }
0x2d: {  	v4 =	vld [tilespmem:$0xE0]  }
0x2e: {  	v5 =	vld [tilespmem:$0x90]  }
0x2f: {  	v8 =	vld [tilespmem:$0xB0]  }
0x30: {  	v10 =	vld [tilespmem:$0xC0]  }
0x31: {  	v6 =	vld [tilespmem:$0x80]  }
0x32: {  	vm0 =	vge.s32 v3, v0;
	vm1 =	vlt.s32 v3, v1;
	v9 =	vsub.s32 v3, v0  }
0x33: {  	v7 =	vld [tilespmem:$0xA0];
	vm2 =	vge.s32 v4, v0;
	vm3 =	vlt.s32 v4, v1;
	v4 =	vsub.s32 v4, v0  }
0x34: {  	v11 =	vsub.s32 v5, v0;
	vm4 =	vlt.s32 v5, v1;
	vm5 =	vlt.s32 v8, v1  }
0x35: {  	vm6 =	vge.s32 v10, v0;
	vm7 =	vlt.s32 v10, v1;
	vm2 =	vmand vm2, vm3  }
0x36: {  	vm0 =	vmand vm0, vm1;
	vm1 =	vlt.s32 v6, v1;
	vm3 =	vge.s32 v5, v0  }
0x37: {  	v3 =	vld [tilespmem:$0xD0];
	v5 =	vsub.s32 v10, v0;
	v12 =	vnsel vm2, $0x6800, v4;
	vm2 =	vge.s32 v6, v0  }
0x38: {  	v6 =	vsub.s32 v6, v0;
	v4 =	vsub.s32 v7, v0;
	v9 =	vnsel vm0, $0x6800, v9  }
0x39: {  	vm0 =	vge.s32 v7, v0;
	vm1 =	vmand vm2, vm1;
	vm2 =	vmand vm3, vm4;
	[tilespmem:$0x160] =	vst v12  }
0x3a: {  	vm3 =	vge.s32 v8, v0;
	[tilespmem:$0x170] =	vst v9;
	v6 =	vnsel vm1, $0x6800, v6;
	v63 =	vnsel vm2, $0x6800, v11  }
0x3b: {  	vm2 =	vlt.s32 v7, v1;
	vm5 =	vmand vm3, vm5;
	vm3 =	vmand vm6, vm7;
	[tilespmem:$0x100] =	vst v6  }
0x3c: {  	s20 =	simm.s32 $0x10;
	vm1 =	vge.s32 v3, v0;
	v6 =	vsub.s32 v8, v0;
	vm4 =	vlt.s32 v3, v1;
	[tilespmem:$0x110] =	vst v63  }
.LBB2_2:
0x3d: {  	p2 =	sne.s32 s20, $0x30C0;
	v6 =	vnsel vm5, $0x6800, v6;
	vm1 =	vmand vm1, vm4;
	v3 =	vsub.s32 v3, v0;
	s21 =	smov.u32 s20;
	s20 =	sadd.s32 $0x10, s20  }
0x3e: {  	[tilespmem:$0x130] =	vst v6;
	v3 =	vnsel vm1, $0x6800, v3  }
0x3f: {  	vm0 =	vmand vm0, vm2;
	v5 =	vnsel vm3, $0x6800, v5;
	[tilespmem:$0x150] =	vst v3  }
0x40: {  	v3 =	vnsel vm0, $0x6800, v4;
	[tilespmem:$0x140] =	vst v5  }
0x41: {  	[tilespmem:$0x120] =	vst v3  }
0x42: {  	[tilespmem:s17], [sflag:$0x1] =	stream.indirect.gather [hbm4b:s1+s16], $0x40, s3, s16, $0xb8;
	[tilespmem:$0x1C1A0] =	vst v63  }
0x43: {  	_ =	swait.ge [sflag:s14], $0x2000  }
0x44: {  	[sflag:s14] =	ssyncset.done $0x0  }
0x45: {  	[sflag:s14] =	ssyncadd.s32 $0xFFFFE000  }
0x46: {  	[spmem:s2] =	stream.indirect.scatter.add.f32 [tilespmem:s17], [sflag:$0x1], $0x40, s18, s16, $0xb8;
	[tilespmem:$0x1C1A0] =	vst v63  }
0x47: {  	_ =	swait.ge [sflag:s14], $0x2000  }
0x48: {  	[sflag:s14] =	ssyncset.done $0x0  }
0x49: {  	s22 =	sadd.s32 s21, s12;
	[sflag:s14] =	ssyncadd.s32 $0xFFFFE000  }
0x4a: {  	[tilespmem:s16], [sflag:$0x1] =	stream.linear.gather [hbm4b:s22+s3], $0x80, $0x38;
	[tilespmem:$0x1C1A0] =	vst v63  }
0x4b: {  	_ =	swait.ge [sflag:s14], $0x80  }
0x4c: {  	[sflag:s14] =	ssyncset.done $0x0  }
0x4d: {  	s21 =	sadd.s32 s21, s11;
	[sflag:s14] =	ssyncadd.s32 $0xFFFFFF80  }
0x4e: {  	[tilespmem:s3], [sflag:$0x1] =	stream.linear.gather [hbm4b:s21+s3], $0x80, $0x38;
	[tilespmem:$0x1C1A0] =	vst v63  }
0x4f: {  	_ =	swait.ge [sflag:s14], $0x80  }
0x50: {  	[sflag:s14] =	ssyncset.done $0x0  }
0x51: {  	[sflag:s14] =	ssyncadd.s32 $0xFFFFFF80  }
0x52: {  	v3 =	vld [tilespmem:$0xF0]  }
0x53: {  	v4 =	vld [tilespmem:$0xE0]  }
0x54: {  	v5 =	vld [tilespmem:$0x90]  }
0x55: {  	v6 =	vld [tilespmem:$0x80]  }
0x56: {  	v7 =	vld [tilespmem:$0xA0]  }
0x57: {  	v8 =	vld [tilespmem:$0xB0];
	vm0 =	vge.s32 v3, v0;
	vm1 =	vlt.s32 v3, v1;
	v9 =	vsub.s32 v3, v0  }
0x58: {  	v10 =	vld [tilespmem:$0xC0];
	vm2 =	vge.s32 v4, v0;
	vm3 =	vlt.s32 v4, v1;
	v4 =	vsub.s32 v4, v0  }
0x59: {  	vm0 =	vmand vm0, vm1;
	v11 =	vsub.s32 v5, v0;
	v3 =	vld [tilespmem:$0xD0];
	vm2 =	vmand vm2, vm3  }
0x5a: {  	vm3 =	vge.s32 v5, v0;
	vm1 =	vlt.s32 v6, v1;
	v4 =	vnsel vm2, $0x6800, v4  }
0x5b: {  	vm4 =	vlt.s32 v5, v1;
	vm2 =	vge.s32 v6, v0;
	v6 =	vsub.s32 v6, v0;
	[tilespmem:$0x160] =	vst v4  }
0x5c: {  	v9 =	vnsel vm0, $0x6800, v9;
	vm1 =	vmand vm2, vm1;
	v4 =	vsub.s32 v7, v0  }
.Ltmp2:
0x5d: {  	vm2 =	vmand vm3, vm4;
	v6 =	vnsel vm1, $0x6800, v6;
	v5 =	vsub.s32 v10, v0;
	[tilespmem:$0x170] =	vst v9;
	(pc) =	sbr.rel @p2 .LBB2_2-.Ltmp2, $4  }
0x5e: {  	vm0 =	vge.s32 v7, v0;
	vm3 =	vge.s32 v8, v0;
	[tilespmem:$0x100] =	vst v6;
	vm1 =	vge.s32 v3, v0  }
0x5f: {  	vm5 =	vlt.s32 v8, v1;
	vm6 =	vge.s32 v10, v0;
	v6 =	vnsel vm2, $0x6800, v11  }
0x60: {  	vm7 =	vlt.s32 v10, v1;
	vm4 =	vlt.s32 v3, v1;
	[tilespmem:$0x110] =	vst v6;
	v6 =	vsub.s32 v8, v0  }
0x61: {  	vm5 =	vmand vm3, vm5;
	vm2 =	vlt.s32 v7, v1;
	vm3 =	vmand vm6, vm7  }
0x62: {  	v6 =	vnsel vm5, $0x6800, v6  }
0x63: {  	vm1 =	vmand vm1, vm4;
	v3 =	vsub.s32 v3, v0;
	v5 =	vnsel vm3, $0x6800, v5;
	[tilespmem:$0x130] =	vst v6  }
0x64: {  	vm0 =	vmand vm0, vm2;
	v3 =	vnsel vm1, $0x6800, v3;
	[tilespmem:$0x140] =	vst v5  }
0x65: {  	[tilespmem:$0x150] =	vst v3;
	v3 =	vnsel vm0, $0x6800, v4  }
0x66: {  	[tilespmem:$0x120] =	vst v3  }
0x67: {  	[tilespmem:s17], [sflag:$0x1] =	stream.indirect.gather [hbm4b:s1+s16], $0x40, s3, s16, $0xb8;
	[tilespmem:$0x1C1A0] =	vst v63  }
0x68: {  	_ =	swait.ge [sflag:s14], $0x2000  }
0x69: {  	[sflag:s14] =	ssyncset.done $0x0  }
.Ltmp3:
0x6a: {  	[sflag:s14] =	ssyncadd.s32 $0xFFFFE000;
	(pc) =	sbr.rel @p1 .LBB2_5-.Ltmp3, $4  }
0x6b: {  	[spmem:s2] =	stream.indirect.scatter.add.f32 [tilespmem:s17], [sflag:$0x1], $0x40, s18, s16, $0xb8;
	[tilespmem:$0x1C1A0] =	vst v63  }
0x6c: {  	_ =	swait.ge [sflag:s14], $0x2000  }
0x6d: {  	[sflag:s14] =	ssyncset.done $0x0  }
0x6e: {  	[sflag:s14] =	ssyncadd.s32 $0xFFFFE000  }
0x6f: {  	[tilespmem:s16], [sflag:$0x1] =	stream.linear.gather [hbm4b:s6+s3], $0x80, $0x38;
	[tilespmem:$0x1C1A0] =	vst v63  }
0x70: {  	_ =	swait.ge [sflag:s14], $0x80  }
0x71: {  	[sflag:s14] =	ssyncset.done $0x0  }
0x72: {  	[sflag:s14] =	ssyncadd.s32 $0xFFFFFF80  }
0x73: {  	[tilespmem:s3], [sflag:$0x1] =	stream.linear.gather [hbm4b:s7+s3], $0x80, $0x38;
	[tilespmem:$0x1C1A0] =	vst v63  }
0x74: {  	_ =	swait.ge [sflag:s14], $0x80  }
0x75: {  	[sflag:s14] =	ssyncset.done $0x0  }
0x76: {  	[sflag:s14] =	ssyncadd.s32 $0xFFFFFF80  }
0x77: {  	v3 =	vld [tilespmem:$0x80]  }
0x78: {  	v4 =	vld [tilespmem:$0x90]  }
0x79: {  	v5 =	vld [tilespmem:$0xA0]  }
0x7a: {  	v6 =	vld [tilespmem:$0xB0]  }
0x7b: {  	v7 =	vld [tilespmem:$0xC0]  }
0x7c: {  	v8 =	vld [tilespmem:$0xD0]  }
0x7d: {  	vm0 =	vge.s32 v3, v0;
	vm1 =	vlt.s32 v3, v1;
	v3 =	vsub.s32 v3, v0  }
0x7e: {  	v9 =	vld [tilespmem:$0xE0];
	vm12 =	vge.s32 v4, v0;
	vm2 =	vlt.s32 v4, v1;
	v4 =	vsub.s32 v4, v0  }
0x7f: {  	vm14 =	vge.s32 v5, v0;
	vm15 =	vlt.s32 v5, v1;
	vm4 =	vge.s32 v6, v0  }
0x80: {  	vm5 =	vlt.s32 v6, v1;
	v5 =	vsub.s32 v5, v0;
	v6 =	vsub.s32 v6, v0  }
0x81: {  	vm6 =	vge.s32 v7, v0;
	vm7 =	vlt.s32 v7, v1;
	vm8 =	vge.s32 v8, v0  }
0x82: {  	v10 =	vld [tilespmem:$0xF0];
	vm3 =	vlt.s32 v8, v1;
	v62 =	vsub.s32 v8, v0;
	vm0 =	vmand vm0, vm1  }
0x83: {  	vm10 =	vge.s32 v9, v0;
	vm13 =	vmand vm12, vm2;
	v3 =	vnsel vm0, $0x6800, v3  }
0x84: {  	vm11 =	vlt.s32 v9, v1;
	vm1 =	vmand vm4, vm5;
	v4 =	vnsel vm13, $0x6800, v4;
	[tilespmem:$0x100] =	vst v3  }
0x85: {  	vm9 =	vmand vm8, vm3;
	vm0 =	vmand vm14, vm15;
	v6 =	vnsel vm1, $0x6800, v6;
	[tilespmem:$0x110] =	vst v4  }
0x86: {  	v5 =	vnsel vm0, $0x6800, v5;
	vm0 =	vmand vm6, vm7;
	v3 =	vsub.s32 v7, v0;
	[tilespmem:$0x130] =	vst v6  }
0x87: {  	vm12 =	vmand vm10, vm11;
	vm13 =	vge.s32 v10, v0;
	[tilespmem:$0x120] =	vst v5;
	v3 =	vnsel vm0, $0x6800, v3  }
0x88: {  	vm14 =	vlt.s32 v10, v1;
	v4 =	vnsel vm9, $0x6800, v62;
	[tilespmem:$0x140] =	vst v3;
	v3 =	vsub.s32 v9, v0  }
0x89: {  	v63 =	vsub.s32 v10, v0;
	vm15 =	vmand vm13, vm14;
	[tilespmem:$0x150] =	vst v4;
	v3 =	vnsel vm12, $0x6800, v3  }
0x8a: {  	[tilespmem:$0x160] =	vst v3;
	v3 =	vnsel vm15, $0x6800, v63  }
0x8b: {  	[tilespmem:$0x170] =	vst v3  }
0x8c: {  	[tilespmem:s17], [sflag:$0x1] =	stream.indirect.gather [hbm4b:s1+s16], $0x40, s3, s16, $0xb8;
	[tilespmem:$0x1C1A0] =	vst v63  }
0x8d: {  	_ =	swait.ge [sflag:s14], $0x2000  }
0x8e: {  	[sflag:s14] =	ssyncset.done $0x0  }
0x8f: {  	[sflag:s14] =	ssyncadd.s32 $0xFFFFE000  }
0x90: {  	[spmem:s2] =	stream.indirect.scatter.add.f32 [tilespmem:s17], [sflag:$0x1], $0x40, s18, s16, $0xb8;
	[tilespmem:$0x1C1A0] =	vst v63  }
0x91: {  	_ =	swait.ge [sflag:s14], $0x2000  }
0x92: {  	[sflag:s14] =	ssyncset.done $0x0  }
0x93: {  	[sflag:s14] =	ssyncadd.s32 $0xFFFFE000  }
.LBB2_5:
0x94: {  	[bflag:$0x0] =	sbarrier.arrive $0xFFFF  }
0x95: {  	[hbm:s8], [sflag:s5] =	dma.local [spmem:s13], $0x3400  }
0x96: {  	_ =	swait.ge [sflag:s14], $0x3400  }
0x97: {  	[sflag:s14] =	ssyncset.done $0x0  }
0x98: {  	[sflag:s14] =	ssyncadd.s32 $0xFFFFCC00  }
0x99: {  	[spmem:s13], [sflag:s5] =	dma.local [hbm:s4], $0x3400  }
0x9a: {  	_ =	swait.ge [sflag:s14], $0x3400  }
0x9b: {  	[sflag:s14] =	ssyncset.done $0x0  }
0x9c: {  	s20 =	simm.s32 @!p0 $0x1;
	[sflag:s14] =	ssyncadd.s32 $0xFFFFCC00  }
0x9d: {  	[spmem:s15], [sflag:s5] =	dma.local @!p0 [hbm:s4], $0x40  }
0x9e: {  	_ =	swait.ge @!p0 [sflag:s20], $0x40  }
0x9f: {  	[sflag:s20] =	ssyncset.done @!p0 $0x0  }
0xa0: {  	[sflag:s20] =	ssyncadd.s32 @!p0 $0xFFFFFFC0  }
0xa1: {  	s30 =	sadd.s32 $0x0, s12;
	[bflag:$0x0] =	sbarrier.arrive $0xFFFF  }
0xa2: {  	[tilespmem:s16], [sflag:$0x1] =	stream.linear.gather [hbm4b:s30+s3], $0x80, $0x38;
	[tilespmem:$0x1C1A0] =	vst v63  }
0xa3: {  	_ =	swait.ge [sflag:s14], $0x80  }
0xa4: {  	[sflag:s14] =	ssyncset.done $0x0  }
0xa5: {  	s31 =	sadd.s32 $0x0, s11;
	[sflag:s14] =	ssyncadd.s32 $0xFFFFFF80  }
0xa6: {  	[tilespmem:s3], [sflag:$0x1] =	stream.linear.gather [hbm4b:s31+s3], $0x80, $0x38;
	[tilespmem:$0x1C1A0] =	vst v63  }
0xa7: {  	_ =	swait.ge [sflag:s14], $0x80  }
0xa8: {  	[sflag:s14] =	ssyncset.done $0x0  }
0xa9: {  	[sflag:s14] =	ssyncadd.s32 $0xFFFFFF80  }
0xaa: {  	v3 =	vld [tilespmem:$0xF0]  }
0xab: {  	v4 =	vld [tilespmem:$0xE0]  }
0xac: {  	v5 =	vld [tilespmem:$0x90]  }
0xad: {  	v8 =	vld [tilespmem:$0xB0]  }
0xae: {  	v10 =	vld [tilespmem:$0xC0]  }
0xaf: {  	v6 =	vld [tilespmem:$0x80]  }
0xb0: {  	vm0 =	vge.s32 v3, v1;
	vm1 =	vlt.s32 v3, v2;
	v9 =	vsub.s32 v3, v1  }
0xb1: {  	v7 =	vld [tilespmem:$0xA0];
	vm2 =	vge.s32 v4, v1;
	vm3 =	vlt.s32 v4, v2;
	v4 =	vsub.s32 v4, v1  }
0xb2: {  	v11 =	vsub.s32 v5, v1;
	vm4 =	vlt.s32 v5, v2;
	vm5 =	vlt.s32 v8, v2  }
0xb3: {  	vm6 =	vge.s32 v10, v1;
	vm7 =	vlt.s32 v10, v2;
	vm2 =	vmand vm2, vm3  }
0xb4: {  	vm0 =	vmand vm0, vm1;
	vm1 =	vlt.s32 v6, v2;
	vm3 =	vge.s32 v5, v1  }
0xb5: {  	v3 =	vld [tilespmem:$0xD0];
	v5 =	vsub.s32 v10, v1;
	v12 =	vnsel vm2, $0x6800, v4;
	vm2 =	vge.s32 v6, v1  }
0xb6: {  	v6 =	vsub.s32 v6, v1;
	v4 =	vsub.s32 v7, v1;
	v9 =	vnsel vm0, $0x6800, v9  }
0xb7: {  	vm0 =	vge.s32 v7, v1;
	vm1 =	vmand vm2, vm1;
	vm2 =	vmand vm3, vm4;
	[tilespmem:$0x160] =	vst v12  }
0xb8: {  	vm3 =	vge.s32 v8, v1;
	[tilespmem:$0x170] =	vst v9;
	v6 =	vnsel vm1, $0x6800, v6;
	v63 =	vnsel vm2, $0x6800, v11  }
0xb9: {  	vm2 =	vlt.s32 v7, v2;
	vm5 =	vmand vm3, vm5;
	vm3 =	vmand vm6, vm7;
	[tilespmem:$0x100] =	vst v6  }
0xba: {  	s20 =	simm.s32 $0x10;
	vm1 =	vge.s32 v3, v1;
	v6 =	vsub.s32 v8, v1;
	vm4 =	vlt.s32 v3, v2;
	[tilespmem:$0x110] =	vst v63  }
.LBB2_6:
0xbb: {  	p2 =	sne.s32 s20, $0x30C0;
	v6 =	vnsel vm5, $0x6800, v6;
	vm1 =	vmand vm1, vm4;
	v3 =	vsub.s32 v3, v1;
	s21 =	smov.u32 s20;
	s20 =	sadd.s32 $0x10, s20  }
0xbc: {  	[tilespmem:$0x130] =	vst v6;
	v3 =	vnsel vm1, $0x6800, v3  }
0xbd: {  	vm0 =	vmand vm0, vm2;
	v5 =	vnsel vm3, $0x6800, v5;
	[tilespmem:$0x150] =	vst v3  }
0xbe: {  	v3 =	vnsel vm0, $0x6800, v4;
	[tilespmem:$0x140] =	vst v5  }
0xbf: {  	[tilespmem:$0x120] =	vst v3  }
0xc0: {  	[tilespmem:s17], [sflag:$0x1] =	stream.indirect.gather [hbm4b:s1+s16], $0x40, s3, s16, $0xb8;
	[tilespmem:$0x1C1A0] =	vst v63  }
0xc1: {  	_ =	swait.ge [sflag:s14], $0x2000  }
0xc2: {  	[sflag:s14] =	ssyncset.done $0x0  }
0xc3: {  	[sflag:s14] =	ssyncadd.s32 $0xFFFFE000  }
0xc4: {  	[spmem:s2] =	stream.indirect.scatter.add.f32 [tilespmem:s17], [sflag:$0x1], $0x40, s18, s16, $0xb8;
	[tilespmem:$0x1C1A0] =	vst v63  }
0xc5: {  	_ =	swait.ge [sflag:s14], $0x2000  }
0xc6: {  	[sflag:s14] =	ssyncset.done $0x0  }
0xc7: {  	s22 =	sadd.s32 s21, s12;
	[sflag:s14] =	ssyncadd.s32 $0xFFFFE000  }
0xc8: {  	[tilespmem:s16], [sflag:$0x1] =	stream.linear.gather [hbm4b:s22+s3], $0x80, $0x38;
	[tilespmem:$0x1C1A0] =	vst v63  }
0xc9: {  	_ =	swait.ge [sflag:s14], $0x80  }
0xca: {  	[sflag:s14] =	ssyncset.done $0x0  }
0xcb: {  	s21 =	sadd.s32 s21, s11;
	[sflag:s14] =	ssyncadd.s32 $0xFFFFFF80  }
0xcc: {  	[tilespmem:s3], [sflag:$0x1] =	stream.linear.gather [hbm4b:s21+s3], $0x80, $0x38;
	[tilespmem:$0x1C1A0] =	vst v63  }
0xcd: {  	_ =	swait.ge [sflag:s14], $0x80  }
0xce: {  	[sflag:s14] =	ssyncset.done $0x0  }
0xcf: {  	[sflag:s14] =	ssyncadd.s32 $0xFFFFFF80  }
0xd0: {  	v3 =	vld [tilespmem:$0xF0]  }
0xd1: {  	v4 =	vld [tilespmem:$0xE0]  }
0xd2: {  	v5 =	vld [tilespmem:$0x90]  }
0xd3: {  	v6 =	vld [tilespmem:$0x80]  }
0xd4: {  	v7 =	vld [tilespmem:$0xA0]  }
0xd5: {  	v8 =	vld [tilespmem:$0xB0];
	vm0 =	vge.s32 v3, v1;
	vm1 =	vlt.s32 v3, v2;
	v9 =	vsub.s32 v3, v1  }
0xd6: {  	v10 =	vld [tilespmem:$0xC0];
	vm2 =	vge.s32 v4, v1;
	vm3 =	vlt.s32 v4, v2;
	v4 =	vsub.s32 v4, v1  }
0xd7: {  	vm0 =	vmand vm0, vm1;
	v11 =	vsub.s32 v5, v1;
	v3 =	vld [tilespmem:$0xD0];
	vm2 =	vmand vm2, vm3  }
0xd8: {  	vm3 =	vge.s32 v5, v1;
	vm1 =	vlt.s32 v6, v2;
	v4 =	vnsel vm2, $0x6800, v4  }
0xd9: {  	vm4 =	vlt.s32 v5, v2;
	vm2 =	vge.s32 v6, v1;
	v6 =	vsub.s32 v6, v1;
	[tilespmem:$0x160] =	vst v4  }
0xda: {  	v9 =	vnsel vm0, $0x6800, v9;
	vm1 =	vmand vm2, vm1;
	v4 =	vsub.s32 v7, v1  }
.Ltmp4:
0xdb: {  	vm2 =	vmand vm3, vm4;
	v6 =	vnsel vm1, $0x6800, v6;
	v5 =	vsub.s32 v10, v1;
	[tilespmem:$0x170] =	vst v9;
	(pc) =	sbr.rel @p2 .LBB2_6-.Ltmp4, $4  }
0xdc: {  	vm0 =	vge.s32 v7, v1;
	vm3 =	vge.s32 v8, v1;
	[tilespmem:$0x100] =	vst v6;
	vm1 =	vge.s32 v3, v1  }
0xdd: {  	vm5 =	vlt.s32 v8, v2;
	vm6 =	vge.s32 v10, v1;
	v6 =	vnsel vm2, $0x6800, v11  }
0xde: {  	vm7 =	vlt.s32 v10, v2;
	vm4 =	vlt.s32 v3, v2;
	[tilespmem:$0x110] =	vst v6;
	v6 =	vsub.s32 v8, v1  }
0xdf: {  	vm5 =	vmand vm3, vm5;
	vm2 =	vlt.s32 v7, v2;
	vm3 =	vmand vm6, vm7  }
0xe0: {  	v6 =	vnsel vm5, $0x6800, v6  }
0xe1: {  	vm1 =	vmand vm1, vm4;
	v3 =	vsub.s32 v3, v1;
	v5 =	vnsel vm3, $0x6800, v5;
	[tilespmem:$0x130] =	vst v6  }
0xe2: {  	vm0 =	vmand vm0, vm2;
	v3 =	vnsel vm1, $0x6800, v3;
	[tilespmem:$0x140] =	vst v5  }
0xe3: {  	[tilespmem:$0x150] =	vst v3;
	v3 =	vnsel vm0, $0x6800, v4  }
0xe4: {  	[tilespmem:$0x120] =	vst v3  }
0xe5: {  	[tilespmem:s17], [sflag:$0x1] =	stream.indirect.gather [hbm4b:s1+s16], $0x40, s3, s16, $0xb8;
	[tilespmem:$0x1C1A0] =	vst v63  }
0xe6: {  	_ =	swait.ge [sflag:s14], $0x2000  }
0xe7: {  	[sflag:s14] =	ssyncset.done $0x0  }
.Ltmp5:
0xe8: {  	[sflag:s14] =	ssyncadd.s32 $0xFFFFE000;
	(pc) =	sbr.rel @p1 .LBB2_9-.Ltmp5, $4  }
0xe9: {  	[spmem:s2] =	stream.indirect.scatter.add.f32 [tilespmem:s17], [sflag:$0x1], $0x40, s18, s16, $0xb8;
	[tilespmem:$0x1C1A0] =	vst v63  }
0xea: {  	_ =	swait.ge [sflag:s14], $0x2000  }
0xeb: {  	[sflag:s14] =	ssyncset.done $0x0  }
0xec: {  	[sflag:s14] =	ssyncadd.s32 $0xFFFFE000  }
0xed: {  	[tilespmem:s16], [sflag:$0x1] =	stream.linear.gather [hbm4b:s6+s3], $0x80, $0x38;
	[tilespmem:$0x1C1A0] =	vst v63  }
0xee: {  	_ =	swait.ge [sflag:s14], $0x80  }
0xef: {  	[sflag:s14] =	ssyncset.done $0x0  }
0xf0: {  	[sflag:s14] =	ssyncadd.s32 $0xFFFFFF80  }
0xf1: {  	[tilespmem:s3], [sflag:$0x1] =	stream.linear.gather [hbm4b:s7+s3], $0x80, $0x38;
	[tilespmem:$0x1C1A0] =	vst v63  }
0xf2: {  	_ =	swait.ge [sflag:s14], $0x80  }
0xf3: {  	[sflag:s14] =	ssyncset.done $0x0  }
0xf4: {  	[sflag:s14] =	ssyncadd.s32 $0xFFFFFF80  }
0xf5: {  	v3 =	vld [tilespmem:$0x80]  }
0xf6: {  	v4 =	vld [tilespmem:$0x90]  }
0xf7: {  	v5 =	vld [tilespmem:$0xA0]  }
0xf8: {  	v6 =	vld [tilespmem:$0xB0]  }
0xf9: {  	v7 =	vld [tilespmem:$0xC0]  }
0xfa: {  	v8 =	vld [tilespmem:$0xD0]  }
0xfb: {  	vm0 =	vge.s32 v3, v1;
	vm1 =	vlt.s32 v3, v2;
	v3 =	vsub.s32 v3, v1  }
0xfc: {  	v9 =	vld [tilespmem:$0xE0];
	vm12 =	vge.s32 v4, v1;
	vm2 =	vlt.s32 v4, v2;
	v4 =	vsub.s32 v4, v1  }
0xfd: {  	vm14 =	vge.s32 v5, v1;
	vm15 =	vlt.s32 v5, v2;
	vm4 =	vge.s32 v6, v1  }
0xfe: {  	vm5 =	vlt.s32 v6, v2;
	v5 =	vsub.s32 v5, v1;
	v6 =	vsub.s32 v6, v1  }
0xff: {  	vm6 =	vge.s32 v7, v1;
	vm7 =	vlt.s32 v7, v2;
	vm8 =	vge.s32 v8, v1  }
0x100: {  	v10 =	vld [tilespmem:$0xF0];
	vm3 =	vlt.s32 v8, v2;
	v62 =	vsub.s32 v8, v1;
	vm0 =	vmand vm0, vm1  }
0x101: {  	vm10 =	vge.s32 v9, v1;
	vm13 =	vmand vm12, vm2;
	v3 =	vnsel vm0, $0x6800, v3  }
0x102: {  	vm11 =	vlt.s32 v9, v2;
	vm1 =	vmand vm4, vm5;
	v4 =	vnsel vm13, $0x6800, v4;
	[tilespmem:$0x100] =	vst v3  }
0x103: {  	vm9 =	vmand vm8, vm3;
	vm0 =	vmand vm14, vm15;
	v6 =	vnsel vm1, $0x6800, v6;
	[tilespmem:$0x110] =	vst v4  }
0x104: {  	v5 =	vnsel vm0, $0x6800, v5;
	vm0 =	vmand vm6, vm7;
	v3 =	vsub.s32 v7, v1;
	[tilespmem:$0x130] =	vst v6  }
0x105: {  	vm12 =	vmand vm10, vm11;
	vm13 =	vge.s32 v10, v1;
	[tilespmem:$0x120] =	vst v5;
	v3 =	vnsel vm0, $0x6800, v3  }
0x106: {  	vm14 =	vlt.s32 v10, v2;
	v4 =	vnsel vm9, $0x6800, v62;
	[tilespmem:$0x140] =	vst v3;
	v3 =	vsub.s32 v9, v1  }
0x107: {  	v63 =	vsub.s32 v10, v1;
	vm15 =	vmand vm13, vm14;
	[tilespmem:$0x150] =	vst v4;
	v3 =	vnsel vm12, $0x6800, v3  }
0x108: {  	[tilespmem:$0x160] =	vst v3;
	v3 =	vnsel vm15, $0x6800, v63  }
0x109: {  	[tilespmem:$0x170] =	vst v3  }
0x10a: {  	[tilespmem:s17], [sflag:$0x1] =	stream.indirect.gather [hbm4b:s1+s16], $0x40, s3, s16, $0xb8;
	[tilespmem:$0x1C1A0] =	vst v63  }
0x10b: {  	_ =	swait.ge [sflag:s14], $0x2000  }
0x10c: {  	[sflag:s14] =	ssyncset.done $0x0  }
.Ltmp6:
0x10d: {  	[sflag:s14] =	ssyncadd.s32 $0xFFFFE000;
	(pc) =	sbr.rel .LBB2_9-.Ltmp6, $4  }
0x10e: {  	[spmem:s2] =	stream.indirect.scatter.add.f32 [tilespmem:s17], [sflag:$0x1], $0x40, s18, s16, $0xb8;
	[tilespmem:$0x1C1A0] =	vst v63  }
0x10f: {  	_ =	swait.ge [sflag:s14], $0x2000  }
0x110: {  	[sflag:s14] =	ssyncset.done $0x0  }
0x111: {  	[sflag:s14] =	ssyncadd.s32 $0xFFFFE000  }
.LBB2_10:
0x112: {  	_ =	sfence.sel $0x180000  }
0x113: {  	[bflag:$0x0] =	sbarrier.arrive $0xFFFF  }
0x114: {  	_ =	strace $0x9000004A  }
0x115: {  	s0 =	sadd.s32 @!p0 $0x100000, s0;
	[bflag:$0x2] =	sbarrier.arrive $0xFFFF  }
0x116: {  	[sflag:s0] =	ssyncadd.tile.s32 @!p0 $0x1;
	_ =	shalt  }
.Lfunc_end2:
_tile_overlayer_lowered:
.L_overlay_start_2:
0x117: {  	(tag) =	ssettag $0x2  }
0x118: {  	s0 =	rddreg [dreg:$0x0];
	s2 =	stileid.u32  }
0x119: {  	s1 =	rddreg [dreg:$0x1];
	p0 =	sne.s32 s2, $0x0  }
0x11a: {  	s3 =	rddreg [dreg:$0x2];
	[bflag:$0x3] =	sbarrier.arrive $0xFFFF;
	s2 =	simm.s32 @!p0 $0x1C01  }
0x11b: {  	[timem:s3], [sflag:s2] =	dma.local @!p0 [hbm:s0], s1  }
0x11c: {  	s0 =	simm.s32 @!p0 $0x1  }
0x11d: {  	_ =	swait.ge @!p0 [sflag:s0], s1  }
0x11e: {  	s1 =	ssub.s32 @!p0 $0x0, s1;
	[sflag:s0] =	ssyncset.done @!p0 $0x0  }
0x11f: {  	[sflag:s0] =	ssyncadd.s32 @!p0 s1  }
0x120: {  	[bflag:$0x3] =	sbarrier.arrive $0xFFFF  }
0x121: {  	_ =	shalt  }

// kernel: kernel.20.cloned.1.call-start
scs
__scs_entry_jumppad:
0x0: {  	(pc) =	sbr.rel $0x88, $3  }
0x1: {  	(tag) =	ssettag $0x0;
	lr =	simm.s32 $0x1  }
0x2: {  	[smem:$0x3F95] =	sst lr;
	_ =	strace $0xD0000000  }
0x3: {  	_ = 	snop  }
0x4: {  	_ = 	snop  }
0x5: {  	_ = 	snop  }
0x6: {  	_ = 	snop  }
0x7: {  	_ = 	snop  }
__scs_overlays_trampoline_lowered:
0x8: {  	[smem:$0x3FA4] =	sst s0  }
0x9: {  	[smem:$0x3FA5] =	sst s1  }
0xa: {  	[smem:$0x3FA6] =	sst s2  }
0xb: {  	[smem:$0x3FA7] =	sst s3  }
0xc: {  	[smem:$0x3FA8] =	sst s4  }
0xd: {  	[smem:$0x3FA9] =	sst s5  }
0xe: {  	[smem:$0x3FAA] =	sst s6  }
0xf: {  	[smem:$0x3FAB] =	sst s7  }
0x10: {  	[smem:$0x3FAC] =	sst s8  }
0x11: {  	[smem:$0x3FAD] =	sst s9;
	s0 =	simm.s32 @!p0 $0x0  }
0x12: {  	s1 =	sld [smem:$0x3F93];
	s0 =	simm.s32 @p0 $0x1  }
0x13: {  	[smem:$0x3FAE] =	sst s0;
	s0 =	simm.s32 @!p1 $0x0  }
0x14: {  	s2 =	sld [smem:$0x3F92];
	s0 =	simm.s32 @p1 $0x1  }
0x15: {  	[smem:$0x3FAF] =	sst s0;
	s0 =	simm.s32 @!p2 $0x0  }
0x16: {  	s3 =	sld [smem:$0x3FDB];
	s0 =	simm.s32 @p2 $0x1  }
0x17: {  	s4 =	simm.s32 $0x1BF5;
	[smem:$0x3FB1] =	sst s0  }
0x18: {  	s0 =	sld [smem:$0x3F94];
	_ =	swait.ge [sflag:s4], $0x0  }
0x19: {  	s7 =	sld [smem:$0x3F95]  }
0x1a: {  	s8 =	sadd.s32 $0xFFFFE003, lr  }
0x1b: {  	s9 =	sadd.s32 $0xFFFFFEF7, lr;
	s5 =	simm.s32 $0xFFFFFFFF;
	p2 =	slt.u32 s8, $0xFFFFF086  }
0x1c: {  	p1 =	slt.u32 s9, $0xF7A;
	s5 =	simm.s32 @!p2 $0x0  }
0x1d: {  	s5 =	simm.s32 @p1 $0x1;
	p0 =	seq.s32 s7, s2  }
0x1e: {  	s7 =	smul.u32 @!p0 $0xF7A, s2;
	p2 =	seq.s32 @!p0 s5, $0x0  }
0x1f: {  	s9 =	smul.u32 $0xF7A, s1;
	s8 =	simm.s32 @!p0 $0x1BF5;
	p2 =	por !p2, p0  }
0x20: {  	[sflag:s8] =	ssyncset.s32 @!p0 $0xFFFFF086;
	s6 =	sadd.s32 @!p0 s3, s7;
	s7 =	simm.s32 @!p0 $0x108  }
0x21: {  	s3 =	sadd.s32 s3, s9;
	s6 =	sadd.s32 @!p0 $0x88, s6;
	s7 =	simm.s32 @p2 $0x1082  }
0x22: {  	[simem:s7], [sflag:s8] =	dma.local @!p0 [hbm:s6], $0xF7A  }
0x23: {  	s9 =	sor.u32 $0xD0000000, s2;
	s6 =	simm.s32 $0x108;
	_ =	swait.ge @!p0 [sflag:s8], $0x0  }
0x24: {  	s3 =	sadd.s32 $0x88, s3;
	s6 =	simm.s32 @!p1 $0x1082;
	[sflag:s4] =	ssyncset.s32 $0xFFFFF086  }
0x25: {  	[simem:s6], [sflag:s4] =	dma.local [hbm:s3], $0xF7A  }
0x26: {  	[smem:$0x3F95] =	sst s1;
	(tag) =	ssettag s2;
	_ =	strace s9  }
0x27: {  	s1 =	sld [smem:$0x3FA5]  }
0x28: {  	s2 =	sld [smem:$0x3FA6]  }
0x29: {  	s4 =	sld [smem:$0x3FA8]  }
0x2a: {  	p0 =	seq.s32 s5, $0x0;
	s5 =	sld [smem:$0x3FA9]  }
0x2b: {  	s6 =	sld [smem:$0x3FAA]  }
0x2c: {  	s7 =	sld [smem:$0x3FAB]  }
0x2d: {  	s3 =	simm.s32 $0x108;
	s8 =	sld [smem:$0x3FAC]  }
0x2e: {  	s3 =	simm.s32 @!p0 $0x1082;
	s9 =	sld [smem:$0x3FAD]  }
0x2f: {  	lr =	sadd.s32 s0, s3;
	s0 =	sld [smem:$0x3FA4]  }
0x30: {  	s3 =	sld [smem:$0x3FA7]  }
0x31: {  	[smem:$0x3FB0] =	sst s10  }
0x32: {  	s10 =	sld [smem:$0x3FAE];
	_ =	sdelay $0x3  }
0x33: {  	p0 =	seq.s32 s10, $0x1;
	s10 =	sld [smem:$0x3FB0];
	_ =	sdelay $0x3  }
0x34: {  	[smem:$0x3FB0] =	sst s10  }
0x35: {  	s10 =	sld [smem:$0x3FAF];
	_ =	sdelay $0x3  }
0x36: {  	p1 =	seq.s32 s10, $0x1;
	s10 =	sld [smem:$0x3FB0];
	_ =	sdelay $0x3  }
0x37: {  	[smem:$0x3FB0] =	sst s10  }
0x38: {  	s10 =	sld [smem:$0x3FB1]  }
0x39: {  	_ = 	snop;
	(pc) =	sbr.ind lr, $3  }
0x3a: {  	_ = 	snop  }
0x3b: {  	_ = 	snop  }
0x3c: {  	p2 =	seq.s32 s10, $0x1;
	s10 =	sld [smem:$0x3FB0]  }
0x3d: {  	_ =	shalt  }
0x3e: {  	_ =	shalt  }
0x3f: {  	_ =	shalt  }
0x40: {  	_ =	shalt  }
0x41: {  	_ =	shalt  }
0x42: {  	_ =	shalt  }
0x43: {  	_ =	shalt  }
0x44: {  	_ =	shalt  }
0x45: {  	_ =	shalt  }
0x46: {  	_ =	shalt  }
0x47: {  	_ =	shalt  }
0x48: {  	_ =	shalt  }
0x49: {  	_ =	shalt  }
0x4a: {  	_ =	shalt  }
0x4b: {  	_ =	shalt  }
0x4c: {  	_ =	shalt  }
0x4d: {  	_ =	shalt  }
0x4e: {  	_ =	shalt  }
0x4f: {  	_ =	shalt  }
0x50: {  	_ =	shalt  }
0x51: {  	_ =	shalt  }
0x52: {  	_ =	shalt  }
0x53: {  	_ =	shalt  }
0x54: {  	_ =	shalt  }
0x55: {  	_ =	shalt  }
0x56: {  	_ =	shalt  }
0x57: {  	_ =	shalt  }
0x58: {  	_ =	shalt  }
0x59: {  	_ =	shalt  }
0x5a: {  	_ =	shalt  }
0x5b: {  	_ =	shalt  }
0x5c: {  	_ =	shalt  }
0x5d: {  	_ =	shalt  }
0x5e: {  	_ =	shalt  }
0x5f: {  	_ =	shalt  }
0x60: {  	_ =	shalt  }
0x61: {  	_ =	shalt  }
0x62: {  	_ =	shalt  }
0x63: {  	_ =	shalt  }
0x64: {  	_ =	shalt  }
0x65: {  	_ =	shalt  }
0x66: {  	_ =	shalt  }
0x67: {  	_ =	shalt  }
0x68: {  	_ =	shalt  }
0x69: {  	_ =	shalt  }
0x6a: {  	_ =	shalt  }
0x6b: {  	_ =	shalt  }
0x6c: {  	_ =	shalt  }
0x6d: {  	_ =	shalt  }
0x6e: {  	_ =	shalt  }
0x6f: {  	_ =	shalt  }
0x70: {  	_ =	shalt  }
0x71: {  	_ =	shalt  }
0x72: {  	_ =	shalt  }
0x73: {  	_ =	shalt  }
0x74: {  	_ =	shalt  }
0x75: {  	_ =	shalt  }
0x76: {  	_ =	shalt  }
0x77: {  	_ =	shalt  }
0x78: {  	_ =	shalt  }
0x79: {  	_ =	shalt  }
0x7a: {  	_ =	shalt  }
0x7b: {  	_ =	shalt  }
0x7c: {  	_ =	shalt  }
0x7d: {  	_ =	shalt  }
0x7e: {  	_ =	shalt  }
0x7f: {  	_ =	shalt  }
0x80: {  	_ =	shalt  }
0x81: {  	_ =	shalt  }
0x82: {  	_ =	shalt  }
0x83: {  	_ =	shalt  }
0x84: {  	_ =	shalt  }
0x85: {  	_ =	shalt  }
0x86: {  	_ =	shalt  }
0x87: {  	_ =	shalt  }
.Lfunc_end0:
.L_simem_size_0:
called_computation.2_lowered:
.L_overlay_start_0:
0x88: {  	s2 =	sld [smem:$0x3FD9]  }
0x89: {  	s3 =	sld [smem:$0x3FFE];
	_ =	sdelay $0x1  }
0x8a: {  	s1 =	srdreg.scid  }
0x8b: {  	s0 =	sand.u32 $0x1, s1  }
0x8c: {  	s17 =	sshll.u32 s0, $0xA;
	s2 =	sadd.s32 s3, s2  }
0x8d: {  	s2 =	sadd.s32 s2, s17  }
0x8e: {  	[smem:$0x3FBC] =	sst s2  }
0x8f: {  	_ = 	snop  }
0x90: {  	s2 =	sld [smem:$0x3FD0];
	(tm) =	ssettm $0x1  }
0x91: {  	s18 =	sld [smem:$0x3FFB];
	_ =	sdelay $0x3  }
0x92: {  	_ =	strace s18  }
0x93: {  	s3 =	sld [smem:$0x3FFC];
	_ =	sdelay $0x3  }
0x94: {  	_ =	strace s3  }
0x95: {  	s3 =	sld [smem:$0x3FFD];
	_ =	sdelay $0x3  }
0x96: {  	_ =	strace s3  }
0x97: {  	_ =	strace $0x8FFFFFFF  }
0x98: {  	s19 =	sld [smem:$0x3FDB];
	_ =	sdelay $0x1  }
0x99: {  	s4 =	simm.s32 $_scs_section_size  }
0x9a: {  	s5 =	simm.s32 $_size__tile_overlayer_lowered;
	s6 =	simm.s32 $_tile_overlayer_lowered  }
0x9b: {  	s22 =	simm.s32 $0x1BFF;
	s21 =	sshll.u32 s6, $0x1;
	s3 =	sadd.s32 s4, s19  }
0x9c: {  	s7 =	simm.s32 $0x0;
	s20 =	sshll.u32 s5, $0x1;
	s5 =	sadd.s32 s21, s3  }
0x9d: {  	[timem:s7], [sflag:s22] =	dma.local [hbm:s5], s20  }
0x9e: {  	_ =	swait.ge [sflag:s22], s20  }
0x9f: {  	s4 =	ssub.s32 $0x0, s20;
	[sflag:s22] =	ssyncset.done $0x0  }
0xa0: {  	[sflag:s22] =	ssyncadd.s32 s4;
	_ =	sdelay $0x1  }
0xa1: {  	s23 =	simm.s32 $0x1B8B  }
0xa2: {  	_ =	swait.ge [sflag:s23], $0x1  }
0xa3: {  	[sflag:s23] =	ssyncset.done $0x0  }
0xa4: {  	s25 =	simm.s32 $0x1B8E;
	s24 =	sld [smem:$0x3FFE];
	[sflag:s23] =	ssyncadd.s32 $0xFFFFFFFF  }
0xa5: {  	s26 =	simm.s32 $execute0_lowered;
	[smem:$0x3FD2] =	sst s25  }
0xa6: {  	s5 =	sshll.u32 s26, $0x1;
	_ =	strace $0x8000004C;
	[dreg:$0x1] =	wrdreg $0xFFFFFFFF  }
0xa7: {  	s28 =	simm.s32 $_size_execute0_lowered;
	s3 =	sadd.s32 s3, s5;
	[dreg:$0x0] =	wrdreg $0x0  }
0xa8: {  	s5 =	sshll.u32 s28, $0x1;
	[dreg:$0x2] =	wrdreg s3  }
0xa9: {  	[dreg:$0x3] =	wrdreg s5  }
0xaa: {  	[dreg:$0x4] =	wrdreg $0xC0  }
0xab: {  	_ =	task [dreg:s7], $0x5FFFF  }
0xac: {  	[dreg:$0x1] =	wrdreg $0xFFFFFFFF  }
0xad: {  	[dreg:$0x0] =	wrdreg $0x60  }
0xae: {  	[dreg:$0x2] =	wrdreg s2  }
0xaf: {  	[dreg:$0x3] =	wrdreg s24  }
0xb0: {  	[dreg:$0x4] =	wrdreg $0x21800  }
0xb1: {  	[dreg:$0x5] =	wrdreg $0x9  }
0xb2: {  	_ =	task.clear_ibuf [dreg:s7], $0x6FFFF;
	_ =	strace $0x9000004C  }
0xb3: {  	s29 =	simm.s32 $0x9;
	_ =	strace $0x8000004E  }
0xb4: {  	_ =	swait.ge [sflag:s29], $0x1  }
0xb5: {  	[sflag:s29] =	ssyncadd.s32 $0xFFFFFFFF  }
0xb6: {  	_ =	strace $0x9000004E  }
0xb7: {  	_ =	sfence  }
0xb8: {  	s30 =	sld [smem:$0x0];
	_ =	sdelay $0x2  }
0xb9: {  	s31 =	sshll.u32 s1, $0xD;
	s1 =	sshrl.u32 s1, $0x2  }
0xba: {  	s3 =	sand.u32 $0x4000, s31;
	s1 =	sadd.s32 s1, s30  }
0xbb: {  	s0 =	sor.u32 s3, s0;
	s1 =	sshll.u32 s1, $0x11  }
0xbc: {  	s0 =	sor.u32 s1, s0  }
0xbd: {  	s0 =	sadd.s32 $0x8F2B, s0  }
0xbe: {  	[sflag:s0] =	ssyncadd.remote.s32 $0x1  }
0xbf: {  	_ =	sfence.sel $0xFFFF  }
0xc0: {  	[dreg:$0x0] =	wrdreg $0xFFFFFFFF;
	(pc) =	sbr.abs _section_cstart, $3  }
0xc1: {  	[dreg:$0x1] =	wrdreg $0xFFFFFFFF  }
0xc2: {  	_ =	task.clear_ibuf [dreg:s7], $0x2FFFF;
	_ =	strace $0x9FFFFFFF  }
0xc3: {  	(tm) =	ssettm $0x7FFFFFFF  }
tec
execute0_lowered:
.L_overlay_start_1:
0x0: {  	(tag) =	ssettag $0x1  }
0x1: {  	s1 =	rddreg [dreg:$0x0]  }
0x2: {  	s5 =	rddreg [dreg:$0x1]  }
0x3: {  	s2 =	rddreg [dreg:$0x2]  }
0x4: {  	s0 =	rddreg [dreg:$0x3];
	s3 =	simm.s32 $0x0;
	s4 =	srdreg.scid  }
0x5: {  	s19 =	stileid.u32;
	s17 =	simm.s32 $0x180;
	[smem:$0x7FF] =	sst s3  }
0x6: {  	s11 =	sadd.s32 $0x2C00, s5;
	s12 =	sadd.s32 $0x33A00, s5;
	s8 =	smul.u32 $0x68000, s19  }
0x7: {  	s4 =	sand.u32 $0x1, s4;
	s9 =	sadd.s32 $0x4FBA00, s5;
	s13 =	smul.u32 $0x680, s19  }
0x8: {  	s28 =	sshll.u32 s19, $0x4;
	s29 =	sshll.u32 s19, $0x6;
	s15 =	sadd.s32 $0x1A0000, s2  }
0x9: {  	s16 =	smul.u32 $0x30D0, s19;
	p0 =	sne.s32 s19, $0x0;
	p1 =	sgt.u32 s19, $0x3  }
0xa: {  	s19 =	simm.s32 $0x0;
	_ =	strace $0x8000004D;
	s6 =	ssub.s32 $0x2, s4  }
0xb: {  	s18 =	smul.u32 $0xD000, s4;
	s4 =	sadd.s32 $0x1EB200, s5;
	s30 =	sor.u32 $0x30D00, s28  }
0xc: {  	s5 =	sor.u32 $0x1C01, s29;
	s15 =	sshrl.u32 @!p0 s15, $0x3;
	s7 =	sshrl.u32 s6, $0x1  }
0xd: {  	s26 =	sshrl.u32 s8, $0x2;
	s10 =	ssub.s32 s6, s7;
	s20 =	sadd.s32 $0x6800, s18  }
0xe: {  	s14 =	sadd.s32 s26, s2;
	s6 =	sadd.s32 s12, s30;
	s7 =	sadd.s32 s11, s30  }
.Ltmp0:
0xf: {  	s31 =	sadd.s32 s13, s18;
	s21 =	sadd.s32 $0xD000, s18;
	(pc) =	sbr.rel .LBB2_1-.Ltmp0, $4  }
0x10: {  	s11 =	sadd.s32 s16, s11;
	s12 =	sadd.s32 s16, s12;
	s16 =	simm.s32 $0x80  }
0x11: {  	v0 =	vmov s18;
	s18 =	simm.s32 $0x100;
	s13 =	sadd.s32 s13, s20;
	s8 =	sshll.u32 s31, $0x3  }
0x12: {  	s10 =	smax.u32 s10, $0x1;
	s13 =	sshll.u32 s13, $0x3;
	s8 =	sadd.s32 s9, s8  }
0x13: {  	v1 =	vmov s20;
	v2 =	vmov s21;
	s9 =	sadd.s32 s9, s13;
	s13 =	sshrl.u32 s14, $0x3;
	s14 =	simm.s32 $0x1  }
.LBB2_9:
0x14: {  	s19 =	sadd.s32 $0x1, s19  }
0x15: {  	p2 =	sne.s32 s19, s10  }
.Ltmp1:
0x16: {  	[bflag:$0x0] =	sbarrier.arrive $0xFFFF;
	(pc) =	sbr.rel @!p2 .LBB2_10-.Ltmp1, $4  }
0x17: {  	[hbm:s9], [sflag:s5] =	dma.local [spmem:s13], $0x3400  }
0x18: {  	_ =	swait.ge [sflag:s14], $0x3400  }
0x19: {  	[sflag:s14] =	ssyncset.done $0x0  }
0x1a: {  	[sflag:s14] =	ssyncadd.s32 $0xFFFFCC00  }
.LBB2_1:
0x1b: {  	[spmem:s13], [sflag:s5] =	dma.local [hbm:s4], $0x3400  }
0x1c: {  	_ =	swait.ge [sflag:s14], $0x3400  }
0x1d: {  	[sflag:s14] =	ssyncset.done $0x0  }
0x1e: {  	s20 =	simm.s32 @!p0 $0x1;
	[sflag:s14] =	ssyncadd.s32 $0xFFFFCC00  }
0x1f: {  	[spmem:s15], [sflag:s5] =	dma.local @!p0 [hbm:s4], $0x40  }
0x20: {  	_ =	swait.ge @!p0 [sflag:s20], $0x40  }
0x21: {  	[sflag:s20] =	ssyncset.done @!p0 $0x0  }
0x22: {  	[sflag:s20] =	ssyncadd.s32 @!p0 $0xFFFFFFC0  }
0x23: {  	s30 =	sadd.s32 $0x0, s12;
	[bflag:$0x0] =	sbarrier.arrive $0xFFFF  }
0x24: {  	[tilespmem:s16], [sflag:$0x1] =	stream.linear.gather [hbm4b:s30+s3], $0x80, $0x38;
	[tilespmem:$0x1C1A0] =	vst v63  }
0x25: {  	_ =	swait.ge [sflag:s14], $0x80  }
0x26: {  	[sflag:s14] =	ssyncset.done $0x0  }
0x27: {  	s31 =	sadd.s32 $0x0, s11;
	[sflag:s14] =	ssyncadd.s32 $0xFFFFFF80  }
0x28: {  	[tilespmem:s3], [sflag:$0x1] =	stream.linear.gather [hbm4b:s31+s3], $0x80, $0x38;
	[tilespmem:$0x1C1A0] =	vst v63  }
0x29: {  	_ =	swait.ge [sflag:s14], $0x80  }
0x2a: {  	[sflag:s14] =	ssyncset.done $0x0  }
0x2b: {  	[sflag:s14] =	ssyncadd.s32 $0xFFFFFF80  }
0x2c: {  	v3 =	vld [tilespmem:$0xF0]  }
0x2d: {  	v4 =	vld [tilespmem:$0xE0]  }
0x2e: {  	v5 =	vld [tilespmem:$0x90]  }
0x2f: {  	v8 =	vld [tilespmem:$0xB0]  }
0x30: {  	v10 =	vld [tilespmem:$0xC0]  }
0x31: {  	v6 =	vld [tilespmem:$0x80]  }
0x32: {  	vm0 =	vge.s32 v3, v0;
	vm1 =	vlt.s32 v3, v1;
	v9 =	vsub.s32 v3, v0  }
0x33: {  	v7 =	vld [tilespmem:$0xA0];
	vm2 =	vge.s32 v4, v0;
	vm3 =	vlt.s32 v4, v1;
	v4 =	vsub.s32 v4, v0  }
0x34: {  	v11 =	vsub.s32 v5, v0;
	vm4 =	vlt.s32 v5, v1;
	vm5 =	vlt.s32 v8, v1  }
0x35: {  	vm6 =	vge.s32 v10, v0;
	vm7 =	vlt.s32 v10, v1;
	vm2 =	vmand vm2, vm3  }
0x36: {  	vm0 =	vmand vm0, vm1;
	vm1 =	vlt.s32 v6, v1;
	vm3 =	vge.s32 v5, v0  }
0x37: {  	v3 =	vld [tilespmem:$0xD0];
	v5 =	vsub.s32 v10, v0;
	v12 =	vnsel vm2, $0x6800, v4;
	vm2 =	vge.s32 v6, v0  }
0x38: {  	v6 =	vsub.s32 v6, v0;
	v4 =	vsub.s32 v7, v0;
	v9 =	vnsel vm0, $0x6800, v9  }
0x39: {  	vm0 =	vge.s32 v7, v0;
	vm1 =	vmand vm2, vm1;
	vm2 =	vmand vm3, vm4;
	[tilespmem:$0x160] =	vst v12  }
0x3a: {  	vm3 =	vge.s32 v8, v0;
	[tilespmem:$0x170] =	vst v9;
	v6 =	vnsel vm1, $0x6800, v6;
	v63 =	vnsel vm2, $0x6800, v11  }
0x3b: {  	vm2 =	vlt.s32 v7, v1;
	vm5 =	vmand vm3, vm5;
	vm3 =	vmand vm6, vm7;
	[tilespmem:$0x100] =	vst v6  }
0x3c: {  	s20 =	simm.s32 $0x10;
	vm1 =	vge.s32 v3, v0;
	v6 =	vsub.s32 v8, v0;
	vm4 =	vlt.s32 v3, v1;
	[tilespmem:$0x110] =	vst v63  }
.LBB2_2:
0x3d: {  	p2 =	sne.s32 s20, $0x30C0;
	v6 =	vnsel vm5, $0x6800, v6;
	vm1 =	vmand vm1, vm4;
	v3 =	vsub.s32 v3, v0;
	s21 =	smov.u32 s20;
	s20 =	sadd.s32 $0x10, s20  }
0x3e: {  	[tilespmem:$0x130] =	vst v6;
	v3 =	vnsel vm1, $0x6800, v3  }
0x3f: {  	vm0 =	vmand vm0, vm2;
	v5 =	vnsel vm3, $0x6800, v5;
	[tilespmem:$0x150] =	vst v3  }
0x40: {  	v3 =	vnsel vm0, $0x6800, v4;
	[tilespmem:$0x140] =	vst v5  }
0x41: {  	[tilespmem:$0x120] =	vst v3  }
0x42: {  	[tilespmem:s17], [sflag:$0x1] =	stream.indirect.gather [hbm4b:s1+s16], $0x40, s3, s16, $0xb8;
	[tilespmem:$0x1C1A0] =	vst v63  }
0x43: {  	_ =	swait.ge [sflag:s14], $0x2000  }
0x44: {  	[sflag:s14] =	ssyncset.done $0x0  }
0x45: {  	[sflag:s14] =	ssyncadd.s32 $0xFFFFE000  }
0x46: {  	[spmem:s2] =	stream.indirect.scatter.add.f32 [tilespmem:s17], [sflag:$0x1], $0x40, s18, s16, $0xb8;
	[tilespmem:$0x1C1A0] =	vst v63  }
0x47: {  	_ =	swait.ge [sflag:s14], $0x2000  }
0x48: {  	[sflag:s14] =	ssyncset.done $0x0  }
0x49: {  	s22 =	sadd.s32 s21, s12;
	[sflag:s14] =	ssyncadd.s32 $0xFFFFE000  }
0x4a: {  	[tilespmem:s16], [sflag:$0x1] =	stream.linear.gather [hbm4b:s22+s3], $0x80, $0x38;
	[tilespmem:$0x1C1A0] =	vst v63  }
0x4b: {  	_ =	swait.ge [sflag:s14], $0x80  }
0x4c: {  	[sflag:s14] =	ssyncset.done $0x0  }
0x4d: {  	s21 =	sadd.s32 s21, s11;
	[sflag:s14] =	ssyncadd.s32 $0xFFFFFF80  }
0x4e: {  	[tilespmem:s3], [sflag:$0x1] =	stream.linear.gather [hbm4b:s21+s3], $0x80, $0x38;
	[tilespmem:$0x1C1A0] =	vst v63  }
0x4f: {  	_ =	swait.ge [sflag:s14], $0x80  }
0x50: {  	[sflag:s14] =	ssyncset.done $0x0  }
0x51: {  	[sflag:s14] =	ssyncadd.s32 $0xFFFFFF80  }
0x52: {  	v3 =	vld [tilespmem:$0xF0]  }
0x53: {  	v4 =	vld [tilespmem:$0xE0]  }
0x54: {  	v5 =	vld [tilespmem:$0x90]  }
0x55: {  	v6 =	vld [tilespmem:$0x80]  }
0x56: {  	v7 =	vld [tilespmem:$0xA0]  }
0x57: {  	v8 =	vld [tilespmem:$0xB0];
	vm0 =	vge.s32 v3, v0;
	vm1 =	vlt.s32 v3, v1;
	v9 =	vsub.s32 v3, v0  }
0x58: {  	v10 =	vld [tilespmem:$0xC0];
	vm2 =	vge.s32 v4, v0;
	vm3 =	vlt.s32 v4, v1;
	v4 =	vsub.s32 v4, v0  }
0x59: {  	vm0 =	vmand vm0, vm1;
	v11 =	vsub.s32 v5, v0;
	v3 =	vld [tilespmem:$0xD0];
	vm2 =	vmand vm2, vm3  }
0x5a: {  	vm3 =	vge.s32 v5, v0;
	vm1 =	vlt.s32 v6, v1;
	v4 =	vnsel vm2, $0x6800, v4  }
0x5b: {  	vm4 =	vlt.s32 v5, v1;
	vm2 =	vge.s32 v6, v0;
	v6 =	vsub.s32 v6, v0;
	[tilespmem:$0x160] =	vst v4  }
0x5c: {  	v9 =	vnsel vm0, $0x6800, v9;
	vm1 =	vmand vm2, vm1;
	v4 =	vsub.s32 v7, v0  }
.Ltmp2:
0x5d: {  	vm2 =	vmand vm3, vm4;
	v6 =	vnsel vm1, $0x6800, v6;
	v5 =	vsub.s32 v10, v0;
	[tilespmem:$0x170] =	vst v9;
	(pc) =	sbr.rel @p2 .LBB2_2-.Ltmp2, $4  }
0x5e: {  	vm0 =	vge.s32 v7, v0;
	vm3 =	vge.s32 v8, v0;
	[tilespmem:$0x100] =	vst v6;
	vm1 =	vge.s32 v3, v0  }
0x5f: {  	vm5 =	vlt.s32 v8, v1;
	vm6 =	vge.s32 v10, v0;
	v6 =	vnsel vm2, $0x6800, v11  }
0x60: {  	vm7 =	vlt.s32 v10, v1;
	vm4 =	vlt.s32 v3, v1;
	[tilespmem:$0x110] =	vst v6;
	v6 =	vsub.s32 v8, v0  }
0x61: {  	vm5 =	vmand vm3, vm5;
	vm2 =	vlt.s32 v7, v1;
	vm3 =	vmand vm6, vm7  }
0x62: {  	v6 =	vnsel vm5, $0x6800, v6  }
0x63: {  	vm1 =	vmand vm1, vm4;
	v3 =	vsub.s32 v3, v0;
	v5 =	vnsel vm3, $0x6800, v5;
	[tilespmem:$0x130] =	vst v6  }
0x64: {  	vm0 =	vmand vm0, vm2;
	v3 =	vnsel vm1, $0x6800, v3;
	[tilespmem:$0x140] =	vst v5  }
0x65: {  	[tilespmem:$0x150] =	vst v3;
	v3 =	vnsel vm0, $0x6800, v4  }
0x66: {  	[tilespmem:$0x120] =	vst v3  }
0x67: {  	[tilespmem:s17], [sflag:$0x1] =	stream.indirect.gather [hbm4b:s1+s16], $0x40, s3, s16, $0xb8;
	[tilespmem:$0x1C1A0] =	vst v63  }
0x68: {  	_ =	swait.ge [sflag:s14], $0x2000  }
0x69: {  	[sflag:s14] =	ssyncset.done $0x0  }
.Ltmp3:
0x6a: {  	[sflag:s14] =	ssyncadd.s32 $0xFFFFE000;
	(pc) =	sbr.rel @p1 .LBB2_5-.Ltmp3, $4  }
0x6b: {  	[spmem:s2] =	stream.indirect.scatter.add.f32 [tilespmem:s17], [sflag:$0x1], $0x40, s18, s16, $0xb8;
	[tilespmem:$0x1C1A0] =	vst v63  }
0x6c: {  	_ =	swait.ge [sflag:s14], $0x2000  }
0x6d: {  	[sflag:s14] =	ssyncset.done $0x0  }
0x6e: {  	[sflag:s14] =	ssyncadd.s32 $0xFFFFE000  }
0x6f: {  	[tilespmem:s16], [sflag:$0x1] =	stream.linear.gather [hbm4b:s6+s3], $0x80, $0x38;
	[tilespmem:$0x1C1A0] =	vst v63  }
0x70: {  	_ =	swait.ge [sflag:s14], $0x80  }
0x71: {  	[sflag:s14] =	ssyncset.done $0x0  }
0x72: {  	[sflag:s14] =	ssyncadd.s32 $0xFFFFFF80  }
0x73: {  	[tilespmem:s3], [sflag:$0x1] =	stream.linear.gather [hbm4b:s7+s3], $0x80, $0x38;
	[tilespmem:$0x1C1A0] =	vst v63  }
0x74: {  	_ =	swait.ge [sflag:s14], $0x80  }
0x75: {  	[sflag:s14] =	ssyncset.done $0x0  }
0x76: {  	[sflag:s14] =	ssyncadd.s32 $0xFFFFFF80  }
0x77: {  	v3 =	vld [tilespmem:$0x80]  }
0x78: {  	v4 =	vld [tilespmem:$0x90]  }
0x79: {  	v5 =	vld [tilespmem:$0xA0]  }
0x7a: {  	v6 =	vld [tilespmem:$0xB0]  }
0x7b: {  	v7 =	vld [tilespmem:$0xC0]  }
0x7c: {  	v8 =	vld [tilespmem:$0xD0]  }
0x7d: {  	vm0 =	vge.s32 v3, v0;
	vm1 =	vlt.s32 v3, v1;
	v3 =	vsub.s32 v3, v0  }
0x7e: {  	v9 =	vld [tilespmem:$0xE0];
	vm12 =	vge.s32 v4, v0;
	vm2 =	vlt.s32 v4, v1;
	v4 =	vsub.s32 v4, v0  }
0x7f: {  	vm14 =	vge.s32 v5, v0;
	vm15 =	vlt.s32 v5, v1;
	vm4 =	vge.s32 v6, v0  }
0x80: {  	vm5 =	vlt.s32 v6, v1;
	v5 =	vsub.s32 v5, v0;
	v6 =	vsub.s32 v6, v0  }
0x81: {  	vm6 =	vge.s32 v7, v0;
	vm7 =	vlt.s32 v7, v1;
	vm8 =	vge.s32 v8, v0  }
0x82: {  	v10 =	vld [tilespmem:$0xF0];
	vm3 =	vlt.s32 v8, v1;
	v62 =	vsub.s32 v8, v0;
	vm0 =	vmand vm0, vm1  }
0x83: {  	vm10 =	vge.s32 v9, v0;
	vm13 =	vmand vm12, vm2;
	v3 =	vnsel vm0, $0x6800, v3  }
0x84: {  	vm11 =	vlt.s32 v9, v1;
	vm1 =	vmand vm4, vm5;
	v4 =	vnsel vm13, $0x6800, v4;
	[tilespmem:$0x100] =	vst v3  }
0x85: {  	vm9 =	vmand vm8, vm3;
	vm0 =	vmand vm14, vm15;
	v6 =	vnsel vm1, $0x6800, v6;
	[tilespmem:$0x110] =	vst v4  }
0x86: {  	v5 =	vnsel vm0, $0x6800, v5;
	vm0 =	vmand vm6, vm7;
	v3 =	vsub.s32 v7, v0;
	[tilespmem:$0x130] =	vst v6  }
0x87: {  	vm12 =	vmand vm10, vm11;
	vm13 =	vge.s32 v10, v0;
	[tilespmem:$0x120] =	vst v5;
	v3 =	vnsel vm0, $0x6800, v3  }
0x88: {  	vm14 =	vlt.s32 v10, v1;
	v4 =	vnsel vm9, $0x6800, v62;
	[tilespmem:$0x140] =	vst v3;
	v3 =	vsub.s32 v9, v0  }
0x89: {  	v63 =	vsub.s32 v10, v0;
	vm15 =	vmand vm13, vm14;
	[tilespmem:$0x150] =	vst v4;
	v3 =	vnsel vm12, $0x6800, v3  }
0x8a: {  	[tilespmem:$0x160] =	vst v3;
	v3 =	vnsel vm15, $0x6800, v63  }
0x8b: {  	[tilespmem:$0x170] =	vst v3  }
0x8c: {  	[tilespmem:s17], [sflag:$0x1] =	stream.indirect.gather [hbm4b:s1+s16], $0x40, s3, s16, $0xb8;
	[tilespmem:$0x1C1A0] =	vst v63  }
0x8d: {  	_ =	swait.ge [sflag:s14], $0x2000  }
0x8e: {  	[sflag:s14] =	ssyncset.done $0x0  }
0x8f: {  	[sflag:s14] =	ssyncadd.s32 $0xFFFFE000  }
0x90: {  	[spmem:s2] =	stream.indirect.scatter.add.f32 [tilespmem:s17], [sflag:$0x1], $0x40, s18, s16, $0xb8;
	[tilespmem:$0x1C1A0] =	vst v63  }
0x91: {  	_ =	swait.ge [sflag:s14], $0x2000  }
0x92: {  	[sflag:s14] =	ssyncset.done $0x0  }
0x93: {  	[sflag:s14] =	ssyncadd.s32 $0xFFFFE000  }
.LBB2_5:
0x94: {  	[bflag:$0x0] =	sbarrier.arrive $0xFFFF  }
0x95: {  	[hbm:s8], [sflag:s5] =	dma.local [spmem:s13], $0x3400  }
0x96: {  	_ =	swait.ge [sflag:s14], $0x3400  }
0x97: {  	[sflag:s14] =	ssyncset.done $0x0  }
0x98: {  	[sflag:s14] =	ssyncadd.s32 $0xFFFFCC00  }
0x99: {  	[spmem:s13], [sflag:s5] =	dma.local [hbm:s4], $0x3400  }
0x9a: {  	_ =	swait.ge [sflag:s14], $0x3400  }
0x9b: {  	[sflag:s14] =	ssyncset.done $0x0  }
0x9c: {  	s20 =	simm.s32 @!p0 $0x1;
	[sflag:s14] =	ssyncadd.s32 $0xFFFFCC00  }
0x9d: {  	[spmem:s15], [sflag:s5] =	dma.local @!p0 [hbm:s4], $0x40  }
0x9e: {  	_ =	swait.ge @!p0 [sflag:s20], $0x40  }
0x9f: {  	[sflag:s20] =	ssyncset.done @!p0 $0x0  }
0xa0: {  	[sflag:s20] =	ssyncadd.s32 @!p0 $0xFFFFFFC0  }
0xa1: {  	s30 =	sadd.s32 $0x0, s12;
	[bflag:$0x0] =	sbarrier.arrive $0xFFFF  }
0xa2: {  	[tilespmem:s16], [sflag:$0x1] =	stream.linear.gather [hbm4b:s30+s3], $0x80, $0x38;
	[tilespmem:$0x1C1A0] =	vst v63  }
0xa3: {  	_ =	swait.ge [sflag:s14], $0x80  }
0xa4: {  	[sflag:s14] =	ssyncset.done $0x0  }
0xa5: {  	s31 =	sadd.s32 $0x0, s11;
	[sflag:s14] =	ssyncadd.s32 $0xFFFFFF80  }
0xa6: {  	[tilespmem:s3], [sflag:$0x1] =	stream.linear.gather [hbm4b:s31+s3], $0x80, $0x38;
	[tilespmem:$0x1C1A0] =	vst v63  }
0xa7: {  	_ =	swait.ge [sflag:s14], $0x80  }
0xa8: {  	[sflag:s14] =	ssyncset.done $0x0  }
0xa9: {  	[sflag:s14] =	ssyncadd.s32 $0xFFFFFF80  }
0xaa: {  	v3 =	vld [tilespmem:$0xF0]  }
0xab: {  	v4 =	vld [tilespmem:$0xE0]  }
0xac: {  	v5 =	vld [tilespmem:$0x90]  }
0xad: {  	v8 =	vld [tilespmem:$0xB0]  }
0xae: {  	v10 =	vld [tilespmem:$0xC0]  }
0xaf: {  	v6 =	vld [tilespmem:$0x80]  }
0xb0: {  	vm0 =	vge.s32 v3, v1;
	vm1 =	vlt.s32 v3, v2;
	v9 =	vsub.s32 v3, v1  }
0xb1: {  	v7 =	vld [tilespmem:$0xA0];
	vm2 =	vge.s32 v4, v1;
	vm3 =	vlt.s32 v4, v2;
	v4 =	vsub.s32 v4, v1  }
0xb2: {  	v11 =	vsub.s32 v5, v1;
	vm4 =	vlt.s32 v5, v2;
	vm5 =	vlt.s32 v8, v2  }
0xb3: {  	vm6 =	vge.s32 v10, v1;
	vm7 =	vlt.s32 v10, v2;
	vm2 =	vmand vm2, vm3  }
0xb4: {  	vm0 =	vmand vm0, vm1;
	vm1 =	vlt.s32 v6, v2;
	vm3 =	vge.s32 v5, v1  }
0xb5: {  	v3 =	vld [tilespmem:$0xD0];
	v5 =	vsub.s32 v10, v1;
	v12 =	vnsel vm2, $0x6800, v4;
	vm2 =	vge.s32 v6, v1  }
0xb6: {  	v6 =	vsub.s32 v6, v1;
	v4 =	vsub.s32 v7, v1;
	v9 =	vnsel vm0, $0x6800, v9  }
0xb7: {  	vm0 =	vge.s32 v7, v1;
	vm1 =	vmand vm2, vm1;
	vm2 =	vmand vm3, vm4;
	[tilespmem:$0x160] =	vst v12  }
0xb8: {  	vm3 =	vge.s32 v8, v1;
	[tilespmem:$0x170] =	vst v9;
	v6 =	vnsel vm1, $0x6800, v6;
	v63 =	vnsel vm2, $0x6800, v11  }
0xb9: {  	vm2 =	vlt.s32 v7, v2;
	vm5 =	vmand vm3, vm5;
	vm3 =	vmand vm6, vm7;
	[tilespmem:$0x100] =	vst v6  }
0xba: {  	s20 =	simm.s32 $0x10;
	vm1 =	vge.s32 v3, v1;
	v6 =	vsub.s32 v8, v1;
	vm4 =	vlt.s32 v3, v2;
	[tilespmem:$0x110] =	vst v63  }
.LBB2_6:
0xbb: {  	p2 =	sne.s32 s20, $0x30C0;
	v6 =	vnsel vm5, $0x6800, v6;
	vm1 =	vmand vm1, vm4;
	v3 =	vsub.s32 v3, v1;
	s21 =	smov.u32 s20;
	s20 =	sadd.s32 $0x10, s20  }
0xbc: {  	[tilespmem:$0x130] =	vst v6;
	v3 =	vnsel vm1, $0x6800, v3  }
0xbd: {  	vm0 =	vmand vm0, vm2;
	v5 =	vnsel vm3, $0x6800, v5;
	[tilespmem:$0x150] =	vst v3  }
0xbe: {  	v3 =	vnsel vm0, $0x6800, v4;
	[tilespmem:$0x140] =	vst v5  }
0xbf: {  	[tilespmem:$0x120] =	vst v3  }
0xc0: {  	[tilespmem:s17], [sflag:$0x1] =	stream.indirect.gather [hbm4b:s1+s16], $0x40, s3, s16, $0xb8;
	[tilespmem:$0x1C1A0] =	vst v63  }
0xc1: {  	_ =	swait.ge [sflag:s14], $0x2000  }
0xc2: {  	[sflag:s14] =	ssyncset.done $0x0  }
0xc3: {  	[sflag:s14] =	ssyncadd.s32 $0xFFFFE000  }
0xc4: {  	[spmem:s2] =	stream.indirect.scatter.add.f32 [tilespmem:s17], [sflag:$0x1], $0x40, s18, s16, $0xb8;
	[tilespmem:$0x1C1A0] =	vst v63  }
0xc5: {  	_ =	swait.ge [sflag:s14], $0x2000  }
0xc6: {  	[sflag:s14] =	ssyncset.done $0x0  }
0xc7: {  	s22 =	sadd.s32 s21, s12;
	[sflag:s14] =	ssyncadd.s32 $0xFFFFE000  }
0xc8: {  	[tilespmem:s16], [sflag:$0x1] =	stream.linear.gather [hbm4b:s22+s3], $0x80, $0x38;
	[tilespmem:$0x1C1A0] =	vst v63  }
0xc9: {  	_ =	swait.ge [sflag:s14], $0x80  }
0xca: {  	[sflag:s14] =	ssyncset.done $0x0  }
0xcb: {  	s21 =	sadd.s32 s21, s11;
	[sflag:s14] =	ssyncadd.s32 $0xFFFFFF80  }
0xcc: {  	[tilespmem:s3], [sflag:$0x1] =	stream.linear.gather [hbm4b:s21+s3], $0x80, $0x38;
	[tilespmem:$0x1C1A0] =	vst v63  }
0xcd: {  	_ =	swait.ge [sflag:s14], $0x80  }
0xce: {  	[sflag:s14] =	ssyncset.done $0x0  }
0xcf: {  	[sflag:s14] =	ssyncadd.s32 $0xFFFFFF80  }
0xd0: {  	v3 =	vld [tilespmem:$0xF0]  }
0xd1: {  	v4 =	vld [tilespmem:$0xE0]  }
0xd2: {  	v5 =	vld [tilespmem:$0x90]  }
0xd3: {  	v6 =	vld [tilespmem:$0x80]  }
0xd4: {  	v7 =	vld [tilespmem:$0xA0]  }
0xd5: {  	v8 =	vld [tilespmem:$0xB0];
	vm0 =	vge.s32 v3, v1;
	vm1 =	vlt.s32 v3, v2;
	v9 =	vsub.s32 v3, v1  }
0xd6: {  	v10 =	vld [tilespmem:$0xC0];
	vm2 =	vge.s32 v4, v1;
	vm3 =	vlt.s32 v4, v2;
	v4 =	vsub.s32 v4, v1  }
0xd7: {  	vm0 =	vmand vm0, vm1;
	v11 =	vsub.s32 v5, v1;
	v3 =	vld [tilespmem:$0xD0];
	vm2 =	vmand vm2, vm3  }
0xd8: {  	vm3 =	vge.s32 v5, v1;
	vm1 =	vlt.s32 v6, v2;
	v4 =	vnsel vm2, $0x6800, v4  }
0xd9: {  	vm4 =	vlt.s32 v5, v2;
	vm2 =	vge.s32 v6, v1;
	v6 =	vsub.s32 v6, v1;
	[tilespmem:$0x160] =	vst v4  }
0xda: {  	v9 =	vnsel vm0, $0x6800, v9;
	vm1 =	vmand vm2, vm1;
	v4 =	vsub.s32 v7, v1  }
.Ltmp4:
0xdb: {  	vm2 =	vmand vm3, vm4;
	v6 =	vnsel vm1, $0x6800, v6;
	v5 =	vsub.s32 v10, v1;
	[tilespmem:$0x170] =	vst v9;
	(pc) =	sbr.rel @p2 .LBB2_6-.Ltmp4, $4  }
0xdc: {  	vm0 =	vge.s32 v7, v1;
	vm3 =	vge.s32 v8, v1;
	[tilespmem:$0x100] =	vst v6;
	vm1 =	vge.s32 v3, v1  }
0xdd: {  	vm5 =	vlt.s32 v8, v2;
	vm6 =	vge.s32 v10, v1;
	v6 =	vnsel vm2, $0x6800, v11  }
0xde: {  	vm7 =	vlt.s32 v10, v2;
	vm4 =	vlt.s32 v3, v2;
	[tilespmem:$0x110] =	vst v6;
	v6 =	vsub.s32 v8, v1  }
0xdf: {  	vm5 =	vmand vm3, vm5;
	vm2 =	vlt.s32 v7, v2;
	vm3 =	vmand vm6, vm7  }
0xe0: {  	v6 =	vnsel vm5, $0x6800, v6  }
0xe1: {  	vm1 =	vmand vm1, vm4;
	v3 =	vsub.s32 v3, v1;
	v5 =	vnsel vm3, $0x6800, v5;
	[tilespmem:$0x130] =	vst v6  }
0xe2: {  	vm0 =	vmand vm0, vm2;
	v3 =	vnsel vm1, $0x6800, v3;
	[tilespmem:$0x140] =	vst v5  }
0xe3: {  	[tilespmem:$0x150] =	vst v3;
	v3 =	vnsel vm0, $0x6800, v4  }
0xe4: {  	[tilespmem:$0x120] =	vst v3  }
0xe5: {  	[tilespmem:s17], [sflag:$0x1] =	stream.indirect.gather [hbm4b:s1+s16], $0x40, s3, s16, $0xb8;
	[tilespmem:$0x1C1A0] =	vst v63  }
0xe6: {  	_ =	swait.ge [sflag:s14], $0x2000  }
0xe7: {  	[sflag:s14] =	ssyncset.done $0x0  }
.Ltmp5:
0xe8: {  	[sflag:s14] =	ssyncadd.s32 $0xFFFFE000;
	(pc) =	sbr.rel @p1 .LBB2_9-.Ltmp5, $4  }
0xe9: {  	[spmem:s2] =	stream.indirect.scatter.add.f32 [tilespmem:s17], [sflag:$0x1], $0x40, s18, s16, $0xb8;
	[tilespmem:$0x1C1A0] =	vst v63  }
0xea: {  	_ =	swait.ge [sflag:s14], $0x2000  }
0xeb: {  	[sflag:s14] =	ssyncset.done $0x0  }
0xec: {  	[sflag:s14] =	ssyncadd.s32 $0xFFFFE000  }
0xed: {  	[tilespmem:s16], [sflag:$0x1] =	stream.linear.gather [hbm4b:s6+s3], $0x80, $0x38;
	[tilespmem:$0x1C1A0] =	vst v63  }
0xee: {  	_ =	swait.ge [sflag:s14], $0x80  }
0xef: {  	[sflag:s14] =	ssyncset.done $0x0  }
0xf0: {  	[sflag:s14] =	ssyncadd.s32 $0xFFFFFF80  }
0xf1: {  	[tilespmem:s3], [sflag:$0x1] =	stream.linear.gather [hbm4b:s7+s3], $0x80, $0x38;
	[tilespmem:$0x1C1A0] =	vst v63  }
0xf2: {  	_ =	swait.ge [sflag:s14], $0x80  }
0xf3: {  	[sflag:s14] =	ssyncset.done $0x0  }
0xf4: {  	[sflag:s14] =	ssyncadd.s32 $0xFFFFFF80  }
0xf5: {  	v3 =	vld [tilespmem:$0x80]  }
0xf6: {  	v4 =	vld [tilespmem:$0x90]  }
0xf7: {  	v5 =	vld [tilespmem:$0xA0]  }
0xf8: {  	v6 =	vld [tilespmem:$0xB0]  }
0xf9: {  	v7 =	vld [tilespmem:$0xC0]  }
0xfa: {  	v8 =	vld [tilespmem:$0xD0]  }
0xfb: {  	vm0 =	vge.s32 v3, v1;
	vm1 =	vlt.s32 v3, v2;
	v3 =	vsub.s32 v3, v1  }
0xfc: {  	v9 =	vld [tilespmem:$0xE0];
	vm12 =	vge.s32 v4, v1;
	vm2 =	vlt.s32 v4, v2;
	v4 =	vsub.s32 v4, v1  }
0xfd: {  	vm14 =	vge.s32 v5, v1;
	vm15 =	vlt.s32 v5, v2;
	vm4 =	vge.s32 v6, v1  }
0xfe: {  	vm5 =	vlt.s32 v6, v2;
	v5 =	vsub.s32 v5, v1;
	v6 =	vsub.s32 v6, v1  }
0xff: {  	vm6 =	vge.s32 v7, v1;
	vm7 =	vlt.s32 v7, v2;
	vm8 =	vge.s32 v8, v1  }
0x100: {  	v10 =	vld [tilespmem:$0xF0];
	vm3 =	vlt.s32 v8, v2;
	v62 =	vsub.s32 v8, v1;
	vm0 =	vmand vm0, vm1  }
0x101: {  	vm10 =	vge.s32 v9, v1;
	vm13 =	vmand vm12, vm2;
	v3 =	vnsel vm0, $0x6800, v3  }
0x102: {  	vm11 =	vlt.s32 v9, v2;
	vm1 =	vmand vm4, vm5;
	v4 =	vnsel vm13, $0x6800, v4;
	[tilespmem:$0x100] =	vst v3  }
0x103: {  	vm9 =	vmand vm8, vm3;
	vm0 =	vmand vm14, vm15;
	v6 =	vnsel vm1, $0x6800, v6;
	[tilespmem:$0x110] =	vst v4  }
0x104: {  	v5 =	vnsel vm0, $0x6800, v5;
	vm0 =	vmand vm6, vm7;
	v3 =	vsub.s32 v7, v1;
	[tilespmem:$0x130] =	vst v6  }
0x105: {  	vm12 =	vmand vm10, vm11;
	vm13 =	vge.s32 v10, v1;
	[tilespmem:$0x120] =	vst v5;
	v3 =	vnsel vm0, $0x6800, v3  }
0x106: {  	vm14 =	vlt.s32 v10, v2;
	v4 =	vnsel vm9, $0x6800, v62;
	[tilespmem:$0x140] =	vst v3;
	v3 =	vsub.s32 v9, v1  }
0x107: {  	v63 =	vsub.s32 v10, v1;
	vm15 =	vmand vm13, vm14;
	[tilespmem:$0x150] =	vst v4;
	v3 =	vnsel vm12, $0x6800, v3  }
0x108: {  	[tilespmem:$0x160] =	vst v3;
	v3 =	vnsel vm15, $0x6800, v63  }
0x109: {  	[tilespmem:$0x170] =	vst v3  }
0x10a: {  	[tilespmem:s17], [sflag:$0x1] =	stream.indirect.gather [hbm4b:s1+s16], $0x40, s3, s16, $0xb8;
	[tilespmem:$0x1C1A0] =	vst v63  }
0x10b: {  	_ =	swait.ge [sflag:s14], $0x2000  }
0x10c: {  	[sflag:s14] =	ssyncset.done $0x0  }
.Ltmp6:
0x10d: {  	[sflag:s14] =	ssyncadd.s32 $0xFFFFE000;
	(pc) =	sbr.rel .LBB2_9-.Ltmp6, $4  }
0x10e: {  	[spmem:s2] =	stream.indirect.scatter.add.f32 [tilespmem:s17], [sflag:$0x1], $0x40, s18, s16, $0xb8;
	[tilespmem:$0x1C1A0] =	vst v63  }
0x10f: {  	_ =	swait.ge [sflag:s14], $0x2000  }
0x110: {  	[sflag:s14] =	ssyncset.done $0x0  }
0x111: {  	[sflag:s14] =	ssyncadd.s32 $0xFFFFE000  }
.LBB2_10:
0x112: {  	_ =	sfence.sel $0x180000  }
0x113: {  	[bflag:$0x0] =	sbarrier.arrive $0xFFFF  }
0x114: {  	_ =	strace $0x9000004D  }
0x115: {  	s0 =	sadd.s32 @!p0 $0x100000, s0;
	[bflag:$0x2] =	sbarrier.arrive $0xFFFF  }
0x116: {  	[sflag:s0] =	ssyncadd.tile.s32 @!p0 $0x1;
	_ =	shalt  }
.Lfunc_end2:
_tile_overlayer_lowered:
.L_overlay_start_2:
0x117: {  	(tag) =	ssettag $0x2  }
0x118: {  	s0 =	rddreg [dreg:$0x0];
	s2 =	stileid.u32  }
0x119: {  	s1 =	rddreg [dreg:$0x1];
	p0 =	sne.s32 s2, $0x0  }
0x11a: {  	s3 =	rddreg [dreg:$0x2];
	[bflag:$0x3] =	sbarrier.arrive $0xFFFF;
	s2 =	simm.s32 @!p0 $0x1C01  }
0x11b: {  	[timem:s3], [sflag:s2] =	dma.local @!p0 [hbm:s0], s1  }
0x11c: {  	s0 =	simm.s32 @!p0 $0x1  }
0x11d: {  	_ =	swait.ge @!p0 [sflag:s0], s1  }
0x11e: {  	s1 =	ssub.s32 @!p0 $0x0, s1;
	[sflag:s0] =	ssyncset.done @!p0 $0x0  }
0x11f: {  	[sflag:s0] =	ssyncadd.s32 @!p0 s1  }
0x120: {  	[bflag:$0x3] =	sbarrier.arrive $0xFFFF  }
0x121: {  	_ =	shalt  }

// kernel: kernel.23.cloned.1.call-start
scs
__scs_entry_jumppad:
0x0: {  	(pc) =	sbr.rel $0x88, $3  }
0x1: {  	(tag) =	ssettag $0x0;
	lr =	simm.s32 $0x1  }
0x2: {  	[smem:$0x3F95] =	sst lr;
	_ =	strace $0xD0000000  }
0x3: {  	_ = 	snop  }
0x4: {  	_ = 	snop  }
0x5: {  	_ = 	snop  }
0x6: {  	_ = 	snop  }
0x7: {  	_ = 	snop  }
__scs_overlays_trampoline_lowered:
0x8: {  	[smem:$0x3FA4] =	sst s0  }
0x9: {  	[smem:$0x3FA5] =	sst s1  }
0xa: {  	[smem:$0x3FA6] =	sst s2  }
0xb: {  	[smem:$0x3FA7] =	sst s3  }
0xc: {  	[smem:$0x3FA8] =	sst s4  }
0xd: {  	[smem:$0x3FA9] =	sst s5  }
0xe: {  	[smem:$0x3FAA] =	sst s6  }
0xf: {  	[smem:$0x3FAB] =	sst s7  }
0x10: {  	[smem:$0x3FAC] =	sst s8  }
0x11: {  	[smem:$0x3FAD] =	sst s9;
	s0 =	simm.s32 @!p0 $0x0  }
0x12: {  	s1 =	sld [smem:$0x3F93];
	s0 =	simm.s32 @p0 $0x1  }
0x13: {  	[smem:$0x3FAE] =	sst s0;
	s0 =	simm.s32 @!p1 $0x0  }
0x14: {  	s2 =	sld [smem:$0x3F92];
	s0 =	simm.s32 @p1 $0x1  }
0x15: {  	[smem:$0x3FAF] =	sst s0;
	s0 =	simm.s32 @!p2 $0x0  }
0x16: {  	s3 =	sld [smem:$0x3FDB];
	s0 =	simm.s32 @p2 $0x1  }
0x17: {  	s4 =	simm.s32 $0x1BF5;
	[smem:$0x3FB1] =	sst s0  }
0x18: {  	s0 =	sld [smem:$0x3F94];
	_ =	swait.ge [sflag:s4], $0x0  }
0x19: {  	s7 =	sld [smem:$0x3F95]  }
0x1a: {  	s8 =	sadd.s32 $0xFFFFE003, lr  }
0x1b: {  	s9 =	sadd.s32 $0xFFFFFEF7, lr;
	s5 =	simm.s32 $0xFFFFFFFF;
	p2 =	slt.u32 s8, $0xFFFFF086  }
0x1c: {  	p1 =	slt.u32 s9, $0xF7A;
	s5 =	simm.s32 @!p2 $0x0  }
0x1d: {  	s5 =	simm.s32 @p1 $0x1;
	p0 =	seq.s32 s7, s2  }
0x1e: {  	s7 =	smul.u32 @!p0 $0xF7A, s2;
	p2 =	seq.s32 @!p0 s5, $0x0  }
0x1f: {  	s9 =	smul.u32 $0xF7A, s1;
	s8 =	simm.s32 @!p0 $0x1BF5;
	p2 =	por !p2, p0  }
0x20: {  	[sflag:s8] =	ssyncset.s32 @!p0 $0xFFFFF086;
	s6 =	sadd.s32 @!p0 s3, s7;
	s7 =	simm.s32 @!p0 $0x108  }
0x21: {  	s3 =	sadd.s32 s3, s9;
	s6 =	sadd.s32 @!p0 $0x88, s6;
	s7 =	simm.s32 @p2 $0x1082  }
0x22: {  	[simem:s7], [sflag:s8] =	dma.local @!p0 [hbm:s6], $0xF7A  }
0x23: {  	s9 =	sor.u32 $0xD0000000, s2;
	s6 =	simm.s32 $0x108;
	_ =	swait.ge @!p0 [sflag:s8], $0x0  }
0x24: {  	s3 =	sadd.s32 $0x88, s3;
	s6 =	simm.s32 @!p1 $0x1082;
	[sflag:s4] =	ssyncset.s32 $0xFFFFF086  }
0x25: {  	[simem:s6], [sflag:s4] =	dma.local [hbm:s3], $0xF7A  }
0x26: {  	[smem:$0x3F95] =	sst s1;
	(tag) =	ssettag s2;
	_ =	strace s9  }
0x27: {  	s1 =	sld [smem:$0x3FA5]  }
0x28: {  	s2 =	sld [smem:$0x3FA6]  }
0x29: {  	s4 =	sld [smem:$0x3FA8]  }
0x2a: {  	p0 =	seq.s32 s5, $0x0;
	s5 =	sld [smem:$0x3FA9]  }
0x2b: {  	s6 =	sld [smem:$0x3FAA]  }
0x2c: {  	s7 =	sld [smem:$0x3FAB]  }
0x2d: {  	s3 =	simm.s32 $0x108;
	s8 =	sld [smem:$0x3FAC]  }
0x2e: {  	s3 =	simm.s32 @!p0 $0x1082;
	s9 =	sld [smem:$0x3FAD]  }
0x2f: {  	lr =	sadd.s32 s0, s3;
	s0 =	sld [smem:$0x3FA4]  }
0x30: {  	s3 =	sld [smem:$0x3FA7]  }
0x31: {  	[smem:$0x3FB0] =	sst s10  }
0x32: {  	s10 =	sld [smem:$0x3FAE];
	_ =	sdelay $0x3  }
0x33: {  	p0 =	seq.s32 s10, $0x1;
	s10 =	sld [smem:$0x3FB0];
	_ =	sdelay $0x3  }
0x34: {  	[smem:$0x3FB0] =	sst s10  }
0x35: {  	s10 =	sld [smem:$0x3FAF];
	_ =	sdelay $0x3  }
0x36: {  	p1 =	seq.s32 s10, $0x1;
	s10 =	sld [smem:$0x3FB0];
	_ =	sdelay $0x3  }
0x37: {  	[smem:$0x3FB0] =	sst s10  }
0x38: {  	s10 =	sld [smem:$0x3FB1]  }
0x39: {  	_ = 	snop;
	(pc) =	sbr.ind lr, $3  }
0x3a: {  	_ = 	snop  }
0x3b: {  	_ = 	snop  }
0x3c: {  	p2 =	seq.s32 s10, $0x1;
	s10 =	sld [smem:$0x3FB0]  }
0x3d: {  	_ =	shalt  }
0x3e: {  	_ =	shalt  }
0x3f: {  	_ =	shalt  }
0x40: {  	_ =	shalt  }
0x41: {  	_ =	shalt  }
0x42: {  	_ =	shalt  }
0x43: {  	_ =	shalt  }
0x44: {  	_ =	shalt  }
0x45: {  	_ =	shalt  }
0x46: {  	_ =	shalt  }
0x47: {  	_ =	shalt  }
0x48: {  	_ =	shalt  }
0x49: {  	_ =	shalt  }
0x4a: {  	_ =	shalt  }
0x4b: {  	_ =	shalt  }
0x4c: {  	_ =	shalt  }
0x4d: {  	_ =	shalt  }
0x4e: {  	_ =	shalt  }
0x4f: {  	_ =	shalt  }
0x50: {  	_ =	shalt  }
0x51: {  	_ =	shalt  }
0x52: {  	_ =	shalt  }
0x53: {  	_ =	shalt  }
0x54: {  	_ =	shalt  }
0x55: {  	_ =	shalt  }
0x56: {  	_ =	shalt  }
0x57: {  	_ =	shalt  }
0x58: {  	_ =	shalt  }
0x59: {  	_ =	shalt  }
0x5a: {  	_ =	shalt  }
0x5b: {  	_ =	shalt  }
0x5c: {  	_ =	shalt  }
0x5d: {  	_ =	shalt  }
0x5e: {  	_ =	shalt  }
0x5f: {  	_ =	shalt  }
0x60: {  	_ =	shalt  }
0x61: {  	_ =	shalt  }
0x62: {  	_ =	shalt  }
0x63: {  	_ =	shalt  }
0x64: {  	_ =	shalt  }
0x65: {  	_ =	shalt  }
0x66: {  	_ =	shalt  }
0x67: {  	_ =	shalt  }
0x68: {  	_ =	shalt  }
0x69: {  	_ =	shalt  }
0x6a: {  	_ =	shalt  }
0x6b: {  	_ =	shalt  }
0x6c: {  	_ =	shalt  }
0x6d: {  	_ =	shalt  }
0x6e: {  	_ =	shalt  }
0x6f: {  	_ =	shalt  }
0x70: {  	_ =	shalt  }
0x71: {  	_ =	shalt  }
0x72: {  	_ =	shalt  }
0x73: {  	_ =	shalt  }
0x74: {  	_ =	shalt  }
0x75: {  	_ =	shalt  }
0x76: {  	_ =	shalt  }
0x77: {  	_ =	shalt  }
0x78: {  	_ =	shalt  }
0x79: {  	_ =	shalt  }
0x7a: {  	_ =	shalt  }
0x7b: {  	_ =	shalt  }
0x7c: {  	_ =	shalt  }
0x7d: {  	_ =	shalt  }
0x7e: {  	_ =	shalt  }
0x7f: {  	_ =	shalt  }
0x80: {  	_ =	shalt  }
0x81: {  	_ =	shalt  }
0x82: {  	_ =	shalt  }
0x83: {  	_ =	shalt  }
0x84: {  	_ =	shalt  }
0x85: {  	_ =	shalt  }
0x86: {  	_ =	shalt  }
0x87: {  	_ =	shalt  }
.Lfunc_end0:
.L_simem_size_0:
called_computation.3_lowered:
.L_overlay_start_0:
0x88: {  	s2 =	sld [smem:$0x3FD9]  }
0x89: {  	s3 =	sld [smem:$0x3FFE];
	_ =	sdelay $0x1  }
0x8a: {  	s1 =	srdreg.scid  }
0x8b: {  	s0 =	sand.u32 $0x1, s1  }
0x8c: {  	s17 =	sshll.u32 s0, $0xA;
	s2 =	sadd.s32 s3, s2  }
0x8d: {  	s2 =	sadd.s32 s2, s17  }
0x8e: {  	[smem:$0x3FBC] =	sst s2  }
0x8f: {  	_ = 	snop  }
0x90: {  	s2 =	sld [smem:$0x3FD0];
	(tm) =	ssettm $0x1  }
0x91: {  	s18 =	sld [smem:$0x3FFB];
	_ =	sdelay $0x3  }
0x92: {  	_ =	strace s18  }
0x93: {  	s3 =	sld [smem:$0x3FFC];
	_ =	sdelay $0x3  }
0x94: {  	_ =	strace s3  }
0x95: {  	s3 =	sld [smem:$0x3FFD];
	_ =	sdelay $0x3  }
0x96: {  	_ =	strace s3  }
0x97: {  	_ =	strace $0x8FFFFFFF  }
0x98: {  	s19 =	sld [smem:$0x3FDB];
	_ =	sdelay $0x1  }
0x99: {  	s4 =	simm.s32 $_scs_section_size  }
0x9a: {  	s5 =	simm.s32 $_size__tile_overlayer_lowered;
	s6 =	simm.s32 $_tile_overlayer_lowered  }
0x9b: {  	s22 =	simm.s32 $0x1BFF;
	s21 =	sshll.u32 s6, $0x1;
	s3 =	sadd.s32 s4, s19  }
0x9c: {  	s7 =	simm.s32 $0x0;
	s20 =	sshll.u32 s5, $0x1;
	s5 =	sadd.s32 s21, s3  }
0x9d: {  	[timem:s7], [sflag:s22] =	dma.local [hbm:s5], s20  }
0x9e: {  	_ =	swait.ge [sflag:s22], s20  }
0x9f: {  	s4 =	ssub.s32 $0x0, s20;
	[sflag:s22] =	ssyncset.done $0x0  }
0xa0: {  	[sflag:s22] =	ssyncadd.s32 s4;
	_ =	sdelay $0x1  }
0xa1: {  	s23 =	simm.s32 $0x1B8B  }
0xa2: {  	_ =	swait.ge [sflag:s23], $0x1  }
0xa3: {  	[sflag:s23] =	ssyncset.done $0x0  }
0xa4: {  	s25 =	simm.s32 $0x1B8E;
	s24 =	sld [smem:$0x3FFE];
	[sflag:s23] =	ssyncadd.s32 $0xFFFFFFFF  }
0xa5: {  	s26 =	simm.s32 $execute0_lowered;
	[smem:$0x3FD2] =	sst s25  }
0xa6: {  	s5 =	sshll.u32 s26, $0x1;
	_ =	strace $0x8000004F;
	[dreg:$0x1] =	wrdreg $0xFFFFFFFF  }
0xa7: {  	s28 =	simm.s32 $_size_execute0_lowered;
	s3 =	sadd.s32 s3, s5;
	[dreg:$0x0] =	wrdreg $0x0  }
0xa8: {  	s5 =	sshll.u32 s28, $0x1;
	[dreg:$0x2] =	wrdreg s3  }
0xa9: {  	[dreg:$0x3] =	wrdreg s5  }
0xaa: {  	[dreg:$0x4] =	wrdreg $0xC0  }
0xab: {  	_ =	task [dreg:s7], $0x5FFFF  }
0xac: {  	[dreg:$0x1] =	wrdreg $0xFFFFFFFF  }
0xad: {  	[dreg:$0x0] =	wrdreg $0x60  }
0xae: {  	[dreg:$0x2] =	wrdreg s2  }
0xaf: {  	[dreg:$0x3] =	wrdreg s24  }
0xb0: {  	[dreg:$0x4] =	wrdreg $0x21800  }
0xb1: {  	[dreg:$0x5] =	wrdreg $0x9  }
0xb2: {  	_ =	task.clear_ibuf [dreg:s7], $0x6FFFF;
	_ =	strace $0x9000004F  }
0xb3: {  	s29 =	simm.s32 $0x9;
	_ =	strace $0x80000051  }
0xb4: {  	_ =	swait.ge [sflag:s29], $0x1  }
0xb5: {  	[sflag:s29] =	ssyncadd.s32 $0xFFFFFFFF  }
0xb6: {  	_ =	strace $0x90000051  }
0xb7: {  	_ =	sfence  }
0xb8: {  	s30 =	sld [smem:$0x0];
	_ =	sdelay $0x2  }
0xb9: {  	s31 =	sshll.u32 s1, $0xD;
	s1 =	sshrl.u32 s1, $0x2  }
0xba: {  	s3 =	sand.u32 $0x4000, s31;
	s1 =	sadd.s32 s1, s30  }
0xbb: {  	s0 =	sor.u32 s3, s0;
	s1 =	sshll.u32 s1, $0x11  }
0xbc: {  	s0 =	sor.u32 s1, s0  }
0xbd: {  	s0 =	sadd.s32 $0x8F2B, s0  }
0xbe: {  	[sflag:s0] =	ssyncadd.remote.s32 $0x1  }
0xbf: {  	_ =	sfence.sel $0xFFFF  }
0xc0: {  	[dreg:$0x0] =	wrdreg $0xFFFFFFFF;
	(pc) =	sbr.abs _section_cstart, $3  }
0xc1: {  	[dreg:$0x1] =	wrdreg $0xFFFFFFFF  }
0xc2: {  	_ =	task.clear_ibuf [dreg:s7], $0x2FFFF;
	_ =	strace $0x9FFFFFFF  }
0xc3: {  	(tm) =	ssettm $0x7FFFFFFF  }
tec
execute0_lowered:
.L_overlay_start_1:
0x0: {  	(tag) =	ssettag $0x1  }
0x1: {  	s1 =	rddreg [dreg:$0x0]  }
0x2: {  	s5 =	rddreg [dreg:$0x1]  }
0x3: {  	s2 =	rddreg [dreg:$0x2]  }
0x4: {  	s0 =	rddreg [dreg:$0x3];
	s3 =	simm.s32 $0x0;
	s4 =	srdreg.scid  }
0x5: {  	s19 =	stileid.u32;
	s17 =	simm.s32 $0x180;
	[smem:$0x7FF] =	sst s3  }
0x6: {  	s11 =	sadd.s32 $0x2C00, s5;
	s12 =	sadd.s32 $0x33A00, s5;
	s8 =	smul.u32 $0x68000, s19  }
0x7: {  	s4 =	sand.u32 $0x1, s4;
	s9 =	sadd.s32 $0x375000, s5;
	s13 =	smul.u32 $0x680, s19  }
0x8: {  	s28 =	sshll.u32 s19, $0x4;
	s29 =	sshll.u32 s19, $0x6;
	s15 =	sadd.s32 $0x1A0000, s2  }
0x9: {  	s16 =	smul.u32 $0x30D0, s19;
	p0 =	sne.s32 s19, $0x0;
	p1 =	sgt.u32 s19, $0x3  }
0xa: {  	s19 =	simm.s32 $0x0;
	_ =	strace $0x80000050;
	s6 =	ssub.s32 $0x2, s4  }
0xb: {  	s18 =	smul.u32 $0xD000, s4;
	s4 =	sadd.s32 $0x1EB200, s5;
	s30 =	sor.u32 $0x30D00, s28  }
0xc: {  	s5 =	sor.u32 $0x1C01, s29;
	s15 =	sshrl.u32 @!p0 s15, $0x3;
	s7 =	sshrl.u32 s6, $0x1  }
0xd: {  	s26 =	sshrl.u32 s8, $0x2;
	s10 =	ssub.s32 s6, s7;
	s20 =	sadd.s32 $0x6800, s18  }
0xe: {  	s14 =	sadd.s32 s26, s2;
	s6 =	sadd.s32 s12, s30;
	s7 =	sadd.s32 s11, s30  }
.Ltmp0:
0xf: {  	s31 =	sadd.s32 s13, s18;
	s21 =	sadd.s32 $0xD000, s18;
	(pc) =	sbr.rel .LBB2_1-.Ltmp0, $4  }
0x10: {  	s11 =	sadd.s32 s16, s11;
	s12 =	sadd.s32 s16, s12;
	s16 =	simm.s32 $0x80  }
0x11: {  	v0 =	vmov s18;
	s18 =	simm.s32 $0x100;
	s13 =	sadd.s32 s13, s20;
	s8 =	sshll.u32 s31, $0x3  }
0x12: {  	s10 =	smax.u32 s10, $0x1;
	s13 =	sshll.u32 s13, $0x3;
	s8 =	sadd.s32 s9, s8  }
0x13: {  	v1 =	vmov s20;
	v2 =	vmov s21;
	s9 =	sadd.s32 s9, s13;
	s13 =	sshrl.u32 s14, $0x3;
	s14 =	simm.s32 $0x1  }
.LBB2_9:
0x14: {  	s19 =	sadd.s32 $0x1, s19  }
0x15: {  	p2 =	sne.s32 s19, s10  }
.Ltmp1:
0x16: {  	[bflag:$0x0] =	sbarrier.arrive $0xFFFF;
	(pc) =	sbr.rel @!p2 .LBB2_10-.Ltmp1, $4  }
0x17: {  	[hbm:s9], [sflag:s5] =	dma.local [spmem:s13], $0x3400  }
0x18: {  	_ =	swait.ge [sflag:s14], $0x3400  }
0x19: {  	[sflag:s14] =	ssyncset.done $0x0  }
0x1a: {  	[sflag:s14] =	ssyncadd.s32 $0xFFFFCC00  }
.LBB2_1:
0x1b: {  	[spmem:s13], [sflag:s5] =	dma.local [hbm:s4], $0x3400  }
0x1c: {  	_ =	swait.ge [sflag:s14], $0x3400  }
0x1d: {  	[sflag:s14] =	ssyncset.done $0x0  }
0x1e: {  	s20 =	simm.s32 @!p0 $0x1;
	[sflag:s14] =	ssyncadd.s32 $0xFFFFCC00  }
0x1f: {  	[spmem:s15], [sflag:s5] =	dma.local @!p0 [hbm:s4], $0x40  }
0x20: {  	_ =	swait.ge @!p0 [sflag:s20], $0x40  }
0x21: {  	[sflag:s20] =	ssyncset.done @!p0 $0x0  }
0x22: {  	[sflag:s20] =	ssyncadd.s32 @!p0 $0xFFFFFFC0  }
0x23: {  	s30 =	sadd.s32 $0x0, s12;
	[bflag:$0x0] =	sbarrier.arrive $0xFFFF  }
0x24: {  	[tilespmem:s16], [sflag:$0x1] =	stream.linear.gather [hbm4b:s30+s3], $0x80, $0x38;
	[tilespmem:$0x1C1A0] =	vst v63  }
0x25: {  	_ =	swait.ge [sflag:s14], $0x80  }
0x26: {  	[sflag:s14] =	ssyncset.done $0x0  }
0x27: {  	s31 =	sadd.s32 $0x0, s11;
	[sflag:s14] =	ssyncadd.s32 $0xFFFFFF80  }
0x28: {  	[tilespmem:s3], [sflag:$0x1] =	stream.linear.gather [hbm4b:s31+s3], $0x80, $0x38;
	[tilespmem:$0x1C1A0] =	vst v63  }
0x29: {  	_ =	swait.ge [sflag:s14], $0x80  }
0x2a: {  	[sflag:s14] =	ssyncset.done $0x0  }
0x2b: {  	[sflag:s14] =	ssyncadd.s32 $0xFFFFFF80  }
0x2c: {  	v3 =	vld [tilespmem:$0xF0]  }
0x2d: {  	v4 =	vld [tilespmem:$0xE0]  }
0x2e: {  	v5 =	vld [tilespmem:$0x90]  }
0x2f: {  	v8 =	vld [tilespmem:$0xB0]  }
0x30: {  	v10 =	vld [tilespmem:$0xC0]  }
0x31: {  	v6 =	vld [tilespmem:$0x80]  }
0x32: {  	vm0 =	vge.s32 v3, v0;
	vm1 =	vlt.s32 v3, v1;
	v9 =	vsub.s32 v3, v0  }
0x33: {  	v7 =	vld [tilespmem:$0xA0];
	vm2 =	vge.s32 v4, v0;
	vm3 =	vlt.s32 v4, v1;
	v4 =	vsub.s32 v4, v0  }
0x34: {  	v11 =	vsub.s32 v5, v0;
	vm4 =	vlt.s32 v5, v1;
	vm5 =	vlt.s32 v8, v1  }
0x35: {  	vm6 =	vge.s32 v10, v0;
	vm7 =	vlt.s32 v10, v1;
	vm2 =	vmand vm2, vm3  }
0x36: {  	vm0 =	vmand vm0, vm1;
	vm1 =	vlt.s32 v6, v1;
	vm3 =	vge.s32 v5, v0  }
0x37: {  	v3 =	vld [tilespmem:$0xD0];
	v5 =	vsub.s32 v10, v0;
	v12 =	vnsel vm2, $0x6800, v4;
	vm2 =	vge.s32 v6, v0  }
0x38: {  	v6 =	vsub.s32 v6, v0;
	v4 =	vsub.s32 v7, v0;
	v9 =	vnsel vm0, $0x6800, v9  }
0x39: {  	vm0 =	vge.s32 v7, v0;
	vm1 =	vmand vm2, vm1;
	vm2 =	vmand vm3, vm4;
	[tilespmem:$0x160] =	vst v12  }
0x3a: {  	vm3 =	vge.s32 v8, v0;
	[tilespmem:$0x170] =	vst v9;
	v6 =	vnsel vm1, $0x6800, v6;
	v63 =	vnsel vm2, $0x6800, v11  }
0x3b: {  	vm2 =	vlt.s32 v7, v1;
	vm5 =	vmand vm3, vm5;
	vm3 =	vmand vm6, vm7;
	[tilespmem:$0x100] =	vst v6  }
0x3c: {  	s20 =	simm.s32 $0x10;
	vm1 =	vge.s32 v3, v0;
	v6 =	vsub.s32 v8, v0;
	vm4 =	vlt.s32 v3, v1;
	[tilespmem:$0x110] =	vst v63  }
.LBB2_2:
0x3d: {  	p2 =	sne.s32 s20, $0x30C0;
	v6 =	vnsel vm5, $0x6800, v6;
	vm1 =	vmand vm1, vm4;
	v3 =	vsub.s32 v3, v0;
	s21 =	smov.u32 s20;
	s20 =	sadd.s32 $0x10, s20  }
0x3e: {  	[tilespmem:$0x130] =	vst v6;
	v3 =	vnsel vm1, $0x6800, v3  }
0x3f: {  	vm0 =	vmand vm0, vm2;
	v5 =	vnsel vm3, $0x6800, v5;
	[tilespmem:$0x150] =	vst v3  }
0x40: {  	v3 =	vnsel vm0, $0x6800, v4;
	[tilespmem:$0x140] =	vst v5  }
0x41: {  	[tilespmem:$0x120] =	vst v3  }
0x42: {  	[tilespmem:s17], [sflag:$0x1] =	stream.indirect.gather [hbm4b:s1+s16], $0x40, s3, s16, $0xb8;
	[tilespmem:$0x1C1A0] =	vst v63  }
0x43: {  	_ =	swait.ge [sflag:s14], $0x2000  }
0x44: {  	[sflag:s14] =	ssyncset.done $0x0  }
0x45: {  	[sflag:s14] =	ssyncadd.s32 $0xFFFFE000  }
0x46: {  	[spmem:s2] =	stream.indirect.scatter.add.f32 [tilespmem:s17], [sflag:$0x1], $0x40, s18, s16, $0xb8;
	[tilespmem:$0x1C1A0] =	vst v63  }
0x47: {  	_ =	swait.ge [sflag:s14], $0x2000  }
0x48: {  	[sflag:s14] =	ssyncset.done $0x0  }
0x49: {  	s22 =	sadd.s32 s21, s12;
	[sflag:s14] =	ssyncadd.s32 $0xFFFFE000  }
0x4a: {  	[tilespmem:s16], [sflag:$0x1] =	stream.linear.gather [hbm4b:s22+s3], $0x80, $0x38;
	[tilespmem:$0x1C1A0] =	vst v63  }
0x4b: {  	_ =	swait.ge [sflag:s14], $0x80  }
0x4c: {  	[sflag:s14] =	ssyncset.done $0x0  }
0x4d: {  	s21 =	sadd.s32 s21, s11;
	[sflag:s14] =	ssyncadd.s32 $0xFFFFFF80  }
0x4e: {  	[tilespmem:s3], [sflag:$0x1] =	stream.linear.gather [hbm4b:s21+s3], $0x80, $0x38;
	[tilespmem:$0x1C1A0] =	vst v63  }
0x4f: {  	_ =	swait.ge [sflag:s14], $0x80  }
0x50: {  	[sflag:s14] =	ssyncset.done $0x0  }
0x51: {  	[sflag:s14] =	ssyncadd.s32 $0xFFFFFF80  }
0x52: {  	v3 =	vld [tilespmem:$0xF0]  }
0x53: {  	v4 =	vld [tilespmem:$0xE0]  }
0x54: {  	v5 =	vld [tilespmem:$0x90]  }
0x55: {  	v6 =	vld [tilespmem:$0x80]  }
0x56: {  	v7 =	vld [tilespmem:$0xA0]  }
0x57: {  	v8 =	vld [tilespmem:$0xB0];
	vm0 =	vge.s32 v3, v0;
	vm1 =	vlt.s32 v3, v1;
	v9 =	vsub.s32 v3, v0  }
0x58: {  	v10 =	vld [tilespmem:$0xC0];
	vm2 =	vge.s32 v4, v0;
	vm3 =	vlt.s32 v4, v1;
	v4 =	vsub.s32 v4, v0  }
0x59: {  	vm0 =	vmand vm0, vm1;
	v11 =	vsub.s32 v5, v0;
	v3 =	vld [tilespmem:$0xD0];
	vm2 =	vmand vm2, vm3  }
0x5a: {  	vm3 =	vge.s32 v5, v0;
	vm1 =	vlt.s32 v6, v1;
	v4 =	vnsel vm2, $0x6800, v4  }
0x5b: {  	vm4 =	vlt.s32 v5, v1;
	vm2 =	vge.s32 v6, v0;
	v6 =	vsub.s32 v6, v0;
	[tilespmem:$0x160] =	vst v4  }
0x5c: {  	v9 =	vnsel vm0, $0x6800, v9;
	vm1 =	vmand vm2, vm1;
	v4 =	vsub.s32 v7, v0  }
.Ltmp2:
0x5d: {  	vm2 =	vmand vm3, vm4;
	v6 =	vnsel vm1, $0x6800, v6;
	v5 =	vsub.s32 v10, v0;
	[tilespmem:$0x170] =	vst v9;
	(pc) =	sbr.rel @p2 .LBB2_2-.Ltmp2, $4  }
0x5e: {  	vm0 =	vge.s32 v7, v0;
	vm3 =	vge.s32 v8, v0;
	[tilespmem:$0x100] =	vst v6;
	vm1 =	vge.s32 v3, v0  }
0x5f: {  	vm5 =	vlt.s32 v8, v1;
	vm6 =	vge.s32 v10, v0;
	v6 =	vnsel vm2, $0x6800, v11  }
0x60: {  	vm7 =	vlt.s32 v10, v1;
	vm4 =	vlt.s32 v3, v1;
	[tilespmem:$0x110] =	vst v6;
	v6 =	vsub.s32 v8, v0  }
0x61: {  	vm5 =	vmand vm3, vm5;
	vm2 =	vlt.s32 v7, v1;
	vm3 =	vmand vm6, vm7  }
0x62: {  	v6 =	vnsel vm5, $0x6800, v6  }
0x63: {  	vm1 =	vmand vm1, vm4;
	v3 =	vsub.s32 v3, v0;
	v5 =	vnsel vm3, $0x6800, v5;
	[tilespmem:$0x130] =	vst v6  }
0x64: {  	vm0 =	vmand vm0, vm2;
	v3 =	vnsel vm1, $0x6800, v3;
	[tilespmem:$0x140] =	vst v5  }
0x65: {  	[tilespmem:$0x150] =	vst v3;
	v3 =	vnsel vm0, $0x6800, v4  }
0x66: {  	[tilespmem:$0x120] =	vst v3  }
0x67: {  	[tilespmem:s17], [sflag:$0x1] =	stream.indirect.gather [hbm4b:s1+s16], $0x40, s3, s16, $0xb8;
	[tilespmem:$0x1C1A0] =	vst v63  }
0x68: {  	_ =	swait.ge [sflag:s14], $0x2000  }
0x69: {  	[sflag:s14] =	ssyncset.done $0x0  }
.Ltmp3:
0x6a: {  	[sflag:s14] =	ssyncadd.s32 $0xFFFFE000;
	(pc) =	sbr.rel @p1 .LBB2_5-.Ltmp3, $4  }
0x6b: {  	[spmem:s2] =	stream.indirect.scatter.add.f32 [tilespmem:s17], [sflag:$0x1], $0x40, s18, s16, $0xb8;
	[tilespmem:$0x1C1A0] =	vst v63  }
0x6c: {  	_ =	swait.ge [sflag:s14], $0x2000  }
0x6d: {  	[sflag:s14] =	ssyncset.done $0x0  }
0x6e: {  	[sflag:s14] =	ssyncadd.s32 $0xFFFFE000  }
0x6f: {  	[tilespmem:s16], [sflag:$0x1] =	stream.linear.gather [hbm4b:s6+s3], $0x80, $0x38;
	[tilespmem:$0x1C1A0] =	vst v63  }
0x70: {  	_ =	swait.ge [sflag:s14], $0x80  }
0x71: {  	[sflag:s14] =	ssyncset.done $0x0  }
0x72: {  	[sflag:s14] =	ssyncadd.s32 $0xFFFFFF80  }
0x73: {  	[tilespmem:s3], [sflag:$0x1] =	stream.linear.gather [hbm4b:s7+s3], $0x80, $0x38;
	[tilespmem:$0x1C1A0] =	vst v63  }
0x74: {  	_ =	swait.ge [sflag:s14], $0x80  }
0x75: {  	[sflag:s14] =	ssyncset.done $0x0  }
0x76: {  	[sflag:s14] =	ssyncadd.s32 $0xFFFFFF80  }
0x77: {  	v3 =	vld [tilespmem:$0x80]  }
0x78: {  	v4 =	vld [tilespmem:$0x90]  }
0x79: {  	v5 =	vld [tilespmem:$0xA0]  }
0x7a: {  	v6 =	vld [tilespmem:$0xB0]  }
0x7b: {  	v7 =	vld [tilespmem:$0xC0]  }
0x7c: {  	v8 =	vld [tilespmem:$0xD0]  }
0x7d: {  	vm0 =	vge.s32 v3, v0;
	vm1 =	vlt.s32 v3, v1;
	v3 =	vsub.s32 v3, v0  }
0x7e: {  	v9 =	vld [tilespmem:$0xE0];
	vm12 =	vge.s32 v4, v0;
	vm2 =	vlt.s32 v4, v1;
	v4 =	vsub.s32 v4, v0  }
0x7f: {  	vm14 =	vge.s32 v5, v0;
	vm15 =	vlt.s32 v5, v1;
	vm4 =	vge.s32 v6, v0  }
0x80: {  	vm5 =	vlt.s32 v6, v1;
	v5 =	vsub.s32 v5, v0;
	v6 =	vsub.s32 v6, v0  }
0x81: {  	vm6 =	vge.s32 v7, v0;
	vm7 =	vlt.s32 v7, v1;
	vm8 =	vge.s32 v8, v0  }
0x82: {  	v10 =	vld [tilespmem:$0xF0];
	vm3 =	vlt.s32 v8, v1;
	v62 =	vsub.s32 v8, v0;
	vm0 =	vmand vm0, vm1  }
0x83: {  	vm10 =	vge.s32 v9, v0;
	vm13 =	vmand vm12, vm2;
	v3 =	vnsel vm0, $0x6800, v3  }
0x84: {  	vm11 =	vlt.s32 v9, v1;
	vm1 =	vmand vm4, vm5;
	v4 =	vnsel vm13, $0x6800, v4;
	[tilespmem:$0x100] =	vst v3  }
0x85: {  	vm9 =	vmand vm8, vm3;
	vm0 =	vmand vm14, vm15;
	v6 =	vnsel vm1, $0x6800, v6;
	[tilespmem:$0x110] =	vst v4  }
0x86: {  	v5 =	vnsel vm0, $0x6800, v5;
	vm0 =	vmand vm6, vm7;
	v3 =	vsub.s32 v7, v0;
	[tilespmem:$0x130] =	vst v6  }
0x87: {  	vm12 =	vmand vm10, vm11;
	vm13 =	vge.s32 v10, v0;
	[tilespmem:$0x120] =	vst v5;
	v3 =	vnsel vm0, $0x6800, v3  }
0x88: {  	vm14 =	vlt.s32 v10, v1;
	v4 =	vnsel vm9, $0x6800, v62;
	[tilespmem:$0x140] =	vst v3;
	v3 =	vsub.s32 v9, v0  }
0x89: {  	v63 =	vsub.s32 v10, v0;
	vm15 =	vmand vm13, vm14;
	[tilespmem:$0x150] =	vst v4;
	v3 =	vnsel vm12, $0x6800, v3  }
0x8a: {  	[tilespmem:$0x160] =	vst v3;
	v3 =	vnsel vm15, $0x6800, v63  }
0x8b: {  	[tilespmem:$0x170] =	vst v3  }
0x8c: {  	[tilespmem:s17], [sflag:$0x1] =	stream.indirect.gather [hbm4b:s1+s16], $0x40, s3, s16, $0xb8;
	[tilespmem:$0x1C1A0] =	vst v63  }
0x8d: {  	_ =	swait.ge [sflag:s14], $0x2000  }
0x8e: {  	[sflag:s14] =	ssyncset.done $0x0  }
0x8f: {  	[sflag:s14] =	ssyncadd.s32 $0xFFFFE000  }
0x90: {  	[spmem:s2] =	stream.indirect.scatter.add.f32 [tilespmem:s17], [sflag:$0x1], $0x40, s18, s16, $0xb8;
	[tilespmem:$0x1C1A0] =	vst v63  }
0x91: {  	_ =	swait.ge [sflag:s14], $0x2000  }
0x92: {  	[sflag:s14] =	ssyncset.done $0x0  }
0x93: {  	[sflag:s14] =	ssyncadd.s32 $0xFFFFE000  }
.LBB2_5:
0x94: {  	[bflag:$0x0] =	sbarrier.arrive $0xFFFF  }
0x95: {  	[hbm:s8], [sflag:s5] =	dma.local [spmem:s13], $0x3400  }
0x96: {  	_ =	swait.ge [sflag:s14], $0x3400  }
0x97: {  	[sflag:s14] =	ssyncset.done $0x0  }
0x98: {  	[sflag:s14] =	ssyncadd.s32 $0xFFFFCC00  }
0x99: {  	[spmem:s13], [sflag:s5] =	dma.local [hbm:s4], $0x3400  }
0x9a: {  	_ =	swait.ge [sflag:s14], $0x3400  }
0x9b: {  	[sflag:s14] =	ssyncset.done $0x0  }
0x9c: {  	s20 =	simm.s32 @!p0 $0x1;
	[sflag:s14] =	ssyncadd.s32 $0xFFFFCC00  }
0x9d: {  	[spmem:s15], [sflag:s5] =	dma.local @!p0 [hbm:s4], $0x40  }
0x9e: {  	_ =	swait.ge @!p0 [sflag:s20], $0x40  }
0x9f: {  	[sflag:s20] =	ssyncset.done @!p0 $0x0  }
0xa0: {  	[sflag:s20] =	ssyncadd.s32 @!p0 $0xFFFFFFC0  }
0xa1: {  	s30 =	sadd.s32 $0x0, s12;
	[bflag:$0x0] =	sbarrier.arrive $0xFFFF  }
0xa2: {  	[tilespmem:s16], [sflag:$0x1] =	stream.linear.gather [hbm4b:s30+s3], $0x80, $0x38;
	[tilespmem:$0x1C1A0] =	vst v63  }
0xa3: {  	_ =	swait.ge [sflag:s14], $0x80  }
0xa4: {  	[sflag:s14] =	ssyncset.done $0x0  }
0xa5: {  	s31 =	sadd.s32 $0x0, s11;
	[sflag:s14] =	ssyncadd.s32 $0xFFFFFF80  }
0xa6: {  	[tilespmem:s3], [sflag:$0x1] =	stream.linear.gather [hbm4b:s31+s3], $0x80, $0x38;
	[tilespmem:$0x1C1A0] =	vst v63  }
0xa7: {  	_ =	swait.ge [sflag:s14], $0x80  }
0xa8: {  	[sflag:s14] =	ssyncset.done $0x0  }
0xa9: {  	[sflag:s14] =	ssyncadd.s32 $0xFFFFFF80  }
0xaa: {  	v3 =	vld [tilespmem:$0xF0]  }
0xab: {  	v4 =	vld [tilespmem:$0xE0]  }
0xac: {  	v5 =	vld [tilespmem:$0x90]  }
0xad: {  	v8 =	vld [tilespmem:$0xB0]  }
0xae: {  	v10 =	vld [tilespmem:$0xC0]  }
0xaf: {  	v6 =	vld [tilespmem:$0x80]  }
0xb0: {  	vm0 =	vge.s32 v3, v1;
	vm1 =	vlt.s32 v3, v2;
	v9 =	vsub.s32 v3, v1  }
0xb1: {  	v7 =	vld [tilespmem:$0xA0];
	vm2 =	vge.s32 v4, v1;
	vm3 =	vlt.s32 v4, v2;
	v4 =	vsub.s32 v4, v1  }
0xb2: {  	v11 =	vsub.s32 v5, v1;
	vm4 =	vlt.s32 v5, v2;
	vm5 =	vlt.s32 v8, v2  }
0xb3: {  	vm6 =	vge.s32 v10, v1;
	vm7 =	vlt.s32 v10, v2;
	vm2 =	vmand vm2, vm3  }
0xb4: {  	vm0 =	vmand vm0, vm1;
	vm1 =	vlt.s32 v6, v2;
	vm3 =	vge.s32 v5, v1  }
0xb5: {  	v3 =	vld [tilespmem:$0xD0];
	v5 =	vsub.s32 v10, v1;
	v12 =	vnsel vm2, $0x6800, v4;
	vm2 =	vge.s32 v6, v1  }
0xb6: {  	v6 =	vsub.s32 v6, v1;
	v4 =	vsub.s32 v7, v1;
	v9 =	vnsel vm0, $0x6800, v9  }
0xb7: {  	vm0 =	vge.s32 v7, v1;
	vm1 =	vmand vm2, vm1;
	vm2 =	vmand vm3, vm4;
	[tilespmem:$0x160] =	vst v12  }
0xb8: {  	vm3 =	vge.s32 v8, v1;
	[tilespmem:$0x170] =	vst v9;
	v6 =	vnsel vm1, $0x6800, v6;
	v63 =	vnsel vm2, $0x6800, v11  }
0xb9: {  	vm2 =	vlt.s32 v7, v2;
	vm5 =	vmand vm3, vm5;
	vm3 =	vmand vm6, vm7;
	[tilespmem:$0x100] =	vst v6  }
0xba: {  	s20 =	simm.s32 $0x10;
	vm1 =	vge.s32 v3, v1;
	v6 =	vsub.s32 v8, v1;
	vm4 =	vlt.s32 v3, v2;
	[tilespmem:$0x110] =	vst v63  }
.LBB2_6:
0xbb: {  	p2 =	sne.s32 s20, $0x30C0;
	v6 =	vnsel vm5, $0x6800, v6;
	vm1 =	vmand vm1, vm4;
	v3 =	vsub.s32 v3, v1;
	s21 =	smov.u32 s20;
	s20 =	sadd.s32 $0x10, s20  }
0xbc: {  	[tilespmem:$0x130] =	vst v6;
	v3 =	vnsel vm1, $0x6800, v3  }
0xbd: {  	vm0 =	vmand vm0, vm2;
	v5 =	vnsel vm3, $0x6800, v5;
	[tilespmem:$0x150] =	vst v3  }
0xbe: {  	v3 =	vnsel vm0, $0x6800, v4;
	[tilespmem:$0x140] =	vst v5  }
0xbf: {  	[tilespmem:$0x120] =	vst v3  }
0xc0: {  	[tilespmem:s17], [sflag:$0x1] =	stream.indirect.gather [hbm4b:s1+s16], $0x40, s3, s16, $0xb8;
	[tilespmem:$0x1C1A0] =	vst v63  }
0xc1: {  	_ =	swait.ge [sflag:s14], $0x2000  }
0xc2: {  	[sflag:s14] =	ssyncset.done $0x0  }
0xc3: {  	[sflag:s14] =	ssyncadd.s32 $0xFFFFE000  }
0xc4: {  	[spmem:s2] =	stream.indirect.scatter.add.f32 [tilespmem:s17], [sflag:$0x1], $0x40, s18, s16, $0xb8;
	[tilespmem:$0x1C1A0] =	vst v63  }
0xc5: {  	_ =	swait.ge [sflag:s14], $0x2000  }
0xc6: {  	[sflag:s14] =	ssyncset.done $0x0  }
0xc7: {  	s22 =	sadd.s32 s21, s12;
	[sflag:s14] =	ssyncadd.s32 $0xFFFFE000  }
0xc8: {  	[tilespmem:s16], [sflag:$0x1] =	stream.linear.gather [hbm4b:s22+s3], $0x80, $0x38;
	[tilespmem:$0x1C1A0] =	vst v63  }
0xc9: {  	_ =	swait.ge [sflag:s14], $0x80  }
0xca: {  	[sflag:s14] =	ssyncset.done $0x0  }
0xcb: {  	s21 =	sadd.s32 s21, s11;
	[sflag:s14] =	ssyncadd.s32 $0xFFFFFF80  }
0xcc: {  	[tilespmem:s3], [sflag:$0x1] =	stream.linear.gather [hbm4b:s21+s3], $0x80, $0x38;
	[tilespmem:$0x1C1A0] =	vst v63  }
0xcd: {  	_ =	swait.ge [sflag:s14], $0x80  }
0xce: {  	[sflag:s14] =	ssyncset.done $0x0  }
0xcf: {  	[sflag:s14] =	ssyncadd.s32 $0xFFFFFF80  }
0xd0: {  	v3 =	vld [tilespmem:$0xF0]  }
0xd1: {  	v4 =	vld [tilespmem:$0xE0]  }
0xd2: {  	v5 =	vld [tilespmem:$0x90]  }
0xd3: {  	v6 =	vld [tilespmem:$0x80]  }
0xd4: {  	v7 =	vld [tilespmem:$0xA0]  }
0xd5: {  	v8 =	vld [tilespmem:$0xB0];
	vm0 =	vge.s32 v3, v1;
	vm1 =	vlt.s32 v3, v2;
	v9 =	vsub.s32 v3, v1  }
0xd6: {  	v10 =	vld [tilespmem:$0xC0];
	vm2 =	vge.s32 v4, v1;
	vm3 =	vlt.s32 v4, v2;
	v4 =	vsub.s32 v4, v1  }
0xd7: {  	vm0 =	vmand vm0, vm1;
	v11 =	vsub.s32 v5, v1;
	v3 =	vld [tilespmem:$0xD0];
	vm2 =	vmand vm2, vm3  }
0xd8: {  	vm3 =	vge.s32 v5, v1;
	vm1 =	vlt.s32 v6, v2;
	v4 =	vnsel vm2, $0x6800, v4  }
0xd9: {  	vm4 =	vlt.s32 v5, v2;
	vm2 =	vge.s32 v6, v1;
	v6 =	vsub.s32 v6, v1;
	[tilespmem:$0x160] =	vst v4  }
0xda: {  	v9 =	vnsel vm0, $0x6800, v9;
	vm1 =	vmand vm2, vm1;
	v4 =	vsub.s32 v7, v1  }
.Ltmp4:
0xdb: {  	vm2 =	vmand vm3, vm4;
	v6 =	vnsel vm1, $0x6800, v6;
	v5 =	vsub.s32 v10, v1;
	[tilespmem:$0x170] =	vst v9;
	(pc) =	sbr.rel @p2 .LBB2_6-.Ltmp4, $4  }
0xdc: {  	vm0 =	vge.s32 v7, v1;
	vm3 =	vge.s32 v8, v1;
	[tilespmem:$0x100] =	vst v6;
	vm1 =	vge.s32 v3, v1  }
0xdd: {  	vm5 =	vlt.s32 v8, v2;
	vm6 =	vge.s32 v10, v1;
	v6 =	vnsel vm2, $0x6800, v11  }
0xde: {  	vm7 =	vlt.s32 v10, v2;
	vm4 =	vlt.s32 v3, v2;
	[tilespmem:$0x110] =	vst v6;
	v6 =	vsub.s32 v8, v1  }
0xdf: {  	vm5 =	vmand vm3, vm5;
	vm2 =	vlt.s32 v7, v2;
	vm3 =	vmand vm6, vm7  }
0xe0: {  	v6 =	vnsel vm5, $0x6800, v6  }
0xe1: {  	vm1 =	vmand vm1, vm4;
	v3 =	vsub.s32 v3, v1;
	v5 =	vnsel vm3, $0x6800, v5;
	[tilespmem:$0x130] =	vst v6  }
0xe2: {  	vm0 =	vmand vm0, vm2;
	v3 =	vnsel vm1, $0x6800, v3;
	[tilespmem:$0x140] =	vst v5  }
0xe3: {  	[tilespmem:$0x150] =	vst v3;
	v3 =	vnsel vm0, $0x6800, v4  }
0xe4: {  	[tilespmem:$0x120] =	vst v3  }
0xe5: {  	[tilespmem:s17], [sflag:$0x1] =	stream.indirect.gather [hbm4b:s1+s16], $0x40, s3, s16, $0xb8;
	[tilespmem:$0x1C1A0] =	vst v63  }
0xe6: {  	_ =	swait.ge [sflag:s14], $0x2000  }
0xe7: {  	[sflag:s14] =	ssyncset.done $0x0  }
.Ltmp5:
0xe8: {  	[sflag:s14] =	ssyncadd.s32 $0xFFFFE000;
	(pc) =	sbr.rel @p1 .LBB2_9-.Ltmp5, $4  }
0xe9: {  	[spmem:s2] =	stream.indirect.scatter.add.f32 [tilespmem:s17], [sflag:$0x1], $0x40, s18, s16, $0xb8;
	[tilespmem:$0x1C1A0] =	vst v63  }
0xea: {  	_ =	swait.ge [sflag:s14], $0x2000  }
0xeb: {  	[sflag:s14] =	ssyncset.done $0x0  }
0xec: {  	[sflag:s14] =	ssyncadd.s32 $0xFFFFE000  }
0xed: {  	[tilespmem:s16], [sflag:$0x1] =	stream.linear.gather [hbm4b:s6+s3], $0x80, $0x38;
	[tilespmem:$0x1C1A0] =	vst v63  }
0xee: {  	_ =	swait.ge [sflag:s14], $0x80  }
0xef: {  	[sflag:s14] =	ssyncset.done $0x0  }
0xf0: {  	[sflag:s14] =	ssyncadd.s32 $0xFFFFFF80  }
0xf1: {  	[tilespmem:s3], [sflag:$0x1] =	stream.linear.gather [hbm4b:s7+s3], $0x80, $0x38;
	[tilespmem:$0x1C1A0] =	vst v63  }
0xf2: {  	_ =	swait.ge [sflag:s14], $0x80  }
0xf3: {  	[sflag:s14] =	ssyncset.done $0x0  }
0xf4: {  	[sflag:s14] =	ssyncadd.s32 $0xFFFFFF80  }
0xf5: {  	v3 =	vld [tilespmem:$0x80]  }
0xf6: {  	v4 =	vld [tilespmem:$0x90]  }
0xf7: {  	v5 =	vld [tilespmem:$0xA0]  }
0xf8: {  	v6 =	vld [tilespmem:$0xB0]  }
0xf9: {  	v7 =	vld [tilespmem:$0xC0]  }
0xfa: {  	v8 =	vld [tilespmem:$0xD0]  }
0xfb: {  	vm0 =	vge.s32 v3, v1;
	vm1 =	vlt.s32 v3, v2;
	v3 =	vsub.s32 v3, v1  }
0xfc: {  	v9 =	vld [tilespmem:$0xE0];
	vm12 =	vge.s32 v4, v1;
	vm2 =	vlt.s32 v4, v2;
	v4 =	vsub.s32 v4, v1  }
0xfd: {  	vm14 =	vge.s32 v5, v1;
	vm15 =	vlt.s32 v5, v2;
	vm4 =	vge.s32 v6, v1  }
0xfe: {  	vm5 =	vlt.s32 v6, v2;
	v5 =	vsub.s32 v5, v1;
	v6 =	vsub.s32 v6, v1  }
0xff: {  	vm6 =	vge.s32 v7, v1;
	vm7 =	vlt.s32 v7, v2;
	vm8 =	vge.s32 v8, v1  }
0x100: {  	v10 =	vld [tilespmem:$0xF0];
	vm3 =	vlt.s32 v8, v2;
	v62 =	vsub.s32 v8, v1;
	vm0 =	vmand vm0, vm1  }
0x101: {  	vm10 =	vge.s32 v9, v1;
	vm13 =	vmand vm12, vm2;
	v3 =	vnsel vm0, $0x6800, v3  }
0x102: {  	vm11 =	vlt.s32 v9, v2;
	vm1 =	vmand vm4, vm5;
	v4 =	vnsel vm13, $0x6800, v4;
	[tilespmem:$0x100] =	vst v3  }
0x103: {  	vm9 =	vmand vm8, vm3;
	vm0 =	vmand vm14, vm15;
	v6 =	vnsel vm1, $0x6800, v6;
	[tilespmem:$0x110] =	vst v4  }
0x104: {  	v5 =	vnsel vm0, $0x6800, v5;
	vm0 =	vmand vm6, vm7;
	v3 =	vsub.s32 v7, v1;
	[tilespmem:$0x130] =	vst v6  }
0x105: {  	vm12 =	vmand vm10, vm11;
	vm13 =	vge.s32 v10, v1;
	[tilespmem:$0x120] =	vst v5;
	v3 =	vnsel vm0, $0x6800, v3  }
0x106: {  	vm14 =	vlt.s32 v10, v2;
	v4 =	vnsel vm9, $0x6800, v62;
	[tilespmem:$0x140] =	vst v3;
	v3 =	vsub.s32 v9, v1  }
0x107: {  	v63 =	vsub.s32 v10, v1;
	vm15 =	vmand vm13, vm14;
	[tilespmem:$0x150] =	vst v4;
	v3 =	vnsel vm12, $0x6800, v3  }
0x108: {  	[tilespmem:$0x160] =	vst v3;
	v3 =	vnsel vm15, $0x6800, v63  }
0x109: {  	[tilespmem:$0x170] =	vst v3  }
0x10a: {  	[tilespmem:s17], [sflag:$0x1] =	stream.indirect.gather [hbm4b:s1+s16], $0x40, s3, s16, $0xb8;
	[tilespmem:$0x1C1A0] =	vst v63  }
0x10b: {  	_ =	swait.ge [sflag:s14], $0x2000  }
0x10c: {  	[sflag:s14] =	ssyncset.done $0x0  }
.Ltmp6:
0x10d: {  	[sflag:s14] =	ssyncadd.s32 $0xFFFFE000;
	(pc) =	sbr.rel .LBB2_9-.Ltmp6, $4  }
0x10e: {  	[spmem:s2] =	stream.indirect.scatter.add.f32 [tilespmem:s17], [sflag:$0x1], $0x40, s18, s16, $0xb8;
	[tilespmem:$0x1C1A0] =	vst v63  }
0x10f: {  	_ =	swait.ge [sflag:s14], $0x2000  }
0x110: {  	[sflag:s14] =	ssyncset.done $0x0  }
0x111: {  	[sflag:s14] =	ssyncadd.s32 $0xFFFFE000  }
.LBB2_10:
0x112: {  	_ =	sfence.sel $0x180000  }
0x113: {  	[bflag:$0x0] =	sbarrier.arrive $0xFFFF  }
0x114: {  	_ =	strace $0x90000050  }
0x115: {  	s0 =	sadd.s32 @!p0 $0x100000, s0;
	[bflag:$0x2] =	sbarrier.arrive $0xFFFF  }
0x116: {  	[sflag:s0] =	ssyncadd.tile.s32 @!p0 $0x1;
	_ =	shalt  }
.Lfunc_end2:
_tile_overlayer_lowered:
.L_overlay_start_2:
0x117: {  	(tag) =	ssettag $0x2  }
0x118: {  	s0 =	rddreg [dreg:$0x0];
	s2 =	stileid.u32  }
0x119: {  	s1 =	rddreg [dreg:$0x1];
	p0 =	sne.s32 s2, $0x0  }
0x11a: {  	s3 =	rddreg [dreg:$0x2];
	[bflag:$0x3] =	sbarrier.arrive $0xFFFF;
	s2 =	simm.s32 @!p0 $0x1C01  }
0x11b: {  	[timem:s3], [sflag:s2] =	dma.local @!p0 [hbm:s0], s1  }
0x11c: {  	s0 =	simm.s32 @!p0 $0x1  }
0x11d: {  	_ =	swait.ge @!p0 [sflag:s0], s1  }
0x11e: {  	s1 =	ssub.s32 @!p0 $0x0, s1;
	[sflag:s0] =	ssyncset.done @!p0 $0x0  }
0x11f: {  	[sflag:s0] =	ssyncadd.s32 @!p0 s1  }
0x120: {  	[bflag:$0x3] =	sbarrier.arrive $0xFFFF  }
0x121: {  	_ =	shalt  }

</sc_bundles>
